<compile_context>
chip_gen: v7x
topology: tpu7x:2x2x1
jax: 0.10.2.dev20260603
libtpu: 0.0.44.dev20260713+nightly
codegen_flags: <defaults>
</compile_context>

<pallas_src>
import functools

import jax
import jax.numpy as jnp
from jax import lax
from jax.experimental import pallas as pl
from jax.experimental.pallas import tpu as pltpu
from jax.experimental.pallas import tpu_sc as plsc

_B, _H, _W, _P = 8, 512, 512, 50000
_HW = _H * _W
_N = _B * _P
_NT = 392
_NP = _NT * 128 * _B // 32
_TP = _B * _NT * 128
_GRID = 7
_TPG = _NT // _GRID
_CPG = _TPG * 128


def _prep_body(xa_ref, ya_ref, xb_ref, yb_ref, gt_ref, ia_ref, ib_ref, gp_ref):
    g = pl.program_id(0)
    b = (lax.broadcasted_iota(jnp.int32, (8, 128), 0) & 3) * _HW
    lane = lax.broadcasted_iota(jnp.int32, (8, 128), 1)

    def tile(j, mask):
        sl = slice(j * 128, (j + 1) * 128)
        ia = ya_ref[:, sl] * _W + xa_ref[:, sl] + b
        ib = yb_ref[:, sl] * _W + xb_ref[:, sl] + b
        if mask:
            valid = lane + (g * _CPG + j * 128) < _P
            ia_ref[:, j, :] = jnp.where(valid, ia, 0)
            ib_ref[:, j, :] = jnp.where(valid, ib, 0)
            gp_ref[:, j, :] = jnp.where(valid, gt_ref[:, sl], 0.0)
        else:
            ia_ref[:, j, :] = ia
            ib_ref[:, j, :] = ib
            gp_ref[:, j, :] = gt_ref[:, sl]

    @pl.when(g < _GRID - 1)
    def _():
        for j in range(_TPG):
            tile(j, False)

    @pl.when(g == _GRID - 1)
    def _():
        for j in range(_TPG):
            tile(j, True)


_prep = pl.pallas_call(
    _prep_body,
    grid=(_GRID,),
    in_specs=[
        pl.BlockSpec((8, _CPG), lambda g: (0, g)),
        pl.BlockSpec((8, _CPG), lambda g: (0, g)),
        pl.BlockSpec((8, _CPG), lambda g: (0, g)),
        pl.BlockSpec((8, _CPG), lambda g: (0, g)),
        pl.BlockSpec((8, _CPG), lambda g: (0, g)),
    ],
    out_specs=[
        pl.BlockSpec((8, _TPG, 128), lambda g: (0, g, 0)),
        pl.BlockSpec((8, _TPG, 128), lambda g: (0, g, 0)),
        pl.BlockSpec((8, _TPG, 128), lambda g: (0, g, 0)),
    ],
    out_shape=[
        jax.ShapeDtypeStruct((_B, _NT, 128), jnp.int32),
        jax.ShapeDtypeStruct((_B, _NT, 128), jnp.int32),
        jax.ShapeDtypeStruct((_B, _NT, 128), jnp.float32),
    ],
)

_sc_mesh = plsc.VectorSubcoreMesh(core_axis_name="c", subcore_axis_name="s")


@functools.partial(
    pl.kernel,
    mesh=_sc_mesh,
    out_type=[
        jax.ShapeDtypeStruct((_TP,), jnp.float32),
        jax.ShapeDtypeStruct((_TP,), jnp.float32),
    ],
    scratch_types=[
        pltpu.VMEM((_NP,), jnp.int32),
        pltpu.VMEM((_NP,), jnp.int32),
        pltpu.VMEM((_NP,), jnp.float32),
        pltpu.VMEM((_NP,), jnp.float32),
        pltpu.VMEM_SHARED((4 * _HW,), jnp.float32),
        pltpu.SemaphoreType.DMA,
    ],
)
def _sc_gather(table, ia, ib, za, zb, iva, ivb, zva, zvb, shared, sem):
    c = lax.axis_index("c")
    s = lax.axis_index("s")
    w = c * 16 + s
    base = pl.multiple_of(w * _NP, _NP)

    chunk = 4 * _HW // 16
    pltpu.sync_copy(
        table.at[pl.ds(c * 4 * _HW + s * chunk, chunk)],
        shared.at[pl.ds(s * chunk, chunk)],
    )
    pltpu.sync_copy(ia.at[pl.ds(base, _NP)], iva)
    pltpu.sync_copy(ib.at[pl.ds(base, _NP)], ivb)
    plsc.subcore_barrier()

    ca = pltpu.async_copy(shared.at[iva], zva, sem)
    cb = pltpu.async_copy(shared.at[ivb], zvb, sem)
    ca.wait()
    cb.wait()
    pltpu.sync_copy(zva, za.at[pl.ds(base, _NP)])
    pltpu.sync_copy(zvb, zb.at[pl.ds(base, _NP)])


def _tc_loss_body(za_ref, zb_ref, gt_ref, out_ref):
    d = za_ref[...] - zb_ref[...]
    g = gt_ref[...]
    m = jnp.abs(g)
    loss = m * jnp.log(1.0 + jnp.exp(-g * d)) + (1.0 - m) * (d * d)
    out_ref[0, 0] = jnp.sum(loss) * (1.0 / _N)


_tc_loss = pl.pallas_call(
    _tc_loss_body,
    out_shape=jax.ShapeDtypeStruct((1, 1), jnp.float32),
    out_specs=pl.BlockSpec(memory_space=pltpu.SMEM),
)


def kernel(input, x_A, y_A, x_B, y_B, ground_truth):
    table = input.reshape(-1)
    ia, ib, gp = _prep(
        x_A.astype(jnp.int32),
        y_A.astype(jnp.int32),
        x_B.astype(jnp.int32),
        y_B.astype(jnp.int32),
        ground_truth,
    )
    za, zb = _sc_gather(table, ia.reshape(-1), ib.reshape(-1))
    shape2d = (_TP // 128, 128)
    out = _tc_loss(za.reshape(shape2d), zb.reshape(shape2d), gp.reshape(shape2d))
    return out[0, 0]

# --- scband reference (transcript-rebuilt; emitter-appended) ---
"""Pipeline reference for scband-relative-depth-crit-27161373180109 (READ-ONLY COPY).

The authoritative reference and input builder live on the scoring server;
editing this copy changes nothing except your own understanding.
"""

import jax, jax.numpy as jnp
import numpy as np

B, H, W, P = 8, 512, 512, 50000

def setup_inputs(seed: int = 0):
    key = jax.random.key(seed)
    k1, k2, k3, k4, k5, k6 = jax.random.split(key, 6)
    inp = jax.random.normal(k1, (B, 1, H, W), dtype=jnp.float32)
    x_A = jax.random.randint(k2, (B, P), 0, W)
    y_A = jax.random.randint(k3, (B, P), 0, H)
    x_B = jax.random.randint(k4, (B, P), 0, W)
    y_B = jax.random.randint(k5, (B, P), 0, H)
    # ordinal relation labels in {-1, 0, +1}; 0 means 'equal depth' (uses squared term)
    ground_truth = (jax.random.randint(k6, (B, P), 0, 3) - 1).astype(jnp.float32)
    return {"input": inp, "x_A": x_A, "y_A": y_A, "x_B": x_B, "y_B": y_B, "ground_truth": ground_truth}

def reference(input, x_A, y_A, x_B, y_B, ground_truth):
    # Faithful translation of relative_depth_crit.forward (ranking=False).
    # Per batch b: z_A[b, j] = input[b, 0, y_A[b, j], x_A[b, j]] (index_select on cols + gather on rows),
    # concatenated over batches, then the pairwise ordinal loss summed and normalized by total n_point.
    Bn = input.shape[0]
    bidx = jnp.arange(Bn)[:, None]
    z_A = input[bidx, 0, y_A, x_A]
    z_B = input[bidx, 0, y_B, x_B]
    mask = jnp.abs(ground_truth)
    diff = z_A - z_B
    loss = mask * jnp.log(1.0 + jnp.exp(-ground_truth * diff)) + (1.0 - mask) * diff ** 2
    n_point_total = ground_truth.size
    return jnp.sum(loss) / n_point_total

if __name__ == "__main__":
    import jax
    _d = setup_inputs()
    print(jax.jit(kernel)(*tuple(_d.values())))

</pallas_src>

<mosaic_0001>
#map = affine_map<(d0, d1) -> (0)>
module attributes {stable_mosaic.version = 14 : i64} {
  func.func @_sc_gather(%arg0: i32, %arg1: i32, %arg2: memref<2097152xf32, #tpu.memory_space<hbm>>, %arg3: memref<401408xi32, #tpu.memory_space<hbm>>, %arg4: memref<401408xi32, #tpu.memory_space<hbm>>, %arg5: memref<401408xf32, #tpu.memory_space<hbm>>, %arg6: memref<401408xf32, #tpu.memory_space<hbm>>, %arg7: memref<12544xi32, #tpu.memory_space<vmem>>, %arg8: memref<12544xi32, #tpu.memory_space<vmem>>, %arg9: memref<12544xf32, #tpu.memory_space<vmem>>, %arg10: memref<12544xf32, #tpu.memory_space<vmem>>, %arg11: memref<1048576xf32, #tpu.memory_space<vmem_shared>>, %arg12: memref<!tpu.dma_semaphore, #tpu.memory_space<semaphore_mem>>) attributes {dimension_semantics = [#tpu.dimension_semantics<core_parallel>, #tpu.dimension_semantics<subcore_parallel>], iteration_bounds = array<i64: 2, 16>, scalar_prefetch = 0 : i64, scratch_operands = 6 : i64, tpu.core_type = #tpu.core_type<sc_vector_subcore>, window_params = [{transform_indices = #map}, {transform_indices = #map}, {transform_indices = #map}, {transform_indices = #map}, {transform_indices = #map}]} {
    %mul3A = arith.constant 16 : i32
    %mul3A_0 = arith.muli %arg0, %mul3A : i32
    %add3A = arith.addi %mul3A_0, %arg1 : i32
    %mul3A_1 = arith.constant 12544 : i32
    %mul3A_2 = arith.muli %add3A, %mul3A_1 : i32
    %multiple_of3A = tpu.assume_multiple %mul3A_2, 12544 : i32
    %mul3A_3 = arith.constant 4 : i32
    %mul3A_4 = arith.muli %arg0, %mul3A_3 : i32
    %mul3A_5 = arith.constant 262144 : i32
    %mul3A_6 = arith.muli %mul3A_4, %mul3A_5 : i32
    %mul3A_7 = arith.constant 65536 : i32
    %mul3A_8 = arith.muli %arg1, %mul3A_7 : i32
    %add3A_9 = arith.addi %mul3A_6, %mul3A_8 : i32
    %mul3A_10 = arith.constant 65536 : i32
    %mul3A_11 = arith.muli %arg1, %mul3A_10 : i32
    "tpu.region"() ({
      %run_scoped3A = tpu.sem_alloc : memref<!tpu.dma_semaphore, #tpu.memory_space<semaphore_mem>>
      %dma_start3A_18 = tpu.memref_slice %arg11[%mul3A_11] : memref<1048576xf32, #tpu.memory_space<vmem_shared>> -> memref<65536xf32, #tpu.memory_space<vmem_shared>>
      %dma_start3A_19 = tpu.memref_slice %arg2[%add3A_9] : memref<2097152xf32, #tpu.memory_space<hbm>> -> memref<65536xf32, #tpu.memory_space<hbm>>
      tpu.enqueue_dma source(%dma_start3A_19 : memref<65536xf32, #tpu.memory_space<hbm>>) target(%dma_start3A_18 : memref<65536xf32, #tpu.memory_space<vmem_shared>>) target_semaphore(%run_scoped3A : memref<!tpu.dma_semaphore, #tpu.memory_space<semaphore_mem>>)
      %dma_wait3A_20 = tpu.memref_slice %arg11[%mul3A_11] : memref<1048576xf32, #tpu.memory_space<vmem_shared>> -> memref<65536xf32, #tpu.memory_space<vmem_shared>>
      %dma_wait3A_21 = tpu.memref_slice %arg2[%add3A_9] : memref<2097152xf32, #tpu.memory_space<hbm>> -> memref<65536xf32, #tpu.memory_space<hbm>>
      tpu.wait_dma2 semaphore(%run_scoped3A : memref<!tpu.dma_semaphore, #tpu.memory_space<semaphore_mem>>) src(%dma_wait3A_21 : memref<65536xf32, #tpu.memory_space<hbm>>) dst(%dma_wait3A_20 : memref<65536xf32, #tpu.memory_space<vmem_shared>>)
      tpu.yield
    }) : () -> ()
    "tpu.region"() ({
      %run_scoped3A = tpu.sem_alloc : memref<!tpu.dma_semaphore, #tpu.memory_space<semaphore_mem>>
      %dma_start3A_18 = tpu.memref_slice %arg3[%multiple_of3A] : memref<401408xi32, #tpu.memory_space<hbm>> -> memref<12544xi32, #tpu.memory_space<hbm>>
      %dma_start3A_19 = tpu.memref_slice %arg3[%multiple_of3A] : memref<401408xi32, #tpu.memory_space<hbm>> -> memref<12544xi32, #tpu.memory_space<hbm>>
      tpu.enqueue_dma source(%dma_start3A_19 : memref<12544xi32, #tpu.memory_space<hbm>>) target(%arg7 : memref<12544xi32, #tpu.memory_space<vmem>>) target_semaphore(%run_scoped3A : memref<!tpu.dma_semaphore, #tpu.memory_space<semaphore_mem>>)
      %dma_wait3A_20 = tpu.memref_slice %arg3[%multiple_of3A] : memref<401408xi32, #tpu.memory_space<hbm>> -> memref<12544xi32, #tpu.memory_space<hbm>>
      %dma_wait3A_21 = tpu.memref_slice %arg3[%multiple_of3A] : memref<401408xi32, #tpu.memory_space<hbm>> -> memref<12544xi32, #tpu.memory_space<hbm>>
      tpu.wait_dma2 semaphore(%run_scoped3A : memref<!tpu.dma_semaphore, #tpu.memory_space<semaphore_mem>>) src(%dma_wait3A_21 : memref<12544xi32, #tpu.memory_space<hbm>>) dst(%arg7 : memref<12544xi32, #tpu.memory_space<vmem>>)
      tpu.yield
    }) : () -> ()
    "tpu.region"() ({
      %run_scoped3A = tpu.sem_alloc : memref<!tpu.dma_semaphore, #tpu.memory_space<semaphore_mem>>
      %dma_start3A_18 = tpu.memref_slice %arg4[%multiple_of3A] : memref<401408xi32, #tpu.memory_space<hbm>> -> memref<12544xi32, #tpu.memory_space<hbm>>
      %dma_start3A_19 = tpu.memref_slice %arg4[%multiple_of3A] : memref<401408xi32, #tpu.memory_space<hbm>> -> memref<12544xi32, #tpu.memory_space<hbm>>
      tpu.enqueue_dma source(%dma_start3A_19 : memref<12544xi32, #tpu.memory_space<hbm>>) target(%arg8 : memref<12544xi32, #tpu.memory_space<vmem>>) target_semaphore(%run_scoped3A : memref<!tpu.dma_semaphore, #tpu.memory_space<semaphore_mem>>)
      %dma_wait3A_20 = tpu.memref_slice %arg4[%multiple_of3A] : memref<401408xi32, #tpu.memory_space<hbm>> -> memref<12544xi32, #tpu.memory_space<hbm>>
      %dma_wait3A_21 = tpu.memref_slice %arg4[%multiple_of3A] : memref<401408xi32, #tpu.memory_space<hbm>> -> memref<12544xi32, #tpu.memory_space<hbm>>
      tpu.wait_dma2 semaphore(%run_scoped3A : memref<!tpu.dma_semaphore, #tpu.memory_space<semaphore_mem>>) src(%dma_wait3A_21 : memref<12544xi32, #tpu.memory_space<hbm>>) dst(%arg8 : memref<12544xi32, #tpu.memory_space<vmem>>)
      tpu.yield
    }) : () -> ()
    %barrier3A = arith.constant 0 : index
    tpu.barrier barrier_id(%barrier3A)
    %dma_start3A = arith.constant 0 : i32
    %dma_start3A_12 = tpu.memref_slice %arg11[%dma_start3A] : memref<1048576xf32, #tpu.memory_space<vmem_shared>> -> memref<1048576xf32, #tpu.memory_space<vmem_shared>>
    tpu.enqueue_indirect_dma source(%dma_start3A_12 : memref<1048576xf32, #tpu.memory_space<vmem_shared>>) target(%arg9 : memref<12544xf32, #tpu.memory_space<vmem>>) offsets(%arg7 : memref<12544xi32, #tpu.memory_space<vmem>>) semaphore(%arg12 : memref<!tpu.dma_semaphore, #tpu.memory_space<semaphore_mem>>)
    %dma_start3A_13 = arith.constant 0 : i32
    %dma_start3A_14 = tpu.memref_slice %arg11[%dma_start3A_13] : memref<1048576xf32, #tpu.memory_space<vmem_shared>> -> memref<1048576xf32, #tpu.memory_space<vmem_shared>>
    tpu.enqueue_indirect_dma source(%dma_start3A_14 : memref<1048576xf32, #tpu.memory_space<vmem_shared>>) target(%arg10 : memref<12544xf32, #tpu.memory_space<vmem>>) offsets(%arg8 : memref<12544xi32, #tpu.memory_space<vmem>>) semaphore(%arg12 : memref<!tpu.dma_semaphore, #tpu.memory_space<semaphore_mem>>)
    %dma_wait3A = arith.constant 0 : i32
    %dma_wait3A_15 = tpu.memref_slice %arg11[%dma_wait3A] : memref<1048576xf32, #tpu.memory_space<vmem_shared>> -> memref<1048576xf32, #tpu.memory_space<vmem_shared>>
    tpu.wait_indirect_dma semaphore(%arg12 : memref<!tpu.dma_semaphore, #tpu.memory_space<semaphore_mem>>) src(%dma_wait3A_15 : memref<1048576xf32, #tpu.memory_space<vmem_shared>>) dst(%arg9 : memref<12544xf32, #tpu.memory_space<vmem>>)
    %dma_wait3A_16 = arith.constant 0 : i32
    %dma_wait3A_17 = tpu.memref_slice %arg11[%dma_wait3A_16] : memref<1048576xf32, #tpu.memory_space<vmem_shared>> -> memref<1048576xf32, #tpu.memory_space<vmem_shared>>
    tpu.wait_indirect_dma semaphore(%arg12 : memref<!tpu.dma_semaphore, #tpu.memory_space<semaphore_mem>>) src(%dma_wait3A_17 : memref<1048576xf32, #tpu.memory_space<vmem_shared>>) dst(%arg10 : memref<12544xf32, #tpu.memory_space<vmem>>)
    "tpu.region"() ({
      %run_scoped3A = tpu.sem_alloc : memref<!tpu.dma_semaphore, #tpu.memory_space<semaphore_mem>>
      %dma_start3A_18 = tpu.memref_slice %arg5[%multiple_of3A] : memref<401408xf32, #tpu.memory_space<hbm>> -> memref<12544xf32, #tpu.memory_space<hbm>>
      %dma_start3A_19 = tpu.memref_slice %arg5[%multiple_of3A] : memref<401408xf32, #tpu.memory_space<hbm>> -> memref<12544xf32, #tpu.memory_space<hbm>>
      tpu.enqueue_dma source(%arg9 : memref<12544xf32, #tpu.memory_space<vmem>>) target(%dma_start3A_19 : memref<12544xf32, #tpu.memory_space<hbm>>) target_semaphore(%run_scoped3A : memref<!tpu.dma_semaphore, #tpu.memory_space<semaphore_mem>>)
      %dma_wait3A_20 = tpu.memref_slice %arg5[%multiple_of3A] : memref<401408xf32, #tpu.memory_space<hbm>> -> memref<12544xf32, #tpu.memory_space<hbm>>
      %dma_wait3A_21 = tpu.memref_slice %arg5[%multiple_of3A] : memref<401408xf32, #tpu.memory_space<hbm>> -> memref<12544xf32, #tpu.memory_space<hbm>>
      tpu.wait_dma2 semaphore(%run_scoped3A : memref<!tpu.dma_semaphore, #tpu.memory_space<semaphore_mem>>) src(%arg9 : memref<12544xf32, #tpu.memory_space<vmem>>) dst(%dma_wait3A_21 : memref<12544xf32, #tpu.memory_space<hbm>>)
      tpu.yield
    }) : () -> ()
    "tpu.region"() ({
      %run_scoped3A = tpu.sem_alloc : memref<!tpu.dma_semaphore, #tpu.memory_space<semaphore_mem>>
      %dma_start3A_18 = tpu.memref_slice %arg6[%multiple_of3A] : memref<401408xf32, #tpu.memory_space<hbm>> -> memref<12544xf32, #tpu.memory_space<hbm>>
      %dma_start3A_19 = tpu.memref_slice %arg6[%multiple_of3A] : memref<401408xf32, #tpu.memory_space<hbm>> -> memref<12544xf32, #tpu.memory_space<hbm>>
      tpu.enqueue_dma source(%arg10 : memref<12544xf32, #tpu.memory_space<vmem>>) target(%dma_start3A_19 : memref<12544xf32, #tpu.memory_space<hbm>>) target_semaphore(%run_scoped3A : memref<!tpu.dma_semaphore, #tpu.memory_space<semaphore_mem>>)
      %dma_wait3A_20 = tpu.memref_slice %arg6[%multiple_of3A] : memref<401408xf32, #tpu.memory_space<hbm>> -> memref<12544xf32, #tpu.memory_space<hbm>>
      %dma_wait3A_21 = tpu.memref_slice %arg6[%multiple_of3A] : memref<401408xf32, #tpu.memory_space<hbm>> -> memref<12544xf32, #tpu.memory_space<hbm>>
      tpu.wait_dma2 semaphore(%run_scoped3A : memref<!tpu.dma_semaphore, #tpu.memory_space<semaphore_mem>>) src(%arg10 : memref<12544xf32, #tpu.memory_space<vmem>>) dst(%dma_wait3A_21 : memref<12544xf32, #tpu.memory_space<hbm>>)
      tpu.yield
    }) : () -> ()
    return
  }
}

module attributes {stable_mosaic.version = 14 : i64} {
  func.func @_tc_loss_body(%arg0: memref<3136x128xf32, #tpu.memory_space<vmem>>, %arg1: memref<3136x128xf32, #tpu.memory_space<vmem>>, %arg2: memref<3136x128xf32, #tpu.memory_space<vmem>>, %arg3: memref<1x1xf32, #tpu.memory_space<smem>>) attributes {dimension_semantics = [], scalar_prefetch = 0 : i64, scratch_operands = 0 : i64, tpu.core_type = #tpu.core_type<tc>} {
    %get3A = arith.constant 0 : index
    %get3A_0 = arith.constant 0 : index
    %get3A_1 = vector.load %arg0[%get3A, %get3A_0] : memref<3136x128xf32, #tpu.memory_space<vmem>>, vector<3136x128xf32>
    %get3A_2 = arith.constant 0 : index
    %get3A_3 = arith.constant 0 : index
    %get3A_4 = vector.load %arg1[%get3A_2, %get3A_3] : memref<3136x128xf32, #tpu.memory_space<vmem>>, vector<3136x128xf32>
    %sub3A = arith.subf %get3A_1, %get3A_4 : vector<3136x128xf32>
    %get3A_5 = arith.constant 0 : index
    %get3A_6 = arith.constant 0 : index
    %get3A_7 = vector.load %arg2[%get3A_5, %get3A_6] : memref<3136x128xf32, #tpu.memory_space<vmem>>, vector<3136x128xf32>
    %abs3A = math.absf %get3A_7 : vector<3136x128xf32>
    %neg3A = arith.constant 0.000000e+00 : f32
    %neg3A_8 = vector.broadcast %neg3A : f32 to vector<3136x128xf32>
    %neg3A_9 = arith.subf %neg3A_8, %get3A_7 : vector<3136x128xf32>
    %mul3A = arith.mulf %neg3A_9, %sub3A : vector<3136x128xf32>
    %exp3A = math.exp %mul3A : vector<3136x128xf32>
    %add3A = arith.constant 1.000000e+00 : f32
    %add3A_10 = vector.broadcast %add3A : f32 to vector<3136x128xf32>
    %add3A_11 = arith.addf %add3A_10, %exp3A : vector<3136x128xf32>
    %log3A = math.log %add3A_11 : vector<3136x128xf32>
    %mul3A_12 = arith.mulf %abs3A, %log3A : vector<3136x128xf32>
    %sub3A_13 = arith.constant 1.000000e+00 : f32
    %sub3A_14 = vector.broadcast %sub3A_13 : f32 to vector<3136x128xf32>
    %sub3A_15 = arith.subf %sub3A_14, %abs3A : vector<3136x128xf32>
    %mul3A_16 = arith.mulf %sub3A, %sub3A : vector<3136x128xf32>
    %mul3A_17 = arith.mulf %sub3A_15, %mul3A_16 : vector<3136x128xf32>
    %add3A_18 = arith.addf %mul3A_12, %mul3A_17 : vector<3136x128xf32>
    %reduce_sum3A = vector.shape_cast %add3A_18 : vector<3136x128xf32> to vector<1x3136x128xf32>
    %reduce_sum3A_19 = arith.constant dense<0.000000e+00> : vector<1xf32>
    %reduce_sum3A_20 = vector.multi_reduction <add>, %reduce_sum3A, %reduce_sum3A_19 [1, 2] : vector<1x3136x128xf32> to vector<1xf32>
    %reduce_sum3A_21 = vector.shape_cast %reduce_sum3A_20 : vector<1xf32> to vector<1x1x1xf32>
    %reduce_sum3A_22 = vector.extract %reduce_sum3A_21[0, 0, 0] : f32 from vector<1x1x1xf32>
    %mul3A_23 = arith.constant 2.500000e-06 : f32
    %mul3A_24 = arith.mulf %reduce_sum3A_22, %mul3A_23 : f32
    %swap3A = arith.constant 0 : index
    %swap3A_25 = arith.constant 0 : index
    %swap3A_26 = memref.load %arg3[%swap3A, %swap3A_25] : memref<1x1xf32, #tpu.memory_space<smem>>
    memref.store %mul3A_24, %arg3[%swap3A, %swap3A_25] : memref<1x1xf32, #tpu.memory_space<smem>>
    return
  }
}

module attributes {stable_mosaic.version = 14 : i64} {
  func.func @_prep_body(%arg0: i32, %arg1: memref<8x7168xi32, #tpu.memory_space<vmem>>, %arg2: memref<8x7168xi32, #tpu.memory_space<vmem>>, %arg3: memref<8x7168xi32, #tpu.memory_space<vmem>>, %arg4: memref<8x7168xi32, #tpu.memory_space<vmem>>, %arg5: memref<8x7168xf32, #tpu.memory_space<vmem>>, %arg6: memref<8x56x128xi32, #tpu.memory_space<vmem>>, %arg7: memref<8x56x128xi32, #tpu.memory_space<vmem>>, %arg8: memref<8x56x128xf32, #tpu.memory_space<vmem>>) attributes {dimension_semantics = [#tpu.dimension_semantics<arbitrary>], iteration_bounds = array<i64: 7>, scalar_prefetch = 0 : i64, scratch_operands = 0 : i64, tpu.core_type = #tpu.core_type<tc>, window_params = [{transform_indices = @transform_0, window_bounds = array<i64: 8, 7168>}, {transform_indices = @transform_1, window_bounds = array<i64: 8, 7168>}, {transform_indices = @transform_2, window_bounds = array<i64: 8, 7168>}, {transform_indices = @transform_3, window_bounds = array<i64: 8, 7168>}, {transform_indices = @transform_4, window_bounds = array<i64: 8, 7168>}, {transform_indices = @transform_5, window_bounds = array<i64: 8, 56, 128>}, {transform_indices = @transform_6, window_bounds = array<i64: 8, 56, 128>}, {transform_indices = @transform_7, window_bounds = array<i64: 8, 56, 128>}]} {
    %iota3A = tpu.iota {dimensions = array<i32: 0>} : vector<8x128xi32>
    %and3A = arith.constant 3 : i32
    %and3A_0 = vector.broadcast %and3A : i32 to vector<8x128xi32>
    %and3A_1 = arith.andi %iota3A, %and3A_0 : vector<8x128xi32>
    %mul3A = arith.constant 262144 : i32
    %mul3A_2 = vector.broadcast %mul3A : i32 to vector<8x128xi32>
    %mul3A_3 = arith.muli %and3A_1, %mul3A_2 : vector<8x128xi32>
    %iota3A_4 = tpu.iota {dimensions = array<i32: 1>} : vector<8x128xi32>
    %lt3A = arith.constant 6 : i32
    %lt3A_5 = arith.cmpi slt, %arg0, %lt3A : i32
    %convert_element_type3A = arith.extui %lt3A_5 : i1 to i32
    %cond3A = arith.constant 0 : i32
    %cond3A_6 = arith.cmpi ne, %convert_element_type3A, %cond3A : i32
    scf.if %cond3A_6 {
      %get3A = arith.constant 0 : index
      %get3A_11 = arith.constant 0 : index
      %get3A_12 = vector.load %arg2[%get3A, %get3A_11] : memref<8x7168xi32, #tpu.memory_space<vmem>>, vector<8x128xi32>
      %mul3A_13 = arith.constant 512 : i32
      %mul3A_14 = vector.broadcast %mul3A_13 : i32 to vector<8x128xi32>
      %mul3A_15 = arith.muli %get3A_12, %mul3A_14 : vector<8x128xi32>
      %get3A_16 = arith.constant 0 : index
      %get3A_17 = arith.constant 0 : index
      %get3A_18 = vector.load %arg1[%get3A_16, %get3A_17] : memref<8x7168xi32, #tpu.memory_space<vmem>>, vector<8x128xi32>
      %add3A = arith.addi %mul3A_15, %get3A_18 : vector<8x128xi32>
      %add3A_19 = arith.addi %add3A, %mul3A_3 : vector<8x128xi32>
      %get3A_20 = arith.constant 0 : index
      %get3A_21 = arith.constant 0 : index
      %get3A_22 = vector.load %arg4[%get3A_20, %get3A_21] : memref<8x7168xi32, #tpu.memory_space<vmem>>, vector<8x128xi32>
      %mul3A_23 = arith.constant 512 : i32
      %mul3A_24 = vector.broadcast %mul3A_23 : i32 to vector<8x128xi32>
      %mul3A_25 = arith.muli %get3A_22, %mul3A_24 : vector<8x128xi32>
      %get3A_26 = arith.constant 0 : index
      %get3A_27 = arith.constant 0 : index
      %get3A_28 = vector.load %arg3[%get3A_26, %get3A_27] : memref<8x7168xi32, #tpu.memory_space<vmem>>, vector<8x128xi32>
      %add3A_29 = arith.addi %mul3A_25, %get3A_28 : vector<8x128xi32>
      %add3A_30 = arith.addi %add3A_29, %mul3A_3 : vector<8x128xi32>
      %swap3A = arith.constant 0 : index
      %swap3A_31 = arith.constant 0 : index
      %swap3A_32 = arith.constant 0 : index
      %swap3A_33 = vector.load %arg6[%swap3A, %swap3A_31, %swap3A_32] : memref<8x56x128xi32, #tpu.memory_space<vmem>>, vector<8x1x128xi32>
      %swap3A_34 = vector.shape_cast %swap3A_33 : vector<8x1x128xi32> to vector<8x128xi32>
      %swap3A_35 = vector.shape_cast %add3A_19 : vector<8x128xi32> to vector<8x1x128xi32>
      tpu.vector_store %arg6[%swap3A, %swap3A_31, %swap3A_32], %swap3A_35 {strides = array<i32>} : memref<8x56x128xi32, #tpu.memory_space<vmem>>, vector<8x1x128xi32>,
      %swap3A_36 = arith.constant 0 : index
      %swap3A_37 = arith.constant 0 : index
      %swap3A_38 = arith.constant 0 : index
      %swap3A_39 = vector.load %arg7[%swap3A_36, %swap3A_37, %swap3A_38] : memref<8x56x128xi32, #tpu.memory_space<vmem>>, vector<8x1x128xi32>
      %swap3A_40 = vector.shape_cast %swap3A_39 : vector<8x1x128xi32> to vector<8x128xi32>
      %swap3A_41 = vector.shape_cast %add3A_30 : vector<8x128xi32> to vector<8x1x128xi32>
      tpu.vector_store %arg7[%swap3A_36, %swap3A_37, %swap3A_38], %swap3A_41 {strides = array<i32>} : memref<8x56x128xi32, #tpu.memory_space<vmem>>, vector<8x1x128xi32>,
      %get3A_42 = arith.constant 0 : index
      %get3A_43 = arith.constant 0 : index
      %get3A_44 = vector.load %arg5[%get3A_42, %get3A_43] : memref<8x7168xf32, #tpu.memory_space<vmem>>, vector<8x128xf32>
      %swap3A_45 = arith.constant 0 : index
      %swap3A_46 = arith.constant 0 : index
      %swap3A_47 = arith.constant 0 : index
      %swap3A_48 = vector.load %arg8[%swap3A_45, %swap3A_46, %swap3A_47] : memref<8x56x128xf32, #tpu.memory_space<vmem>>, vector<8x1x128xf32>
      %swap3A_49 = vector.shape_cast %swap3A_48 : vector<8x1x128xf32> to vector<8x128xf32>
      %swap3A_50 = vector.shape_cast %get3A_44 : vector<8x128xf32> to vector<8x1x128xf32>
      tpu.vector_store %arg8[%swap3A_45, %swap3A_46, %swap3A_47], %swap3A_50 {strides = array<i32>} : memref<8x56x128xf32, #tpu.memory_space<vmem>>, vector<8x1x128xf32>,
      %get3A_51 = arith.constant 0 : index
      %get3A_52 = arith.constant 128 : index
      %get3A_53 = vector.load %arg2[%get3A_51, %get3A_52] : memref<8x7168xi32, #tpu.memory_space<vmem>>, vector<8x128xi32>
      %mul3A_54 = arith.constant 512 : i32
      %mul3A_55 = vector.broadcast %mul3A_54 : i32 to vector<8x128xi32>
      %mul3A_56 = arith.muli %get3A_53, %mul3A_55 : vector<8x128xi32>
      %get3A_57 = arith.constant 0 : index
      %get3A_58 = arith.constant 128 : index
      %get3A_59 = vector.load %arg1[%get3A_57, %get3A_58] : memref<8x7168xi32, #tpu.memory_space<vmem>>, vector<8x128xi32>
      %add3A_60 = arith.addi %mul3A_56, %get3A_59 : vector<8x128xi32>
      %add3A_61 = arith.addi %add3A_60, %mul3A_3 : vector<8x128xi32>
      %get3A_62 = arith.constant 0 : index
      %get3A_63 = arith.constant 128 : index
      %get3A_64 = vector.load %arg4[%get3A_62, %get3A_63] : memref<8x7168xi32, #tpu.memory_space<vmem>>, vector<8x128xi32>
      %mul3A_65 = arith.constant 512 : i32
      %mul3A_66 = vector.broadcast %mul3A_65 : i32 to vector<8x128xi32>
      %mul3A_67 = arith.muli %get3A_64, %mul3A_66 : vector<8x128xi32>
      %get3A_68 = arith.constant 0 : index
      %get3A_69 = arith.constant 128 : index
      %get3A_70 = vector.load %arg3[%get3A_68, %get3A_69] : memref<8x7168xi32, #tpu.memory_space<vmem>>, vector<8x128xi32>
      %add3A_71 = arith.addi %mul3A_67, %get3A_70 : vector<8x128xi32>
      %add3A_72 = arith.addi %add3A_71, %mul3A_3 : vector<8x128xi32>
      %swap3A_73 = arith.constant 0 : index
      %swap3A_74 = arith.constant 1 : index
      %swap3A_75 = arith.constant 0 : index
      %swap3A_76 = vector.load %arg6[%swap3A_73, %swap3A_74, %swap3A_75] : memref<8x56x128xi32, #tpu.memory_space<vmem>>, vector<8x1x128xi32>
      %swap3A_77 = vector.shape_cast %swap3A_76 : vector<8x1x128xi32> to vector<8x128xi32>
      %swap3A_78 = vector.shape_cast %add3A_61 : vector<8x128xi32> to vector<8x1x128xi32>
      tpu.vector_store %arg6[%swap3A_73, %swap3A_74, %swap3A_75], %swap3A_78 {strides = array<i32>} : memref<8x56x128xi32, #tpu.memory_space<vmem>>, vector<8x1x128xi32>,
      %swap3A_79 = arith.constant 0 : index
      %swap3A_80 = arith.constant 1 : index
      %swap3A_81 = arith.constant 0 : index
      %swap3A_82 = vector.load %arg7[%swap3A_79, %swap3A_80, %swap3A_81] : memref<8x56x128xi32, #tpu.memory_space<vmem>>, vector<8x1x128xi32>
      %swap3A_83 = vector.shape_cast %swap3A_82 : vector<8x1x128xi32> to vector<8x128xi32>
      %swap3A_84 = vector.shape_cast %add3A_72 : vector<8x128xi32> to vector<8x1x128xi32>
      tpu.vector_store %arg7[%swap3A_79, %swap3A_80, %swap3A_81], %swap3A_84 {strides = array<i32>} : memref<8x56x128xi32, #tpu.memory_space<vmem>>, vector<8x1x128xi32>,
      %get3A_85 = arith.constant 0 : index
      %get3A_86 = arith.constant 128 : index
      %get3A_87 = vector.load %arg5[%get3A_85, %get3A_86] : memref<8x7168xf32, #tpu.memory_space<vmem>>, vector<8x128xf32>
      %swap3A_88 = arith.constant 0 : index
      %swap3A_89 = arith.constant 1 : index
      %swap3A_90 = arith.constant 0 : index
      %swap3A_91 = vector.load %arg8[%swap3A_88, %swap3A_89, %swap3A_90] : memref<8x56x128xf32, #tpu.memory_space<vmem>>, vector<8x1x128xf32>
      %swap3A_92 = vector.shape_cast %swap3A_91 : vector<8x1x128xf32> to vector<8x128xf32>
      %swap3A_93 = vector.shape_cast %get3A_87 : vector<8x128xf32> to vector<8x1x128xf32>
      tpu.vector_store %arg8[%swap3A_88, %swap3A_89, %swap3A_90], %swap3A_93 {strides = array<i32>} : memref<8x56x128xf32, #tpu.memory_space<vmem>>, vector<8x1x128xf32>,
      %get3A_94 = arith.constant 0 : index
      %get3A_95 = arith.constant 256 : index
      %get3A_96 = vector.load %arg2[%get3A_94, %get3A_95] : memref<8x7168xi32, #tpu.memory_space<vmem>>, vector<8x128xi32>
      %mul3A_97 = arith.constant 512 : i32
      %mul3A_98 = vector.broadcast %mul3A_97 : i32 to vector<8x128xi32>
      %mul3A_99 = arith.muli %get3A_96, %mul3A_98 : vector<8x128xi32>
      %get3A_100 = arith.constant 0 : index
      %get3A_101 = arith.constant 256 : index
      %get3A_102 = vector.load %arg1[%get3A_100, %get3A_101] : memref<8x7168xi32, #tpu.memory_space<vmem>>, vector<8x128xi32>
      %add3A_103 = arith.addi %mul3A_99, %get3A_102 : vector<8x128xi32>
      %add3A_104 = arith.addi %add3A_103, %mul3A_3 : vector<8x128xi32>
      %get3A_105 = arith.constant 0 : index
      %get3A_106 = arith.constant 256 : index
      %get3A_107 = vector.load %arg4[%get3A_105, %get3A_106] : memref<8x7168xi32, #tpu.memory_space<vmem>>, vector<8x128xi32>
      %mul3A_108 = arith.constant 512 : i32
      %mul3A_109 = vector.broadcast %mul3A_108 : i32 to vector<8x128xi32>
      %mul3A_110 = arith.muli %get3A_107, %mul3A_109 : vector<8x128xi32>
      %get3A_111 = arith.constant 0 : index
      %get3A_112 = arith.constant 256 : index
      %get3A_113 = vector.load %arg3[%get3A_111, %get3A_112] : memref<8x7168xi32, #tpu.memory_space<vmem>>, vector<8x128xi32>
      %add3A_114 = arith.addi %mul3A_110, %get3A_113 : vector<8x128xi32>
      %add3A_115 = arith.addi %add3A_114, %mul3A_3 : vector<8x128xi32>
      %swap3A_116 = arith.constant 0 : index
      %swap3A_117 = arith.constant 2 : index
      %swap3A_118 = arith.constant 0 : index
      %swap3A_119 = vector.load %arg6[%swap3A_116, %swap3A_117, %swap3A_118] : memref<8x56x128xi32, #tpu.memory_space<vmem>>, vector<8x1x128xi32>
      %swap3A_120 = vector.shape_cast %swap3A_119 : vector<8x1x128xi32> to vector<8x128xi32>
      %swap3A_121 = vector.shape_cast %add3A_104 : vector<8x128xi32> to vector<8x1x128xi32>
      tpu.vector_store %arg6[%swap3A_116, %swap3A_117, %swap3A_118], %swap3A_121 {strides = array<i32>} : memref<8x56x128xi32, #tpu.memory_space<vmem>>, vector<8x1x128xi32>,
      %swap3A_122 = arith.constant 0 : index
      %swap3A_123 = arith.constant 2 : index
      %swap3A_124 = arith.constant 0 : index
      %swap3A_125 = vector.load %arg7[%swap3A_122, %swap3A_123, %swap3A_124] : memref<8x56x128xi32, #tpu.memory_space<vmem>>, vector<8x1x128xi32>
      %swap3A_126 = vector.shape_cast %swap3A_125 : vector<8x1x128xi32> to vector<8x128xi32>
      %swap3A_127 = vector.shape_cast %add3A_115 : vector<8x128xi32> to vector<8x1x128xi32>
      tpu.vector_store %arg7[%swap3A_122, %swap3A_123, %swap3A_124], %swap3A_127 {strides = array<i32>} : memref<8x56x128xi32, #tpu.memory_space<vmem>>, vector<8x1x128xi32>,
      %get3A_128 = arith.constant 0 : index
      %get3A_129 = arith.constant 256 : index
      %get3A_130 = vector.load %arg5[%get3A_128, %get3A_129] : memref<8x7168xf32, #tpu.memory_space<vmem>>, vector<8x128xf32>
      %swap3A_131 = arith.constant 0 : index
      %swap3A_132 = arith.constant 2 : index
      %swap3A_133 = arith.constant 0 : index
      %swap3A_134 = vector.load %arg8[%swap3A_131, %swap3A_132, %swap3A_133] : memref<8x56x128xf32, #tpu.memory_space<vmem>>, vector<8x1x128xf32>
      %swap3A_135 = vector.shape_cast %swap3A_134 : vector<8x1x128xf32> to vector<8x128xf32>
      %swap3A_136 = vector.shape_cast %get3A_130 : vector<8x128xf32> to vector<8x1x128xf32>
      tpu.vector_store %arg8[%swap3A_131, %swap3A_132, %swap3A_133], %swap3A_136 {strides = array<i32>} : memref<8x56x128xf32, #tpu.memory_space<vmem>>, vector<8x1x128xf32>,
      %get3A_137 = arith.constant 0 : index
      %get3A_138 = arith.constant 384 : index
      %get3A_139 = vector.load %arg2[%get3A_137, %get3A_138] : memref<8x7168xi32, #tpu.memory_space<vmem>>, vector<8x128xi32>
      %mul3A_140 = arith.constant 512 : i32
      %mul3A_141 = vector.broadcast %mul3A_140 : i32 to vector<8x128xi32>
      %mul3A_142 = arith.muli %get3A_139, %mul3A_141 : vector<8x128xi32>
      %get3A_143 = arith.constant 0 : index
      %get3A_144 = arith.constant 384 : index
      %get3A_145 = vector.load %arg1[%get3A_143, %get3A_144] : memref<8x7168xi32, #tpu.memory_space<vmem>>, vector<8x128xi32>
      %add3A_146 = arith.addi %mul3A_142, %get3A_145 : vector<8x128xi32>
      %add3A_147 = arith.addi %add3A_146, %mul3A_3 : vector<8x128xi32>
      %get3A_148 = arith.constant 0 : index
      %get3A_149 = arith.constant 384 : index
      %get3A_150 = vector.load %arg4[%get3A_148, %get3A_149] : memref<8x7168xi32, #tpu.memory_space<vmem>>, vector<8x128xi32>
      %mul3A_151 = arith.constant 512 : i32
      %mul3A_152 = vector.broadcast %mul3A_151 : i32 to vector<8x128xi32>
      %mul3A_153 = arith.muli %get3A_150, %mul3A_152 : vector<8x128xi32>
      %get3A_154 = arith.constant 0 : index
      %get3A_155 = arith.constant 384 : index
      %get3A_156 = vector.load %arg3[%get3A_154, %get3A_155] : memref<8x7168xi32, #tpu.memory_space<vmem>>, vector<8x128xi32>
      %add3A_157 = arith.addi %mul3A_153, %get3A_156 : vector<8x128xi32>
      %add3A_158 = arith.addi %add3A_157, %mul3A_3 : vector<8x128xi32>
      %swap3A_159 = arith.constant 0 : index
      %swap3A_160 = arith.constant 3 : index
      %swap3A_161 = arith.constant 0 : index
      %swap3A_162 = vector.load %arg6[%swap3A_159, %swap3A_160, %swap3A_161] : memref<8x56x128xi32, #tpu.memory_space<vmem>>, vector<8x1x128xi32>
      %swap3A_163 = vector.shape_cast %swap3A_162 : vector<8x1x128xi32> to vector<8x128xi32>
      %swap3A_164 = vector.shape_cast %add3A_147 : vector<8x128xi32> to vector<8x1x128xi32>
      tpu.vector_store %arg6[%swap3A_159, %swap3A_160, %swap3A_161], %swap3A_164 {strides = array<i32>} : memref<8x56x128xi32, #tpu.memory_space<vmem>>, vector<8x1x128xi32>,
      %swap3A_165 = arith.constant 0 : index
      %swap3A_166 = arith.constant 3 : index
      %swap3A_167 = arith.constant 0 : index
      %swap3A_168 = vector.load %arg7[%swap3A_165, %swap3A_166, %swap3A_167] : memref<8x56x128xi32, #tpu.memory_space<vmem>>, vector<8x1x128xi32>
      %swap3A_169 = vector.shape_cast %swap3A_168 : vector<8x1x128xi32> to vector<8x128xi32>
      %swap3A_170 = vector.shape_cast %add3A_158 : vector<8x128xi32> to vector<8x1x128xi32>
      tpu.vector_store %arg7[%swap3A_165, %swap3A_166, %swap3A_167], %swap3A_170 {strides = array<i32>} : memref<8x56x128xi32, #tpu.memory_space<vmem>>, vector<8x1x128xi32>,
      %get3A_171 = arith.constant 0 : index
      %get3A_172 = arith.constant 384 : index
      %get3A_173 = vector.load %arg5[%get3A_171, %get3A_172] : memref<8x7168xf32, #tpu.memory_space<vmem>>, vector<8x128xf32>
      %swap3A_174 = arith.constant 0 : index
      %swap3A_175 = arith.constant 3 : index
      %swap3A_176 = arith.constant 0 : index
      %swap3A_177 = vector.load %arg8[%swap3A_174, %swap3A_175, %swap3A_176] : memref<8x56x128xf32, #tpu.memory_space<vmem>>, vector<8x1x128xf32>
      %swap3A_178 = vector.shape_cast %swap3A_177 : vector<8x1x128xf32> to vector<8x128xf32>
      %swap3A_179 = vector.shape_cast %get3A_173 : vector<8x128xf32> to vector<8x1x128xf32>
      tpu.vector_store %arg8[%swap3A_174, %swap3A_175, %swap3A_176], %swap3A_179 {strides = array<i32>} : memref<8x56x128xf32, #tpu.memory_space<vmem>>, vector<8x1x128xf32>,
      %get3A_180 = arith.constant 0 : index
      %get3A_181 = arith.constant 512 : index
      %get3A_182 = vector.load %arg2[%get3A_180, %get3A_181] : memref<8x7168xi32, #tpu.memory_space<vmem>>, vector<8x128xi32>
      %mul3A_183 = arith.constant 512 : i32
      %mul3A_184 = vector.broadcast %mul3A_183 : i32 to vector<8x128xi32>
      %mul3A_185 = arith.muli %get3A_182, %mul3A_184 : vector<8x128xi32>
      %get3A_186 = arith.constant 0 : index
      %get3A_187 = arith.constant 512 : index
      %get3A_188 = vector.load %arg1[%get3A_186, %get3A_187] : memref<8x7168xi32, #tpu.memory_space<vmem>>, vector<8x128xi32>
      %add3A_189 = arith.addi %mul3A_185, %get3A_188 : vector<8x128xi32>
      %add3A_190 = arith.addi %add3A_189, %mul3A_3 : vector<8x128xi32>
      %get3A_191 = arith.constant 0 : index
      %get3A_192 = arith.constant 512 : index
      %get3A_193 = vector.load %arg4[%get3A_191, %get3A_192] : memref<8x7168xi32, #tpu.memory_space<vmem>>, vector<8x128xi32>
      %mul3A_194 = arith.constant 512 : i32
      %mul3A_195 = vector.broadcast %mul3A_194 : i32 to vector<8x128xi32>
      %mul3A_196 = arith.muli %get3A_193, %mul3A_195 : vector<8x128xi32>
      %get3A_197 = arith.constant 0 : index
      %get3A_198 = arith.constant 512 : index
      %get3A_199 = vector.load %arg3[%get3A_197, %get3A_198] : memref<8x7168xi32, #tpu.memory_space<vmem>>, vector<8x128xi32>
      %add3A_200 = arith.addi %mul3A_196, %get3A_199 : vector<8x128xi32>
      %add3A_201 = arith.addi %add3A_200, %mul3A_3 : vector<8x128xi32>
      %swap3A_202 = arith.constant 0 : index
      %swap3A_203 = arith.constant 4 : index
      %swap3A_204 = arith.constant 0 : index
      %swap3A_205 = vector.load %arg6[%swap3A_202, %swap3A_203, %swap3A_204] : memref<8x56x128xi32, #tpu.memory_space<vmem>>, vector<8x1x128xi32>
      %swap3A_206 = vector.shape_cast %swap3A_205 : vector<8x1x128xi32> to vector<8x128xi32>
      %swap3A_207 = vector.shape_cast %add3A_190 : vector<8x128xi32> to vector<8x1x128xi32>
      tpu.vector_store %arg6[%swap3A_202, %swap3A_203, %swap3A_204], %swap3A_207 {strides = array<i32>} : memref<8x56x128xi32, #tpu.memory_space<vmem>>, vector<8x1x128xi32>,
      %swap3A_208 = arith.constant 0 : index
      %swap3A_209 = arith.constant 4 : index
      %swap3A_210 = arith.constant 0 : index
      %swap3A_211 = vector.load %arg7[%swap3A_208, %swap3A_209, %swap3A_210] : memref<8x56x128xi32, #tpu.memory_space<vmem>>, vector<8x1x128xi32>
      %swap3A_212 = vector.shape_cast %swap3A_211 : vector<8x1x128xi32> to vector<8x128xi32>
      %swap3A_213 = vector.shape_cast %add3A_201 : vector<8x128xi32> to vector<8x1x128xi32>
      tpu.vector_store %arg7[%swap3A_208, %swap3A_209, %swap3A_210], %swap3A_213 {strides = array<i32>} : memref<8x56x128xi32, #tpu.memory_space<vmem>>, vector<8x1x128xi32>,
      %get3A_214 = arith.constant 0 : index
      %get3A_215 = arith.constant 512 : index
      %get3A_216 = vector.load %arg5[%get3A_214, %get3A_215] : memref<8x7168xf32, #tpu.memory_space<vmem>>, vector<8x128xf32>
      %swap3A_217 = arith.constant 0 : index
      %swap3A_218 = arith.constant 4 : index
      %swap3A_219 = arith.constant 0 : index
      %swap3A_220 = vector.load %arg8[%swap3A_217, %swap3A_218, %swap3A_219] : memref<8x56x128xf32, #tpu.memory_space<vmem>>, vector<8x1x128xf32>
      %swap3A_221 = vector.shape_cast %swap3A_220 : vector<8x1x128xf32> to vector<8x128xf32>
      %swap3A_222 = vector.shape_cast %get3A_216 : vector<8x128xf32> to vector<8x1x128xf32>
      tpu.vector_store %arg8[%swap3A_217, %swap3A_218, %swap3A_219], %swap3A_222 {strides = array<i32>} : memref<8x56x128xf32, #tpu.memory_space<vmem>>, vector<8x1x128xf32>,
      %get3A_223 = arith.constant 0 : index
      %get3A_224 = arith.constant 640 : index
      %get3A_225 = vector.load %arg2[%get3A_223, %get3A_224] : memref<8x7168xi32, #tpu.memory_space<vmem>>, vector<8x128xi32>
      %mul3A_226 = arith.constant 512 : i32
      %mul3A_227 = vector.broadcast %mul3A_226 : i32 to vector<8x128xi32>
      %mul3A_228 = arith.muli %get3A_225, %mul3A_227 : vector<8x128xi32>
      %get3A_229 = arith.constant 0 : index
      %get3A_230 = arith.constant 640 : index
      %get3A_231 = vector.load %arg1[%get3A_229, %get3A_230] : memref<8x7168xi32, #tpu.memory_space<vmem>>, vector<8x128xi32>
      %add3A_232 = arith.addi %mul3A_228, %get3A_231 : vector<8x128xi32>
      %add3A_233 = arith.addi %add3A_232, %mul3A_3 : vector<8x128xi32>
      %get3A_234 = arith.constant 0 : index
      %get3A_235 = arith.constant 640 : index
      %get3A_236 = vector.load %arg4[%get3A_234, %get3A_235] : memref<8x7168xi32, #tpu.memory_space<vmem>>, vector<8x128xi32>
      %mul3A_237 = arith.constant 512 : i32
      %mul3A_238 = vector.broadcast %mul3A_237 : i32 to vector<8x128xi32>
      %mul3A_239 = arith.muli %get3A_236, %mul3A_238 : vector<8x128xi32>
      %get3A_240 = arith.constant 0 : index
      %get3A_241 = arith.constant 640 : index
      %get3A_242 = vector.load %arg3[%get3A_240, %get3A_241] : memref<8x7168xi32, #tpu.memory_space<vmem>>, vector<8x128xi32>
      %add3A_243 = arith.addi %mul3A_239, %get3A_242 : vector<8x128xi32>
      %add3A_244 = arith.addi %add3A_243, %mul3A_3 : vector<8x128xi32>
      %swap3A_245 = arith.constant 0 : index
      %swap3A_246 = arith.constant 5 : index
      %swap3A_247 = arith.constant 0 : index
      %swap3A_248 = vector.load %arg6[%swap3A_245, %swap3A_246, %swap3A_247] : memref<8x56x128xi32, #tpu.memory_space<vmem>>, vector<8x1x128xi32>
      %swap3A_249 = vector.shape_cast %swap3A_248 : vector<8x1x128xi32> to vector<8x128xi32>
      %swap3A_250 = vector.shape_cast %add3A_233 : vector<8x128xi32> to vector<8x1x128xi32>
      tpu.vector_store %arg6[%swap3A_245, %swap3A_246, %swap3A_247], %swap3A_250 {strides = array<i32>} : memref<8x56x128xi32, #tpu.memory_space<vmem>>, vector<8x1x128xi32>,
      %swap3A_251 = arith.constant 0 : index
      %swap3A_252 = arith.constant 5 : index
      %swap3A_253 = arith.constant 0 : index
      %swap3A_254 = vector.load %arg7[%swap3A_251, %swap3A_252, %swap3A_253] : memref<8x56x128xi32, #tpu.memory_space<vmem>>, vector<8x1x128xi32>
      %swap3A_255 = vector.shape_cast %swap3A_254 : vector<8x1x128xi32> to vector<8x128xi32>
      %swap3A_256 = vector.shape_cast %add3A_244 : vector<8x128xi32> to vector<8x1x128xi32>
      tpu.vector_store %arg7[%swap3A_251, %swap3A_252, %swap3A_253], %swap3A_256 {strides = array<i32>} : memref<8x56x128xi32, #tpu.memory_space<vmem>>, vector<8x1x128xi32>,
      %get3A_257 = arith.constant 0 : index
      %get3A_258 = arith.constant 640 : index
      %get3A_259 = vector.load %arg5[%get3A_257, %get3A_258] : memref<8x7168xf32, #tpu.memory_space<vmem>>, vector<8x128xf32>
      %swap3A_260 = arith.constant 0 : index
      %swap3A_261 = arith.constant 5 : index
      %swap3A_262 = arith.constant 0 : index
      %swap3A_263 = vector.load %arg8[%swap3A_260, %swap3A_261, %swap3A_262] : memref<8x56x128xf32, #tpu.memory_space<vmem>>, vector<8x1x128xf32>
      %swap3A_264 = vector.shape_cast %swap3A_263 : vector<8x1x128xf32> to vector<8x128xf32>
      %swap3A_265 = vector.shape_cast %get3A_259 : vector<8x128xf32> to vector<8x1x128xf32>
      tpu.vector_store %arg8[%swap3A_260, %swap3A_261, %swap3A_262], %swap3A_265 {strides = array<i32>} : memref<8x56x128xf32, #tpu.memory_space<vmem>>, vector<8x1x128xf32>,
      %get3A_266 = arith.constant 0 : index
      %get3A_267 = arith.constant 768 : index
      %get3A_268 = vector.load %arg2[%get3A_266, %get3A_267] : memref<8x7168xi32, #tpu.memory_space<vmem>>, vector<8x128xi32>
      %mul3A_269 = arith.constant 512 : i32
      %mul3A_270 = vector.broadcast %mul3A_269 : i32 to vector<8x128xi32>
      %mul3A_271 = arith.muli %get3A_268, %mul3A_270 : vector<8x128xi32>
      %get3A_272 = arith.constant 0 : index
      %get3A_273 = arith.constant 768 : index
      %get3A_274 = vector.load %arg1[%get3A_272, %get3A_273] : memref<8x7168xi32, #tpu.memory_space<vmem>>, vector<8x128xi32>
      %add3A_275 = arith.addi %mul3A_271, %get3A_274 : vector<8x128xi32>
      %add3A_276 = arith.addi %add3A_275, %mul3A_3 : vector<8x128xi32>
      %get3A_277 = arith.constant 0 : index
      %get3A_278 = arith.constant 768 : index
      %get3A_279 = vector.load %arg4[%get3A_277, %get3A_278] : memref<8x7168xi32, #tpu.memory_space<vmem>>, vector<8x128xi32>
      %mul3A_280 = arith.constant 512 : i32
      %mul3A_281 = vector.broadcast %mul3A_280 : i32 to vector<8x128xi32>
      %mul3A_282 = arith.muli %get3A_279, %mul3A_281 : vector<8x128xi32>
      %get3A_283 = arith.constant 0 : index
      %get3A_284 = arith.constant 768 : index
      %get3A_285 = vector.load %arg3[%get3A_283, %get3A_284] : memref<8x7168xi32, #tpu.memory_space<vmem>>, vector<8x128xi32>
      %add3A_286 = arith.addi %mul3A_282, %get3A_285 : vector<8x128xi32>
      %add3A_287 = arith.addi %add3A_286, %mul3A_3 : vector<8x128xi32>
      %swap3A_288 = arith.constant 0 : index
      %swap3A_289 = arith.constant 6 : index
      %swap3A_290 = arith.constant 0 : index
      %swap3A_291 = vector.load %arg6[%swap3A_288, %swap3A_289, %swap3A_290] : memref<8x56x128xi32, #tpu.memory_space<vmem>>, vector<8x1x128xi32>
      %swap3A_292 = vector.shape_cast %swap3A_291 : vector<8x1x128xi32> to vector<8x128xi32>
      %swap3A_293 = vector.shape_cast %add3A_276 : vector<8x128xi32> to vector<8x1x128xi32>
      tpu.vector_store %arg6[%swap3A_288, %swap3A_289, %swap3A_290], %swap3A_293 {strides = array<i32>} : memref<8x56x128xi32, #tpu.memory_space<vmem>>, vector<8x1x128xi32>,
      %swap3A_294 = arith.constant 0 : index
      %swap3A_295 = arith.constant 6 : index
      %swap3A_296 = arith.constant 0 : index
      %swap3A_297 = vector.load %arg7[%swap3A_294, %swap3A_295, %swap3A_296] : memref<8x56x128xi32, #tpu.memory_space<vmem>>, vector<8x1x128xi32>
      %swap3A_298 = vector.shape_cast %swap3A_297 : vector<8x1x128xi32> to vector<8x128xi32>
      %swap3A_299 = vector.shape_cast %add3A_287 : vector<8x128xi32> to vector<8x1x128xi32>
      tpu.vector_store %arg7[%swap3A_294, %swap3A_295, %swap3A_296], %swap3A_299 {strides = array<i32>} : memref<8x56x128xi32, #tpu.memory_space<vmem>>, vector<8x1x128xi32>,
      %get3A_300 = arith.constant 0 : index
      %get3A_301 = arith.constant 768 : index
      %get3A_302 = vector.load %arg5[%get3A_300, %get3A_301] : memref<8x7168xf32, #tpu.memory_space<vmem>>, vector<8x128xf32>
      %swap3A_303 = arith.constant 0 : index
      %swap3A_304 = arith.constant 6 : index
      %swap3A_305 = arith.constant 0 : index
      %swap3A_306 = vector.load %arg8[%swap3A_303, %swap3A_304, %swap3A_305] : memref<8x56x128xf32, #tpu.memory_space<vmem>>, vector<8x1x128xf32>
      %swap3A_307 = vector.shape_cast %swap3A_306 : vector<8x1x128xf32> to vector<8x128xf32>
      %swap3A_308 = vector.shape_cast %get3A_302 : vector<8x128xf32> to vector<8x1x128xf32>
      tpu.vector_store %arg8[%swap3A_303, %swap3A_304, %swap3A_305], %swap3A_308 {strides = array<i32>} : memref<8x56x128xf32, #tpu.memory_space<vmem>>, vector<8x1x128xf32>,
      %get3A_309 = arith.constant 0 : index
      %get3A_310 = arith.constant 896 : index
      %get3A_311 = vector.load %arg2[%get3A_309, %get3A_310] : memref<8x7168xi32, #tpu.memory_space<vmem>>, vector<8x128xi32>
      %mul3A_312 = arith.constant 512 : i32
      %mul3A_313 = vector.broadcast %mul3A_312 : i32 to vector<8x128xi32>
      %mul3A_314 = arith.muli %get3A_311, %mul3A_313 : vector<8x128xi32>
      %get3A_315 = arith.constant 0 : index
      %get3A_316 = arith.constant 896 : index
      %get3A_317 = vector.load %arg1[%get3A_315, %get3A_316] : memref<8x7168xi32, #tpu.memory_space<vmem>>, vector<8x128xi32>
      %add3A_318 = arith.addi %mul3A_314, %get3A_317 : vector<8x128xi32>
      %add3A_319 = arith.addi %add3A_318, %mul3A_3 : vector<8x128xi32>
      %get3A_320 = arith.constant 0 : index
      %get3A_321 = arith.constant 896 : index
      %get3A_322 = vector.load %arg4[%get3A_320, %get3A_321] : memref<8x7168xi32, #tpu.memory_space<vmem>>, vector<8x128xi32>
      %mul3A_323 = arith.constant 512 : i32
      %mul3A_324 = vector.broadcast %mul3A_323 : i32 to vector<8x128xi32>
      %mul3A_325 = arith.muli %get3A_322, %mul3A_324 : vector<8x128xi32>
      %get3A_326 = arith.constant 0 : index
      %get3A_327 = arith.constant 896 : index
      %get3A_328 = vector.load %arg3[%get3A_326, %get3A_327] : memref<8x7168xi32, #tpu.memory_space<vmem>>, vector<8x128xi32>
      %add3A_329 = arith.addi %mul3A_325, %get3A_328 : vector<8x128xi32>
      %add3A_330 = arith.addi %add3A_329, %mul3A_3 : vector<8x128xi32>
      %swap3A_331 = arith.constant 0 : index
      %swap3A_332 = arith.constant 7 : index
      %swap3A_333 = arith.constant 0 : index
      %swap3A_334 = vector.load %arg6[%swap3A_331, %swap3A_332, %swap3A_333] : memref<8x56x128xi32, #tpu.memory_space<vmem>>, vector<8x1x128xi32>
      %swap3A_335 = vector.shape_cast %swap3A_334 : vector<8x1x128xi32> to vector<8x128xi32>
      %swap3A_336 = vector.shape_cast %add3A_319 : vector<8x128xi32> to vector<8x1x128xi32>
      tpu.vector_store %arg6[%swap3A_331, %swap3A_332, %swap3A_333], %swap3A_336 {strides = array<i32>} : memref<8x56x128xi32, #tpu.memory_space<vmem>>, vector<8x1x128xi32>,
      %swap3A_337 = arith.constant 0 : index
      %swap3A_338 = arith.constant 7 : index
      %swap3A_339 = arith.constant 0 : index
      %swap3A_340 = vector.load %arg7[%swap3A_337, %swap3A_338, %swap3A_339] : memref<8x56x128xi32, #tpu.memory_space<vmem>>, vector<8x1x128xi32>
      %swap3A_341 = vector.shape_cast %swap3A_340 : vector<8x1x128xi32> to vector<8x128xi32>
      %swap3A_342 = vector.shape_cast %add3A_330 : vector<8x128xi32> to vector<8x1x128xi32>
      tpu.vector_store %arg7[%swap3A_337, %swap3A_338, %swap3A_339], %swap3A_342 {strides = array<i32>} : memref<8x56x128xi32, #tpu.memory_space<vmem>>, vector<8x1x128xi32>,
      %get3A_343 = arith.constant 0 : index
      %get3A_344 = arith.constant 896 : index
      %get3A_345 = vector.load %arg5[%get3A_343, %get3A_344] : memref<8x7168xf32, #tpu.memory_space<vmem>>, vector<8x128xf32>
      %swap3A_346 = arith.constant 0 : index
      %swap3A_347 = arith.constant 7 : index
      %swap3A_348 = arith.constant 0 : index
      %swap3A_349 = vector.load %arg8[%swap3A_346, %swap3A_347, %swap3A_348] : memref<8x56x128xf32, #tpu.memory_space<vmem>>, vector<8x1x128xf32>
      %swap3A_350 = vector.shape_cast %swap3A_349 : vector<8x1x128xf32> to vector<8x128xf32>
      %swap3A_351 = vector.shape_cast %get3A_345 : vector<8x128xf32> to vector<8x1x128xf32>
      tpu.vector_store %arg8[%swap3A_346, %swap3A_347, %swap3A_348], %swap3A_351 {strides = array<i32>} : memref<8x56x128xf32, #tpu.memory_space<vmem>>, vector<8x1x128xf32>,
      %get3A_352 = arith.constant 0 : index
      %get3A_353 = arith.constant 1024 : index
      %get3A_354 = vector.load %arg2[%get3A_352, %get3A_353] : memref<8x7168xi32, #tpu.memory_space<vmem>>, vector<8x128xi32>
      %mul3A_355 = arith.constant 512 : i32
      %mul3A_356 = vector.broadcast %mul3A_355 : i32 to vector<8x128xi32>
      %mul3A_357 = arith.muli %get3A_354, %mul3A_356 : vector<8x128xi32>
      %get3A_358 = arith.constant 0 : index
      %get3A_359 = arith.constant 1024 : index
      %get3A_360 = vector.load %arg1[%get3A_358, %get3A_359] : memref<8x7168xi32, #tpu.memory_space<vmem>>, vector<8x128xi32>
      %add3A_361 = arith.addi %mul3A_357, %get3A_360 : vector<8x128xi32>
      %add3A_362 = arith.addi %add3A_361, %mul3A_3 : vector<8x128xi32>
      %get3A_363 = arith.constant 0 : index
      %get3A_364 = arith.constant 1024 : index
      %get3A_365 = vector.load %arg4[%get3A_363, %get3A_364] : memref<8x7168xi32, #tpu.memory_space<vmem>>, vector<8x128xi32>
      %mul3A_366 = arith.constant 512 : i32
      %mul3A_367 = vector.broadcast %mul3A_366 : i32 to vector<8x128xi32>
      %mul3A_368 = arith.muli %get3A_365, %mul3A_367 : vector<8x128xi32>
      %get3A_369 = arith.constant 0 : index
      %get3A_370 = arith.constant 1024 : index
      %get3A_371 = vector.load %arg3[%get3A_369, %get3A_370] : memref<8x7168xi32, #tpu.memory_space<vmem>>, vector<8x128xi32>
      %add3A_372 = arith.addi %mul3A_368, %get3A_371 : vector<8x128xi32>
      %add3A_373 = arith.addi %add3A_372, %mul3A_3 : vector<8x128xi32>
      %swap3A_374 = arith.constant 0 : index
      %swap3A_375 = arith.constant 8 : index
      %swap3A_376 = arith.constant 0 : index
      %swap3A_377 = vector.load %arg6[%swap3A_374, %swap3A_375, %swap3A_376] : memref<8x56x128xi32, #tpu.memory_space<vmem>>, vector<8x1x128xi32>
      %swap3A_378 = vector.shape_cast %swap3A_377 : vector<8x1x128xi32> to vector<8x128xi32>
      %swap3A_379 = vector.shape_cast %add3A_362 : vector<8x128xi32> to vector<8x1x128xi32>
      tpu.vector_store %arg6[%swap3A_374, %swap3A_375, %swap3A_376], %swap3A_379 {strides = array<i32>} : memref<8x56x128xi32, #tpu.memory_space<vmem>>, vector<8x1x128xi32>,
      %swap3A_380 = arith.constant 0 : index
      %swap3A_381 = arith.constant 8 : index
      %swap3A_382 = arith.constant 0 : index
      %swap3A_383 = vector.load %arg7[%swap3A_380, %swap3A_381, %swap3A_382] : memref<8x56x128xi32, #tpu.memory_space<vmem>>, vector<8x1x128xi32>
      %swap3A_384 = vector.shape_cast %swap3A_383 : vector<8x1x128xi32> to vector<8x128xi32>
      %swap3A_385 = vector.shape_cast %add3A_373 : vector<8x128xi32> to vector<8x1x128xi32>
      tpu.vector_store %arg7[%swap3A_380, %swap3A_381, %swap3A_382], %swap3A_385 {strides = array<i32>} : memref<8x56x128xi32, #tpu.memory_space<vmem>>, vector<8x1x128xi32>,
      %get3A_386 = arith.constant 0 : index
      %get3A_387 = arith.constant 1024 : index
      %get3A_388 = vector.load %arg5[%get3A_386, %get3A_387] : memref<8x7168xf32, #tpu.memory_space<vmem>>, vector<8x128xf32>
      %swap3A_389 = arith.constant 0 : index
      %swap3A_390 = arith.constant 8 : index
      %swap3A_391 = arith.constant 0 : index
      %swap3A_392 = vector.load %arg8[%swap3A_389, %swap3A_390, %swap3A_391] : memref<8x56x128xf32, #tpu.memory_space<vmem>>, vector<8x1x128xf32>
      %swap3A_393 = vector.shape_cast %swap3A_392 : vector<8x1x128xf32> to vector<8x128xf32>
      %swap3A_394 = vector.shape_cast %get3A_388 : vector<8x128xf32> to vector<8x1x128xf32>
      tpu.vector_store %arg8[%swap3A_389, %swap3A_390, %swap3A_391], %swap3A_394 {strides = array<i32>} : memref<8x56x128xf32, #tpu.memory_space<vmem>>, vector<8x1x128xf32>,
      %get3A_395 = arith.constant 0 : index
      %get3A_396 = arith.constant 1152 : index
      %get3A_397 = vector.load %arg2[%get3A_395, %get3A_396] : memref<8x7168xi32, #tpu.memory_space<vmem>>, vector<8x128xi32>
      %mul3A_398 = arith.constant 512 : i32
      %mul3A_399 = vector.broadcast %mul3A_398 : i32 to vector<8x128xi32>
      %mul3A_400 = arith.muli %get3A_397, %mul3A_399 : vector<8x128xi32>
      %get3A_401 = arith.constant 0 : index
      %get3A_402 = arith.constant 1152 : index
      %get3A_403 = vector.load %arg1[%get3A_401, %get3A_402] : memref<8x7168xi32, #tpu.memory_space<vmem>>, vector<8x128xi32>
      %add3A_404 = arith.addi %mul3A_400, %get3A_403 : vector<8x128xi32>
      %add3A_405 = arith.addi %add3A_404, %mul3A_3 : vector<8x128xi32>
      %get3A_406 = arith.constant 0 : index
      %get3A_407 = arith.constant 1152 : index
      %get3A_408 = vector.load %arg4[%get3A_406, %get3A_407] : memref<8x7168xi32, #tpu.memory_space<vmem>>, vector<8x128xi32>
      %mul3A_409 = arith.constant 512 : i32
      %mul3A_410 = vector.broadcast %mul3A_409 : i32 to vector<8x128xi32>
      %mul3A_411 = arith.muli %get3A_408, %mul3A_410 : vector<8x128xi32>
      %get3A_412 = arith.constant 0 : index
      %get3A_413 = arith.constant 1152 : index
      %get3A_414 = vector.load %arg3[%get3A_412, %get3A_413] : memref<8x7168xi32, #tpu.memory_space<vmem>>, vector<8x128xi32>
      %add3A_415 = arith.addi %mul3A_411, %get3A_414 : vector<8x128xi32>
      %add3A_416 = arith.addi %add3A_415, %mul3A_3 : vector<8x128xi32>
      %swap3A_417 = arith.constant 0 : index
      %swap3A_418 = arith.constant 9 : index
      %swap3A_419 = arith.constant 0 : index
      %swap3A_420 = vector.load %arg6[%swap3A_417, %swap3A_418, %swap3A_419] : memref<8x56x128xi32, #tpu.memory_space<vmem>>, vector<8x1x128xi32>
      %swap3A_421 = vector.shape_cast %swap3A_420 : vector<8x1x128xi32> to vector<8x128xi32>
      %swap3A_422 = vector.shape_cast %add3A_405 : vector<8x128xi32> to vector<8x1x128xi32>
      tpu.vector_store %arg6[%swap3A_417, %swap3A_418, %swap3A_419], %swap3A_422 {strides = array<i32>} : memref<8x56x128xi32, #tpu.memory_space<vmem>>, vector<8x1x128xi32>,
      %swap3A_423 = arith.constant 0 : index
      %swap3A_424 = arith.constant 9 : index
      %swap3A_425 = arith.constant 0 : index
      %swap3A_426 = vector.load %arg7[%swap3A_423, %swap3A_424, %swap3A_425] : memref<8x56x128xi32, #tpu.memory_space<vmem>>, vector<8x1x128xi32>
      %swap3A_427 = vector.shape_cast %swap3A_426 : vector<8x1x128xi32> to vector<8x128xi32>
      %swap3A_428 = vector.shape_cast %add3A_416 : vector<8x128xi32> to vector<8x1x128xi32>
      tpu.vector_store %arg7[%swap3A_423, %swap3A_424, %swap3A_425], %swap3A_428 {strides = array<i32>} : memref<8x56x128xi32, #tpu.memory_space<vmem>>, vector<8x1x128xi32>,
      %get3A_429 = arith.constant 0 : index
      %get3A_430 = arith.constant 1152 : index
      %get3A_431 = vector.load %arg5[%get3A_429, %get3A_430] : memref<8x7168xf32, #tpu.memory_space<vmem>>, vector<8x128xf32>
      %swap3A_432 = arith.constant 0 : index
      %swap3A_433 = arith.constant 9 : index
      %swap3A_434 = arith.constant 0 : index
      %swap3A_435 = vector.load %arg8[%swap3A_432, %swap3A_433, %swap3A_434] : memref<8x56x128xf32, #tpu.memory_space<vmem>>, vector<8x1x128xf32>
      %swap3A_436 = vector.shape_cast %swap3A_435 : vector<8x1x128xf32> to vector<8x128xf32>
      %swap3A_437 = vector.shape_cast %get3A_431 : vector<8x128xf32> to vector<8x1x128xf32>
      tpu.vector_store %arg8[%swap3A_432, %swap3A_433, %swap3A_434], %swap3A_437 {strides = array<i32>} : memref<8x56x128xf32, #tpu.memory_space<vmem>>, vector<8x1x128xf32>,
      %get3A_438 = arith.constant 0 : index
      %get3A_439 = arith.constant 1280 : index
      %get3A_440 = vector.load %arg2[%get3A_438, %get3A_439] : memref<8x7168xi32, #tpu.memory_space<vmem>>, vector<8x128xi32>
      %mul3A_441 = arith.constant 512 : i32
      %mul3A_442 = vector.broadcast %mul3A_441 : i32 to vector<8x128xi32>
      %mul3A_443 = arith.muli %get3A_440, %mul3A_442 : vector<8x128xi32>
      %get3A_444 = arith.constant 0 : index
      %get3A_445 = arith.constant 1280 : index
      %get3A_446 = vector.load %arg1[%get3A_444, %get3A_445] : memref<8x7168xi32, #tpu.memory_space<vmem>>, vector<8x128xi32>
      %add3A_447 = arith.addi %mul3A_443, %get3A_446 : vector<8x128xi32>
      %add3A_448 = arith.addi %add3A_447, %mul3A_3 : vector<8x128xi32>
      %get3A_449 = arith.constant 0 : index
      %get3A_450 = arith.constant 1280 : index
      %get3A_451 = vector.load %arg4[%get3A_449, %get3A_450] : memref<8x7168xi32, #tpu.memory_space<vmem>>, vector<8x128xi32>
      %mul3A_452 = arith.constant 512 : i32
      %mul3A_453 = vector.broadcast %mul3A_452 : i32 to vector<8x128xi32>
      %mul3A_454 = arith.muli %get3A_451, %mul3A_453 : vector<8x128xi32>
      %get3A_455 = arith.constant 0 : index
      %get3A_456 = arith.constant 1280 : index
      %get3A_457 = vector.load %arg3[%get3A_455, %get3A_456] : memref<8x7168xi32, #tpu.memory_space<vmem>>, vector<8x128xi32>
      %add3A_458 = arith.addi %mul3A_454, %get3A_457 : vector<8x128xi32>
      %add3A_459 = arith.addi %add3A_458, %mul3A_3 : vector<8x128xi32>
      %swap3A_460 = arith.constant 0 : index
      %swap3A_461 = arith.constant 10 : index
      %swap3A_462 = arith.constant 0 : index
      %swap3A_463 = vector.load %arg6[%swap3A_460, %swap3A_461, %swap3A_462] : memref<8x56x128xi32, #tpu.memory_space<vmem>>, vector<8x1x128xi32>
      %swap3A_464 = vector.shape_cast %swap3A_463 : vector<8x1x128xi32> to vector<8x128xi32>
      %swap3A_465 = vector.shape_cast %add3A_448 : vector<8x128xi32> to vector<8x1x128xi32>
      tpu.vector_store %arg6[%swap3A_460, %swap3A_461, %swap3A_462], %swap3A_465 {strides = array<i32>} : memref<8x56x128xi32, #tpu.memory_space<vmem>>, vector<8x1x128xi32>,
      %swap3A_466 = arith.constant 0 : index
      %swap3A_467 = arith.constant 10 : index
      %swap3A_468 = arith.constant 0 : index
      %swap3A_469 = vector.load %arg7[%swap3A_466, %swap3A_467, %swap3A_468] : memref<8x56x128xi32, #tpu.memory_space<vmem>>, vector<8x1x128xi32>
      %swap3A_470 = vector.shape_cast %swap3A_469 : vector<8x1x128xi32> to vector<8x128xi32>
      %swap3A_471 = vector.shape_cast %add3A_459 : vector<8x128xi32> to vector<8x1x128xi32>
      tpu.vector_store %arg7[%swap3A_466, %swap3A_467, %swap3A_468], %swap3A_471 {strides = array<i32>} : memref<8x56x128xi32, #tpu.memory_space<vmem>>, vector<8x1x128xi32>,
      %get3A_472 = arith.constant 0 : index
      %get3A_473 = arith.constant 1280 : index
      %get3A_474 = vector.load %arg5[%get3A_472, %get3A_473] : memref<8x7168xf32, #tpu.memory_space<vmem>>, vector<8x128xf32>
      %swap3A_475 = arith.constant 0 : index
      %swap3A_476 = arith.constant 10 : index
      %swap3A_477 = arith.constant 0 : index
      %swap3A_478 = vector.load %arg8[%swap3A_475, %swap3A_476, %swap3A_477] : memref<8x56x128xf32, #tpu.memory_space<vmem>>, vector<8x1x128xf32>
      %swap3A_479 = vector.shape_cast %swap3A_478 : vector<8x1x128xf32> to vector<8x128xf32>
      %swap3A_480 = vector.shape_cast %get3A_474 : vector<8x128xf32> to vector<8x1x128xf32>
      tpu.vector_store %arg8[%swap3A_475, %swap3A_476, %swap3A_477], %swap3A_480 {strides = array<i32>} : memref<8x56x128xf32, #tpu.memory_space<vmem>>, vector<8x1x128xf32>,
      %get3A_481 = arith.constant 0 : index
      %get3A_482 = arith.constant 1408 : index
      %get3A_483 = vector.load %arg2[%get3A_481, %get3A_482] : memref<8x7168xi32, #tpu.memory_space<vmem>>, vector<8x128xi32>
      %mul3A_484 = arith.constant 512 : i32
      %mul3A_485 = vector.broadcast %mul3A_484 : i32 to vector<8x128xi32>
      %mul3A_486 = arith.muli %get3A_483, %mul3A_485 : vector<8x128xi32>
      %get3A_487 = arith.constant 0 : index
      %get3A_488 = arith.constant 1408 : index
      %get3A_489 = vector.load %arg1[%get3A_487, %get3A_488] : memref<8x7168xi32, #tpu.memory_space<vmem>>, vector<8x128xi32>
      %add3A_490 = arith.addi %mul3A_486, %get3A_489 : vector<8x128xi32>
      %add3A_491 = arith.addi %add3A_490, %mul3A_3 : vector<8x128xi32>
      %get3A_492 = arith.constant 0 : index
      %get3A_493 = arith.constant 1408 : index
      %get3A_494 = vector.load %arg4[%get3A_492, %get3A_493] : memref<8x7168xi32, #tpu.memory_space<vmem>>, vector<8x128xi32>
      %mul3A_495 = arith.constant 512 : i32
      %mul3A_496 = vector.broadcast %mul3A_495 : i32 to vector<8x128xi32>
      %mul3A_497 = arith.muli %get3A_494, %mul3A_496 : vector<8x128xi32>
      %get3A_498 = arith.constant 0 : index
      %get3A_499 = arith.constant 1408 : index
      %get3A_500 = vector.load %arg3[%get3A_498, %get3A_499] : memref<8x7168xi32, #tpu.memory_space<vmem>>, vector<8x128xi32>
      %add3A_501 = arith.addi %mul3A_497, %get3A_500 : vector<8x128xi32>
      %add3A_502 = arith.addi %add3A_501, %mul3A_3 : vector<8x128xi32>
      %swap3A_503 = arith.constant 0 : index
      %swap3A_504 = arith.constant 11 : index
      %swap3A_505 = arith.constant 0 : index
      %swap3A_506 = vector.load %arg6[%swap3A_503, %swap3A_504, %swap3A_505] : memref<8x56x128xi32, #tpu.memory_space<vmem>>, vector<8x1x128xi32>
      %swap3A_507 = vector.shape_cast %swap3A_506 : vector<8x1x128xi32> to vector<8x128xi32>
      %swap3A_508 = vector.shape_cast %add3A_491 : vector<8x128xi32> to vector<8x1x128xi32>
      tpu.vector_store %arg6[%swap3A_503, %swap3A_504, %swap3A_505], %swap3A_508 {strides = array<i32>} : memref<8x56x128xi32, #tpu.memory_space<vmem>>, vector<8x1x128xi32>,
      %swap3A_509 = arith.constant 0 : index
      %swap3A_510 = arith.constant 11 : index
      %swap3A_511 = arith.constant 0 : index
      %swap3A_512 = vector.load %arg7[%swap3A_509, %swap3A_510, %swap3A_511] : memref<8x56x128xi32, #tpu.memory_space<vmem>>, vector<8x1x128xi32>
      %swap3A_513 = vector.shape_cast %swap3A_512 : vector<8x1x128xi32> to vector<8x128xi32>
      %swap3A_514 = vector.shape_cast %add3A_502 : vector<8x128xi32> to vector<8x1x128xi32>
      tpu.vector_store %arg7[%swap3A_509, %swap3A_510, %swap3A_511], %swap3A_514 {strides = array<i32>} : memref<8x56x128xi32, #tpu.memory_space<vmem>>, vector<8x1x128xi32>,
      %get3A_515 = arith.constant 0 : index
      %get3A_516 = arith.constant 1408 : index
      %get3A_517 = vector.load %arg5[%get3A_515, %get3A_516] : memref<8x7168xf32, #tpu.memory_space<vmem>>, vector<8x128xf32>
      %swap3A_518 = arith.constant 0 : index
      %swap3A_519 = arith.constant 11 : index
      %swap3A_520 = arith.constant 0 : index
      %swap3A_521 = vector.load %arg8[%swap3A_518, %swap3A_519, %swap3A_520] : memref<8x56x128xf32, #tpu.memory_space<vmem>>, vector<8x1x128xf32>
      %swap3A_522 = vector.shape_cast %swap3A_521 : vector<8x1x128xf32> to vector<8x128xf32>
      %swap3A_523 = vector.shape_cast %get3A_517 : vector<8x128xf32> to vector<8x1x128xf32>
      tpu.vector_store %arg8[%swap3A_518, %swap3A_519, %swap3A_520], %swap3A_523 {strides = array<i32>} : memref<8x56x128xf32, #tpu.memory_space<vmem>>, vector<8x1x128xf32>,
      %get3A_524 = arith.constant 0 : index
      %get3A_525 = arith.constant 1536 : index
      %get3A_526 = vector.load %arg2[%get3A_524, %get3A_525] : memref<8x7168xi32, #tpu.memory_space<vmem>>, vector<8x128xi32>
      %mul3A_527 = arith.constant 512 : i32
      %mul3A_528 = vector.broadcast %mul3A_527 : i32 to vector<8x128xi32>
      %mul3A_529 = arith.muli %get3A_526, %mul3A_528 : vector<8x128xi32>
      %get3A_530 = arith.constant 0 : index
      %get3A_531 = arith.constant 1536 : index
      %get3A_532 = vector.load %arg1[%get3A_530, %get3A_531] : memref<8x7168xi32, #tpu.memory_space<vmem>>, vector<8x128xi32>
      %add3A_533 = arith.addi %mul3A_529, %get3A_532 : vector<8x128xi32>
      %add3A_534 = arith.addi %add3A_533, %mul3A_3 : vector<8x128xi32>
      %get3A_535 = arith.constant 0 : index
      %get3A_536 = arith.constant 1536 : index
      %get3A_537 = vector.load %arg4[%get3A_535, %get3A_536] : memref<8x7168xi32, #tpu.memory_space<vmem>>, vector<8x128xi32>
      %mul3A_538 = arith.constant 512 : i32
      %mul3A_539 = vector.broadcast %mul3A_538 : i32 to vector<8x128xi32>
      %mul3A_540 = arith.muli %get3A_537, %mul3A_539 : vector<8x128xi32>
      %get3A_541 = arith.constant 0 : index
      %get3A_542 = arith.constant 1536 : index
      %get3A_543 = vector.load %arg3[%get3A_541, %get3A_542] : memref<8x7168xi32, #tpu.memory_space<vmem>>, vector<8x128xi32>
      %add3A_544 = arith.addi %mul3A_540, %get3A_543 : vector<8x128xi32>
      %add3A_545 = arith.addi %add3A_544, %mul3A_3 : vector<8x128xi32>
      %swap3A_546 = arith.constant 0 : index
      %swap3A_547 = arith.constant 12 : index
      %swap3A_548 = arith.constant 0 : index
      %swap3A_549 = vector.load %arg6[%swap3A_546, %swap3A_547, %swap3A_548] : memref<8x56x128xi32, #tpu.memory_space<vmem>>, vector<8x1x128xi32>
      %swap3A_550 = vector.shape_cast %swap3A_549 : vector<8x1x128xi32> to vector<8x128xi32>
      %swap3A_551 = vector.shape_cast %add3A_534 : vector<8x128xi32> to vector<8x1x128xi32>
      tpu.vector_store %arg6[%swap3A_546, %swap3A_547, %swap3A_548], %swap3A_551 {strides = array<i32>} : memref<8x56x128xi32, #tpu.memory_space<vmem>>, vector<8x1x128xi32>,
      %swap3A_552 = arith.constant 0 : index
      %swap3A_553 = arith.constant 12 : index
      %swap3A_554 = arith.constant 0 : index
      %swap3A_555 = vector.load %arg7[%swap3A_552, %swap3A_553, %swap3A_554] : memref<8x56x128xi32, #tpu.memory_space<vmem>>, vector<8x1x128xi32>
      %swap3A_556 = vector.shape_cast %swap3A_555 : vector<8x1x128xi32> to vector<8x128xi32>
      %swap3A_557 = vector.shape_cast %add3A_545 : vector<8x128xi32> to vector<8x1x128xi32>
      tpu.vector_store %arg7[%swap3A_552, %swap3A_553, %swap3A_554], %swap3A_557 {strides = array<i32>} : memref<8x56x128xi32, #tpu.memory_space<vmem>>, vector<8x1x128xi32>,
      %get3A_558 = arith.constant 0 : index
      %get3A_559 = arith.constant 1536 : index
      %get3A_560 = vector.load %arg5[%get3A_558, %get3A_559] : memref<8x7168xf32, #tpu.memory_space<vmem>>, vector<8x128xf32>
      %swap3A_561 = arith.constant 0 : index
      %swap3A_562 = arith.constant 12 : index
      %swap3A_563 = arith.constant 0 : index
      %swap3A_564 = vector.load %arg8[%swap3A_561, %swap3A_562, %swap3A_563] : memref<8x56x128xf32, #tpu.memory_space<vmem>>, vector<8x1x128xf32>
      %swap3A_565 = vector.shape_cast %swap3A_564 : vector<8x1x128xf32> to vector<8x128xf32>
      %swap3A_566 = vector.shape_cast %get3A_560 : vector<8x128xf32> to vector<8x1x128xf32>
      tpu.vector_store %arg8[%swap3A_561, %swap3A_562, %swap3A_563], %swap3A_566 {strides = array<i32>} : memref<8x56x128xf32, #tpu.memory_space<vmem>>, vector<8x1x128xf32>,
      %get3A_567 = arith.constant 0 : index
      %get3A_568 = arith.constant 1664 : index
      %get3A_569 = vector.load %arg2[%get3A_567, %get3A_568] : memref<8x7168xi32, #tpu.memory_space<vmem>>, vector<8x128xi32>
      %mul3A_570 = arith.constant 512 : i32
      %mul3A_571 = vector.broadcast %mul3A_570 : i32 to vector<8x128xi32>
      %mul3A_572 = arith.muli %get3A_569, %mul3A_571 : vector<8x128xi32>
      %get3A_573 = arith.constant 0 : index
      %get3A_574 = arith.constant 1664 : index
      %get3A_575 = vector.load %arg1[%get3A_573, %get3A_574] : memref<8x7168xi32, #tpu.memory_space<vmem>>, vector<8x128xi32>
      %add3A_576 = arith.addi %mul3A_572, %get3A_575 : vector<8x128xi32>
      %add3A_577 = arith.addi %add3A_576, %mul3A_3 : vector<8x128xi32>
      %get3A_578 = arith.constant 0 : index
      %get3A_579 = arith.constant 1664 : index
      %get3A_580 = vector.load %arg4[%get3A_578, %get3A_579] : memref<8x7168xi32, #tpu.memory_space<vmem>>, vector<8x128xi32>
      %mul3A_581 = arith.constant 512 : i32
      %mul3A_582 = vector.broadcast %mul3A_581 : i32 to vector<8x128xi32>
      %mul3A_583 = arith.muli %get3A_580, %mul3A_582 : vector<8x128xi32>
      %get3A_584 = arith.constant 0 : index
      %get3A_585 = arith.constant 1664 : index
      %get3A_586 = vector.load %arg3[%get3A_584, %get3A_585] : memref<8x7168xi32, #tpu.memory_space<vmem>>, vector<8x128xi32>
      %add3A_587 = arith.addi %mul3A_583, %get3A_586 : vector<8x128xi32>
      %add3A_588 = arith.addi %add3A_587, %mul3A_3 : vector<8x128xi32>
      %swap3A_589 = arith.constant 0 : index
      %swap3A_590 = arith.constant 13 : index
      %swap3A_591 = arith.constant 0 : index
      %swap3A_592 = vector.load %arg6[%swap3A_589, %swap3A_590, %swap3A_591] : memref<8x56x128xi32, #tpu.memory_space<vmem>>, vector<8x1x128xi32>
      %swap3A_593 = vector.shape_cast %swap3A_592 : vector<8x1x128xi32> to vector<8x128xi32>
      %swap3A_594 = vector.shape_cast %add3A_577 : vector<8x128xi32> to vector<8x1x128xi32>
      tpu.vector_store %arg6[%swap3A_589, %swap3A_590, %swap3A_591], %swap3A_594 {strides = array<i32>} : memref<8x56x128xi32, #tpu.memory_space<vmem>>, vector<8x1x128xi32>,
      %swap3A_595 = arith.constant 0 : index
      %swap3A_596 = arith.constant 13 : index
      %swap3A_597 = arith.constant 0 : index
      %swap3A_598 = vector.load %arg7[%swap3A_595, %swap3A_596, %swap3A_597] : memref<8x56x128xi32, #tpu.memory_space<vmem>>, vector<8x1x128xi32>
      %swap3A_599 = vector.shape_cast %swap3A_598 : vector<8x1x128xi32> to vector<8x128xi32>
      %swap3A_600 = vector.shape_cast %add3A_588 : vector<8x128xi32> to vector<8x1x128xi32>
      tpu.vector_store %arg7[%swap3A_595, %swap3A_596, %swap3A_597], %swap3A_600 {strides = array<i32>} : memref<8x56x128xi32, #tpu.memory_space<vmem>>, vector<8x1x128xi32>,
      %get3A_601 = arith.constant 0 : index
      %get3A_602 = arith.constant 1664 : index
      %get3A_603 = vector.load %arg5[%get3A_601, %get3A_602] : memref<8x7168xf32, #tpu.memory_space<vmem>>, vector<8x128xf32>
      %swap3A_604 = arith.constant 0 : index
      %swap3A_605 = arith.constant 13 : index
      %swap3A_606 = arith.constant 0 : index
      %swap3A_607 = vector.load %arg8[%swap3A_604, %swap3A_605, %swap3A_606] : memref<8x56x128xf32, #tpu.memory_space<vmem>>, vector<8x1x128xf32>
      %swap3A_608 = vector.shape_cast %swap3A_607 : vector<8x1x128xf32> to vector<8x128xf32>
      %swap3A_609 = vector.shape_cast %get3A_603 : vector<8x128xf32> to vector<8x1x128xf32>
      tpu.vector_store %arg8[%swap3A_604, %swap3A_605, %swap3A_606], %swap3A_609 {strides = array<i32>} : memref<8x56x128xf32, #tpu.memory_space<vmem>>, vector<8x1x128xf32>,
      %get3A_610 = arith.constant 0 : index
      %get3A_611 = arith.constant 1792 : index
      %get3A_612 = vector.load %arg2[%get3A_610, %get3A_611] : memref<8x7168xi32, #tpu.memory_space<vmem>>, vector<8x128xi32>
      %mul3A_613 = arith.constant 512 : i32
      %mul3A_614 = vector.broadcast %mul3A_613 : i32 to vector<8x128xi32>
      %mul3A_615 = arith.muli %get3A_612, %mul3A_614 : vector<8x128xi32>
      %get3A_616 = arith.constant 0 : index
      %get3A_617 = arith.constant 1792 : index
      %get3A_618 = vector.load %arg1[%get3A_616, %get3A_617] : memref<8x7168xi32, #tpu.memory_space<vmem>>, vector<8x128xi32>
      %add3A_619 = arith.addi %mul3A_615, %get3A_618 : vector<8x128xi32>
      %add3A_620 = arith.addi %add3A_619, %mul3A_3 : vector<8x128xi32>
      %get3A_621 = arith.constant 0 : index
      %get3A_622 = arith.constant 1792 : index
      %get3A_623 = vector.load %arg4[%get3A_621, %get3A_622] : memref<8x7168xi32, #tpu.memory_space<vmem>>, vector<8x128xi32>
      %mul3A_624 = arith.constant 512 : i32
      %mul3A_625 = vector.broadcast %mul3A_624 : i32 to vector<8x128xi32>
      %mul3A_626 = arith.muli %get3A_623, %mul3A_625 : vector<8x128xi32>
      %get3A_627 = arith.constant 0 : index
      %get3A_628 = arith.constant 1792 : index
      %get3A_629 = vector.load %arg3[%get3A_627, %get3A_628] : memref<8x7168xi32, #tpu.memory_space<vmem>>, vector<8x128xi32>
      %add3A_630 = arith.addi %mul3A_626, %get3A_629 : vector<8x128xi32>
      %add3A_631 = arith.addi %add3A_630, %mul3A_3 : vector<8x128xi32>
      %swap3A_632 = arith.constant 0 : index
      %swap3A_633 = arith.constant 14 : index
      %swap3A_634 = arith.constant 0 : index
      %swap3A_635 = vector.load %arg6[%swap3A_632, %swap3A_633, %swap3A_634] : memref<8x56x128xi32, #tpu.memory_space<vmem>>, vector<8x1x128xi32>
      %swap3A_636 = vector.shape_cast %swap3A_635 : vector<8x1x128xi32> to vector<8x128xi32>
      %swap3A_637 = vector.shape_cast %add3A_620 : vector<8x128xi32> to vector<8x1x128xi32>
      tpu.vector_store %arg6[%swap3A_632, %swap3A_633, %swap3A_634], %swap3A_637 {strides = array<i32>} : memref<8x56x128xi32, #tpu.memory_space<vmem>>, vector<8x1x128xi32>,
      %swap3A_638 = arith.constant 0 : index
      %swap3A_639 = arith.constant 14 : index
      %swap3A_640 = arith.constant 0 : index
      %swap3A_641 = vector.load %arg7[%swap3A_638, %swap3A_639, %swap3A_640] : memref<8x56x128xi32, #tpu.memory_space<vmem>>, vector<8x1x128xi32>
      %swap3A_642 = vector.shape_cast %swap3A_641 : vector<8x1x128xi32> to vector<8x128xi32>
      %swap3A_643 = vector.shape_cast %add3A_631 : vector<8x128xi32> to vector<8x1x128xi32>
      tpu.vector_store %arg7[%swap3A_638, %swap3A_639, %swap3A_640], %swap3A_643 {strides = array<i32>} : memref<8x56x128xi32, #tpu.memory_space<vmem>>, vector<8x1x128xi32>,
      %get3A_644 = arith.constant 0 : index
      %get3A_645 = arith.constant 1792 : index
      %get3A_646 = vector.load %arg5[%get3A_644, %get3A_645] : memref<8x7168xf32, #tpu.memory_space<vmem>>, vector<8x128xf32>
      %swap3A_647 = arith.constant 0 : index
      %swap3A_648 = arith.constant 14 : index
      %swap3A_649 = arith.constant 0 : index
      %swap3A_650 = vector.load %arg8[%swap3A_647, %swap3A_648, %swap3A_649] : memref<8x56x128xf32, #tpu.memory_space<vmem>>, vector<8x1x128xf32>
      %swap3A_651 = vector.shape_cast %swap3A_650 : vector<8x1x128xf32> to vector<8x128xf32>
      %swap3A_652 = vector.shape_cast %get3A_646 : vector<8x128xf32> to vector<8x1x128xf32>
      tpu.vector_store %arg8[%swap3A_647, %swap3A_648, %swap3A_649], %swap3A_652 {strides = array<i32>} : memref<8x56x128xf32, #tpu.memory_space<vmem>>, vector<8x1x128xf32>,
      %get3A_653 = arith.constant 0 : index
      %get3A_654 = arith.constant 1920 : index
      %get3A_655 = vector.load %arg2[%get3A_653, %get3A_654] : memref<8x7168xi32, #tpu.memory_space<vmem>>, vector<8x128xi32>
      %mul3A_656 = arith.constant 512 : i32
      %mul3A_657 = vector.broadcast %mul3A_656 : i32 to vector<8x128xi32>
      %mul3A_658 = arith.muli %get3A_655, %mul3A_657 : vector<8x128xi32>
      %get3A_659 = arith.constant 0 : index
      %get3A_660 = arith.constant 1920 : index
      %get3A_661 = vector.load %arg1[%get3A_659, %get3A_660] : memref<8x7168xi32, #tpu.memory_space<vmem>>, vector<8x128xi32>
      %add3A_662 = arith.addi %mul3A_658, %get3A_661 : vector<8x128xi32>
      %add3A_663 = arith.addi %add3A_662, %mul3A_3 : vector<8x128xi32>
      %get3A_664 = arith.constant 0 : index
      %get3A_665 = arith.constant 1920 : index
      %get3A_666 = vector.load %arg4[%get3A_664, %get3A_665] : memref<8x7168xi32, #tpu.memory_space<vmem>>, vector<8x128xi32>
      %mul3A_667 = arith.constant 512 : i32
      %mul3A_668 = vector.broadcast %mul3A_667 : i32 to vector<8x128xi32>
      %mul3A_669 = arith.muli %get3A_666, %mul3A_668 : vector<8x128xi32>
      %get3A_670 = arith.constant 0 : index
      %get3A_671 = arith.constant 1920 : index
      %get3A_672 = vector.load %arg3[%get3A_670, %get3A_671] : memref<8x7168xi32, #tpu.memory_space<vmem>>, vector<8x128xi32>
      %add3A_673 = arith.addi %mul3A_669, %get3A_672 : vector<8x128xi32>
      %add3A_674 = arith.addi %add3A_673, %mul3A_3 : vector<8x128xi32>
      %swap3A_675 = arith.constant 0 : index
      %swap3A_676 = arith.constant 15 : index
      %swap3A_677 = arith.constant 0 : index
      %swap3A_678 = vector.load %arg6[%swap3A_675, %swap3A_676, %swap3A_677] : memref<8x56x128xi32, #tpu.memory_space<vmem>>, vector<8x1x128xi32>
      %swap3A_679 = vector.shape_cast %swap3A_678 : vector<8x1x128xi32> to vector<8x128xi32>
      %swap3A_680 = vector.shape_cast %add3A_663 : vector<8x128xi32> to vector<8x1x128xi32>
      tpu.vector_store %arg6[%swap3A_675, %swap3A_676, %swap3A_677], %swap3A_680 {strides = array<i32>} : memref<8x56x128xi32, #tpu.memory_space<vmem>>, vector<8x1x128xi32>,
      %swap3A_681 = arith.constant 0 : index
      %swap3A_682 = arith.constant 15 : index
      %swap3A_683 = arith.constant 0 : index
      %swap3A_684 = vector.load %arg7[%swap3A_681, %swap3A_682, %swap3A_683] : memref<8x56x128xi32, #tpu.memory_space<vmem>>, vector<8x1x128xi32>
      %swap3A_685 = vector.shape_cast %swap3A_684 : vector<8x1x128xi32> to vector<8x128xi32>
      %swap3A_686 = vector.shape_cast %add3A_674 : vector<8x128xi32> to vector<8x1x128xi32>
      tpu.vector_store %arg7[%swap3A_681, %swap3A_682, %swap3A_683], %swap3A_686 {strides = array<i32>} : memref<8x56x128xi32, #tpu.memory_space<vmem>>, vector<8x1x128xi32>,
      %get3A_687 = arith.constant 0 : index
      %get3A_688 = arith.constant 1920 : index
      %get3A_689 = vector.load %arg5[%get3A_687, %get3A_688] : memref<8x7168xf32, #tpu.memory_space<vmem>>, vector<8x128xf32>
      %swap3A_690 = arith.constant 0 : index
      %swap3A_691 = arith.constant 15 : index
      %swap3A_692 = arith.constant 0 : index
      %swap3A_693 = vector.load %arg8[%swap3A_690, %swap3A_691, %swap3A_692] : memref<8x56x128xf32, #tpu.memory_space<vmem>>, vector<8x1x128xf32>
      %swap3A_694 = vector.shape_cast %swap3A_693 : vector<8x1x128xf32> to vector<8x128xf32>
      %swap3A_695 = vector.shape_cast %get3A_689 : vector<8x128xf32> to vector<8x1x128xf32>
      tpu.vector_store %arg8[%swap3A_690, %swap3A_691, %swap3A_692], %swap3A_695 {strides = array<i32>} : memref<8x56x128xf32, #tpu.memory_space<vmem>>, vector<8x1x128xf32>,
      %get3A_696 = arith.constant 0 : index
      %get3A_697 = arith.constant 2048 : index
      %get3A_698 = vector.load %arg2[%get3A_696, %get3A_697] : memref<8x7168xi32, #tpu.memory_space<vmem>>, vector<8x128xi32>
      %mul3A_699 = arith.constant 512 : i32
      %mul3A_700 = vector.broadcast %mul3A_699 : i32 to vector<8x128xi32>
      %mul3A_701 = arith.muli %get3A_698, %mul3A_700 : vector<8x128xi32>
      %get3A_702 = arith.constant 0 : index
      %get3A_703 = arith.constant 2048 : index
      %get3A_704 = vector.load %arg1[%get3A_702, %get3A_703] : memref<8x7168xi32, #tpu.memory_space<vmem>>, vector<8x128xi32>
      %add3A_705 = arith.addi %mul3A_701, %get3A_704 : vector<8x128xi32>
      %add3A_706 = arith.addi %add3A_705, %mul3A_3 : vector<8x128xi32>
      %get3A_707 = arith.constant 0 : index
      %get3A_708 = arith.constant 2048 : index
      %get3A_709 = vector.load %arg4[%get3A_707, %get3A_708] : memref<8x7168xi32, #tpu.memory_space<vmem>>, vector<8x128xi32>
      %mul3A_710 = arith.constant 512 : i32
      %mul3A_711 = vector.broadcast %mul3A_710 : i32 to vector<8x128xi32>
      %mul3A_712 = arith.muli %get3A_709, %mul3A_711 : vector<8x128xi32>
      %get3A_713 = arith.constant 0 : index
      %get3A_714 = arith.constant 2048 : index
      %get3A_715 = vector.load %arg3[%get3A_713, %get3A_714] : memref<8x7168xi32, #tpu.memory_space<vmem>>, vector<8x128xi32>
      %add3A_716 = arith.addi %mul3A_712, %get3A_715 : vector<8x128xi32>
      %add3A_717 = arith.addi %add3A_716, %mul3A_3 : vector<8x128xi32>
      %swap3A_718 = arith.constant 0 : index
      %swap3A_719 = arith.constant 16 : index
      %swap3A_720 = arith.constant 0 : index
      %swap3A_721 = vector.load %arg6[%swap3A_718, %swap3A_719, %swap3A_720] : memref<8x56x128xi32, #tpu.memory_space<vmem>>, vector<8x1x128xi32>
      %swap3A_722 = vector.shape_cast %swap3A_721 : vector<8x1x128xi32> to vector<8x128xi32>
      %swap3A_723 = vector.shape_cast %add3A_706 : vector<8x128xi32> to vector<8x1x128xi32>
      tpu.vector_store %arg6[%swap3A_718, %swap3A_719, %swap3A_720], %swap3A_723 {strides = array<i32>} : memref<8x56x128xi32, #tpu.memory_space<vmem>>, vector<8x1x128xi32>,
      %swap3A_724 = arith.constant 0 : index
      %swap3A_725 = arith.constant 16 : index
      %swap3A_726 = arith.constant 0 : index
      %swap3A_727 = vector.load %arg7[%swap3A_724, %swap3A_725, %swap3A_726] : memref<8x56x128xi32, #tpu.memory_space<vmem>>, vector<8x1x128xi32>
      %swap3A_728 = vector.shape_cast %swap3A_727 : vector<8x1x128xi32> to vector<8x128xi32>
      %swap3A_729 = vector.shape_cast %add3A_717 : vector<8x128xi32> to vector<8x1x128xi32>
      tpu.vector_store %arg7[%swap3A_724, %swap3A_725, %swap3A_726], %swap3A_729 {strides = array<i32>} : memref<8x56x128xi32, #tpu.memory_space<vmem>>, vector<8x1x128xi32>,
      %get3A_730 = arith.constant 0 : index
      %get3A_731 = arith.constant 2048 : index
      %get3A_732 = vector.load %arg5[%get3A_730, %get3A_731] : memref<8x7168xf32, #tpu.memory_space<vmem>>, vector<8x128xf32>
      %swap3A_733 = arith.constant 0 : index
      %swap3A_734 = arith.constant 16 : index
      %swap3A_735 = arith.constant 0 : index
      %swap3A_736 = vector.load %arg8[%swap3A_733, %swap3A_734, %swap3A_735] : memref<8x56x128xf32, #tpu.memory_space<vmem>>, vector<8x1x128xf32>
      %swap3A_737 = vector.shape_cast %swap3A_736 : vector<8x1x128xf32> to vector<8x128xf32>
      %swap3A_738 = vector.shape_cast %get3A_732 : vector<8x128xf32> to vector<8x1x128xf32>
      tpu.vector_store %arg8[%swap3A_733, %swap3A_734, %swap3A_735], %swap3A_738 {strides = array<i32>} : memref<8x56x128xf32, #tpu.memory_space<vmem>>, vector<8x1x128xf32>,
      %get3A_739 = arith.constant 0 : index
      %get3A_740 = arith.constant 2176 : index
      %get3A_741 = vector.load %arg2[%get3A_739, %get3A_740] : memref<8x7168xi32, #tpu.memory_space<vmem>>, vector<8x128xi32>
      %mul3A_742 = arith.constant 512 : i32
      %mul3A_743 = vector.broadcast %mul3A_742 : i32 to vector<8x128xi32>
      %mul3A_744 = arith.muli %get3A_741, %mul3A_743 : vector<8x128xi32>
      %get3A_745 = arith.constant 0 : index
      %get3A_746 = arith.constant 2176 : index
      %get3A_747 = vector.load %arg1[%get3A_745, %get3A_746] : memref<8x7168xi32, #tpu.memory_space<vmem>>, vector<8x128xi32>
      %add3A_748 = arith.addi %mul3A_744, %get3A_747 : vector<8x128xi32>
      %add3A_749 = arith.addi %add3A_748, %mul3A_3 : vector<8x128xi32>
      %get3A_750 = arith.constant 0 : index
      %get3A_751 = arith.constant 2176 : index
      %get3A_752 = vector.load %arg4[%get3A_750, %get3A_751] : memref<8x7168xi32, #tpu.memory_space<vmem>>, vector<8x128xi32>
      %mul3A_753 = arith.constant 512 : i32
      %mul3A_754 = vector.broadcast %mul3A_753 : i32 to vector<8x128xi32>
      %mul3A_755 = arith.muli %get3A_752, %mul3A_754 : vector<8x128xi32>
      %get3A_756 = arith.constant 0 : index
      %get3A_757 = arith.constant 2176 : index
      %get3A_758 = vector.load %arg3[%get3A_756, %get3A_757] : memref<8x7168xi32, #tpu.memory_space<vmem>>, vector<8x128xi32>
      %add3A_759 = arith.addi %mul3A_755, %get3A_758 : vector<8x128xi32>
      %add3A_760 = arith.addi %add3A_759, %mul3A_3 : vector<8x128xi32>
      %swap3A_761 = arith.constant 0 : index
      %swap3A_762 = arith.constant 17 : index
      %swap3A_763 = arith.constant 0 : index
      %swap3A_764 = vector.load %arg6[%swap3A_761, %swap3A_762, %swap3A_763] : memref<8x56x128xi32, #tpu.memory_space<vmem>>, vector<8x1x128xi32>
      %swap3A_765 = vector.shape_cast %swap3A_764 : vector<8x1x128xi32> to vector<8x128xi32>
      %swap3A_766 = vector.shape_cast %add3A_749 : vector<8x128xi32> to vector<8x1x128xi32>
      tpu.vector_store %arg6[%swap3A_761, %swap3A_762, %swap3A_763], %swap3A_766 {strides = array<i32>} : memref<8x56x128xi32, #tpu.memory_space<vmem>>, vector<8x1x128xi32>,
      %swap3A_767 = arith.constant 0 : index
      %swap3A_768 = arith.constant 17 : index
      %swap3A_769 = arith.constant 0 : index
      %swap3A_770 = vector.load %arg7[%swap3A_767, %swap3A_768, %swap3A_769] : memref<8x56x128xi32, #tpu.memory_space<vmem>>, vector<8x1x128xi32>
      %swap3A_771 = vector.shape_cast %swap3A_770 : vector<8x1x128xi32> to vector<8x128xi32>
      %swap3A_772 = vector.shape_cast %add3A_760 : vector<8x128xi32> to vector<8x1x128xi32>
      tpu.vector_store %arg7[%swap3A_767, %swap3A_768, %swap3A_769], %swap3A_772 {strides = array<i32>} : memref<8x56x128xi32, #tpu.memory_space<vmem>>, vector<8x1x128xi32>,
      %get3A_773 = arith.constant 0 : index
      %get3A_774 = arith.constant 2176 : index
      %get3A_775 = vector.load %arg5[%get3A_773, %get3A_774] : memref<8x7168xf32, #tpu.memory_space<vmem>>, vector<8x128xf32>
      %swap3A_776 = arith.constant 0 : index
      %swap3A_777 = arith.constant 17 : index
      %swap3A_778 = arith.constant 0 : index
      %swap3A_779 = vector.load %arg8[%swap3A_776, %swap3A_777, %swap3A_778] : memref<8x56x128xf32, #tpu.memory_space<vmem>>, vector<8x1x128xf32>
      %swap3A_780 = vector.shape_cast %swap3A_779 : vector<8x1x128xf32> to vector<8x128xf32>
      %swap3A_781 = vector.shape_cast %get3A_775 : vector<8x128xf32> to vector<8x1x128xf32>
      tpu.vector_store %arg8[%swap3A_776, %swap3A_777, %swap3A_778], %swap3A_781 {strides = array<i32>} : memref<8x56x128xf32, #tpu.memory_space<vmem>>, vector<8x1x128xf32>,
      %get3A_782 = arith.constant 0 : index
      %get3A_783 = arith.constant 2304 : index
      %get3A_784 = vector.load %arg2[%get3A_782, %get3A_783] : memref<8x7168xi32, #tpu.memory_space<vmem>>, vector<8x128xi32>
      %mul3A_785 = arith.constant 512 : i32
      %mul3A_786 = vector.broadcast %mul3A_785 : i32 to vector<8x128xi32>
      %mul3A_787 = arith.muli %get3A_784, %mul3A_786 : vector<8x128xi32>
      %get3A_788 = arith.constant 0 : index
      %get3A_789 = arith.constant 2304 : index
      %get3A_790 = vector.load %arg1[%get3A_788, %get3A_789] : memref<8x7168xi32, #tpu.memory_space<vmem>>, vector<8x128xi32>
      %add3A_791 = arith.addi %mul3A_787, %get3A_790 : vector<8x128xi32>
      %add3A_792 = arith.addi %add3A_791, %mul3A_3 : vector<8x128xi32>
      %get3A_793 = arith.constant 0 : index
      %get3A_794 = arith.constant 2304 : index
      %get3A_795 = vector.load %arg4[%get3A_793, %get3A_794] : memref<8x7168xi32, #tpu.memory_space<vmem>>, vector<8x128xi32>
      %mul3A_796 = arith.constant 512 : i32
      %mul3A_797 = vector.broadcast %mul3A_796 : i32 to vector<8x128xi32>
      %mul3A_798 = arith.muli %get3A_795, %mul3A_797 : vector<8x128xi32>
      %get3A_799 = arith.constant 0 : index
      %get3A_800 = arith.constant 2304 : index
      %get3A_801 = vector.load %arg3[%get3A_799, %get3A_800] : memref<8x7168xi32, #tpu.memory_space<vmem>>, vector<8x128xi32>
      %add3A_802 = arith.addi %mul3A_798, %get3A_801 : vector<8x128xi32>
      %add3A_803 = arith.addi %add3A_802, %mul3A_3 : vector<8x128xi32>
      %swap3A_804 = arith.constant 0 : index
      %swap3A_805 = arith.constant 18 : index
      %swap3A_806 = arith.constant 0 : index
      %swap3A_807 = vector.load %arg6[%swap3A_804, %swap3A_805, %swap3A_806] : memref<8x56x128xi32, #tpu.memory_space<vmem>>, vector<8x1x128xi32>
      %swap3A_808 = vector.shape_cast %swap3A_807 : vector<8x1x128xi32> to vector<8x128xi32>
      %swap3A_809 = vector.shape_cast %add3A_792 : vector<8x128xi32> to vector<8x1x128xi32>
      tpu.vector_store %arg6[%swap3A_804, %swap3A_805, %swap3A_806], %swap3A_809 {strides = array<i32>} : memref<8x56x128xi32, #tpu.memory_space<vmem>>, vector<8x1x128xi32>,
      %swap3A_810 = arith.constant 0 : index
      %swap3A_811 = arith.constant 18 : index
      %swap3A_812 = arith.constant 0 : index
      %swap3A_813 = vector.load %arg7[%swap3A_810, %swap3A_811, %swap3A_812] : memref<8x56x128xi32, #tpu.memory_space<vmem>>, vector<8x1x128xi32>
      %swap3A_814 = vector.shape_cast %swap3A_813 : vector<8x1x128xi32> to vector<8x128xi32>
      %swap3A_815 = vector.shape_cast %add3A_803 : vector<8x128xi32> to vector<8x1x128xi32>
      tpu.vector_store %arg7[%swap3A_810, %swap3A_811, %swap3A_812], %swap3A_815 {strides = array<i32>} : memref<8x56x128xi32, #tpu.memory_space<vmem>>, vector<8x1x128xi32>,
      %get3A_816 = arith.constant 0 : index
      %get3A_817 = arith.constant 2304 : index
      %get3A_818 = vector.load %arg5[%get3A_816, %get3A_817] : memref<8x7168xf32, #tpu.memory_space<vmem>>, vector<8x128xf32>
      %swap3A_819 = arith.constant 0 : index
      %swap3A_820 = arith.constant 18 : index
      %swap3A_821 = arith.constant 0 : index
      %swap3A_822 = vector.load %arg8[%swap3A_819, %swap3A_820, %swap3A_821] : memref<8x56x128xf32, #tpu.memory_space<vmem>>, vector<8x1x128xf32>
      %swap3A_823 = vector.shape_cast %swap3A_822 : vector<8x1x128xf32> to vector<8x128xf32>
      %swap3A_824 = vector.shape_cast %get3A_818 : vector<8x128xf32> to vector<8x1x128xf32>
      tpu.vector_store %arg8[%swap3A_819, %swap3A_820, %swap3A_821], %swap3A_824 {strides = array<i32>} : memref<8x56x128xf32, #tpu.memory_space<vmem>>, vector<8x1x128xf32>,
      %get3A_825 = arith.constant 0 : index
      %get3A_826 = arith.constant 2432 : index
      %get3A_827 = vector.load %arg2[%get3A_825, %get3A_826] : memref<8x7168xi32, #tpu.memory_space<vmem>>, vector<8x128xi32>
      %mul3A_828 = arith.constant 512 : i32
      %mul3A_829 = vector.broadcast %mul3A_828 : i32 to vector<8x128xi32>
      %mul3A_830 = arith.muli %get3A_827, %mul3A_829 : vector<8x128xi32>
      %get3A_831 = arith.constant 0 : index
      %get3A_832 = arith.constant 2432 : index
      %get3A_833 = vector.load %arg1[%get3A_831, %get3A_832] : memref<8x7168xi32, #tpu.memory_space<vmem>>, vector<8x128xi32>
      %add3A_834 = arith.addi %mul3A_830, %get3A_833 : vector<8x128xi32>
      %add3A_835 = arith.addi %add3A_834, %mul3A_3 : vector<8x128xi32>
      %get3A_836 = arith.constant 0 : index
      %get3A_837 = arith.constant 2432 : index
      %get3A_838 = vector.load %arg4[%get3A_836, %get3A_837] : memref<8x7168xi32, #tpu.memory_space<vmem>>, vector<8x128xi32>
      %mul3A_839 = arith.constant 512 : i32
      %mul3A_840 = vector.broadcast %mul3A_839 : i32 to vector<8x128xi32>
      %mul3A_841 = arith.muli %get3A_838, %mul3A_840 : vector<8x128xi32>
      %get3A_842 = arith.constant 0 : index
      %get3A_843 = arith.constant 2432 : index
      %get3A_844 = vector.load %arg3[%get3A_842, %get3A_843] : memref<8x7168xi32, #tpu.memory_space<vmem>>, vector<8x128xi32>
      %add3A_845 = arith.addi %mul3A_841, %get3A_844 : vector<8x128xi32>
      %add3A_846 = arith.addi %add3A_845, %mul3A_3 : vector<8x128xi32>
      %swap3A_847 = arith.constant 0 : index
      %swap3A_848 = arith.constant 19 : index
      %swap3A_849 = arith.constant 0 : index
      %swap3A_850 = vector.load %arg6[%swap3A_847, %swap3A_848, %swap3A_849] : memref<8x56x128xi32, #tpu.memory_space<vmem>>, vector<8x1x128xi32>
      %swap3A_851 = vector.shape_cast %swap3A_850 : vector<8x1x128xi32> to vector<8x128xi32>
      %swap3A_852 = vector.shape_cast %add3A_835 : vector<8x128xi32> to vector<8x1x128xi32>
      tpu.vector_store %arg6[%swap3A_847, %swap3A_848, %swap3A_849], %swap3A_852 {strides = array<i32>} : memref<8x56x128xi32, #tpu.memory_space<vmem>>, vector<8x1x128xi32>,
      %swap3A_853 = arith.constant 0 : index
      %swap3A_854 = arith.constant 19 : index
      %swap3A_855 = arith.constant 0 : index
      %swap3A_856 = vector.load %arg7[%swap3A_853, %swap3A_854, %swap3A_855] : memref<8x56x128xi32, #tpu.memory_space<vmem>>, vector<8x1x128xi32>
      %swap3A_857 = vector.shape_cast %swap3A_856 : vector<8x1x128xi32> to vector<8x128xi32>
      %swap3A_858 = vector.shape_cast %add3A_846 : vector<8x128xi32> to vector<8x1x128xi32>
      tpu.vector_store %arg7[%swap3A_853, %swap3A_854, %swap3A_855], %swap3A_858 {strides = array<i32>} : memref<8x56x128xi32, #tpu.memory_space<vmem>>, vector<8x1x128xi32>,
      %get3A_859 = arith.constant 0 : index
      %get3A_860 = arith.constant 2432 : index
      %get3A_861 = vector.load %arg5[%get3A_859, %get3A_860] : memref<8x7168xf32, #tpu.memory_space<vmem>>, vector<8x128xf32>
      %swap3A_862 = arith.constant 0 : index
      %swap3A_863 = arith.constant 19 : index
      %swap3A_864 = arith.constant 0 : index
      %swap3A_865 = vector.load %arg8[%swap3A_862, %swap3A_863, %swap3A_864] : memref<8x56x128xf32, #tpu.memory_space<vmem>>, vector<8x1x128xf32>
      %swap3A_866 = vector.shape_cast %swap3A_865 : vector<8x1x128xf32> to vector<8x128xf32>
      %swap3A_867 = vector.shape_cast %get3A_861 : vector<8x128xf32> to vector<8x1x128xf32>
      tpu.vector_store %arg8[%swap3A_862, %swap3A_863, %swap3A_864], %swap3A_867 {strides = array<i32>} : memref<8x56x128xf32, #tpu.memory_space<vmem>>, vector<8x1x128xf32>,
      %get3A_868 = arith.constant 0 : index
      %get3A_869 = arith.constant 2560 : index
      %get3A_870 = vector.load %arg2[%get3A_868, %get3A_869] : memref<8x7168xi32, #tpu.memory_space<vmem>>, vector<8x128xi32>
      %mul3A_871 = arith.constant 512 : i32
      %mul3A_872 = vector.broadcast %mul3A_871 : i32 to vector<8x128xi32>
      %mul3A_873 = arith.muli %get3A_870, %mul3A_872 : vector<8x128xi32>
      %get3A_874 = arith.constant 0 : index
      %get3A_875 = arith.constant 2560 : index
      %get3A_876 = vector.load %arg1[%get3A_874, %get3A_875] : memref<8x7168xi32, #tpu.memory_space<vmem>>, vector<8x128xi32>
      %add3A_877 = arith.addi %mul3A_873, %get3A_876 : vector<8x128xi32>
      %add3A_878 = arith.addi %add3A_877, %mul3A_3 : vector<8x128xi32>
      %get3A_879 = arith.constant 0 : index
      %get3A_880 = arith.constant 2560 : index
      %get3A_881 = vector.load %arg4[%get3A_879, %get3A_880] : memref<8x7168xi32, #tpu.memory_space<vmem>>, vector<8x128xi32>
      %mul3A_882 = arith.constant 512 : i32
      %mul3A_883 = vector.broadcast %mul3A_882 : i32 to vector<8x128xi32>
      %mul3A_884 = arith.muli %get3A_881, %mul3A_883 : vector<8x128xi32>
      %get3A_885 = arith.constant 0 : index
      %get3A_886 = arith.constant 2560 : index
      %get3A_887 = vector.load %arg3[%get3A_885, %get3A_886] : memref<8x7168xi32, #tpu.memory_space<vmem>>, vector<8x128xi32>
      %add3A_888 = arith.addi %mul3A_884, %get3A_887 : vector<8x128xi32>
      %add3A_889 = arith.addi %add3A_888, %mul3A_3 : vector<8x128xi32>
      %swap3A_890 = arith.constant 0 : index
      %swap3A_891 = arith.constant 20 : index
      %swap3A_892 = arith.constant 0 : index
      %swap3A_893 = vector.load %arg6[%swap3A_890, %swap3A_891, %swap3A_892] : memref<8x56x128xi32, #tpu.memory_space<vmem>>, vector<8x1x128xi32>
      %swap3A_894 = vector.shape_cast %swap3A_893 : vector<8x1x128xi32> to vector<8x128xi32>
      %swap3A_895 = vector.shape_cast %add3A_878 : vector<8x128xi32> to vector<8x1x128xi32>
      tpu.vector_store %arg6[%swap3A_890, %swap3A_891, %swap3A_892], %swap3A_895 {strides = array<i32>} : memref<8x56x128xi32, #tpu.memory_space<vmem>>, vector<8x1x128xi32>,
      %swap3A_896 = arith.constant 0 : index
      %swap3A_897 = arith.constant 20 : index
      %swap3A_898 = arith.constant 0 : index
      %swap3A_899 = vector.load %arg7[%swap3A_896, %swap3A_897, %swap3A_898] : memref<8x56x128xi32, #tpu.memory_space<vmem>>, vector<8x1x128xi32>
      %swap3A_900 = vector.shape_cast %swap3A_899 : vector<8x1x128xi32> to vector<8x128xi32>
      %swap3A_901 = vector.shape_cast %add3A_889 : vector<8x128xi32> to vector<8x1x128xi32>
      tpu.vector_store %arg7[%swap3A_896, %swap3A_897, %swap3A_898], %swap3A_901 {strides = array<i32>} : memref<8x56x128xi32, #tpu.memory_space<vmem>>, vector<8x1x128xi32>,
      %get3A_902 = arith.constant 0 : index
      %get3A_903 = arith.constant 2560 : index
      %get3A_904 = vector.load %arg5[%get3A_902, %get3A_903] : memref<8x7168xf32, #tpu.memory_space<vmem>>, vector<8x128xf32>
      %swap3A_905 = arith.constant 0 : index
      %swap3A_906 = arith.constant 20 : index
      %swap3A_907 = arith.constant 0 : index
      %swap3A_908 = vector.load %arg8[%swap3A_905, %swap3A_906, %swap3A_907] : memref<8x56x128xf32, #tpu.memory_space<vmem>>, vector<8x1x128xf32>
      %swap3A_909 = vector.shape_cast %swap3A_908 : vector<8x1x128xf32> to vector<8x128xf32>
      %swap3A_910 = vector.shape_cast %get3A_904 : vector<8x128xf32> to vector<8x1x128xf32>
      tpu.vector_store %arg8[%swap3A_905, %swap3A_906, %swap3A_907], %swap3A_910 {strides = array<i32>} : memref<8x56x128xf32, #tpu.memory_space<vmem>>, vector<8x1x128xf32>,
      %get3A_911 = arith.constant 0 : index
      %get3A_912 = arith.constant 2688 : index
      %get3A_913 = vector.load %arg2[%get3A_911, %get3A_912] : memref<8x7168xi32, #tpu.memory_space<vmem>>, vector<8x128xi32>
      %mul3A_914 = arith.constant 512 : i32
      %mul3A_915 = vector.broadcast %mul3A_914 : i32 to vector<8x128xi32>
      %mul3A_916 = arith.muli %get3A_913, %mul3A_915 : vector<8x128xi32>
      %get3A_917 = arith.constant 0 : index
      %get3A_918 = arith.constant 2688 : index
      %get3A_919 = vector.load %arg1[%get3A_917, %get3A_918] : memref<8x7168xi32, #tpu.memory_space<vmem>>, vector<8x128xi32>
      %add3A_920 = arith.addi %mul3A_916, %get3A_919 : vector<8x128xi32>
      %add3A_921 = arith.addi %add3A_920, %mul3A_3 : vector<8x128xi32>
      %get3A_922 = arith.constant 0 : index
      %get3A_923 = arith.constant 2688 : index
      %get3A_924 = vector.load %arg4[%get3A_922, %get3A_923] : memref<8x7168xi32, #tpu.memory_space<vmem>>, vector<8x128xi32>
      %mul3A_925 = arith.constant 512 : i32
      %mul3A_926 = vector.broadcast %mul3A_925 : i32 to vector<8x128xi32>
      %mul3A_927 = arith.muli %get3A_924, %mul3A_926 : vector<8x128xi32>
      %get3A_928 = arith.constant 0 : index
      %get3A_929 = arith.constant 2688 : index
      %get3A_930 = vector.load %arg3[%get3A_928, %get3A_929] : memref<8x7168xi32, #tpu.memory_space<vmem>>, vector<8x128xi32>
      %add3A_931 = arith.addi %mul3A_927, %get3A_930 : vector<8x128xi32>
      %add3A_932 = arith.addi %add3A_931, %mul3A_3 : vector<8x128xi32>
      %swap3A_933 = arith.constant 0 : index
      %swap3A_934 = arith.constant 21 : index
      %swap3A_935 = arith.constant 0 : index
      %swap3A_936 = vector.load %arg6[%swap3A_933, %swap3A_934, %swap3A_935] : memref<8x56x128xi32, #tpu.memory_space<vmem>>, vector<8x1x128xi32>
      %swap3A_937 = vector.shape_cast %swap3A_936 : vector<8x1x128xi32> to vector<8x128xi32>
      %swap3A_938 = vector.shape_cast %add3A_921 : vector<8x128xi32> to vector<8x1x128xi32>
      tpu.vector_store %arg6[%swap3A_933, %swap3A_934, %swap3A_935], %swap3A_938 {strides = array<i32>} : memref<8x56x128xi32, #tpu.memory_space<vmem>>, vector<8x1x128xi32>,
      %swap3A_939 = arith.constant 0 : index
      %swap3A_940 = arith.constant 21 : index
      %swap3A_941 = arith.constant 0 : index
      %swap3A_942 = vector.load %arg7[%swap3A_939, %swap3A_940, %swap3A_941] : memref<8x56x128xi32, #tpu.memory_space<vmem>>, vector<8x1x128xi32>
      %swap3A_943 = vector.shape_cast %swap3A_942 : vector<8x1x128xi32> to vector<8x128xi32>
      %swap3A_944 = vector.shape_cast %add3A_932 : vector<8x128xi32> to vector<8x1x128xi32>
      tpu.vector_store %arg7[%swap3A_939, %swap3A_940, %swap3A_941], %swap3A_944 {strides = array<i32>} : memref<8x56x128xi32, #tpu.memory_space<vmem>>, vector<8x1x128xi32>,
      %get3A_945 = arith.constant 0 : index
      %get3A_946 = arith.constant 2688 : index
      %get3A_947 = vector.load %arg5[%get3A_945, %get3A_946] : memref<8x7168xf32, #tpu.memory_space<vmem>>, vector<8x128xf32>
      %swap3A_948 = arith.constant 0 : index
      %swap3A_949 = arith.constant 21 : index
      %swap3A_950 = arith.constant 0 : index
      %swap3A_951 = vector.load %arg8[%swap3A_948, %swap3A_949, %swap3A_950] : memref<8x56x128xf32, #tpu.memory_space<vmem>>, vector<8x1x128xf32>
      %swap3A_952 = vector.shape_cast %swap3A_951 : vector<8x1x128xf32> to vector<8x128xf32>
      %swap3A_953 = vector.shape_cast %get3A_947 : vector<8x128xf32> to vector<8x1x128xf32>
      tpu.vector_store %arg8[%swap3A_948, %swap3A_949, %swap3A_950], %swap3A_953 {strides = array<i32>} : memref<8x56x128xf32, #tpu.memory_space<vmem>>, vector<8x1x128xf32>,
      %get3A_954 = arith.constant 0 : index
      %get3A_955 = arith.constant 2816 : index
      %get3A_956 = vector.load %arg2[%get3A_954, %get3A_955] : memref<8x7168xi32, #tpu.memory_space<vmem>>, vector<8x128xi32>
      %mul3A_957 = arith.constant 512 : i32
      %mul3A_958 = vector.broadcast %mul3A_957 : i32 to vector<8x128xi32>
      %mul3A_959 = arith.muli %get3A_956, %mul3A_958 : vector<8x128xi32>
      %get3A_960 = arith.constant 0 : index
      %get3A_961 = arith.constant 2816 : index
      %get3A_962 = vector.load %arg1[%get3A_960, %get3A_961] : memref<8x7168xi32, #tpu.memory_space<vmem>>, vector<8x128xi32>
      %add3A_963 = arith.addi %mul3A_959, %get3A_962 : vector<8x128xi32>
      %add3A_964 = arith.addi %add3A_963, %mul3A_3 : vector<8x128xi32>
      %get3A_965 = arith.constant 0 : index
      %get3A_966 = arith.constant 2816 : index
      %get3A_967 = vector.load %arg4[%get3A_965, %get3A_966] : memref<8x7168xi32, #tpu.memory_space<vmem>>, vector<8x128xi32>
      %mul3A_968 = arith.constant 512 : i32
      %mul3A_969 = vector.broadcast %mul3A_968 : i32 to vector<8x128xi32>
      %mul3A_970 = arith.muli %get3A_967, %mul3A_969 : vector<8x128xi32>
      %get3A_971 = arith.constant 0 : index
      %get3A_972 = arith.constant 2816 : index
      %get3A_973 = vector.load %arg3[%get3A_971, %get3A_972] : memref<8x7168xi32, #tpu.memory_space<vmem>>, vector<8x128xi32>
      %add3A_974 = arith.addi %mul3A_970, %get3A_973 : vector<8x128xi32>
      %add3A_975 = arith.addi %add3A_974, %mul3A_3 : vector<8x128xi32>
      %swap3A_976 = arith.constant 0 : index
      %swap3A_977 = arith.constant 22 : index
      %swap3A_978 = arith.constant 0 : index
      %swap3A_979 = vector.load %arg6[%swap3A_976, %swap3A_977, %swap3A_978] : memref<8x56x128xi32, #tpu.memory_space<vmem>>, vector<8x1x128xi32>
      %swap3A_980 = vector.shape_cast %swap3A_979 : vector<8x1x128xi32> to vector<8x128xi32>
      %swap3A_981 = vector.shape_cast %add3A_964 : vector<8x128xi32> to vector<8x1x128xi32>
      tpu.vector_store %arg6[%swap3A_976, %swap3A_977, %swap3A_978], %swap3A_981 {strides = array<i32>} : memref<8x56x128xi32, #tpu.memory_space<vmem>>, vector<8x1x128xi32>,
      %swap3A_982 = arith.constant 0 : index
      %swap3A_983 = arith.constant 22 : index
      %swap3A_984 = arith.constant 0 : index
      %swap3A_985 = vector.load %arg7[%swap3A_982, %swap3A_983, %swap3A_984] : memref<8x56x128xi32, #tpu.memory_space<vmem>>, vector<8x1x128xi32>
      %swap3A_986 = vector.shape_cast %swap3A_985 : vector<8x1x128xi32> to vector<8x128xi32>
      %swap3A_987 = vector.shape_cast %add3A_975 : vector<8x128xi32> to vector<8x1x128xi32>
      tpu.vector_store %arg7[%swap3A_982, %swap3A_983, %swap3A_984], %swap3A_987 {strides = array<i32>} : memref<8x56x128xi32, #tpu.memory_space<vmem>>, vector<8x1x128xi32>,
      %get3A_988 = arith.constant 0 : index
      %get3A_989 = arith.constant 2816 : index
      %get3A_990 = vector.load %arg5[%get3A_988, %get3A_989] : memref<8x7168xf32, #tpu.memory_space<vmem>>, vector<8x128xf32>
      %swap3A_991 = arith.constant 0 : index
      %swap3A_992 = arith.constant 22 : index
      %swap3A_993 = arith.constant 0 : index
      %swap3A_994 = vector.load %arg8[%swap3A_991, %swap3A_992, %swap3A_993] : memref<8x56x128xf32, #tpu.memory_space<vmem>>, vector<8x1x128xf32>
      %swap3A_995 = vector.shape_cast %swap3A_994 : vector<8x1x128xf32> to vector<8x128xf32>
      %swap3A_996 = vector.shape_cast %get3A_990 : vector<8x128xf32> to vector<8x1x128xf32>
      tpu.vector_store %arg8[%swap3A_991, %swap3A_992, %swap3A_993], %swap3A_996 {strides = array<i32>} : memref<8x56x128xf32, #tpu.memory_space<vmem>>, vector<8x1x128xf32>,
      %get3A_997 = arith.constant 0 : index
      %get3A_998 = arith.constant 2944 : index
      %get3A_999 = vector.load %arg2[%get3A_997, %get3A_998] : memref<8x7168xi32, #tpu.memory_space<vmem>>, vector<8x128xi32>
      %mul3A_1000 = arith.constant 512 : i32
      %mul3A_1001 = vector.broadcast %mul3A_1000 : i32 to vector<8x128xi32>
      %mul3A_1002 = arith.muli %get3A_999, %mul3A_1001 : vector<8x128xi32>
      %get3A_1003 = arith.constant 0 : index
      %get3A_1004 = arith.constant 2944 : index
      %get3A_1005 = vector.load %arg1[%get3A_1003, %get3A_1004] : memref<8x7168xi32, #tpu.memory_space<vmem>>, vector<8x128xi32>
      %add3A_1006 = arith.addi %mul3A_1002, %get3A_1005 : vector<8x128xi32>
      %add3A_1007 = arith.addi %add3A_1006, %mul3A_3 : vector<8x128xi32>
      %get3A_1008 = arith.constant 0 : index
      %get3A_1009 = arith.constant 2944 : index
      %get3A_1010 = vector.load %arg4[%get3A_1008, %get3A_1009] : memref<8x7168xi32, #tpu.memory_space<vmem>>, vector<8x128xi32>
      %mul3A_1011 = arith.constant 512 : i32
      %mul3A_1012 = vector.broadcast %mul3A_1011 : i32 to vector<8x128xi32>
      %mul3A_1013 = arith.muli %get3A_1010, %mul3A_1012 : vector<8x128xi32>
      %get3A_1014 = arith.constant 0 : index
      %get3A_1015 = arith.constant 2944 : index
      %get3A_1016 = vector.load %arg3[%get3A_1014, %get3A_1015] : memref<8x7168xi32, #tpu.memory_space<vmem>>, vector<8x128xi32>
      %add3A_1017 = arith.addi %mul3A_1013, %get3A_1016 : vector<8x128xi32>
      %add3A_1018 = arith.addi %add3A_1017, %mul3A_3 : vector<8x128xi32>
      %swap3A_1019 = arith.constant 0 : index
      %swap3A_1020 = arith.constant 23 : index
      %swap3A_1021 = arith.constant 0 : index
      %swap3A_1022 = vector.load %arg6[%swap3A_1019, %swap3A_1020, %swap3A_1021] : memref<8x56x128xi32, #tpu.memory_space<vmem>>, vector<8x1x128xi32>
      %swap3A_1023 = vector.shape_cast %swap3A_1022 : vector<8x1x128xi32> to vector<8x128xi32>
      %swap3A_1024 = vector.shape_cast %add3A_1007 : vector<8x128xi32> to vector<8x1x128xi32>
      tpu.vector_store %arg6[%swap3A_1019, %swap3A_1020, %swap3A_1021], %swap3A_1024 {strides = array<i32>} : memref<8x56x128xi32, #tpu.memory_space<vmem>>, vector<8x1x128xi32>,
      %swap3A_1025 = arith.constant 0 : index
      %swap3A_1026 = arith.constant 23 : index
      %swap3A_1027 = arith.constant 0 : index
      %swap3A_1028 = vector.load %arg7[%swap3A_1025, %swap3A_1026, %swap3A_1027] : memref<8x56x128xi32, #tpu.memory_space<vmem>>, vector<8x1x128xi32>
      %swap3A_1029 = vector.shape_cast %swap3A_1028 : vector<8x1x128xi32> to vector<8x128xi32>
      %swap3A_1030 = vector.shape_cast %add3A_1018 : vector<8x128xi32> to vector<8x1x128xi32>
      tpu.vector_store %arg7[%swap3A_1025, %swap3A_1026, %swap3A_1027], %swap3A_1030 {strides = array<i32>} : memref<8x56x128xi32, #tpu.memory_space<vmem>>, vector<8x1x128xi32>,
      %get3A_1031 = arith.constant 0 : index
      %get3A_1032 = arith.constant 2944 : index
      %get3A_1033 = vector.load %arg5[%get3A_1031, %get3A_1032] : memref<8x7168xf32, #tpu.memory_space<vmem>>, vector<8x128xf32>
      %swap3A_1034 = arith.constant 0 : index
      %swap3A_1035 = arith.constant 23 : index
      %swap3A_1036 = arith.constant 0 : index
      %swap3A_1037 = vector.load %arg8[%swap3A_1034, %swap3A_1035, %swap3A_1036] : memref<8x56x128xf32, #tpu.memory_space<vmem>>, vector<8x1x128xf32>
      %swap3A_1038 = vector.shape_cast %swap3A_1037 : vector<8x1x128xf32> to vector<8x128xf32>
      %swap3A_1039 = vector.shape_cast %get3A_1033 : vector<8x128xf32> to vector<8x1x128xf32>
      tpu.vector_store %arg8[%swap3A_1034, %swap3A_1035, %swap3A_1036], %swap3A_1039 {strides = array<i32>} : memref<8x56x128xf32, #tpu.memory_space<vmem>>, vector<8x1x128xf32>,
      %get3A_1040 = arith.constant 0 : index
      %get3A_1041 = arith.constant 3072 : index
      %get3A_1042 = vector.load %arg2[%get3A_1040, %get3A_1041] : memref<8x7168xi32, #tpu.memory_space<vmem>>, vector<8x128xi32>
      %mul3A_1043 = arith.constant 512 : i32
      %mul3A_1044 = vector.broadcast %mul3A_1043 : i32 to vector<8x128xi32>
      %mul3A_1045 = arith.muli %get3A_1042, %mul3A_1044 : vector<8x128xi32>
      %get3A_1046 = arith.constant 0 : index
      %get3A_1047 = arith.constant 3072 : index
      %get3A_1048 = vector.load %arg1[%get3A_1046, %get3A_1047] : memref<8x7168xi32, #tpu.memory_space<vmem>>, vector<8x128xi32>
      %add3A_1049 = arith.addi %mul3A_1045, %get3A_1048 : vector<8x128xi32>
      %add3A_1050 = arith.addi %add3A_1049, %mul3A_3 : vector<8x128xi32>
      %get3A_1051 = arith.constant 0 : index
      %get3A_1052 = arith.constant 3072 : index
      %get3A_1053 = vector.load %arg4[%get3A_1051, %get3A_1052] : memref<8x7168xi32, #tpu.memory_space<vmem>>, vector<8x128xi32>
      %mul3A_1054 = arith.constant 512 : i32
      %mul3A_1055 = vector.broadcast %mul3A_1054 : i32 to vector<8x128xi32>
      %mul3A_1056 = arith.muli %get3A_1053, %mul3A_1055 : vector<8x128xi32>
      %get3A_1057 = arith.constant 0 : index
      %get3A_1058 = arith.constant 3072 : index
      %get3A_1059 = vector.load %arg3[%get3A_1057, %get3A_1058] : memref<8x7168xi32, #tpu.memory_space<vmem>>, vector<8x128xi32>
      %add3A_1060 = arith.addi %mul3A_1056, %get3A_1059 : vector<8x128xi32>
      %add3A_1061 = arith.addi %add3A_1060, %mul3A_3 : vector<8x128xi32>
      %swap3A_1062 = arith.constant 0 : index
      %swap3A_1063 = arith.constant 24 : index
      %swap3A_1064 = arith.constant 0 : index
      %swap3A_1065 = vector.load %arg6[%swap3A_1062, %swap3A_1063, %swap3A_1064] : memref<8x56x128xi32, #tpu.memory_space<vmem>>, vector<8x1x128xi32>
      %swap3A_1066 = vector.shape_cast %swap3A_1065 : vector<8x1x128xi32> to vector<8x128xi32>
      %swap3A_1067 = vector.shape_cast %add3A_1050 : vector<8x128xi32> to vector<8x1x128xi32>
      tpu.vector_store %arg6[%swap3A_1062, %swap3A_1063, %swap3A_1064], %swap3A_1067 {strides = array<i32>} : memref<8x56x128xi32, #tpu.memory_space<vmem>>, vector<8x1x128xi32>,
      %swap3A_1068 = arith.constant 0 : index
      %swap3A_1069 = arith.constant 24 : index
      %swap3A_1070 = arith.constant 0 : index
      %swap3A_1071 = vector.load %arg7[%swap3A_1068, %swap3A_1069, %swap3A_1070] : memref<8x56x128xi32, #tpu.memory_space<vmem>>, vector<8x1x128xi32>
      %swap3A_1072 = vector.shape_cast %swap3A_1071 : vector<8x1x128xi32> to vector<8x128xi32>
      %swap3A_1073 = vector.shape_cast %add3A_1061 : vector<8x128xi32> to vector<8x1x128xi32>
      tpu.vector_store %arg7[%swap3A_1068, %swap3A_1069, %swap3A_1070], %swap3A_1073 {strides = array<i32>} : memref<8x56x128xi32, #tpu.memory_space<vmem>>, vector<8x1x128xi32>,
      %get3A_1074 = arith.constant 0 : index
      %get3A_1075 = arith.constant 3072 : index
      %get3A_1076 = vector.load %arg5[%get3A_1074, %get3A_1075] : memref<8x7168xf32, #tpu.memory_space<vmem>>, vector<8x128xf32>
      %swap3A_1077 = arith.constant 0 : index
      %swap3A_1078 = arith.constant 24 : index
      %swap3A_1079 = arith.constant 0 : index
      %swap3A_1080 = vector.load %arg8[%swap3A_1077, %swap3A_1078, %swap3A_1079] : memref<8x56x128xf32, #tpu.memory_space<vmem>>, vector<8x1x128xf32>
      %swap3A_1081 = vector.shape_cast %swap3A_1080 : vector<8x1x128xf32> to vector<8x128xf32>
      %swap3A_1082 = vector.shape_cast %get3A_1076 : vector<8x128xf32> to vector<8x1x128xf32>
      tpu.vector_store %arg8[%swap3A_1077, %swap3A_1078, %swap3A_1079], %swap3A_1082 {strides = array<i32>} : memref<8x56x128xf32, #tpu.memory_space<vmem>>, vector<8x1x128xf32>,
      %get3A_1083 = arith.constant 0 : index
      %get3A_1084 = arith.constant 3200 : index
      %get3A_1085 = vector.load %arg2[%get3A_1083, %get3A_1084] : memref<8x7168xi32, #tpu.memory_space<vmem>>, vector<8x128xi32>
      %mul3A_1086 = arith.constant 512 : i32
      %mul3A_1087 = vector.broadcast %mul3A_1086 : i32 to vector<8x128xi32>
      %mul3A_1088 = arith.muli %get3A_1085, %mul3A_1087 : vector<8x128xi32>
      %get3A_1089 = arith.constant 0 : index
      %get3A_1090 = arith.constant 3200 : index
      %get3A_1091 = vector.load %arg1[%get3A_1089, %get3A_1090] : memref<8x7168xi32, #tpu.memory_space<vmem>>, vector<8x128xi32>
      %add3A_1092 = arith.addi %mul3A_1088, %get3A_1091 : vector<8x128xi32>
      %add3A_1093 = arith.addi %add3A_1092, %mul3A_3 : vector<8x128xi32>
      %get3A_1094 = arith.constant 0 : index
      %get3A_1095 = arith.constant 3200 : index
      %get3A_1096 = vector.load %arg4[%get3A_1094, %get3A_1095] : memref<8x7168xi32, #tpu.memory_space<vmem>>, vector<8x128xi32>
      %mul3A_1097 = arith.constant 512 : i32
      %mul3A_1098 = vector.broadcast %mul3A_1097 : i32 to vector<8x128xi32>
      %mul3A_1099 = arith.muli %get3A_1096, %mul3A_1098 : vector<8x128xi32>
      %get3A_1100 = arith.constant 0 : index
      %get3A_1101 = arith.constant 3200 : index
      %get3A_1102 = vector.load %arg3[%get3A_1100, %get3A_1101] : memref<8x7168xi32, #tpu.memory_space<vmem>>, vector<8x128xi32>
      %add3A_1103 = arith.addi %mul3A_1099, %get3A_1102 : vector<8x128xi32>
      %add3A_1104 = arith.addi %add3A_1103, %mul3A_3 : vector<8x128xi32>
      %swap3A_1105 = arith.constant 0 : index
      %swap3A_1106 = arith.constant 25 : index
      %swap3A_1107 = arith.constant 0 : index
      %swap3A_1108 = vector.load %arg6[%swap3A_1105, %swap3A_1106, %swap3A_1107] : memref<8x56x128xi32, #tpu.memory_space<vmem>>, vector<8x1x128xi32>
      %swap3A_1109 = vector.shape_cast %swap3A_1108 : vector<8x1x128xi32> to vector<8x128xi32>
      %swap3A_1110 = vector.shape_cast %add3A_1093 : vector<8x128xi32> to vector<8x1x128xi32>
      tpu.vector_store %arg6[%swap3A_1105, %swap3A_1106, %swap3A_1107], %swap3A_1110 {strides = array<i32>} : memref<8x56x128xi32, #tpu.memory_space<vmem>>, vector<8x1x128xi32>,
      %swap3A_1111 = arith.constant 0 : index
      %swap3A_1112 = arith.constant 25 : index
      %swap3A_1113 = arith.constant 0 : index
      %swap3A_1114 = vector.load %arg7[%swap3A_1111, %swap3A_1112, %swap3A_1113] : memref<8x56x128xi32, #tpu.memory_space<vmem>>, vector<8x1x128xi32>
      %swap3A_1115 = vector.shape_cast %swap3A_1114 : vector<8x1x128xi32> to vector<8x128xi32>
      %swap3A_1116 = vector.shape_cast %add3A_1104 : vector<8x128xi32> to vector<8x1x128xi32>
      tpu.vector_store %arg7[%swap3A_1111, %swap3A_1112, %swap3A_1113], %swap3A_1116 {strides = array<i32>} : memref<8x56x128xi32, #tpu.memory_space<vmem>>, vector<8x1x128xi32>,
      %get3A_1117 = arith.constant 0 : index
      %get3A_1118 = arith.constant 3200 : index
      %get3A_1119 = vector.load %arg5[%get3A_1117, %get3A_1118] : memref<8x7168xf32, #tpu.memory_space<vmem>>, vector<8x128xf32>
      %swap3A_1120 = arith.constant 0 : index
      %swap3A_1121 = arith.constant 25 : index
      %swap3A_1122 = arith.constant 0 : index
      %swap3A_1123 = vector.load %arg8[%swap3A_1120, %swap3A_1121, %swap3A_1122] : memref<8x56x128xf32, #tpu.memory_space<vmem>>, vector<8x1x128xf32>
      %swap3A_1124 = vector.shape_cast %swap3A_1123 : vector<8x1x128xf32> to vector<8x128xf32>
      %swap3A_1125 = vector.shape_cast %get3A_1119 : vector<8x128xf32> to vector<8x1x128xf32>
      tpu.vector_store %arg8[%swap3A_1120, %swap3A_1121, %swap3A_1122], %swap3A_1125 {strides = array<i32>} : memref<8x56x128xf32, #tpu.memory_space<vmem>>, vector<8x1x128xf32>,
      %get3A_1126 = arith.constant 0 : index
      %get3A_1127 = arith.constant 3328 : index
      %get3A_1128 = vector.load %arg2[%get3A_1126, %get3A_1127] : memref<8x7168xi32, #tpu.memory_space<vmem>>, vector<8x128xi32>
      %mul3A_1129 = arith.constant 512 : i32
      %mul3A_1130 = vector.broadcast %mul3A_1129 : i32 to vector<8x128xi32>
      %mul3A_1131 = arith.muli %get3A_1128, %mul3A_1130 : vector<8x128xi32>
      %get3A_1132 = arith.constant 0 : index
      %get3A_1133 = arith.constant 3328 : index
      %get3A_1134 = vector.load %arg1[%get3A_1132, %get3A_1133] : memref<8x7168xi32, #tpu.memory_space<vmem>>, vector<8x128xi32>
      %add3A_1135 = arith.addi %mul3A_1131, %get3A_1134 : vector<8x128xi32>
      %add3A_1136 = arith.addi %add3A_1135, %mul3A_3 : vector<8x128xi32>
      %get3A_1137 = arith.constant 0 : index
      %get3A_1138 = arith.constant 3328 : index
      %get3A_1139 = vector.load %arg4[%get3A_1137, %get3A_1138] : memref<8x7168xi32, #tpu.memory_space<vmem>>, vector<8x128xi32>
      %mul3A_1140 = arith.constant 512 : i32
      %mul3A_1141 = vector.broadcast %mul3A_1140 : i32 to vector<8x128xi32>
      %mul3A_1142 = arith.muli %get3A_1139, %mul3A_1141 : vector<8x128xi32>
      %get3A_1143 = arith.constant 0 : index
      %get3A_1144 = arith.constant 3328 : index
      %get3A_1145 = vector.load %arg3[%get3A_1143, %get3A_1144] : memref<8x7168xi32, #tpu.memory_space<vmem>>, vector<8x128xi32>
      %add3A_1146 = arith.addi %mul3A_1142, %get3A_1145 : vector<8x128xi32>
      %add3A_1147 = arith.addi %add3A_1146, %mul3A_3 : vector<8x128xi32>
      %swap3A_1148 = arith.constant 0 : index
      %swap3A_1149 = arith.constant 26 : index
      %swap3A_1150 = arith.constant 0 : index
      %swap3A_1151 = vector.load %arg6[%swap3A_1148, %swap3A_1149, %swap3A_1150] : memref<8x56x128xi32, #tpu.memory_space<vmem>>, vector<8x1x128xi32>
      %swap3A_1152 = vector.shape_cast %swap3A_1151 : vector<8x1x128xi32> to vector<8x128xi32>
      %swap3A_1153 = vector.shape_cast %add3A_1136 : vector<8x128xi32> to vector<8x1x128xi32>
      tpu.vector_store %arg6[%swap3A_1148, %swap3A_1149, %swap3A_1150], %swap3A_1153 {strides = array<i32>} : memref<8x56x128xi32, #tpu.memory_space<vmem>>, vector<8x1x128xi32>,
      %swap3A_1154 = arith.constant 0 : index
      %swap3A_1155 = arith.constant 26 : index
      %swap3A_1156 = arith.constant 0 : index
      %swap3A_1157 = vector.load %arg7[%swap3A_1154, %swap3A_1155, %swap3A_1156] : memref<8x56x128xi32, #tpu.memory_space<vmem>>, vector<8x1x128xi32>
      %swap3A_1158 = vector.shape_cast %swap3A_1157 : vector<8x1x128xi32> to vector<8x128xi32>
      %swap3A_1159 = vector.shape_cast %add3A_1147 : vector<8x128xi32> to vector<8x1x128xi32>
      tpu.vector_store %arg7[%swap3A_1154, %swap3A_1155, %swap3A_1156], %swap3A_1159 {strides = array<i32>} : memref<8x56x128xi32, #tpu.memory_space<vmem>>, vector<8x1x128xi32>,
      %get3A_1160 = arith.constant 0 : index
      %get3A_1161 = arith.constant 3328 : index
      %get3A_1162 = vector.load %arg5[%get3A_1160, %get3A_1161] : memref<8x7168xf32, #tpu.memory_space<vmem>>, vector<8x128xf32>
      %swap3A_1163 = arith.constant 0 : index
      %swap3A_1164 = arith.constant 26 : index
      %swap3A_1165 = arith.constant 0 : index
      %swap3A_1166 = vector.load %arg8[%swap3A_1163, %swap3A_1164, %swap3A_1165] : memref<8x56x128xf32, #tpu.memory_space<vmem>>, vector<8x1x128xf32>
      %swap3A_1167 = vector.shape_cast %swap3A_1166 : vector<8x1x128xf32> to vector<8x128xf32>
      %swap3A_1168 = vector.shape_cast %get3A_1162 : vector<8x128xf32> to vector<8x1x128xf32>
      tpu.vector_store %arg8[%swap3A_1163, %swap3A_1164, %swap3A_1165], %swap3A_1168 {strides = array<i32>} : memref<8x56x128xf32, #tpu.memory_space<vmem>>, vector<8x1x128xf32>,
      %get3A_1169 = arith.constant 0 : index
      %get3A_1170 = arith.constant 3456 : index
      %get3A_1171 = vector.load %arg2[%get3A_1169, %get3A_1170] : memref<8x7168xi32, #tpu.memory_space<vmem>>, vector<8x128xi32>
      %mul3A_1172 = arith.constant 512 : i32
      %mul3A_1173 = vector.broadcast %mul3A_1172 : i32 to vector<8x128xi32>
      %mul3A_1174 = arith.muli %get3A_1171, %mul3A_1173 : vector<8x128xi32>
      %get3A_1175 = arith.constant 0 : index
      %get3A_1176 = arith.constant 3456 : index
      %get3A_1177 = vector.load %arg1[%get3A_1175, %get3A_1176] : memref<8x7168xi32, #tpu.memory_space<vmem>>, vector<8x128xi32>
      %add3A_1178 = arith.addi %mul3A_1174, %get3A_1177 : vector<8x128xi32>
      %add3A_1179 = arith.addi %add3A_1178, %mul3A_3 : vector<8x128xi32>
      %get3A_1180 = arith.constant 0 : index
      %get3A_1181 = arith.constant 3456 : index
      %get3A_1182 = vector.load %arg4[%get3A_1180, %get3A_1181] : memref<8x7168xi32, #tpu.memory_space<vmem>>, vector<8x128xi32>
      %mul3A_1183 = arith.constant 512 : i32
      %mul3A_1184 = vector.broadcast %mul3A_1183 : i32 to vector<8x128xi32>
      %mul3A_1185 = arith.muli %get3A_1182, %mul3A_1184 : vector<8x128xi32>
      %get3A_1186 = arith.constant 0 : index
      %get3A_1187 = arith.constant 3456 : index
      %get3A_1188 = vector.load %arg3[%get3A_1186, %get3A_1187] : memref<8x7168xi32, #tpu.memory_space<vmem>>, vector<8x128xi32>
      %add3A_1189 = arith.addi %mul3A_1185, %get3A_1188 : vector<8x128xi32>
      %add3A_1190 = arith.addi %add3A_1189, %mul3A_3 : vector<8x128xi32>
      %swap3A_1191 = arith.constant 0 : index
      %swap3A_1192 = arith.constant 27 : index
      %swap3A_1193 = arith.constant 0 : index
      %swap3A_1194 = vector.load %arg6[%swap3A_1191, %swap3A_1192, %swap3A_1193] : memref<8x56x128xi32, #tpu.memory_space<vmem>>, vector<8x1x128xi32>
      %swap3A_1195 = vector.shape_cast %swap3A_1194 : vector<8x1x128xi32> to vector<8x128xi32>
      %swap3A_1196 = vector.shape_cast %add3A_1179 : vector<8x128xi32> to vector<8x1x128xi32>
      tpu.vector_store %arg6[%swap3A_1191, %swap3A_1192, %swap3A_1193], %swap3A_1196 {strides = array<i32>} : memref<8x56x128xi32, #tpu.memory_space<vmem>>, vector<8x1x128xi32>,
      %swap3A_1197 = arith.constant 0 : index
      %swap3A_1198 = arith.constant 27 : index
      %swap3A_1199 = arith.constant 0 : index
      %swap3A_1200 = vector.load %arg7[%swap3A_1197, %swap3A_1198, %swap3A_1199] : memref<8x56x128xi32, #tpu.memory_space<vmem>>, vector<8x1x128xi32>
      %swap3A_1201 = vector.shape_cast %swap3A_1200 : vector<8x1x128xi32> to vector<8x128xi32>
      %swap3A_1202 = vector.shape_cast %add3A_1190 : vector<8x128xi32> to vector<8x1x128xi32>
      tpu.vector_store %arg7[%swap3A_1197, %swap3A_1198, %swap3A_1199], %swap3A_1202 {strides = array<i32>} : memref<8x56x128xi32, #tpu.memory_space<vmem>>, vector<8x1x128xi32>,
      %get3A_1203 = arith.constant 0 : index
      %get3A_1204 = arith.constant 3456 : index
      %get3A_1205 = vector.load %arg5[%get3A_1203, %get3A_1204] : memref<8x7168xf32, #tpu.memory_space<vmem>>, vector<8x128xf32>
      %swap3A_1206 = arith.constant 0 : index
      %swap3A_1207 = arith.constant 27 : index
      %swap3A_1208 = arith.constant 0 : index
      %swap3A_1209 = vector.load %arg8[%swap3A_1206, %swap3A_1207, %swap3A_1208] : memref<8x56x128xf32, #tpu.memory_space<vmem>>, vector<8x1x128xf32>
      %swap3A_1210 = vector.shape_cast %swap3A_1209 : vector<8x1x128xf32> to vector<8x128xf32>
      %swap3A_1211 = vector.shape_cast %get3A_1205 : vector<8x128xf32> to vector<8x1x128xf32>
      tpu.vector_store %arg8[%swap3A_1206, %swap3A_1207, %swap3A_1208], %swap3A_1211 {strides = array<i32>} : memref<8x56x128xf32, #tpu.memory_space<vmem>>, vector<8x1x128xf32>,
      %get3A_1212 = arith.constant 0 : index
      %get3A_1213 = arith.constant 3584 : index
      %get3A_1214 = vector.load %arg2[%get3A_1212, %get3A_1213] : memref<8x7168xi32, #tpu.memory_space<vmem>>, vector<8x128xi32>
      %mul3A_1215 = arith.constant 512 : i32
      %mul3A_1216 = vector.broadcast %mul3A_1215 : i32 to vector<8x128xi32>
      %mul3A_1217 = arith.muli %get3A_1214, %mul3A_1216 : vector<8x128xi32>
      %get3A_1218 = arith.constant 0 : index
      %get3A_1219 = arith.constant 3584 : index
      %get3A_1220 = vector.load %arg1[%get3A_1218, %get3A_1219] : memref<8x7168xi32, #tpu.memory_space<vmem>>, vector<8x128xi32>
      %add3A_1221 = arith.addi %mul3A_1217, %get3A_1220 : vector<8x128xi32>
      %add3A_1222 = arith.addi %add3A_1221, %mul3A_3 : vector<8x128xi32>
      %get3A_1223 = arith.constant 0 : index
      %get3A_1224 = arith.constant 3584 : index
      %get3A_1225 = vector.load %arg4[%get3A_1223, %get3A_1224] : memref<8x7168xi32, #tpu.memory_space<vmem>>, vector<8x128xi32>
      %mul3A_1226 = arith.constant 512 : i32
      %mul3A_1227 = vector.broadcast %mul3A_1226 : i32 to vector<8x128xi32>
      %mul3A_1228 = arith.muli %get3A_1225, %mul3A_1227 : vector<8x128xi32>
      %get3A_1229 = arith.constant 0 : index
      %get3A_1230 = arith.constant 3584 : index
      %get3A_1231 = vector.load %arg3[%get3A_1229, %get3A_1230] : memref<8x7168xi32, #tpu.memory_space<vmem>>, vector<8x128xi32>
      %add3A_1232 = arith.addi %mul3A_1228, %get3A_1231 : vector<8x128xi32>
      %add3A_1233 = arith.addi %add3A_1232, %mul3A_3 : vector<8x128xi32>
      %swap3A_1234 = arith.constant 0 : index
      %swap3A_1235 = arith.constant 28 : index
      %swap3A_1236 = arith.constant 0 : index
      %swap3A_1237 = vector.load %arg6[%swap3A_1234, %swap3A_1235, %swap3A_1236] : memref<8x56x128xi32, #tpu.memory_space<vmem>>, vector<8x1x128xi32>
      %swap3A_1238 = vector.shape_cast %swap3A_1237 : vector<8x1x128xi32> to vector<8x128xi32>
      %swap3A_1239 = vector.shape_cast %add3A_1222 : vector<8x128xi32> to vector<8x1x128xi32>
      tpu.vector_store %arg6[%swap3A_1234, %swap3A_1235, %swap3A_1236], %swap3A_1239 {strides = array<i32>} : memref<8x56x128xi32, #tpu.memory_space<vmem>>, vector<8x1x128xi32>,
      %swap3A_1240 = arith.constant 0 : index
      %swap3A_1241 = arith.constant 28 : index
      %swap3A_1242 = arith.constant 0 : index
      %swap3A_1243 = vector.load %arg7[%swap3A_1240, %swap3A_1241, %swap3A_1242] : memref<8x56x128xi32, #tpu.memory_space<vmem>>, vector<8x1x128xi32>
      %swap3A_1244 = vector.shape_cast %swap3A_1243 : vector<8x1x128xi32> to vector<8x128xi32>
      %swap3A_1245 = vector.shape_cast %add3A_1233 : vector<8x128xi32> to vector<8x1x128xi32>
      tpu.vector_store %arg7[%swap3A_1240, %swap3A_1241, %swap3A_1242], %swap3A_1245 {strides = array<i32>} : memref<8x56x128xi32, #tpu.memory_space<vmem>>, vector<8x1x128xi32>,
      %get3A_1246 = arith.constant 0 : index
      %get3A_1247 = arith.constant 3584 : index
      %get3A_1248 = vector.load %arg5[%get3A_1246, %get3A_1247] : memref<8x7168xf32, #tpu.memory_space<vmem>>, vector<8x128xf32>
      %swap3A_1249 = arith.constant 0 : index
      %swap3A_1250 = arith.constant 28 : index
      %swap3A_1251 = arith.constant 0 : index
      %swap3A_1252 = vector.load %arg8[%swap3A_1249, %swap3A_1250, %swap3A_1251] : memref<8x56x128xf32, #tpu.memory_space<vmem>>, vector<8x1x128xf32>
      %swap3A_1253 = vector.shape_cast %swap3A_1252 : vector<8x1x128xf32> to vector<8x128xf32>
      %swap3A_1254 = vector.shape_cast %get3A_1248 : vector<8x128xf32> to vector<8x1x128xf32>
      tpu.vector_store %arg8[%swap3A_1249, %swap3A_1250, %swap3A_1251], %swap3A_1254 {strides = array<i32>} : memref<8x56x128xf32, #tpu.memory_space<vmem>>, vector<8x1x128xf32>,
      %get3A_1255 = arith.constant 0 : index
      %get3A_1256 = arith.constant 3712 : index
      %get3A_1257 = vector.load %arg2[%get3A_1255, %get3A_1256] : memref<8x7168xi32, #tpu.memory_space<vmem>>, vector<8x128xi32>
      %mul3A_1258 = arith.constant 512 : i32
      %mul3A_1259 = vector.broadcast %mul3A_1258 : i32 to vector<8x128xi32>
      %mul3A_1260 = arith.muli %get3A_1257, %mul3A_1259 : vector<8x128xi32>
      %get3A_1261 = arith.constant 0 : index
      %get3A_1262 = arith.constant 3712 : index
      %get3A_1263 = vector.load %arg1[%get3A_1261, %get3A_1262] : memref<8x7168xi32, #tpu.memory_space<vmem>>, vector<8x128xi32>
      %add3A_1264 = arith.addi %mul3A_1260, %get3A_1263 : vector<8x128xi32>
      %add3A_1265 = arith.addi %add3A_1264, %mul3A_3 : vector<8x128xi32>
      %get3A_1266 = arith.constant 0 : index
      %get3A_1267 = arith.constant 3712 : index
      %get3A_1268 = vector.load %arg4[%get3A_1266, %get3A_1267] : memref<8x7168xi32, #tpu.memory_space<vmem>>, vector<8x128xi32>
      %mul3A_1269 = arith.constant 512 : i32
      %mul3A_1270 = vector.broadcast %mul3A_1269 : i32 to vector<8x128xi32>
      %mul3A_1271 = arith.muli %get3A_1268, %mul3A_1270 : vector<8x128xi32>
      %get3A_1272 = arith.constant 0 : index
      %get3A_1273 = arith.constant 3712 : index
      %get3A_1274 = vector.load %arg3[%get3A_1272, %get3A_1273] : memref<8x7168xi32, #tpu.memory_space<vmem>>, vector<8x128xi32>
      %add3A_1275 = arith.addi %mul3A_1271, %get3A_1274 : vector<8x128xi32>
      %add3A_1276 = arith.addi %add3A_1275, %mul3A_3 : vector<8x128xi32>
      %swap3A_1277 = arith.constant 0 : index
      %swap3A_1278 = arith.constant 29 : index
      %swap3A_1279 = arith.constant 0 : index
      %swap3A_1280 = vector.load %arg6[%swap3A_1277, %swap3A_1278, %swap3A_1279] : memref<8x56x128xi32, #tpu.memory_space<vmem>>, vector<8x1x128xi32>
      %swap3A_1281 = vector.shape_cast %swap3A_1280 : vector<8x1x128xi32> to vector<8x128xi32>
      %swap3A_1282 = vector.shape_cast %add3A_1265 : vector<8x128xi32> to vector<8x1x128xi32>
      tpu.vector_store %arg6[%swap3A_1277, %swap3A_1278, %swap3A_1279], %swap3A_1282 {strides = array<i32>} : memref<8x56x128xi32, #tpu.memory_space<vmem>>, vector<8x1x128xi32>,
      %swap3A_1283 = arith.constant 0 : index
      %swap3A_1284 = arith.constant 29 : index
      %swap3A_1285 = arith.constant 0 : index
      %swap3A_1286 = vector.load %arg7[%swap3A_1283, %swap3A_1284, %swap3A_1285] : memref<8x56x128xi32, #tpu.memory_space<vmem>>, vector<8x1x128xi32>
      %swap3A_1287 = vector.shape_cast %swap3A_1286 : vector<8x1x128xi32> to vector<8x128xi32>
      %swap3A_1288 = vector.shape_cast %add3A_1276 : vector<8x128xi32> to vector<8x1x128xi32>
      tpu.vector_store %arg7[%swap3A_1283, %swap3A_1284, %swap3A_1285], %swap3A_1288 {strides = array<i32>} : memref<8x56x128xi32, #tpu.memory_space<vmem>>, vector<8x1x128xi32>,
      %get3A_1289 = arith.constant 0 : index
      %get3A_1290 = arith.constant 3712 : index
      %get3A_1291 = vector.load %arg5[%get3A_1289, %get3A_1290] : memref<8x7168xf32, #tpu.memory_space<vmem>>, vector<8x128xf32>
      %swap3A_1292 = arith.constant 0 : index
      %swap3A_1293 = arith.constant 29 : index
      %swap3A_1294 = arith.constant 0 : index
      %swap3A_1295 = vector.load %arg8[%swap3A_1292, %swap3A_1293, %swap3A_1294] : memref<8x56x128xf32, #tpu.memory_space<vmem>>, vector<8x1x128xf32>
      %swap3A_1296 = vector.shape_cast %swap3A_1295 : vector<8x1x128xf32> to vector<8x128xf32>
      %swap3A_1297 = vector.shape_cast %get3A_1291 : vector<8x128xf32> to vector<8x1x128xf32>
      tpu.vector_store %arg8[%swap3A_1292, %swap3A_1293, %swap3A_1294], %swap3A_1297 {strides = array<i32>} : memref<8x56x128xf32, #tpu.memory_space<vmem>>, vector<8x1x128xf32>,
      %get3A_1298 = arith.constant 0 : index
      %get3A_1299 = arith.constant 3840 : index
      %get3A_1300 = vector.load %arg2[%get3A_1298, %get3A_1299] : memref<8x7168xi32, #tpu.memory_space<vmem>>, vector<8x128xi32>
      %mul3A_1301 = arith.constant 512 : i32
      %mul3A_1302 = vector.broadcast %mul3A_1301 : i32 to vector<8x128xi32>
      %mul3A_1303 = arith.muli %get3A_1300, %mul3A_1302 : vector<8x128xi32>
      %get3A_1304 = arith.constant 0 : index
      %get3A_1305 = arith.constant 3840 : index
      %get3A_1306 = vector.load %arg1[%get3A_1304, %get3A_1305] : memref<8x7168xi32, #tpu.memory_space<vmem>>, vector<8x128xi32>
      %add3A_1307 = arith.addi %mul3A_1303, %get3A_1306 : vector<8x128xi32>
      %add3A_1308 = arith.addi %add3A_1307, %mul3A_3 : vector<8x128xi32>
      %get3A_1309 = arith.constant 0 : index
      %get3A_1310 = arith.constant 3840 : index
      %get3A_1311 = vector.load %arg4[%get3A_1309, %get3A_1310] : memref<8x7168xi32, #tpu.memory_space<vmem>>, vector<8x128xi32>
      %mul3A_1312 = arith.constant 512 : i32
      %mul3A_1313 = vector.broadcast %mul3A_1312 : i32 to vector<8x128xi32>
      %mul3A_1314 = arith.muli %get3A_1311, %mul3A_1313 : vector<8x128xi32>
      %get3A_1315 = arith.constant 0 : index
      %get3A_1316 = arith.constant 3840 : index
      %get3A_1317 = vector.load %arg3[%get3A_1315, %get3A_1316] : memref<8x7168xi32, #tpu.memory_space<vmem>>, vector<8x128xi32>
      %add3A_1318 = arith.addi %mul3A_1314, %get3A_1317 : vector<8x128xi32>
      %add3A_1319 = arith.addi %add3A_1318, %mul3A_3 : vector<8x128xi32>
      %swap3A_1320 = arith.constant 0 : index
      %swap3A_1321 = arith.constant 30 : index
      %swap3A_1322 = arith.constant 0 : index
      %swap3A_1323 = vector.load %arg6[%swap3A_1320, %swap3A_1321, %swap3A_1322] : memref<8x56x128xi32, #tpu.memory_space<vmem>>, vector<8x1x128xi32>
      %swap3A_1324 = vector.shape_cast %swap3A_1323 : vector<8x1x128xi32> to vector<8x128xi32>
      %swap3A_1325 = vector.shape_cast %add3A_1308 : vector<8x128xi32> to vector<8x1x128xi32>
      tpu.vector_store %arg6[%swap3A_1320, %swap3A_1321, %swap3A_1322], %swap3A_1325 {strides = array<i32>} : memref<8x56x128xi32, #tpu.memory_space<vmem>>, vector<8x1x128xi32>,
      %swap3A_1326 = arith.constant 0 : index
      %swap3A_1327 = arith.constant 30 : index
      %swap3A_1328 = arith.constant 0 : index
      %swap3A_1329 = vector.load %arg7[%swap3A_1326, %swap3A_1327, %swap3A_1328] : memref<8x56x128xi32, #tpu.memory_space<vmem>>, vector<8x1x128xi32>
      %swap3A_1330 = vector.shape_cast %swap3A_1329 : vector<8x1x128xi32> to vector<8x128xi32>
      %swap3A_1331 = vector.shape_cast %add3A_1319 : vector<8x128xi32> to vector<8x1x128xi32>
      tpu.vector_store %arg7[%swap3A_1326, %swap3A_1327, %swap3A_1328], %swap3A_1331 {strides = array<i32>} : memref<8x56x128xi32, #tpu.memory_space<vmem>>, vector<8x1x128xi32>,
      %get3A_1332 = arith.constant 0 : index
      %get3A_1333 = arith.constant 3840 : index
      %get3A_1334 = vector.load %arg5[%get3A_1332, %get3A_1333] : memref<8x7168xf32, #tpu.memory_space<vmem>>, vector<8x128xf32>
      %swap3A_1335 = arith.constant 0 : index
      %swap3A_1336 = arith.constant 30 : index
      %swap3A_1337 = arith.constant 0 : index
      %swap3A_1338 = vector.load %arg8[%swap3A_1335, %swap3A_1336, %swap3A_1337] : memref<8x56x128xf32, #tpu.memory_space<vmem>>, vector<8x1x128xf32>
      %swap3A_1339 = vector.shape_cast %swap3A_1338 : vector<8x1x128xf32> to vector<8x128xf32>
      %swap3A_1340 = vector.shape_cast %get3A_1334 : vector<8x128xf32> to vector<8x1x128xf32>
      tpu.vector_store %arg8[%swap3A_1335, %swap3A_1336, %swap3A_1337], %swap3A_1340 {strides = array<i32>} : memref<8x56x128xf32, #tpu.memory_space<vmem>>, vector<8x1x128xf32>,
      %get3A_1341 = arith.constant 0 : index
      %get3A_1342 = arith.constant 3968 : index
      %get3A_1343 = vector.load %arg2[%get3A_1341, %get3A_1342] : memref<8x7168xi32, #tpu.memory_space<vmem>>, vector<8x128xi32>
      %mul3A_1344 = arith.constant 512 : i32
      %mul3A_1345 = vector.broadcast %mul3A_1344 : i32 to vector<8x128xi32>
      %mul3A_1346 = arith.muli %get3A_1343, %mul3A_1345 : vector<8x128xi32>
      %get3A_1347 = arith.constant 0 : index
      %get3A_1348 = arith.constant 3968 : index
      %get3A_1349 = vector.load %arg1[%get3A_1347, %get3A_1348] : memref<8x7168xi32, #tpu.memory_space<vmem>>, vector<8x128xi32>
      %add3A_1350 = arith.addi %mul3A_1346, %get3A_1349 : vector<8x128xi32>
      %add3A_1351 = arith.addi %add3A_1350, %mul3A_3 : vector<8x128xi32>
      %get3A_1352 = arith.constant 0 : index
      %get3A_1353 = arith.constant 3968 : index
      %get3A_1354 = vector.load %arg4[%get3A_1352, %get3A_1353] : memref<8x7168xi32, #tpu.memory_space<vmem>>, vector<8x128xi32>
      %mul3A_1355 = arith.constant 512 : i32
      %mul3A_1356 = vector.broadcast %mul3A_1355 : i32 to vector<8x128xi32>
      %mul3A_1357 = arith.muli %get3A_1354, %mul3A_1356 : vector<8x128xi32>
      %get3A_1358 = arith.constant 0 : index
      %get3A_1359 = arith.constant 3968 : index
      %get3A_1360 = vector.load %arg3[%get3A_1358, %get3A_1359] : memref<8x7168xi32, #tpu.memory_space<vmem>>, vector<8x128xi32>
      %add3A_1361 = arith.addi %mul3A_1357, %get3A_1360 : vector<8x128xi32>
      %add3A_1362 = arith.addi %add3A_1361, %mul3A_3 : vector<8x128xi32>
      %swap3A_1363 = arith.constant 0 : index
      %swap3A_1364 = arith.constant 31 : index
      %swap3A_1365 = arith.constant 0 : index
      %swap3A_1366 = vector.load %arg6[%swap3A_1363, %swap3A_1364, %swap3A_1365] : memref<8x56x128xi32, #tpu.memory_space<vmem>>, vector<8x1x128xi32>
      %swap3A_1367 = vector.shape_cast %swap3A_1366 : vector<8x1x128xi32> to vector<8x128xi32>
      %swap3A_1368 = vector.shape_cast %add3A_1351 : vector<8x128xi32> to vector<8x1x128xi32>
      tpu.vector_store %arg6[%swap3A_1363, %swap3A_1364, %swap3A_1365], %swap3A_1368 {strides = array<i32>} : memref<8x56x128xi32, #tpu.memory_space<vmem>>, vector<8x1x128xi32>,
      %swap3A_1369 = arith.constant 0 : index
      %swap3A_1370 = arith.constant 31 : index
      %swap3A_1371 = arith.constant 0 : index
      %swap3A_1372 = vector.load %arg7[%swap3A_1369, %swap3A_1370, %swap3A_1371] : memref<8x56x128xi32, #tpu.memory_space<vmem>>, vector<8x1x128xi32>
      %swap3A_1373 = vector.shape_cast %swap3A_1372 : vector<8x1x128xi32> to vector<8x128xi32>
      %swap3A_1374 = vector.shape_cast %add3A_1362 : vector<8x128xi32> to vector<8x1x128xi32>
      tpu.vector_store %arg7[%swap3A_1369, %swap3A_1370, %swap3A_1371], %swap3A_1374 {strides = array<i32>} : memref<8x56x128xi32, #tpu.memory_space<vmem>>, vector<8x1x128xi32>,
      %get3A_1375 = arith.constant 0 : index
      %get3A_1376 = arith.constant 3968 : index
      %get3A_1377 = vector.load %arg5[%get3A_1375, %get3A_1376] : memref<8x7168xf32, #tpu.memory_space<vmem>>, vector<8x128xf32>
      %swap3A_1378 = arith.constant 0 : index
      %swap3A_1379 = arith.constant 31 : index
      %swap3A_1380 = arith.constant 0 : index
      %swap3A_1381 = vector.load %arg8[%swap3A_1378, %swap3A_1379, %swap3A_1380] : memref<8x56x128xf32, #tpu.memory_space<vmem>>, vector<8x1x128xf32>
      %swap3A_1382 = vector.shape_cast %swap3A_1381 : vector<8x1x128xf32> to vector<8x128xf32>
      %swap3A_1383 = vector.shape_cast %get3A_1377 : vector<8x128xf32> to vector<8x1x128xf32>
      tpu.vector_store %arg8[%swap3A_1378, %swap3A_1379, %swap3A_1380], %swap3A_1383 {strides = array<i32>} : memref<8x56x128xf32, #tpu.memory_space<vmem>>, vector<8x1x128xf32>,
      %get3A_1384 = arith.constant 0 : index
      %get3A_1385 = arith.constant 4096 : index
      %get3A_1386 = vector.load %arg2[%get3A_1384, %get3A_1385] : memref<8x7168xi32, #tpu.memory_space<vmem>>, vector<8x128xi32>
      %mul3A_1387 = arith.constant 512 : i32
      %mul3A_1388 = vector.broadcast %mul3A_1387 : i32 to vector<8x128xi32>
      %mul3A_1389 = arith.muli %get3A_1386, %mul3A_1388 : vector<8x128xi32>
      %get3A_1390 = arith.constant 0 : index
      %get3A_1391 = arith.constant 4096 : index
      %get3A_1392 = vector.load %arg1[%get3A_1390, %get3A_1391] : memref<8x7168xi32, #tpu.memory_space<vmem>>, vector<8x128xi32>
      %add3A_1393 = arith.addi %mul3A_1389, %get3A_1392 : vector<8x128xi32>
      %add3A_1394 = arith.addi %add3A_1393, %mul3A_3 : vector<8x128xi32>
      %get3A_1395 = arith.constant 0 : index
      %get3A_1396 = arith.constant 4096 : index
      %get3A_1397 = vector.load %arg4[%get3A_1395, %get3A_1396] : memref<8x7168xi32, #tpu.memory_space<vmem>>, vector<8x128xi32>
      %mul3A_1398 = arith.constant 512 : i32
      %mul3A_1399 = vector.broadcast %mul3A_1398 : i32 to vector<8x128xi32>
      %mul3A_1400 = arith.muli %get3A_1397, %mul3A_1399 : vector<8x128xi32>
      %get3A_1401 = arith.constant 0 : index
      %get3A_1402 = arith.constant 4096 : index
      %get3A_1403 = vector.load %arg3[%get3A_1401, %get3A_1402] : memref<8x7168xi32, #tpu.memory_space<vmem>>, vector<8x128xi32>
      %add3A_1404 = arith.addi %mul3A_1400, %get3A_1403 : vector<8x128xi32>
      %add3A_1405 = arith.addi %add3A_1404, %mul3A_3 : vector<8x128xi32>
      %swap3A_1406 = arith.constant 0 : index
      %swap3A_1407 = arith.constant 32 : index
      %swap3A_1408 = arith.constant 0 : index
      %swap3A_1409 = vector.load %arg6[%swap3A_1406, %swap3A_1407, %swap3A_1408] : memref<8x56x128xi32, #tpu.memory_space<vmem>>, vector<8x1x128xi32>
      %swap3A_1410 = vector.shape_cast %swap3A_1409 : vector<8x1x128xi32> to vector<8x128xi32>
      %swap3A_1411 = vector.shape_cast %add3A_1394 : vector<8x128xi32> to vector<8x1x128xi32>
      tpu.vector_store %arg6[%swap3A_1406, %swap3A_1407, %swap3A_1408], %swap3A_1411 {strides = array<i32>} : memref<8x56x128xi32, #tpu.memory_space<vmem>>, vector<8x1x128xi32>,
      %swap3A_1412 = arith.constant 0 : index
      %swap3A_1413 = arith.constant 32 : index
      %swap3A_1414 = arith.constant 0 : index
      %swap3A_1415 = vector.load %arg7[%swap3A_1412, %swap3A_1413, %swap3A_1414] : memref<8x56x128xi32, #tpu.memory_space<vmem>>, vector<8x1x128xi32>
      %swap3A_1416 = vector.shape_cast %swap3A_1415 : vector<8x1x128xi32> to vector<8x128xi32>
      %swap3A_1417 = vector.shape_cast %add3A_1405 : vector<8x128xi32> to vector<8x1x128xi32>
      tpu.vector_store %arg7[%swap3A_1412, %swap3A_1413, %swap3A_1414], %swap3A_1417 {strides = array<i32>} : memref<8x56x128xi32, #tpu.memory_space<vmem>>, vector<8x1x128xi32>,
      %get3A_1418 = arith.constant 0 : index
      %get3A_1419 = arith.constant 4096 : index
      %get3A_1420 = vector.load %arg5[%get3A_1418, %get3A_1419] : memref<8x7168xf32, #tpu.memory_space<vmem>>, vector<8x128xf32>
      %swap3A_1421 = arith.constant 0 : index
      %swap3A_1422 = arith.constant 32 : index
      %swap3A_1423 = arith.constant 0 : index
      %swap3A_1424 = vector.load %arg8[%swap3A_1421, %swap3A_1422, %swap3A_1423] : memref<8x56x128xf32, #tpu.memory_space<vmem>>, vector<8x1x128xf32>
      %swap3A_1425 = vector.shape_cast %swap3A_1424 : vector<8x1x128xf32> to vector<8x128xf32>
      %swap3A_1426 = vector.shape_cast %get3A_1420 : vector<8x128xf32> to vector<8x1x128xf32>
      tpu.vector_store %arg8[%swap3A_1421, %swap3A_1422, %swap3A_1423], %swap3A_1426 {strides = array<i32>} : memref<8x56x128xf32, #tpu.memory_space<vmem>>, vector<8x1x128xf32>,
      %get3A_1427 = arith.constant 0 : index
      %get3A_1428 = arith.constant 4224 : index
      %get3A_1429 = vector.load %arg2[%get3A_1427, %get3A_1428] : memref<8x7168xi32, #tpu.memory_space<vmem>>, vector<8x128xi32>
      %mul3A_1430 = arith.constant 512 : i32
      %mul3A_1431 = vector.broadcast %mul3A_1430 : i32 to vector<8x128xi32>
      %mul3A_1432 = arith.muli %get3A_1429, %mul3A_1431 : vector<8x128xi32>
      %get3A_1433 = arith.constant 0 : index
      %get3A_1434 = arith.constant 4224 : index
      %get3A_1435 = vector.load %arg1[%get3A_1433, %get3A_1434] : memref<8x7168xi32, #tpu.memory_space<vmem>>, vector<8x128xi32>
      %add3A_1436 = arith.addi %mul3A_1432, %get3A_1435 : vector<8x128xi32>
      %add3A_1437 = arith.addi %add3A_1436, %mul3A_3 : vector<8x128xi32>
      %get3A_1438 = arith.constant 0 : index
      %get3A_1439 = arith.constant 4224 : index
      %get3A_1440 = vector.load %arg4[%get3A_1438, %get3A_1439] : memref<8x7168xi32, #tpu.memory_space<vmem>>, vector<8x128xi32>
      %mul3A_1441 = arith.constant 512 : i32
      %mul3A_1442 = vector.broadcast %mul3A_1441 : i32 to vector<8x128xi32>
      %mul3A_1443 = arith.muli %get3A_1440, %mul3A_1442 : vector<8x128xi32>
      %get3A_1444 = arith.constant 0 : index
      %get3A_1445 = arith.constant 4224 : index
      %get3A_1446 = vector.load %arg3[%get3A_1444, %get3A_1445] : memref<8x7168xi32, #tpu.memory_space<vmem>>, vector<8x128xi32>
      %add3A_1447 = arith.addi %mul3A_1443, %get3A_1446 : vector<8x128xi32>
      %add3A_1448 = arith.addi %add3A_1447, %mul3A_3 : vector<8x128xi32>
      %swap3A_1449 = arith.constant 0 : index
      %swap3A_1450 = arith.constant 33 : index
      %swap3A_1451 = arith.constant 0 : index
      %swap3A_1452 = vector.load %arg6[%swap3A_1449, %swap3A_1450, %swap3A_1451] : memref<8x56x128xi32, #tpu.memory_space<vmem>>, vector<8x1x128xi32>
      %swap3A_1453 = vector.shape_cast %swap3A_1452 : vector<8x1x128xi32> to vector<8x128xi32>
      %swap3A_1454 = vector.shape_cast %add3A_1437 : vector<8x128xi32> to vector<8x1x128xi32>
      tpu.vector_store %arg6[%swap3A_1449, %swap3A_1450, %swap3A_1451], %swap3A_1454 {strides = array<i32>} : memref<8x56x128xi32, #tpu.memory_space<vmem>>, vector<8x1x128xi32>,
      %swap3A_1455 = arith.constant 0 : index
      %swap3A_1456 = arith.constant 33 : index
      %swap3A_1457 = arith.constant 0 : index
      %swap3A_1458 = vector.load %arg7[%swap3A_1455, %swap3A_1456, %swap3A_1457] : memref<8x56x128xi32, #tpu.memory_space<vmem>>, vector<8x1x128xi32>
      %swap3A_1459 = vector.shape_cast %swap3A_1458 : vector<8x1x128xi32> to vector<8x128xi32>
      %swap3A_1460 = vector.shape_cast %add3A_1448 : vector<8x128xi32> to vector<8x1x128xi32>
      tpu.vector_store %arg7[%swap3A_1455, %swap3A_1456, %swap3A_1457], %swap3A_1460 {strides = array<i32>} : memref<8x56x128xi32, #tpu.memory_space<vmem>>, vector<8x1x128xi32>,
      %get3A_1461 = arith.constant 0 : index
      %get3A_1462 = arith.constant 4224 : index
      %get3A_1463 = vector.load %arg5[%get3A_1461, %get3A_1462] : memref<8x7168xf32, #tpu.memory_space<vmem>>, vector<8x128xf32>
      %swap3A_1464 = arith.constant 0 : index
      %swap3A_1465 = arith.constant 33 : index
      %swap3A_1466 = arith.constant 0 : index
      %swap3A_1467 = vector.load %arg8[%swap3A_1464, %swap3A_1465, %swap3A_1466] : memref<8x56x128xf32, #tpu.memory_space<vmem>>, vector<8x1x128xf32>
      %swap3A_1468 = vector.shape_cast %swap3A_1467 : vector<8x1x128xf32> to vector<8x128xf32>
      %swap3A_1469 = vector.shape_cast %get3A_1463 : vector<8x128xf32> to vector<8x1x128xf32>
      tpu.vector_store %arg8[%swap3A_1464, %swap3A_1465, %swap3A_1466], %swap3A_1469 {strides = array<i32>} : memref<8x56x128xf32, #tpu.memory_space<vmem>>, vector<8x1x128xf32>,
      %get3A_1470 = arith.constant 0 : index
      %get3A_1471 = arith.constant 4352 : index
      %get3A_1472 = vector.load %arg2[%get3A_1470, %get3A_1471] : memref<8x7168xi32, #tpu.memory_space<vmem>>, vector<8x128xi32>
      %mul3A_1473 = arith.constant 512 : i32
      %mul3A_1474 = vector.broadcast %mul3A_1473 : i32 to vector<8x128xi32>
      %mul3A_1475 = arith.muli %get3A_1472, %mul3A_1474 : vector<8x128xi32>
      %get3A_1476 = arith.constant 0 : index
      %get3A_1477 = arith.constant 4352 : index
      %get3A_1478 = vector.load %arg1[%get3A_1476, %get3A_1477] : memref<8x7168xi32, #tpu.memory_space<vmem>>, vector<8x128xi32>
      %add3A_1479 = arith.addi %mul3A_1475, %get3A_1478 : vector<8x128xi32>
      %add3A_1480 = arith.addi %add3A_1479, %mul3A_3 : vector<8x128xi32>
      %get3A_1481 = arith.constant 0 : index
      %get3A_1482 = arith.constant 4352 : index
      %get3A_1483 = vector.load %arg4[%get3A_1481, %get3A_1482] : memref<8x7168xi32, #tpu.memory_space<vmem>>, vector<8x128xi32>
      %mul3A_1484 = arith.constant 512 : i32
      %mul3A_1485 = vector.broadcast %mul3A_1484 : i32 to vector<8x128xi32>
      %mul3A_1486 = arith.muli %get3A_1483, %mul3A_1485 : vector<8x128xi32>
      %get3A_1487 = arith.constant 0 : index
      %get3A_1488 = arith.constant 4352 : index
      %get3A_1489 = vector.load %arg3[%get3A_1487, %get3A_1488] : memref<8x7168xi32, #tpu.memory_space<vmem>>, vector<8x128xi32>
      %add3A_1490 = arith.addi %mul3A_1486, %get3A_1489 : vector<8x128xi32>
      %add3A_1491 = arith.addi %add3A_1490, %mul3A_3 : vector<8x128xi32>
      %swap3A_1492 = arith.constant 0 : index
      %swap3A_1493 = arith.constant 34 : index
      %swap3A_1494 = arith.constant 0 : index
      %swap3A_1495 = vector.load %arg6[%swap3A_1492, %swap3A_1493, %swap3A_1494] : memref<8x56x128xi32, #tpu.memory_space<vmem>>, vector<8x1x128xi32>
      %swap3A_1496 = vector.shape_cast %swap3A_1495 : vector<8x1x128xi32> to vector<8x128xi32>
      %swap3A_1497 = vector.shape_cast %add3A_1480 : vector<8x128xi32> to vector<8x1x128xi32>
      tpu.vector_store %arg6[%swap3A_1492, %swap3A_1493, %swap3A_1494], %swap3A_1497 {strides = array<i32>} : memref<8x56x128xi32, #tpu.memory_space<vmem>>, vector<8x1x128xi32>,
      %swap3A_1498 = arith.constant 0 : index
      %swap3A_1499 = arith.constant 34 : index
      %swap3A_1500 = arith.constant 0 : index
      %swap3A_1501 = vector.load %arg7[%swap3A_1498, %swap3A_1499, %swap3A_1500] : memref<8x56x128xi32, #tpu.memory_space<vmem>>, vector<8x1x128xi32>
      %swap3A_1502 = vector.shape_cast %swap3A_1501 : vector<8x1x128xi32> to vector<8x128xi32>
      %swap3A_1503 = vector.shape_cast %add3A_1491 : vector<8x128xi32> to vector<8x1x128xi32>
      tpu.vector_store %arg7[%swap3A_1498, %swap3A_1499, %swap3A_1500], %swap3A_1503 {strides = array<i32>} : memref<8x56x128xi32, #tpu.memory_space<vmem>>, vector<8x1x128xi32>,
      %get3A_1504 = arith.constant 0 : index
      %get3A_1505 = arith.constant 4352 : index
      %get3A_1506 = vector.load %arg5[%get3A_1504, %get3A_1505] : memref<8x7168xf32, #tpu.memory_space<vmem>>, vector<8x128xf32>
      %swap3A_1507 = arith.constant 0 : index
      %swap3A_1508 = arith.constant 34 : index
      %swap3A_1509 = arith.constant 0 : index
      %swap3A_1510 = vector.load %arg8[%swap3A_1507, %swap3A_1508, %swap3A_1509] : memref<8x56x128xf32, #tpu.memory_space<vmem>>, vector<8x1x128xf32>
      %swap3A_1511 = vector.shape_cast %swap3A_1510 : vector<8x1x128xf32> to vector<8x128xf32>
      %swap3A_1512 = vector.shape_cast %get3A_1506 : vector<8x128xf32> to vector<8x1x128xf32>
      tpu.vector_store %arg8[%swap3A_1507, %swap3A_1508, %swap3A_1509], %swap3A_1512 {strides = array<i32>} : memref<8x56x128xf32, #tpu.memory_space<vmem>>, vector<8x1x128xf32>,
      %get3A_1513 = arith.constant 0 : index
      %get3A_1514 = arith.constant 4480 : index
      %get3A_1515 = vector.load %arg2[%get3A_1513, %get3A_1514] : memref<8x7168xi32, #tpu.memory_space<vmem>>, vector<8x128xi32>
      %mul3A_1516 = arith.constant 512 : i32
      %mul3A_1517 = vector.broadcast %mul3A_1516 : i32 to vector<8x128xi32>
      %mul3A_1518 = arith.muli %get3A_1515, %mul3A_1517 : vector<8x128xi32>
      %get3A_1519 = arith.constant 0 : index
      %get3A_1520 = arith.constant 4480 : index
      %get3A_1521 = vector.load %arg1[%get3A_1519, %get3A_1520] : memref<8x7168xi32, #tpu.memory_space<vmem>>, vector<8x128xi32>
      %add3A_1522 = arith.addi %mul3A_1518, %get3A_1521 : vector<8x128xi32>
      %add3A_1523 = arith.addi %add3A_1522, %mul3A_3 : vector<8x128xi32>
      %get3A_1524 = arith.constant 0 : index
      %get3A_1525 = arith.constant 4480 : index
      %get3A_1526 = vector.load %arg4[%get3A_1524, %get3A_1525] : memref<8x7168xi32, #tpu.memory_space<vmem>>, vector<8x128xi32>
      %mul3A_1527 = arith.constant 512 : i32
      %mul3A_1528 = vector.broadcast %mul3A_1527 : i32 to vector<8x128xi32>
      %mul3A_1529 = arith.muli %get3A_1526, %mul3A_1528 : vector<8x128xi32>
      %get3A_1530 = arith.constant 0 : index
      %get3A_1531 = arith.constant 4480 : index
      %get3A_1532 = vector.load %arg3[%get3A_1530, %get3A_1531] : memref<8x7168xi32, #tpu.memory_space<vmem>>, vector<8x128xi32>
      %add3A_1533 = arith.addi %mul3A_1529, %get3A_1532 : vector<8x128xi32>
      %add3A_1534 = arith.addi %add3A_1533, %mul3A_3 : vector<8x128xi32>
      %swap3A_1535 = arith.constant 0 : index
      %swap3A_1536 = arith.constant 35 : index
      %swap3A_1537 = arith.constant 0 : index
      %swap3A_1538 = vector.load %arg6[%swap3A_1535, %swap3A_1536, %swap3A_1537] : memref<8x56x128xi32, #tpu.memory_space<vmem>>, vector<8x1x128xi32>
      %swap3A_1539 = vector.shape_cast %swap3A_1538 : vector<8x1x128xi32> to vector<8x128xi32>
      %swap3A_1540 = vector.shape_cast %add3A_1523 : vector<8x128xi32> to vector<8x1x128xi32>
      tpu.vector_store %arg6[%swap3A_1535, %swap3A_1536, %swap3A_1537], %swap3A_1540 {strides = array<i32>} : memref<8x56x128xi32, #tpu.memory_space<vmem>>, vector<8x1x128xi32>,
      %swap3A_1541 = arith.constant 0 : index
      %swap3A_1542 = arith.constant 35 : index
      %swap3A_1543 = arith.constant 0 : index
      %swap3A_1544 = vector.load %arg7[%swap3A_1541, %swap3A_1542, %swap3A_1543] : memref<8x56x128xi32, #tpu.memory_space<vmem>>, vector<8x1x128xi32>
      %swap3A_1545 = vector.shape_cast %swap3A_1544 : vector<8x1x128xi32> to vector<8x128xi32>
      %swap3A_1546 = vector.shape_cast %add3A_1534 : vector<8x128xi32> to vector<8x1x128xi32>
      tpu.vector_store %arg7[%swap3A_1541, %swap3A_1542, %swap3A_1543], %swap3A_1546 {strides = array<i32>} : memref<8x56x128xi32, #tpu.memory_space<vmem>>, vector<8x1x128xi32>,
      %get3A_1547 = arith.constant 0 : index
      %get3A_1548 = arith.constant 4480 : index
      %get3A_1549 = vector.load %arg5[%get3A_1547, %get3A_1548] : memref<8x7168xf32, #tpu.memory_space<vmem>>, vector<8x128xf32>
      %swap3A_1550 = arith.constant 0 : index
      %swap3A_1551 = arith.constant 35 : index
      %swap3A_1552 = arith.constant 0 : index
      %swap3A_1553 = vector.load %arg8[%swap3A_1550, %swap3A_1551, %swap3A_1552] : memref<8x56x128xf32, #tpu.memory_space<vmem>>, vector<8x1x128xf32>
      %swap3A_1554 = vector.shape_cast %swap3A_1553 : vector<8x1x128xf32> to vector<8x128xf32>
      %swap3A_1555 = vector.shape_cast %get3A_1549 : vector<8x128xf32> to vector<8x1x128xf32>
      tpu.vector_store %arg8[%swap3A_1550, %swap3A_1551, %swap3A_1552], %swap3A_1555 {strides = array<i32>} : memref<8x56x128xf32, #tpu.memory_space<vmem>>, vector<8x1x128xf32>,
      %get3A_1556 = arith.constant 0 : index
      %get3A_1557 = arith.constant 4608 : index
      %get3A_1558 = vector.load %arg2[%get3A_1556, %get3A_1557] : memref<8x7168xi32, #tpu.memory_space<vmem>>, vector<8x128xi32>
      %mul3A_1559 = arith.constant 512 : i32
      %mul3A_1560 = vector.broadcast %mul3A_1559 : i32 to vector<8x128xi32>
      %mul3A_1561 = arith.muli %get3A_1558, %mul3A_1560 : vector<8x128xi32>
      %get3A_1562 = arith.constant 0 : index
      %get3A_1563 = arith.constant 4608 : index
      %get3A_1564 = vector.load %arg1[%get3A_1562, %get3A_1563] : memref<8x7168xi32, #tpu.memory_space<vmem>>, vector<8x128xi32>
      %add3A_1565 = arith.addi %mul3A_1561, %get3A_1564 : vector<8x128xi32>
      %add3A_1566 = arith.addi %add3A_1565, %mul3A_3 : vector<8x128xi32>
      %get3A_1567 = arith.constant 0 : index
      %get3A_1568 = arith.constant 4608 : index
      %get3A_1569 = vector.load %arg4[%get3A_1567, %get3A_1568] : memref<8x7168xi32, #tpu.memory_space<vmem>>, vector<8x128xi32>
      %mul3A_1570 = arith.constant 512 : i32
      %mul3A_1571 = vector.broadcast %mul3A_1570 : i32 to vector<8x128xi32>
      %mul3A_1572 = arith.muli %get3A_1569, %mul3A_1571 : vector<8x128xi32>
      %get3A_1573 = arith.constant 0 : index
      %get3A_1574 = arith.constant 4608 : index
      %get3A_1575 = vector.load %arg3[%get3A_1573, %get3A_1574] : memref<8x7168xi32, #tpu.memory_space<vmem>>, vector<8x128xi32>
      %add3A_1576 = arith.addi %mul3A_1572, %get3A_1575 : vector<8x128xi32>
      %add3A_1577 = arith.addi %add3A_1576, %mul3A_3 : vector<8x128xi32>
      %swap3A_1578 = arith.constant 0 : index
      %swap3A_1579 = arith.constant 36 : index
      %swap3A_1580 = arith.constant 0 : index
      %swap3A_1581 = vector.load %arg6[%swap3A_1578, %swap3A_1579, %swap3A_1580] : memref<8x56x128xi32, #tpu.memory_space<vmem>>, vector<8x1x128xi32>
      %swap3A_1582 = vector.shape_cast %swap3A_1581 : vector<8x1x128xi32> to vector<8x128xi32>
      %swap3A_1583 = vector.shape_cast %add3A_1566 : vector<8x128xi32> to vector<8x1x128xi32>
      tpu.vector_store %arg6[%swap3A_1578, %swap3A_1579, %swap3A_1580], %swap3A_1583 {strides = array<i32>} : memref<8x56x128xi32, #tpu.memory_space<vmem>>, vector<8x1x128xi32>,
      %swap3A_1584 = arith.constant 0 : index
      %swap3A_1585 = arith.constant 36 : index
      %swap3A_1586 = arith.constant 0 : index
      %swap3A_1587 = vector.load %arg7[%swap3A_1584, %swap3A_1585, %swap3A_1586] : memref<8x56x128xi32, #tpu.memory_space<vmem>>, vector<8x1x128xi32>
      %swap3A_1588 = vector.shape_cast %swap3A_1587 : vector<8x1x128xi32> to vector<8x128xi32>
      %swap3A_1589 = vector.shape_cast %add3A_1577 : vector<8x128xi32> to vector<8x1x128xi32>
      tpu.vector_store %arg7[%swap3A_1584, %swap3A_1585, %swap3A_1586], %swap3A_1589 {strides = array<i32>} : memref<8x56x128xi32, #tpu.memory_space<vmem>>, vector<8x1x128xi32>,
      %get3A_1590 = arith.constant 0 : index
      %get3A_1591 = arith.constant 4608 : index
      %get3A_1592 = vector.load %arg5[%get3A_1590, %get3A_1591] : memref<8x7168xf32, #tpu.memory_space<vmem>>, vector<8x128xf32>
      %swap3A_1593 = arith.constant 0 : index
      %swap3A_1594 = arith.constant 36 : index
      %swap3A_1595 = arith.constant 0 : index
      %swap3A_1596 = vector.load %arg8[%swap3A_1593, %swap3A_1594, %swap3A_1595] : memref<8x56x128xf32, #tpu.memory_space<vmem>>, vector<8x1x128xf32>
      %swap3A_1597 = vector.shape_cast %swap3A_1596 : vector<8x1x128xf32> to vector<8x128xf32>
      %swap3A_1598 = vector.shape_cast %get3A_1592 : vector<8x128xf32> to vector<8x1x128xf32>
      tpu.vector_store %arg8[%swap3A_1593, %swap3A_1594, %swap3A_1595], %swap3A_1598 {strides = array<i32>} : memref<8x56x128xf32, #tpu.memory_space<vmem>>, vector<8x1x128xf32>,
      %get3A_1599 = arith.constant 0 : index
      %get3A_1600 = arith.constant 4736 : index
      %get3A_1601 = vector.load %arg2[%get3A_1599, %get3A_1600] : memref<8x7168xi32, #tpu.memory_space<vmem>>, vector<8x128xi32>
      %mul3A_1602 = arith.constant 512 : i32
      %mul3A_1603 = vector.broadcast %mul3A_1602 : i32 to vector<8x128xi32>
      %mul3A_1604 = arith.muli %get3A_1601, %mul3A_1603 : vector<8x128xi32>
      %get3A_1605 = arith.constant 0 : index
      %get3A_1606 = arith.constant 4736 : index
      %get3A_1607 = vector.load %arg1[%get3A_1605, %get3A_1606] : memref<8x7168xi32, #tpu.memory_space<vmem>>, vector<8x128xi32>
      %add3A_1608 = arith.addi %mul3A_1604, %get3A_1607 : vector<8x128xi32>
      %add3A_1609 = arith.addi %add3A_1608, %mul3A_3 : vector<8x128xi32>
      %get3A_1610 = arith.constant 0 : index
      %get3A_1611 = arith.constant 4736 : index
      %get3A_1612 = vector.load %arg4[%get3A_1610, %get3A_1611] : memref<8x7168xi32, #tpu.memory_space<vmem>>, vector<8x128xi32>
      %mul3A_1613 = arith.constant 512 : i32
      %mul3A_1614 = vector.broadcast %mul3A_1613 : i32 to vector<8x128xi32>
      %mul3A_1615 = arith.muli %get3A_1612, %mul3A_1614 : vector<8x128xi32>
      %get3A_1616 = arith.constant 0 : index
      %get3A_1617 = arith.constant 4736 : index
      %get3A_1618 = vector.load %arg3[%get3A_1616, %get3A_1617] : memref<8x7168xi32, #tpu.memory_space<vmem>>, vector<8x128xi32>
      %add3A_1619 = arith.addi %mul3A_1615, %get3A_1618 : vector<8x128xi32>
      %add3A_1620 = arith.addi %add3A_1619, %mul3A_3 : vector<8x128xi32>
      %swap3A_1621 = arith.constant 0 : index
      %swap3A_1622 = arith.constant 37 : index
      %swap3A_1623 = arith.constant 0 : index
      %swap3A_1624 = vector.load %arg6[%swap3A_1621, %swap3A_1622, %swap3A_1623] : memref<8x56x128xi32, #tpu.memory_space<vmem>>, vector<8x1x128xi32>
      %swap3A_1625 = vector.shape_cast %swap3A_1624 : vector<8x1x128xi32> to vector<8x128xi32>
      %swap3A_1626 = vector.shape_cast %add3A_1609 : vector<8x128xi32> to vector<8x1x128xi32>
      tpu.vector_store %arg6[%swap3A_1621, %swap3A_1622, %swap3A_1623], %swap3A_1626 {strides = array<i32>} : memref<8x56x128xi32, #tpu.memory_space<vmem>>, vector<8x1x128xi32>,
      %swap3A_1627 = arith.constant 0 : index
      %swap3A_1628 = arith.constant 37 : index
      %swap3A_1629 = arith.constant 0 : index
      %swap3A_1630 = vector.load %arg7[%swap3A_1627, %swap3A_1628, %swap3A_1629] : memref<8x56x128xi32, #tpu.memory_space<vmem>>, vector<8x1x128xi32>
      %swap3A_1631 = vector.shape_cast %swap3A_1630 : vector<8x1x128xi32> to vector<8x128xi32>
      %swap3A_1632 = vector.shape_cast %add3A_1620 : vector<8x128xi32> to vector<8x1x128xi32>
      tpu.vector_store %arg7[%swap3A_1627, %swap3A_1628, %swap3A_1629], %swap3A_1632 {strides = array<i32>} : memref<8x56x128xi32, #tpu.memory_space<vmem>>, vector<8x1x128xi32>,
      %get3A_1633 = arith.constant 0 : index
      %get3A_1634 = arith.constant 4736 : index
      %get3A_1635 = vector.load %arg5[%get3A_1633, %get3A_1634] : memref<8x7168xf32, #tpu.memory_space<vmem>>, vector<8x128xf32>
      %swap3A_1636 = arith.constant 0 : index
      %swap3A_1637 = arith.constant 37 : index
      %swap3A_1638 = arith.constant 0 : index
      %swap3A_1639 = vector.load %arg8[%swap3A_1636, %swap3A_1637, %swap3A_1638] : memref<8x56x128xf32, #tpu.memory_space<vmem>>, vector<8x1x128xf32>
      %swap3A_1640 = vector.shape_cast %swap3A_1639 : vector<8x1x128xf32> to vector<8x128xf32>
      %swap3A_1641 = vector.shape_cast %get3A_1635 : vector<8x128xf32> to vector<8x1x128xf32>
      tpu.vector_store %arg8[%swap3A_1636, %swap3A_1637, %swap3A_1638], %swap3A_1641 {strides = array<i32>} : memref<8x56x128xf32, #tpu.memory_space<vmem>>, vector<8x1x128xf32>,
      %get3A_1642 = arith.constant 0 : index
      %get3A_1643 = arith.constant 4864 : index
      %get3A_1644 = vector.load %arg2[%get3A_1642, %get3A_1643] : memref<8x7168xi32, #tpu.memory_space<vmem>>, vector<8x128xi32>
      %mul3A_1645 = arith.constant 512 : i32
      %mul3A_1646 = vector.broadcast %mul3A_1645 : i32 to vector<8x128xi32>
      %mul3A_1647 = arith.muli %get3A_1644, %mul3A_1646 : vector<8x128xi32>
      %get3A_1648 = arith.constant 0 : index
      %get3A_1649 = arith.constant 4864 : index
      %get3A_1650 = vector.load %arg1[%get3A_1648, %get3A_1649] : memref<8x7168xi32, #tpu.memory_space<vmem>>, vector<8x128xi32>
      %add3A_1651 = arith.addi %mul3A_1647, %get3A_1650 : vector<8x128xi32>
      %add3A_1652 = arith.addi %add3A_1651, %mul3A_3 : vector<8x128xi32>
      %get3A_1653 = arith.constant 0 : index
      %get3A_1654 = arith.constant 4864 : index
      %get3A_1655 = vector.load %arg4[%get3A_1653, %get3A_1654] : memref<8x7168xi32, #tpu.memory_space<vmem>>, vector<8x128xi32>
      %mul3A_1656 = arith.constant 512 : i32
      %mul3A_1657 = vector.broadcast %mul3A_1656 : i32 to vector<8x128xi32>
      %mul3A_1658 = arith.muli %get3A_1655, %mul3A_1657 : vector<8x128xi32>
      %get3A_1659 = arith.constant 0 : index
      %get3A_1660 = arith.constant 4864 : index
      %get3A_1661 = vector.load %arg3[%get3A_1659, %get3A_1660] : memref<8x7168xi32, #tpu.memory_space<vmem>>, vector<8x128xi32>
      %add3A_1662 = arith.addi %mul3A_1658, %get3A_1661 : vector<8x128xi32>
      %add3A_1663 = arith.addi %add3A_1662, %mul3A_3 : vector<8x128xi32>
      %swap3A_1664 = arith.constant 0 : index
      %swap3A_1665 = arith.constant 38 : index
      %swap3A_1666 = arith.constant 0 : index
      %swap3A_1667 = vector.load %arg6[%swap3A_1664, %swap3A_1665, %swap3A_1666] : memref<8x56x128xi32, #tpu.memory_space<vmem>>, vector<8x1x128xi32>
      %swap3A_1668 = vector.shape_cast %swap3A_1667 : vector<8x1x128xi32> to vector<8x128xi32>
      %swap3A_1669 = vector.shape_cast %add3A_1652 : vector<8x128xi32> to vector<8x1x128xi32>
      tpu.vector_store %arg6[%swap3A_1664, %swap3A_1665, %swap3A_1666], %swap3A_1669 {strides = array<i32>} : memref<8x56x128xi32, #tpu.memory_space<vmem>>, vector<8x1x128xi32>,
      %swap3A_1670 = arith.constant 0 : index
      %swap3A_1671 = arith.constant 38 : index
      %swap3A_1672 = arith.constant 0 : index
      %swap3A_1673 = vector.load %arg7[%swap3A_1670, %swap3A_1671, %swap3A_1672] : memref<8x56x128xi32, #tpu.memory_space<vmem>>, vector<8x1x128xi32>
      %swap3A_1674 = vector.shape_cast %swap3A_1673 : vector<8x1x128xi32> to vector<8x128xi32>
      %swap3A_1675 = vector.shape_cast %add3A_1663 : vector<8x128xi32> to vector<8x1x128xi32>
      tpu.vector_store %arg7[%swap3A_1670, %swap3A_1671, %swap3A_1672], %swap3A_1675 {strides = array<i32>} : memref<8x56x128xi32, #tpu.memory_space<vmem>>, vector<8x1x128xi32>,
      %get3A_1676 = arith.constant 0 : index
      %get3A_1677 = arith.constant 4864 : index
      %get3A_1678 = vector.load %arg5[%get3A_1676, %get3A_1677] : memref<8x7168xf32, #tpu.memory_space<vmem>>, vector<8x128xf32>
      %swap3A_1679 = arith.constant 0 : index
      %swap3A_1680 = arith.constant 38 : index
      %swap3A_1681 = arith.constant 0 : index
      %swap3A_1682 = vector.load %arg8[%swap3A_1679, %swap3A_1680, %swap3A_1681] : memref<8x56x128xf32, #tpu.memory_space<vmem>>, vector<8x1x128xf32>
      %swap3A_1683 = vector.shape_cast %swap3A_1682 : vector<8x1x128xf32> to vector<8x128xf32>
      %swap3A_1684 = vector.shape_cast %get3A_1678 : vector<8x128xf32> to vector<8x1x128xf32>
      tpu.vector_store %arg8[%swap3A_1679, %swap3A_1680, %swap3A_1681], %swap3A_1684 {strides = array<i32>} : memref<8x56x128xf32, #tpu.memory_space<vmem>>, vector<8x1x128xf32>,
      %get3A_1685 = arith.constant 0 : index
      %get3A_1686 = arith.constant 4992 : index
      %get3A_1687 = vector.load %arg2[%get3A_1685, %get3A_1686] : memref<8x7168xi32, #tpu.memory_space<vmem>>, vector<8x128xi32>
      %mul3A_1688 = arith.constant 512 : i32
      %mul3A_1689 = vector.broadcast %mul3A_1688 : i32 to vector<8x128xi32>
      %mul3A_1690 = arith.muli %get3A_1687, %mul3A_1689 : vector<8x128xi32>
      %get3A_1691 = arith.constant 0 : index
      %get3A_1692 = arith.constant 4992 : index
      %get3A_1693 = vector.load %arg1[%get3A_1691, %get3A_1692] : memref<8x7168xi32, #tpu.memory_space<vmem>>, vector<8x128xi32>
      %add3A_1694 = arith.addi %mul3A_1690, %get3A_1693 : vector<8x128xi32>
      %add3A_1695 = arith.addi %add3A_1694, %mul3A_3 : vector<8x128xi32>
      %get3A_1696 = arith.constant 0 : index
      %get3A_1697 = arith.constant 4992 : index
      %get3A_1698 = vector.load %arg4[%get3A_1696, %get3A_1697] : memref<8x7168xi32, #tpu.memory_space<vmem>>, vector<8x128xi32>
      %mul3A_1699 = arith.constant 512 : i32
      %mul3A_1700 = vector.broadcast %mul3A_1699 : i32 to vector<8x128xi32>
      %mul3A_1701 = arith.muli %get3A_1698, %mul3A_1700 : vector<8x128xi32>
      %get3A_1702 = arith.constant 0 : index
      %get3A_1703 = arith.constant 4992 : index
      %get3A_1704 = vector.load %arg3[%get3A_1702, %get3A_1703] : memref<8x7168xi32, #tpu.memory_space<vmem>>, vector<8x128xi32>
      %add3A_1705 = arith.addi %mul3A_1701, %get3A_1704 : vector<8x128xi32>
      %add3A_1706 = arith.addi %add3A_1705, %mul3A_3 : vector<8x128xi32>
      %swap3A_1707 = arith.constant 0 : index
      %swap3A_1708 = arith.constant 39 : index
      %swap3A_1709 = arith.constant 0 : index
      %swap3A_1710 = vector.load %arg6[%swap3A_1707, %swap3A_1708, %swap3A_1709] : memref<8x56x128xi32, #tpu.memory_space<vmem>>, vector<8x1x128xi32>
      %swap3A_1711 = vector.shape_cast %swap3A_1710 : vector<8x1x128xi32> to vector<8x128xi32>
      %swap3A_1712 = vector.shape_cast %add3A_1695 : vector<8x128xi32> to vector<8x1x128xi32>
      tpu.vector_store %arg6[%swap3A_1707, %swap3A_1708, %swap3A_1709], %swap3A_1712 {strides = array<i32>} : memref<8x56x128xi32, #tpu.memory_space<vmem>>, vector<8x1x128xi32>,
      %swap3A_1713 = arith.constant 0 : index
      %swap3A_1714 = arith.constant 39 : index
      %swap3A_1715 = arith.constant 0 : index
      %swap3A_1716 = vector.load %arg7[%swap3A_1713, %swap3A_1714, %swap3A_1715] : memref<8x56x128xi32, #tpu.memory_space<vmem>>, vector<8x1x128xi32>
      %swap3A_1717 = vector.shape_cast %swap3A_1716 : vector<8x1x128xi32> to vector<8x128xi32>
      %swap3A_1718 = vector.shape_cast %add3A_1706 : vector<8x128xi32> to vector<8x1x128xi32>
      tpu.vector_store %arg7[%swap3A_1713, %swap3A_1714, %swap3A_1715], %swap3A_1718 {strides = array<i32>} : memref<8x56x128xi32, #tpu.memory_space<vmem>>, vector<8x1x128xi32>,
      %get3A_1719 = arith.constant 0 : index
      %get3A_1720 = arith.constant 4992 : index
      %get3A_1721 = vector.load %arg5[%get3A_1719, %get3A_1720] : memref<8x7168xf32, #tpu.memory_space<vmem>>, vector<8x128xf32>
      %swap3A_1722 = arith.constant 0 : index
      %swap3A_1723 = arith.constant 39 : index
      %swap3A_1724 = arith.constant 0 : index
      %swap3A_1725 = vector.load %arg8[%swap3A_1722, %swap3A_1723, %swap3A_1724] : memref<8x56x128xf32, #tpu.memory_space<vmem>>, vector<8x1x128xf32>
      %swap3A_1726 = vector.shape_cast %swap3A_1725 : vector<8x1x128xf32> to vector<8x128xf32>
      %swap3A_1727 = vector.shape_cast %get3A_1721 : vector<8x128xf32> to vector<8x1x128xf32>
      tpu.vector_store %arg8[%swap3A_1722, %swap3A_1723, %swap3A_1724], %swap3A_1727 {strides = array<i32>} : memref<8x56x128xf32, #tpu.memory_space<vmem>>, vector<8x1x128xf32>,
      %get3A_1728 = arith.constant 0 : index
      %get3A_1729 = arith.constant 5120 : index
      %get3A_1730 = vector.load %arg2[%get3A_1728, %get3A_1729] : memref<8x7168xi32, #tpu.memory_space<vmem>>, vector<8x128xi32>
      %mul3A_1731 = arith.constant 512 : i32
      %mul3A_1732 = vector.broadcast %mul3A_1731 : i32 to vector<8x128xi32>
      %mul3A_1733 = arith.muli %get3A_1730, %mul3A_1732 : vector<8x128xi32>
      %get3A_1734 = arith.constant 0 : index
      %get3A_1735 = arith.constant 5120 : index
      %get3A_1736 = vector.load %arg1[%get3A_1734, %get3A_1735] : memref<8x7168xi32, #tpu.memory_space<vmem>>, vector<8x128xi32>
      %add3A_1737 = arith.addi %mul3A_1733, %get3A_1736 : vector<8x128xi32>
      %add3A_1738 = arith.addi %add3A_1737, %mul3A_3 : vector<8x128xi32>
      %get3A_1739 = arith.constant 0 : index
      %get3A_1740 = arith.constant 5120 : index
      %get3A_1741 = vector.load %arg4[%get3A_1739, %get3A_1740] : memref<8x7168xi32, #tpu.memory_space<vmem>>, vector<8x128xi32>
      %mul3A_1742 = arith.constant 512 : i32
      %mul3A_1743 = vector.broadcast %mul3A_1742 : i32 to vector<8x128xi32>
      %mul3A_1744 = arith.muli %get3A_1741, %mul3A_1743 : vector<8x128xi32>
      %get3A_1745 = arith.constant 0 : index
      %get3A_1746 = arith.constant 5120 : index
      %get3A_1747 = vector.load %arg3[%get3A_1745, %get3A_1746] : memref<8x7168xi32, #tpu.memory_space<vmem>>, vector<8x128xi32>
      %add3A_1748 = arith.addi %mul3A_1744, %get3A_1747 : vector<8x128xi32>
      %add3A_1749 = arith.addi %add3A_1748, %mul3A_3 : vector<8x128xi32>
      %swap3A_1750 = arith.constant 0 : index
      %swap3A_1751 = arith.constant 40 : index
      %swap3A_1752 = arith.constant 0 : index
      %swap3A_1753 = vector.load %arg6[%swap3A_1750, %swap3A_1751, %swap3A_1752] : memref<8x56x128xi32, #tpu.memory_space<vmem>>, vector<8x1x128xi32>
      %swap3A_1754 = vector.shape_cast %swap3A_1753 : vector<8x1x128xi32> to vector<8x128xi32>
      %swap3A_1755 = vector.shape_cast %add3A_1738 : vector<8x128xi32> to vector<8x1x128xi32>
      tpu.vector_store %arg6[%swap3A_1750, %swap3A_1751, %swap3A_1752], %swap3A_1755 {strides = array<i32>} : memref<8x56x128xi32, #tpu.memory_space<vmem>>, vector<8x1x128xi32>,
      %swap3A_1756 = arith.constant 0 : index
      %swap3A_1757 = arith.constant 40 : index
      %swap3A_1758 = arith.constant 0 : index
      %swap3A_1759 = vector.load %arg7[%swap3A_1756, %swap3A_1757, %swap3A_1758] : memref<8x56x128xi32, #tpu.memory_space<vmem>>, vector<8x1x128xi32>
      %swap3A_1760 = vector.shape_cast %swap3A_1759 : vector<8x1x128xi32> to vector<8x128xi32>
      %swap3A_1761 = vector.shape_cast %add3A_1749 : vector<8x128xi32> to vector<8x1x128xi32>
      tpu.vector_store %arg7[%swap3A_1756, %swap3A_1757, %swap3A_1758], %swap3A_1761 {strides = array<i32>} : memref<8x56x128xi32, #tpu.memory_space<vmem>>, vector<8x1x128xi32>,
      %get3A_1762 = arith.constant 0 : index
      %get3A_1763 = arith.constant 5120 : index
      %get3A_1764 = vector.load %arg5[%get3A_1762, %get3A_1763] : memref<8x7168xf32, #tpu.memory_space<vmem>>, vector<8x128xf32>
      %swap3A_1765 = arith.constant 0 : index
      %swap3A_1766 = arith.constant 40 : index
      %swap3A_1767 = arith.constant 0 : index
      %swap3A_1768 = vector.load %arg8[%swap3A_1765, %swap3A_1766, %swap3A_1767] : memref<8x56x128xf32, #tpu.memory_space<vmem>>, vector<8x1x128xf32>
      %swap3A_1769 = vector.shape_cast %swap3A_1768 : vector<8x1x128xf32> to vector<8x128xf32>
      %swap3A_1770 = vector.shape_cast %get3A_1764 : vector<8x128xf32> to vector<8x1x128xf32>
      tpu.vector_store %arg8[%swap3A_1765, %swap3A_1766, %swap3A_1767], %swap3A_1770 {strides = array<i32>} : memref<8x56x128xf32, #tpu.memory_space<vmem>>, vector<8x1x128xf32>,
      %get3A_1771 = arith.constant 0 : index
      %get3A_1772 = arith.constant 5248 : index
      %get3A_1773 = vector.load %arg2[%get3A_1771, %get3A_1772] : memref<8x7168xi32, #tpu.memory_space<vmem>>, vector<8x128xi32>
      %mul3A_1774 = arith.constant 512 : i32
      %mul3A_1775 = vector.broadcast %mul3A_1774 : i32 to vector<8x128xi32>
      %mul3A_1776 = arith.muli %get3A_1773, %mul3A_1775 : vector<8x128xi32>
      %get3A_1777 = arith.constant 0 : index
      %get3A_1778 = arith.constant 5248 : index
      %get3A_1779 = vector.load %arg1[%get3A_1777, %get3A_1778] : memref<8x7168xi32, #tpu.memory_space<vmem>>, vector<8x128xi32>
      %add3A_1780 = arith.addi %mul3A_1776, %get3A_1779 : vector<8x128xi32>
      %add3A_1781 = arith.addi %add3A_1780, %mul3A_3 : vector<8x128xi32>
      %get3A_1782 = arith.constant 0 : index
      %get3A_1783 = arith.constant 5248 : index
      %get3A_1784 = vector.load %arg4[%get3A_1782, %get3A_1783] : memref<8x7168xi32, #tpu.memory_space<vmem>>, vector<8x128xi32>
      %mul3A_1785 = arith.constant 512 : i32
      %mul3A_1786 = vector.broadcast %mul3A_1785 : i32 to vector<8x128xi32>
      %mul3A_1787 = arith.muli %get3A_1784, %mul3A_1786 : vector<8x128xi32>
      %get3A_1788 = arith.constant 0 : index
      %get3A_1789 = arith.constant 5248 : index
      %get3A_1790 = vector.load %arg3[%get3A_1788, %get3A_1789] : memref<8x7168xi32, #tpu.memory_space<vmem>>, vector<8x128xi32>
      %add3A_1791 = arith.addi %mul3A_1787, %get3A_1790 : vector<8x128xi32>
      %add3A_1792 = arith.addi %add3A_1791, %mul3A_3 : vector<8x128xi32>
      %swap3A_1793 = arith.constant 0 : index
      %swap3A_1794 = arith.constant 41 : index
      %swap3A_1795 = arith.constant 0 : index
      %swap3A_1796 = vector.load %arg6[%swap3A_1793, %swap3A_1794, %swap3A_1795] : memref<8x56x128xi32, #tpu.memory_space<vmem>>, vector<8x1x128xi32>
      %swap3A_1797 = vector.shape_cast %swap3A_1796 : vector<8x1x128xi32> to vector<8x128xi32>
      %swap3A_1798 = vector.shape_cast %add3A_1781 : vector<8x128xi32> to vector<8x1x128xi32>
      tpu.vector_store %arg6[%swap3A_1793, %swap3A_1794, %swap3A_1795], %swap3A_1798 {strides = array<i32>} : memref<8x56x128xi32, #tpu.memory_space<vmem>>, vector<8x1x128xi32>,
      %swap3A_1799 = arith.constant 0 : index
      %swap3A_1800 = arith.constant 41 : index
      %swap3A_1801 = arith.constant 0 : index
      %swap3A_1802 = vector.load %arg7[%swap3A_1799, %swap3A_1800, %swap3A_1801] : memref<8x56x128xi32, #tpu.memory_space<vmem>>, vector<8x1x128xi32>
      %swap3A_1803 = vector.shape_cast %swap3A_1802 : vector<8x1x128xi32> to vector<8x128xi32>
      %swap3A_1804 = vector.shape_cast %add3A_1792 : vector<8x128xi32> to vector<8x1x128xi32>
      tpu.vector_store %arg7[%swap3A_1799, %swap3A_1800, %swap3A_1801], %swap3A_1804 {strides = array<i32>} : memref<8x56x128xi32, #tpu.memory_space<vmem>>, vector<8x1x128xi32>,
      %get3A_1805 = arith.constant 0 : index
      %get3A_1806 = arith.constant 5248 : index
      %get3A_1807 = vector.load %arg5[%get3A_1805, %get3A_1806] : memref<8x7168xf32, #tpu.memory_space<vmem>>, vector<8x128xf32>
      %swap3A_1808 = arith.constant 0 : index
      %swap3A_1809 = arith.constant 41 : index
      %swap3A_1810 = arith.constant 0 : index
      %swap3A_1811 = vector.load %arg8[%swap3A_1808, %swap3A_1809, %swap3A_1810] : memref<8x56x128xf32, #tpu.memory_space<vmem>>, vector<8x1x128xf32>
      %swap3A_1812 = vector.shape_cast %swap3A_1811 : vector<8x1x128xf32> to vector<8x128xf32>
      %swap3A_1813 = vector.shape_cast %get3A_1807 : vector<8x128xf32> to vector<8x1x128xf32>
      tpu.vector_store %arg8[%swap3A_1808, %swap3A_1809, %swap3A_1810], %swap3A_1813 {strides = array<i32>} : memref<8x56x128xf32, #tpu.memory_space<vmem>>, vector<8x1x128xf32>,
      %get3A_1814 = arith.constant 0 : index
      %get3A_1815 = arith.constant 5376 : index
      %get3A_1816 = vector.load %arg2[%get3A_1814, %get3A_1815] : memref<8x7168xi32, #tpu.memory_space<vmem>>, vector<8x128xi32>
      %mul3A_1817 = arith.constant 512 : i32
      %mul3A_1818 = vector.broadcast %mul3A_1817 : i32 to vector<8x128xi32>
      %mul3A_1819 = arith.muli %get3A_1816, %mul3A_1818 : vector<8x128xi32>
      %get3A_1820 = arith.constant 0 : index
      %get3A_1821 = arith.constant 5376 : index
      %get3A_1822 = vector.load %arg1[%get3A_1820, %get3A_1821] : memref<8x7168xi32, #tpu.memory_space<vmem>>, vector<8x128xi32>
      %add3A_1823 = arith.addi %mul3A_1819, %get3A_1822 : vector<8x128xi32>
      %add3A_1824 = arith.addi %add3A_1823, %mul3A_3 : vector<8x128xi32>
      %get3A_1825 = arith.constant 0 : index
      %get3A_1826 = arith.constant 5376 : index
      %get3A_1827 = vector.load %arg4[%get3A_1825, %get3A_1826] : memref<8x7168xi32, #tpu.memory_space<vmem>>, vector<8x128xi32>
      %mul3A_1828 = arith.constant 512 : i32
      %mul3A_1829 = vector.broadcast %mul3A_1828 : i32 to vector<8x128xi32>
      %mul3A_1830 = arith.muli %get3A_1827, %mul3A_1829 : vector<8x128xi32>
      %get3A_1831 = arith.constant 0 : index
      %get3A_1832 = arith.constant 5376 : index
      %get3A_1833 = vector.load %arg3[%get3A_1831, %get3A_1832] : memref<8x7168xi32, #tpu.memory_space<vmem>>, vector<8x128xi32>
      %add3A_1834 = arith.addi %mul3A_1830, %get3A_1833 : vector<8x128xi32>
      %add3A_1835 = arith.addi %add3A_1834, %mul3A_3 : vector<8x128xi32>
      %swap3A_1836 = arith.constant 0 : index
      %swap3A_1837 = arith.constant 42 : index
      %swap3A_1838 = arith.constant 0 : index
      %swap3A_1839 = vector.load %arg6[%swap3A_1836, %swap3A_1837, %swap3A_1838] : memref<8x56x128xi32, #tpu.memory_space<vmem>>, vector<8x1x128xi32>
      %swap3A_1840 = vector.shape_cast %swap3A_1839 : vector<8x1x128xi32> to vector<8x128xi32>
      %swap3A_1841 = vector.shape_cast %add3A_1824 : vector<8x128xi32> to vector<8x1x128xi32>
      tpu.vector_store %arg6[%swap3A_1836, %swap3A_1837, %swap3A_1838], %swap3A_1841 {strides = array<i32>} : memref<8x56x128xi32, #tpu.memory_space<vmem>>, vector<8x1x128xi32>,
      %swap3A_1842 = arith.constant 0 : index
      %swap3A_1843 = arith.constant 42 : index
      %swap3A_1844 = arith.constant 0 : index
      %swap3A_1845 = vector.load %arg7[%swap3A_1842, %swap3A_1843, %swap3A_1844] : memref<8x56x128xi32, #tpu.memory_space<vmem>>, vector<8x1x128xi32>
      %swap3A_1846 = vector.shape_cast %swap3A_1845 : vector<8x1x128xi32> to vector<8x128xi32>
      %swap3A_1847 = vector.shape_cast %add3A_1835 : vector<8x128xi32> to vector<8x1x128xi32>
      tpu.vector_store %arg7[%swap3A_1842, %swap3A_1843, %swap3A_1844], %swap3A_1847 {strides = array<i32>} : memref<8x56x128xi32, #tpu.memory_space<vmem>>, vector<8x1x128xi32>,
      %get3A_1848 = arith.constant 0 : index
      %get3A_1849 = arith.constant 5376 : index
      %get3A_1850 = vector.load %arg5[%get3A_1848, %get3A_1849] : memref<8x7168xf32, #tpu.memory_space<vmem>>, vector<8x128xf32>
      %swap3A_1851 = arith.constant 0 : index
      %swap3A_1852 = arith.constant 42 : index
      %swap3A_1853 = arith.constant 0 : index
      %swap3A_1854 = vector.load %arg8[%swap3A_1851, %swap3A_1852, %swap3A_1853] : memref<8x56x128xf32, #tpu.memory_space<vmem>>, vector<8x1x128xf32>
      %swap3A_1855 = vector.shape_cast %swap3A_1854 : vector<8x1x128xf32> to vector<8x128xf32>
      %swap3A_1856 = vector.shape_cast %get3A_1850 : vector<8x128xf32> to vector<8x1x128xf32>
      tpu.vector_store %arg8[%swap3A_1851, %swap3A_1852, %swap3A_1853], %swap3A_1856 {strides = array<i32>} : memref<8x56x128xf32, #tpu.memory_space<vmem>>, vector<8x1x128xf32>,
      %get3A_1857 = arith.constant 0 : index
      %get3A_1858 = arith.constant 5504 : index
      %get3A_1859 = vector.load %arg2[%get3A_1857, %get3A_1858] : memref<8x7168xi32, #tpu.memory_space<vmem>>, vector<8x128xi32>
      %mul3A_1860 = arith.constant 512 : i32
      %mul3A_1861 = vector.broadcast %mul3A_1860 : i32 to vector<8x128xi32>
      %mul3A_1862 = arith.muli %get3A_1859, %mul3A_1861 : vector<8x128xi32>
      %get3A_1863 = arith.constant 0 : index
      %get3A_1864 = arith.constant 5504 : index
      %get3A_1865 = vector.load %arg1[%get3A_1863, %get3A_1864] : memref<8x7168xi32, #tpu.memory_space<vmem>>, vector<8x128xi32>
      %add3A_1866 = arith.addi %mul3A_1862, %get3A_1865 : vector<8x128xi32>
      %add3A_1867 = arith.addi %add3A_1866, %mul3A_3 : vector<8x128xi32>
      %get3A_1868 = arith.constant 0 : index
      %get3A_1869 = arith.constant 5504 : index
      %get3A_1870 = vector.load %arg4[%get3A_1868, %get3A_1869] : memref<8x7168xi32, #tpu.memory_space<vmem>>, vector<8x128xi32>
      %mul3A_1871 = arith.constant 512 : i32
      %mul3A_1872 = vector.broadcast %mul3A_1871 : i32 to vector<8x128xi32>
      %mul3A_1873 = arith.muli %get3A_1870, %mul3A_1872 : vector<8x128xi32>
      %get3A_1874 = arith.constant 0 : index
      %get3A_1875 = arith.constant 5504 : index
      %get3A_1876 = vector.load %arg3[%get3A_1874, %get3A_1875] : memref<8x7168xi32, #tpu.memory_space<vmem>>, vector<8x128xi32>
      %add3A_1877 = arith.addi %mul3A_1873, %get3A_1876 : vector<8x128xi32>
      %add3A_1878 = arith.addi %add3A_1877, %mul3A_3 : vector<8x128xi32>
      %swap3A_1879 = arith.constant 0 : index
      %swap3A_1880 = arith.constant 43 : index
      %swap3A_1881 = arith.constant 0 : index
      %swap3A_1882 = vector.load %arg6[%swap3A_1879, %swap3A_1880, %swap3A_1881] : memref<8x56x128xi32, #tpu.memory_space<vmem>>, vector<8x1x128xi32>
      %swap3A_1883 = vector.shape_cast %swap3A_1882 : vector<8x1x128xi32> to vector<8x128xi32>
      %swap3A_1884 = vector.shape_cast %add3A_1867 : vector<8x128xi32> to vector<8x1x128xi32>
      tpu.vector_store %arg6[%swap3A_1879, %swap3A_1880, %swap3A_1881], %swap3A_1884 {strides = array<i32>} : memref<8x56x128xi32, #tpu.memory_space<vmem>>, vector<8x1x128xi32>,
      %swap3A_1885 = arith.constant 0 : index
      %swap3A_1886 = arith.constant 43 : index
      %swap3A_1887 = arith.constant 0 : index
      %swap3A_1888 = vector.load %arg7[%swap3A_1885, %swap3A_1886, %swap3A_1887] : memref<8x56x128xi32, #tpu.memory_space<vmem>>, vector<8x1x128xi32>
      %swap3A_1889 = vector.shape_cast %swap3A_1888 : vector<8x1x128xi32> to vector<8x128xi32>
      %swap3A_1890 = vector.shape_cast %add3A_1878 : vector<8x128xi32> to vector<8x1x128xi32>
      tpu.vector_store %arg7[%swap3A_1885, %swap3A_1886, %swap3A_1887], %swap3A_1890 {strides = array<i32>} : memref<8x56x128xi32, #tpu.memory_space<vmem>>, vector<8x1x128xi32>,
      %get3A_1891 = arith.constant 0 : index
      %get3A_1892 = arith.constant 5504 : index
      %get3A_1893 = vector.load %arg5[%get3A_1891, %get3A_1892] : memref<8x7168xf32, #tpu.memory_space<vmem>>, vector<8x128xf32>
      %swap3A_1894 = arith.constant 0 : index
      %swap3A_1895 = arith.constant 43 : index
      %swap3A_1896 = arith.constant 0 : index
      %swap3A_1897 = vector.load %arg8[%swap3A_1894, %swap3A_1895, %swap3A_1896] : memref<8x56x128xf32, #tpu.memory_space<vmem>>, vector<8x1x128xf32>
      %swap3A_1898 = vector.shape_cast %swap3A_1897 : vector<8x1x128xf32> to vector<8x128xf32>
      %swap3A_1899 = vector.shape_cast %get3A_1893 : vector<8x128xf32> to vector<8x1x128xf32>
      tpu.vector_store %arg8[%swap3A_1894, %swap3A_1895, %swap3A_1896], %swap3A_1899 {strides = array<i32>} : memref<8x56x128xf32, #tpu.memory_space<vmem>>, vector<8x1x128xf32>,
      %get3A_1900 = arith.constant 0 : index
      %get3A_1901 = arith.constant 5632 : index
      %get3A_1902 = vector.load %arg2[%get3A_1900, %get3A_1901] : memref<8x7168xi32, #tpu.memory_space<vmem>>, vector<8x128xi32>
      %mul3A_1903 = arith.constant 512 : i32
      %mul3A_1904 = vector.broadcast %mul3A_1903 : i32 to vector<8x128xi32>
      %mul3A_1905 = arith.muli %get3A_1902, %mul3A_1904 : vector<8x128xi32>
      %get3A_1906 = arith.constant 0 : index
      %get3A_1907 = arith.constant 5632 : index
      %get3A_1908 = vector.load %arg1[%get3A_1906, %get3A_1907] : memref<8x7168xi32, #tpu.memory_space<vmem>>, vector<8x128xi32>
      %add3A_1909 = arith.addi %mul3A_1905, %get3A_1908 : vector<8x128xi32>
      %add3A_1910 = arith.addi %add3A_1909, %mul3A_3 : vector<8x128xi32>
      %get3A_1911 = arith.constant 0 : index
      %get3A_1912 = arith.constant 5632 : index
      %get3A_1913 = vector.load %arg4[%get3A_1911, %get3A_1912] : memref<8x7168xi32, #tpu.memory_space<vmem>>, vector<8x128xi32>
      %mul3A_1914 = arith.constant 512 : i32
      %mul3A_1915 = vector.broadcast %mul3A_1914 : i32 to vector<8x128xi32>
      %mul3A_1916 = arith.muli %get3A_1913, %mul3A_1915 : vector<8x128xi32>
      %get3A_1917 = arith.constant 0 : index
      %get3A_1918 = arith.constant 5632 : index
      %get3A_1919 = vector.load %arg3[%get3A_1917, %get3A_1918] : memref<8x7168xi32, #tpu.memory_space<vmem>>, vector<8x128xi32>
      %add3A_1920 = arith.addi %mul3A_1916, %get3A_1919 : vector<8x128xi32>
      %add3A_1921 = arith.addi %add3A_1920, %mul3A_3 : vector<8x128xi32>
      %swap3A_1922 = arith.constant 0 : index
      %swap3A_1923 = arith.constant 44 : index
      %swap3A_1924 = arith.constant 0 : index
      %swap3A_1925 = vector.load %arg6[%swap3A_1922, %swap3A_1923, %swap3A_1924] : memref<8x56x128xi32, #tpu.memory_space<vmem>>, vector<8x1x128xi32>
      %swap3A_1926 = vector.shape_cast %swap3A_1925 : vector<8x1x128xi32> to vector<8x128xi32>
      %swap3A_1927 = vector.shape_cast %add3A_1910 : vector<8x128xi32> to vector<8x1x128xi32>
      tpu.vector_store %arg6[%swap3A_1922, %swap3A_1923, %swap3A_1924], %swap3A_1927 {strides = array<i32>} : memref<8x56x128xi32, #tpu.memory_space<vmem>>, vector<8x1x128xi32>,
      %swap3A_1928 = arith.constant 0 : index
      %swap3A_1929 = arith.constant 44 : index
      %swap3A_1930 = arith.constant 0 : index
      %swap3A_1931 = vector.load %arg7[%swap3A_1928, %swap3A_1929, %swap3A_1930] : memref<8x56x128xi32, #tpu.memory_space<vmem>>, vector<8x1x128xi32>
      %swap3A_1932 = vector.shape_cast %swap3A_1931 : vector<8x1x128xi32> to vector<8x128xi32>
      %swap3A_1933 = vector.shape_cast %add3A_1921 : vector<8x128xi32> to vector<8x1x128xi32>
      tpu.vector_store %arg7[%swap3A_1928, %swap3A_1929, %swap3A_1930], %swap3A_1933 {strides = array<i32>} : memref<8x56x128xi32, #tpu.memory_space<vmem>>, vector<8x1x128xi32>,
      %get3A_1934 = arith.constant 0 : index
      %get3A_1935 = arith.constant 5632 : index
      %get3A_1936 = vector.load %arg5[%get3A_1934, %get3A_1935] : memref<8x7168xf32, #tpu.memory_space<vmem>>, vector<8x128xf32>
      %swap3A_1937 = arith.constant 0 : index
      %swap3A_1938 = arith.constant 44 : index
      %swap3A_1939 = arith.constant 0 : index
      %swap3A_1940 = vector.load %arg8[%swap3A_1937, %swap3A_1938, %swap3A_1939] : memref<8x56x128xf32, #tpu.memory_space<vmem>>, vector<8x1x128xf32>
      %swap3A_1941 = vector.shape_cast %swap3A_1940 : vector<8x1x128xf32> to vector<8x128xf32>
      %swap3A_1942 = vector.shape_cast %get3A_1936 : vector<8x128xf32> to vector<8x1x128xf32>
      tpu.vector_store %arg8[%swap3A_1937, %swap3A_1938, %swap3A_1939], %swap3A_1942 {strides = array<i32>} : memref<8x56x128xf32, #tpu.memory_space<vmem>>, vector<8x1x128xf32>,
      %get3A_1943 = arith.constant 0 : index
      %get3A_1944 = arith.constant 5760 : index
      %get3A_1945 = vector.load %arg2[%get3A_1943, %get3A_1944] : memref<8x7168xi32, #tpu.memory_space<vmem>>, vector<8x128xi32>
      %mul3A_1946 = arith.constant 512 : i32
      %mul3A_1947 = vector.broadcast %mul3A_1946 : i32 to vector<8x128xi32>
      %mul3A_1948 = arith.muli %get3A_1945, %mul3A_1947 : vector<8x128xi32>
      %get3A_1949 = arith.constant 0 : index
      %get3A_1950 = arith.constant 5760 : index
      %get3A_1951 = vector.load %arg1[%get3A_1949, %get3A_1950] : memref<8x7168xi32, #tpu.memory_space<vmem>>, vector<8x128xi32>
      %add3A_1952 = arith.addi %mul3A_1948, %get3A_1951 : vector<8x128xi32>
      %add3A_1953 = arith.addi %add3A_1952, %mul3A_3 : vector<8x128xi32>
      %get3A_1954 = arith.constant 0 : index
      %get3A_1955 = arith.constant 5760 : index
      %get3A_1956 = vector.load %arg4[%get3A_1954, %get3A_1955] : memref<8x7168xi32, #tpu.memory_space<vmem>>, vector<8x128xi32>
      %mul3A_1957 = arith.constant 512 : i32
      %mul3A_1958 = vector.broadcast %mul3A_1957 : i32 to vector<8x128xi32>
      %mul3A_1959 = arith.muli %get3A_1956, %mul3A_1958 : vector<8x128xi32>
      %get3A_1960 = arith.constant 0 : index
      %get3A_1961 = arith.constant 5760 : index
      %get3A_1962 = vector.load %arg3[%get3A_1960, %get3A_1961] : memref<8x7168xi32, #tpu.memory_space<vmem>>, vector<8x128xi32>
      %add3A_1963 = arith.addi %mul3A_1959, %get3A_1962 : vector<8x128xi32>
      %add3A_1964 = arith.addi %add3A_1963, %mul3A_3 : vector<8x128xi32>
      %swap3A_1965 = arith.constant 0 : index
      %swap3A_1966 = arith.constant 45 : index
      %swap3A_1967 = arith.constant 0 : index
      %swap3A_1968 = vector.load %arg6[%swap3A_1965, %swap3A_1966, %swap3A_1967] : memref<8x56x128xi32, #tpu.memory_space<vmem>>, vector<8x1x128xi32>
      %swap3A_1969 = vector.shape_cast %swap3A_1968 : vector<8x1x128xi32> to vector<8x128xi32>
      %swap3A_1970 = vector.shape_cast %add3A_1953 : vector<8x128xi32> to vector<8x1x128xi32>
      tpu.vector_store %arg6[%swap3A_1965, %swap3A_1966, %swap3A_1967], %swap3A_1970 {strides = array<i32>} : memref<8x56x128xi32, #tpu.memory_space<vmem>>, vector<8x1x128xi32>,
      %swap3A_1971 = arith.constant 0 : index
      %swap3A_1972 = arith.constant 45 : index
      %swap3A_1973 = arith.constant 0 : index
      %swap3A_1974 = vector.load %arg7[%swap3A_1971, %swap3A_1972, %swap3A_1973] : memref<8x56x128xi32, #tpu.memory_space<vmem>>, vector<8x1x128xi32>
      %swap3A_1975 = vector.shape_cast %swap3A_1974 : vector<8x1x128xi32> to vector<8x128xi32>
      %swap3A_1976 = vector.shape_cast %add3A_1964 : vector<8x128xi32> to vector<8x1x128xi32>
      tpu.vector_store %arg7[%swap3A_1971, %swap3A_1972, %swap3A_1973], %swap3A_1976 {strides = array<i32>} : memref<8x56x128xi32, #tpu.memory_space<vmem>>, vector<8x1x128xi32>,
      %get3A_1977 = arith.constant 0 : index
      %get3A_1978 = arith.constant 5760 : index
      %get3A_1979 = vector.load %arg5[%get3A_1977, %get3A_1978] : memref<8x7168xf32, #tpu.memory_space<vmem>>, vector<8x128xf32>
      %swap3A_1980 = arith.constant 0 : index
      %swap3A_1981 = arith.constant 45 : index
      %swap3A_1982 = arith.constant 0 : index
      %swap3A_1983 = vector.load %arg8[%swap3A_1980, %swap3A_1981, %swap3A_1982] : memref<8x56x128xf32, #tpu.memory_space<vmem>>, vector<8x1x128xf32>
      %swap3A_1984 = vector.shape_cast %swap3A_1983 : vector<8x1x128xf32> to vector<8x128xf32>
      %swap3A_1985 = vector.shape_cast %get3A_1979 : vector<8x128xf32> to vector<8x1x128xf32>
      tpu.vector_store %arg8[%swap3A_1980, %swap3A_1981, %swap3A_1982], %swap3A_1985 {strides = array<i32>} : memref<8x56x128xf32, #tpu.memory_space<vmem>>, vector<8x1x128xf32>,
      %get3A_1986 = arith.constant 0 : index
      %get3A_1987 = arith.constant 5888 : index
      %get3A_1988 = vector.load %arg2[%get3A_1986, %get3A_1987] : memref<8x7168xi32, #tpu.memory_space<vmem>>, vector<8x128xi32>
      %mul3A_1989 = arith.constant 512 : i32
      %mul3A_1990 = vector.broadcast %mul3A_1989 : i32 to vector<8x128xi32>
      %mul3A_1991 = arith.muli %get3A_1988, %mul3A_1990 : vector<8x128xi32>
      %get3A_1992 = arith.constant 0 : index
      %get3A_1993 = arith.constant 5888 : index
      %get3A_1994 = vector.load %arg1[%get3A_1992, %get3A_1993] : memref<8x7168xi32, #tpu.memory_space<vmem>>, vector<8x128xi32>
      %add3A_1995 = arith.addi %mul3A_1991, %get3A_1994 : vector<8x128xi32>
      %add3A_1996 = arith.addi %add3A_1995, %mul3A_3 : vector<8x128xi32>
      %get3A_1997 = arith.constant 0 : index
      %get3A_1998 = arith.constant 5888 : index
      %get3A_1999 = vector.load %arg4[%get3A_1997, %get3A_1998] : memref<8x7168xi32, #tpu.memory_space<vmem>>, vector<8x128xi32>
      %mul3A_2000 = arith.constant 512 : i32
      %mul3A_2001 = vector.broadcast %mul3A_2000 : i32 to vector<8x128xi32>
      %mul3A_2002 = arith.muli %get3A_1999, %mul3A_2001 : vector<8x128xi32>
      %get3A_2003 = arith.constant 0 : index
      %get3A_2004 = arith.constant 5888 : index
      %get3A_2005 = vector.load %arg3[%get3A_2003, %get3A_2004] : memref<8x7168xi32, #tpu.memory_space<vmem>>, vector<8x128xi32>
      %add3A_2006 = arith.addi %mul3A_2002, %get3A_2005 : vector<8x128xi32>
      %add3A_2007 = arith.addi %add3A_2006, %mul3A_3 : vector<8x128xi32>
      %swap3A_2008 = arith.constant 0 : index
      %swap3A_2009 = arith.constant 46 : index
      %swap3A_2010 = arith.constant 0 : index
      %swap3A_2011 = vector.load %arg6[%swap3A_2008, %swap3A_2009, %swap3A_2010] : memref<8x56x128xi32, #tpu.memory_space<vmem>>, vector<8x1x128xi32>
      %swap3A_2012 = vector.shape_cast %swap3A_2011 : vector<8x1x128xi32> to vector<8x128xi32>
      %swap3A_2013 = vector.shape_cast %add3A_1996 : vector<8x128xi32> to vector<8x1x128xi32>
      tpu.vector_store %arg6[%swap3A_2008, %swap3A_2009, %swap3A_2010], %swap3A_2013 {strides = array<i32>} : memref<8x56x128xi32, #tpu.memory_space<vmem>>, vector<8x1x128xi32>,
      %swap3A_2014 = arith.constant 0 : index
      %swap3A_2015 = arith.constant 46 : index
      %swap3A_2016 = arith.constant 0 : index
      %swap3A_2017 = vector.load %arg7[%swap3A_2014, %swap3A_2015, %swap3A_2016] : memref<8x56x128xi32, #tpu.memory_space<vmem>>, vector<8x1x128xi32>
      %swap3A_2018 = vector.shape_cast %swap3A_2017 : vector<8x1x128xi32> to vector<8x128xi32>
      %swap3A_2019 = vector.shape_cast %add3A_2007 : vector<8x128xi32> to vector<8x1x128xi32>
      tpu.vector_store %arg7[%swap3A_2014, %swap3A_2015, %swap3A_2016], %swap3A_2019 {strides = array<i32>} : memref<8x56x128xi32, #tpu.memory_space<vmem>>, vector<8x1x128xi32>,
      %get3A_2020 = arith.constant 0 : index
      %get3A_2021 = arith.constant 5888 : index
      %get3A_2022 = vector.load %arg5[%get3A_2020, %get3A_2021] : memref<8x7168xf32, #tpu.memory_space<vmem>>, vector<8x128xf32>
      %swap3A_2023 = arith.constant 0 : index
      %swap3A_2024 = arith.constant 46 : index
      %swap3A_2025 = arith.constant 0 : index
      %swap3A_2026 = vector.load %arg8[%swap3A_2023, %swap3A_2024, %swap3A_2025] : memref<8x56x128xf32, #tpu.memory_space<vmem>>, vector<8x1x128xf32>
      %swap3A_2027 = vector.shape_cast %swap3A_2026 : vector<8x1x128xf32> to vector<8x128xf32>
      %swap3A_2028 = vector.shape_cast %get3A_2022 : vector<8x128xf32> to vector<8x1x128xf32>
      tpu.vector_store %arg8[%swap3A_2023, %swap3A_2024, %swap3A_2025], %swap3A_2028 {strides = array<i32>} : memref<8x56x128xf32, #tpu.memory_space<vmem>>, vector<8x1x128xf32>,
      %get3A_2029 = arith.constant 0 : index
      %get3A_2030 = arith.constant 6016 : index
      %get3A_2031 = vector.load %arg2[%get3A_2029, %get3A_2030] : memref<8x7168xi32, #tpu.memory_space<vmem>>, vector<8x128xi32>
      %mul3A_2032 = arith.constant 512 : i32
      %mul3A_2033 = vector.broadcast %mul3A_2032 : i32 to vector<8x128xi32>
      %mul3A_2034 = arith.muli %get3A_2031, %mul3A_2033 : vector<8x128xi32>
      %get3A_2035 = arith.constant 0 : index
      %get3A_2036 = arith.constant 6016 : index
      %get3A_2037 = vector.load %arg1[%get3A_2035, %get3A_2036] : memref<8x7168xi32, #tpu.memory_space<vmem>>, vector<8x128xi32>
      %add3A_2038 = arith.addi %mul3A_2034, %get3A_2037 : vector<8x128xi32>
      %add3A_2039 = arith.addi %add3A_2038, %mul3A_3 : vector<8x128xi32>
      %get3A_2040 = arith.constant 0 : index
      %get3A_2041 = arith.constant 6016 : index
      %get3A_2042 = vector.load %arg4[%get3A_2040, %get3A_2041] : memref<8x7168xi32, #tpu.memory_space<vmem>>, vector<8x128xi32>
      %mul3A_2043 = arith.constant 512 : i32
      %mul3A_2044 = vector.broadcast %mul3A_2043 : i32 to vector<8x128xi32>
      %mul3A_2045 = arith.muli %get3A_2042, %mul3A_2044 : vector<8x128xi32>
      %get3A_2046 = arith.constant 0 : index
      %get3A_2047 = arith.constant 6016 : index
      %get3A_2048 = vector.load %arg3[%get3A_2046, %get3A_2047] : memref<8x7168xi32, #tpu.memory_space<vmem>>, vector<8x128xi32>
      %add3A_2049 = arith.addi %mul3A_2045, %get3A_2048 : vector<8x128xi32>
      %add3A_2050 = arith.addi %add3A_2049, %mul3A_3 : vector<8x128xi32>
      %swap3A_2051 = arith.constant 0 : index
      %swap3A_2052 = arith.constant 47 : index
      %swap3A_2053 = arith.constant 0 : index
      %swap3A_2054 = vector.load %arg6[%swap3A_2051, %swap3A_2052, %swap3A_2053] : memref<8x56x128xi32, #tpu.memory_space<vmem>>, vector<8x1x128xi32>
      %swap3A_2055 = vector.shape_cast %swap3A_2054 : vector<8x1x128xi32> to vector<8x128xi32>
      %swap3A_2056 = vector.shape_cast %add3A_2039 : vector<8x128xi32> to vector<8x1x128xi32>
      tpu.vector_store %arg6[%swap3A_2051, %swap3A_2052, %swap3A_2053], %swap3A_2056 {strides = array<i32>} : memref<8x56x128xi32, #tpu.memory_space<vmem>>, vector<8x1x128xi32>,
      %swap3A_2057 = arith.constant 0 : index
      %swap3A_2058 = arith.constant 47 : index
      %swap3A_2059 = arith.constant 0 : index
      %swap3A_2060 = vector.load %arg7[%swap3A_2057, %swap3A_2058, %swap3A_2059] : memref<8x56x128xi32, #tpu.memory_space<vmem>>, vector<8x1x128xi32>
      %swap3A_2061 = vector.shape_cast %swap3A_2060 : vector<8x1x128xi32> to vector<8x128xi32>
      %swap3A_2062 = vector.shape_cast %add3A_2050 : vector<8x128xi32> to vector<8x1x128xi32>
      tpu.vector_store %arg7[%swap3A_2057, %swap3A_2058, %swap3A_2059], %swap3A_2062 {strides = array<i32>} : memref<8x56x128xi32, #tpu.memory_space<vmem>>, vector<8x1x128xi32>,
      %get3A_2063 = arith.constant 0 : index
      %get3A_2064 = arith.constant 6016 : index
      %get3A_2065 = vector.load %arg5[%get3A_2063, %get3A_2064] : memref<8x7168xf32, #tpu.memory_space<vmem>>, vector<8x128xf32>
      %swap3A_2066 = arith.constant 0 : index
      %swap3A_2067 = arith.constant 47 : index
      %swap3A_2068 = arith.constant 0 : index
      %swap3A_2069 = vector.load %arg8[%swap3A_2066, %swap3A_2067, %swap3A_2068] : memref<8x56x128xf32, #tpu.memory_space<vmem>>, vector<8x1x128xf32>
      %swap3A_2070 = vector.shape_cast %swap3A_2069 : vector<8x1x128xf32> to vector<8x128xf32>
      %swap3A_2071 = vector.shape_cast %get3A_2065 : vector<8x128xf32> to vector<8x1x128xf32>
      tpu.vector_store %arg8[%swap3A_2066, %swap3A_2067, %swap3A_2068], %swap3A_2071 {strides = array<i32>} : memref<8x56x128xf32, #tpu.memory_space<vmem>>, vector<8x1x128xf32>,
      %get3A_2072 = arith.constant 0 : index
      %get3A_2073 = arith.constant 6144 : index
      %get3A_2074 = vector.load %arg2[%get3A_2072, %get3A_2073] : memref<8x7168xi32, #tpu.memory_space<vmem>>, vector<8x128xi32>
      %mul3A_2075 = arith.constant 512 : i32
      %mul3A_2076 = vector.broadcast %mul3A_2075 : i32 to vector<8x128xi32>
      %mul3A_2077 = arith.muli %get3A_2074, %mul3A_2076 : vector<8x128xi32>
      %get3A_2078 = arith.constant 0 : index
      %get3A_2079 = arith.constant 6144 : index
      %get3A_2080 = vector.load %arg1[%get3A_2078, %get3A_2079] : memref<8x7168xi32, #tpu.memory_space<vmem>>, vector<8x128xi32>
      %add3A_2081 = arith.addi %mul3A_2077, %get3A_2080 : vector<8x128xi32>
      %add3A_2082 = arith.addi %add3A_2081, %mul3A_3 : vector<8x128xi32>
      %get3A_2083 = arith.constant 0 : index
      %get3A_2084 = arith.constant 6144 : index
      %get3A_2085 = vector.load %arg4[%get3A_2083, %get3A_2084] : memref<8x7168xi32, #tpu.memory_space<vmem>>, vector<8x128xi32>
      %mul3A_2086 = arith.constant 512 : i32
      %mul3A_2087 = vector.broadcast %mul3A_2086 : i32 to vector<8x128xi32>
      %mul3A_2088 = arith.muli %get3A_2085, %mul3A_2087 : vector<8x128xi32>
      %get3A_2089 = arith.constant 0 : index
      %get3A_2090 = arith.constant 6144 : index
      %get3A_2091 = vector.load %arg3[%get3A_2089, %get3A_2090] : memref<8x7168xi32, #tpu.memory_space<vmem>>, vector<8x128xi32>
      %add3A_2092 = arith.addi %mul3A_2088, %get3A_2091 : vector<8x128xi32>
      %add3A_2093 = arith.addi %add3A_2092, %mul3A_3 : vector<8x128xi32>
      %swap3A_2094 = arith.constant 0 : index
      %swap3A_2095 = arith.constant 48 : index
      %swap3A_2096 = arith.constant 0 : index
      %swap3A_2097 = vector.load %arg6[%swap3A_2094, %swap3A_2095, %swap3A_2096] : memref<8x56x128xi32, #tpu.memory_space<vmem>>, vector<8x1x128xi32>
      %swap3A_2098 = vector.shape_cast %swap3A_2097 : vector<8x1x128xi32> to vector<8x128xi32>
      %swap3A_2099 = vector.shape_cast %add3A_2082 : vector<8x128xi32> to vector<8x1x128xi32>
      tpu.vector_store %arg6[%swap3A_2094, %swap3A_2095, %swap3A_2096], %swap3A_2099 {strides = array<i32>} : memref<8x56x128xi32, #tpu.memory_space<vmem>>, vector<8x1x128xi32>,
      %swap3A_2100 = arith.constant 0 : index
      %swap3A_2101 = arith.constant 48 : index
      %swap3A_2102 = arith.constant 0 : index
      %swap3A_2103 = vector.load %arg7[%swap3A_2100, %swap3A_2101, %swap3A_2102] : memref<8x56x128xi32, #tpu.memory_space<vmem>>, vector<8x1x128xi32>
      %swap3A_2104 = vector.shape_cast %swap3A_2103 : vector<8x1x128xi32> to vector<8x128xi32>
      %swap3A_2105 = vector.shape_cast %add3A_2093 : vector<8x128xi32> to vector<8x1x128xi32>
      tpu.vector_store %arg7[%swap3A_2100, %swap3A_2101, %swap3A_2102], %swap3A_2105 {strides = array<i32>} : memref<8x56x128xi32, #tpu.memory_space<vmem>>, vector<8x1x128xi32>,
      %get3A_2106 = arith.constant 0 : index
      %get3A_2107 = arith.constant 6144 : index
      %get3A_2108 = vector.load %arg5[%get3A_2106, %get3A_2107] : memref<8x7168xf32, #tpu.memory_space<vmem>>, vector<8x128xf32>
      %swap3A_2109 = arith.constant 0 : index
      %swap3A_2110 = arith.constant 48 : index
      %swap3A_2111 = arith.constant 0 : index
      %swap3A_2112 = vector.load %arg8[%swap3A_2109, %swap3A_2110, %swap3A_2111] : memref<8x56x128xf32, #tpu.memory_space<vmem>>, vector<8x1x128xf32>
      %swap3A_2113 = vector.shape_cast %swap3A_2112 : vector<8x1x128xf32> to vector<8x128xf32>
      %swap3A_2114 = vector.shape_cast %get3A_2108 : vector<8x128xf32> to vector<8x1x128xf32>
      tpu.vector_store %arg8[%swap3A_2109, %swap3A_2110, %swap3A_2111], %swap3A_2114 {strides = array<i32>} : memref<8x56x128xf32, #tpu.memory_space<vmem>>, vector<8x1x128xf32>,
      %get3A_2115 = arith.constant 0 : index
      %get3A_2116 = arith.constant 6272 : index
      %get3A_2117 = vector.load %arg2[%get3A_2115, %get3A_2116] : memref<8x7168xi32, #tpu.memory_space<vmem>>, vector<8x128xi32>
      %mul3A_2118 = arith.constant 512 : i32
      %mul3A_2119 = vector.broadcast %mul3A_2118 : i32 to vector<8x128xi32>
      %mul3A_2120 = arith.muli %get3A_2117, %mul3A_2119 : vector<8x128xi32>
      %get3A_2121 = arith.constant 0 : index
      %get3A_2122 = arith.constant 6272 : index
      %get3A_2123 = vector.load %arg1[%get3A_2121, %get3A_2122] : memref<8x7168xi32, #tpu.memory_space<vmem>>, vector<8x128xi32>
      %add3A_2124 = arith.addi %mul3A_2120, %get3A_2123 : vector<8x128xi32>
      %add3A_2125 = arith.addi %add3A_2124, %mul3A_3 : vector<8x128xi32>
      %get3A_2126 = arith.constant 0 : index
      %get3A_2127 = arith.constant 6272 : index
      %get3A_2128 = vector.load %arg4[%get3A_2126, %get3A_2127] : memref<8x7168xi32, #tpu.memory_space<vmem>>, vector<8x128xi32>
      %mul3A_2129 = arith.constant 512 : i32
      %mul3A_2130 = vector.broadcast %mul3A_2129 : i32 to vector<8x128xi32>
      %mul3A_2131 = arith.muli %get3A_2128, %mul3A_2130 : vector<8x128xi32>
      %get3A_2132 = arith.constant 0 : index
      %get3A_2133 = arith.constant 6272 : index
      %get3A_2134 = vector.load %arg3[%get3A_2132, %get3A_2133] : memref<8x7168xi32, #tpu.memory_space<vmem>>, vector<8x128xi32>
      %add3A_2135 = arith.addi %mul3A_2131, %get3A_2134 : vector<8x128xi32>
      %add3A_2136 = arith.addi %add3A_2135, %mul3A_3 : vector<8x128xi32>
      %swap3A_2137 = arith.constant 0 : index
      %swap3A_2138 = arith.constant 49 : index
      %swap3A_2139 = arith.constant 0 : index
      %swap3A_2140 = vector.load %arg6[%swap3A_2137, %swap3A_2138, %swap3A_2139] : memref<8x56x128xi32, #tpu.memory_space<vmem>>, vector<8x1x128xi32>
      %swap3A_2141 = vector.shape_cast %swap3A_2140 : vector<8x1x128xi32> to vector<8x128xi32>
      %swap3A_2142 = vector.shape_cast %add3A_2125 : vector<8x128xi32> to vector<8x1x128xi32>
      tpu.vector_store %arg6[%swap3A_2137, %swap3A_2138, %swap3A_2139], %swap3A_2142 {strides = array<i32>} : memref<8x56x128xi32, #tpu.memory_space<vmem>>, vector<8x1x128xi32>,
      %swap3A_2143 = arith.constant 0 : index
      %swap3A_2144 = arith.constant 49 : index
      %swap3A_2145 = arith.constant 0 : index
      %swap3A_2146 = vector.load %arg7[%swap3A_2143, %swap3A_2144, %swap3A_2145] : memref<8x56x128xi32, #tpu.memory_space<vmem>>, vector<8x1x128xi32>
      %swap3A_2147 = vector.shape_cast %swap3A_2146 : vector<8x1x128xi32> to vector<8x128xi32>
      %swap3A_2148 = vector.shape_cast %add3A_2136 : vector<8x128xi32> to vector<8x1x128xi32>
      tpu.vector_store %arg7[%swap3A_2143, %swap3A_2144, %swap3A_2145], %swap3A_2148 {strides = array<i32>} : memref<8x56x128xi32, #tpu.memory_space<vmem>>, vector<8x1x128xi32>,
      %get3A_2149 = arith.constant 0 : index
      %get3A_2150 = arith.constant 6272 : index
      %get3A_2151 = vector.load %arg5[%get3A_2149, %get3A_2150] : memref<8x7168xf32, #tpu.memory_space<vmem>>, vector<8x128xf32>
      %swap3A_2152 = arith.constant 0 : index
      %swap3A_2153 = arith.constant 49 : index
      %swap3A_2154 = arith.constant 0 : index
      %swap3A_2155 = vector.load %arg8[%swap3A_2152, %swap3A_2153, %swap3A_2154] : memref<8x56x128xf32, #tpu.memory_space<vmem>>, vector<8x1x128xf32>
      %swap3A_2156 = vector.shape_cast %swap3A_2155 : vector<8x1x128xf32> to vector<8x128xf32>
      %swap3A_2157 = vector.shape_cast %get3A_2151 : vector<8x128xf32> to vector<8x1x128xf32>
      tpu.vector_store %arg8[%swap3A_2152, %swap3A_2153, %swap3A_2154], %swap3A_2157 {strides = array<i32>} : memref<8x56x128xf32, #tpu.memory_space<vmem>>, vector<8x1x128xf32>,
      %get3A_2158 = arith.constant 0 : index
      %get3A_2159 = arith.constant 6400 : index
      %get3A_2160 = vector.load %arg2[%get3A_2158, %get3A_2159] : memref<8x7168xi32, #tpu.memory_space<vmem>>, vector<8x128xi32>
      %mul3A_2161 = arith.constant 512 : i32
      %mul3A_2162 = vector.broadcast %mul3A_2161 : i32 to vector<8x128xi32>
      %mul3A_2163 = arith.muli %get3A_2160, %mul3A_2162 : vector<8x128xi32>
      %get3A_2164 = arith.constant 0 : index
      %get3A_2165 = arith.constant 6400 : index
      %get3A_2166 = vector.load %arg1[%get3A_2164, %get3A_2165] : memref<8x7168xi32, #tpu.memory_space<vmem>>, vector<8x128xi32>
      %add3A_2167 = arith.addi %mul3A_2163, %get3A_2166 : vector<8x128xi32>
      %add3A_2168 = arith.addi %add3A_2167, %mul3A_3 : vector<8x128xi32>
      %get3A_2169 = arith.constant 0 : index
      %get3A_2170 = arith.constant 6400 : index
      %get3A_2171 = vector.load %arg4[%get3A_2169, %get3A_2170] : memref<8x7168xi32, #tpu.memory_space<vmem>>, vector<8x128xi32>
      %mul3A_2172 = arith.constant 512 : i32
      %mul3A_2173 = vector.broadcast %mul3A_2172 : i32 to vector<8x128xi32>
      %mul3A_2174 = arith.muli %get3A_2171, %mul3A_2173 : vector<8x128xi32>
      %get3A_2175 = arith.constant 0 : index
      %get3A_2176 = arith.constant 6400 : index
      %get3A_2177 = vector.load %arg3[%get3A_2175, %get3A_2176] : memref<8x7168xi32, #tpu.memory_space<vmem>>, vector<8x128xi32>
      %add3A_2178 = arith.addi %mul3A_2174, %get3A_2177 : vector<8x128xi32>
      %add3A_2179 = arith.addi %add3A_2178, %mul3A_3 : vector<8x128xi32>
      %swap3A_2180 = arith.constant 0 : index
      %swap3A_2181 = arith.constant 50 : index
      %swap3A_2182 = arith.constant 0 : index
      %swap3A_2183 = vector.load %arg6[%swap3A_2180, %swap3A_2181, %swap3A_2182] : memref<8x56x128xi32, #tpu.memory_space<vmem>>, vector<8x1x128xi32>
      %swap3A_2184 = vector.shape_cast %swap3A_2183 : vector<8x1x128xi32> to vector<8x128xi32>
      %swap3A_2185 = vector.shape_cast %add3A_2168 : vector<8x128xi32> to vector<8x1x128xi32>
      tpu.vector_store %arg6[%swap3A_2180, %swap3A_2181, %swap3A_2182], %swap3A_2185 {strides = array<i32>} : memref<8x56x128xi32, #tpu.memory_space<vmem>>, vector<8x1x128xi32>,
      %swap3A_2186 = arith.constant 0 : index
      %swap3A_2187 = arith.constant 50 : index
      %swap3A_2188 = arith.constant 0 : index
      %swap3A_2189 = vector.load %arg7[%swap3A_2186, %swap3A_2187, %swap3A_2188] : memref<8x56x128xi32, #tpu.memory_space<vmem>>, vector<8x1x128xi32>
      %swap3A_2190 = vector.shape_cast %swap3A_2189 : vector<8x1x128xi32> to vector<8x128xi32>
      %swap3A_2191 = vector.shape_cast %add3A_2179 : vector<8x128xi32> to vector<8x1x128xi32>
      tpu.vector_store %arg7[%swap3A_2186, %swap3A_2187, %swap3A_2188], %swap3A_2191 {strides = array<i32>} : memref<8x56x128xi32, #tpu.memory_space<vmem>>, vector<8x1x128xi32>,
      %get3A_2192 = arith.constant 0 : index
      %get3A_2193 = arith.constant 6400 : index
      %get3A_2194 = vector.load %arg5[%get3A_2192, %get3A_2193] : memref<8x7168xf32, #tpu.memory_space<vmem>>, vector<8x128xf32>
      %swap3A_2195 = arith.constant 0 : index
      %swap3A_2196 = arith.constant 50 : index
      %swap3A_2197 = arith.constant 0 : index
      %swap3A_2198 = vector.load %arg8[%swap3A_2195, %swap3A_2196, %swap3A_2197] : memref<8x56x128xf32, #tpu.memory_space<vmem>>, vector<8x1x128xf32>
      %swap3A_2199 = vector.shape_cast %swap3A_2198 : vector<8x1x128xf32> to vector<8x128xf32>
      %swap3A_2200 = vector.shape_cast %get3A_2194 : vector<8x128xf32> to vector<8x1x128xf32>
      tpu.vector_store %arg8[%swap3A_2195, %swap3A_2196, %swap3A_2197], %swap3A_2200 {strides = array<i32>} : memref<8x56x128xf32, #tpu.memory_space<vmem>>, vector<8x1x128xf32>,
      %get3A_2201 = arith.constant 0 : index
      %get3A_2202 = arith.constant 6528 : index
      %get3A_2203 = vector.load %arg2[%get3A_2201, %get3A_2202] : memref<8x7168xi32, #tpu.memory_space<vmem>>, vector<8x128xi32>
      %mul3A_2204 = arith.constant 512 : i32
      %mul3A_2205 = vector.broadcast %mul3A_2204 : i32 to vector<8x128xi32>
      %mul3A_2206 = arith.muli %get3A_2203, %mul3A_2205 : vector<8x128xi32>
      %get3A_2207 = arith.constant 0 : index
      %get3A_2208 = arith.constant 6528 : index
      %get3A_2209 = vector.load %arg1[%get3A_2207, %get3A_2208] : memref<8x7168xi32, #tpu.memory_space<vmem>>, vector<8x128xi32>
      %add3A_2210 = arith.addi %mul3A_2206, %get3A_2209 : vector<8x128xi32>
      %add3A_2211 = arith.addi %add3A_2210, %mul3A_3 : vector<8x128xi32>
      %get3A_2212 = arith.constant 0 : index
      %get3A_2213 = arith.constant 6528 : index
      %get3A_2214 = vector.load %arg4[%get3A_2212, %get3A_2213] : memref<8x7168xi32, #tpu.memory_space<vmem>>, vector<8x128xi32>
      %mul3A_2215 = arith.constant 512 : i32
      %mul3A_2216 = vector.broadcast %mul3A_2215 : i32 to vector<8x128xi32>
      %mul3A_2217 = arith.muli %get3A_2214, %mul3A_2216 : vector<8x128xi32>
      %get3A_2218 = arith.constant 0 : index
      %get3A_2219 = arith.constant 6528 : index
      %get3A_2220 = vector.load %arg3[%get3A_2218, %get3A_2219] : memref<8x7168xi32, #tpu.memory_space<vmem>>, vector<8x128xi32>
      %add3A_2221 = arith.addi %mul3A_2217, %get3A_2220 : vector<8x128xi32>
      %add3A_2222 = arith.addi %add3A_2221, %mul3A_3 : vector<8x128xi32>
      %swap3A_2223 = arith.constant 0 : index
      %swap3A_2224 = arith.constant 51 : index
      %swap3A_2225 = arith.constant 0 : index
      %swap3A_2226 = vector.load %arg6[%swap3A_2223, %swap3A_2224, %swap3A_2225] : memref<8x56x128xi32, #tpu.memory_space<vmem>>, vector<8x1x128xi32>
      %swap3A_2227 = vector.shape_cast %swap3A_2226 : vector<8x1x128xi32> to vector<8x128xi32>
      %swap3A_2228 = vector.shape_cast %add3A_2211 : vector<8x128xi32> to vector<8x1x128xi32>
      tpu.vector_store %arg6[%swap3A_2223, %swap3A_2224, %swap3A_2225], %swap3A_2228 {strides = array<i32>} : memref<8x56x128xi32, #tpu.memory_space<vmem>>, vector<8x1x128xi32>,
      %swap3A_2229 = arith.constant 0 : index
      %swap3A_2230 = arith.constant 51 : index
      %swap3A_2231 = arith.constant 0 : index
      %swap3A_2232 = vector.load %arg7[%swap3A_2229, %swap3A_2230, %swap3A_2231] : memref<8x56x128xi32, #tpu.memory_space<vmem>>, vector<8x1x128xi32>
      %swap3A_2233 = vector.shape_cast %swap3A_2232 : vector<8x1x128xi32> to vector<8x128xi32>
      %swap3A_2234 = vector.shape_cast %add3A_2222 : vector<8x128xi32> to vector<8x1x128xi32>
      tpu.vector_store %arg7[%swap3A_2229, %swap3A_2230, %swap3A_2231], %swap3A_2234 {strides = array<i32>} : memref<8x56x128xi32, #tpu.memory_space<vmem>>, vector<8x1x128xi32>,
      %get3A_2235 = arith.constant 0 : index
      %get3A_2236 = arith.constant 6528 : index
      %get3A_2237 = vector.load %arg5[%get3A_2235, %get3A_2236] : memref<8x7168xf32, #tpu.memory_space<vmem>>, vector<8x128xf32>
      %swap3A_2238 = arith.constant 0 : index
      %swap3A_2239 = arith.constant 51 : index
      %swap3A_2240 = arith.constant 0 : index
      %swap3A_2241 = vector.load %arg8[%swap3A_2238, %swap3A_2239, %swap3A_2240] : memref<8x56x128xf32, #tpu.memory_space<vmem>>, vector<8x1x128xf32>
      %swap3A_2242 = vector.shape_cast %swap3A_2241 : vector<8x1x128xf32> to vector<8x128xf32>
      %swap3A_2243 = vector.shape_cast %get3A_2237 : vector<8x128xf32> to vector<8x1x128xf32>
      tpu.vector_store %arg8[%swap3A_2238, %swap3A_2239, %swap3A_2240], %swap3A_2243 {strides = array<i32>} : memref<8x56x128xf32, #tpu.memory_space<vmem>>, vector<8x1x128xf32>,
      %get3A_2244 = arith.constant 0 : index
      %get3A_2245 = arith.constant 6656 : index
      %get3A_2246 = vector.load %arg2[%get3A_2244, %get3A_2245] : memref<8x7168xi32, #tpu.memory_space<vmem>>, vector<8x128xi32>
      %mul3A_2247 = arith.constant 512 : i32
      %mul3A_2248 = vector.broadcast %mul3A_2247 : i32 to vector<8x128xi32>
      %mul3A_2249 = arith.muli %get3A_2246, %mul3A_2248 : vector<8x128xi32>
      %get3A_2250 = arith.constant 0 : index
      %get3A_2251 = arith.constant 6656 : index
      %get3A_2252 = vector.load %arg1[%get3A_2250, %get3A_2251] : memref<8x7168xi32, #tpu.memory_space<vmem>>, vector<8x128xi32>
      %add3A_2253 = arith.addi %mul3A_2249, %get3A_2252 : vector<8x128xi32>
      %add3A_2254 = arith.addi %add3A_2253, %mul3A_3 : vector<8x128xi32>
      %get3A_2255 = arith.constant 0 : index
      %get3A_2256 = arith.constant 6656 : index
      %get3A_2257 = vector.load %arg4[%get3A_2255, %get3A_2256] : memref<8x7168xi32, #tpu.memory_space<vmem>>, vector<8x128xi32>
      %mul3A_2258 = arith.constant 512 : i32
      %mul3A_2259 = vector.broadcast %mul3A_2258 : i32 to vector<8x128xi32>
      %mul3A_2260 = arith.muli %get3A_2257, %mul3A_2259 : vector<8x128xi32>
      %get3A_2261 = arith.constant 0 : index
      %get3A_2262 = arith.constant 6656 : index
      %get3A_2263 = vector.load %arg3[%get3A_2261, %get3A_2262] : memref<8x7168xi32, #tpu.memory_space<vmem>>, vector<8x128xi32>
      %add3A_2264 = arith.addi %mul3A_2260, %get3A_2263 : vector<8x128xi32>
      %add3A_2265 = arith.addi %add3A_2264, %mul3A_3 : vector<8x128xi32>
      %swap3A_2266 = arith.constant 0 : index
      %swap3A_2267 = arith.constant 52 : index
      %swap3A_2268 = arith.constant 0 : index
      %swap3A_2269 = vector.load %arg6[%swap3A_2266, %swap3A_2267, %swap3A_2268] : memref<8x56x128xi32, #tpu.memory_space<vmem>>, vector<8x1x128xi32>
      %swap3A_2270 = vector.shape_cast %swap3A_2269 : vector<8x1x128xi32> to vector<8x128xi32>
      %swap3A_2271 = vector.shape_cast %add3A_2254 : vector<8x128xi32> to vector<8x1x128xi32>
      tpu.vector_store %arg6[%swap3A_2266, %swap3A_2267, %swap3A_2268], %swap3A_2271 {strides = array<i32>} : memref<8x56x128xi32, #tpu.memory_space<vmem>>, vector<8x1x128xi32>,
      %swap3A_2272 = arith.constant 0 : index
      %swap3A_2273 = arith.constant 52 : index
      %swap3A_2274 = arith.constant 0 : index
      %swap3A_2275 = vector.load %arg7[%swap3A_2272, %swap3A_2273, %swap3A_2274] : memref<8x56x128xi32, #tpu.memory_space<vmem>>, vector<8x1x128xi32>
      %swap3A_2276 = vector.shape_cast %swap3A_2275 : vector<8x1x128xi32> to vector<8x128xi32>
      %swap3A_2277 = vector.shape_cast %add3A_2265 : vector<8x128xi32> to vector<8x1x128xi32>
      tpu.vector_store %arg7[%swap3A_2272, %swap3A_2273, %swap3A_2274], %swap3A_2277 {strides = array<i32>} : memref<8x56x128xi32, #tpu.memory_space<vmem>>, vector<8x1x128xi32>,
      %get3A_2278 = arith.constant 0 : index
      %get3A_2279 = arith.constant 6656 : index
      %get3A_2280 = vector.load %arg5[%get3A_2278, %get3A_2279] : memref<8x7168xf32, #tpu.memory_space<vmem>>, vector<8x128xf32>
      %swap3A_2281 = arith.constant 0 : index
      %swap3A_2282 = arith.constant 52 : index
      %swap3A_2283 = arith.constant 0 : index
      %swap3A_2284 = vector.load %arg8[%swap3A_2281, %swap3A_2282, %swap3A_2283] : memref<8x56x128xf32, #tpu.memory_space<vmem>>, vector<8x1x128xf32>
      %swap3A_2285 = vector.shape_cast %swap3A_2284 : vector<8x1x128xf32> to vector<8x128xf32>
      %swap3A_2286 = vector.shape_cast %get3A_2280 : vector<8x128xf32> to vector<8x1x128xf32>
      tpu.vector_store %arg8[%swap3A_2281, %swap3A_2282, %swap3A_2283], %swap3A_2286 {strides = array<i32>} : memref<8x56x128xf32, #tpu.memory_space<vmem>>, vector<8x1x128xf32>,
      %get3A_2287 = arith.constant 0 : index
      %get3A_2288 = arith.constant 6784 : index
      %get3A_2289 = vector.load %arg2[%get3A_2287, %get3A_2288] : memref<8x7168xi32, #tpu.memory_space<vmem>>, vector<8x128xi32>
      %mul3A_2290 = arith.constant 512 : i32
      %mul3A_2291 = vector.broadcast %mul3A_2290 : i32 to vector<8x128xi32>
      %mul3A_2292 = arith.muli %get3A_2289, %mul3A_2291 : vector<8x128xi32>
      %get3A_2293 = arith.constant 0 : index
      %get3A_2294 = arith.constant 6784 : index
      %get3A_2295 = vector.load %arg1[%get3A_2293, %get3A_2294] : memref<8x7168xi32, #tpu.memory_space<vmem>>, vector<8x128xi32>
      %add3A_2296 = arith.addi %mul3A_2292, %get3A_2295 : vector<8x128xi32>
      %add3A_2297 = arith.addi %add3A_2296, %mul3A_3 : vector<8x128xi32>
      %get3A_2298 = arith.constant 0 : index
      %get3A_2299 = arith.constant 6784 : index
      %get3A_2300 = vector.load %arg4[%get3A_2298, %get3A_2299] : memref<8x7168xi32, #tpu.memory_space<vmem>>, vector<8x128xi32>
      %mul3A_2301 = arith.constant 512 : i32
      %mul3A_2302 = vector.broadcast %mul3A_2301 : i32 to vector<8x128xi32>
      %mul3A_2303 = arith.muli %get3A_2300, %mul3A_2302 : vector<8x128xi32>
      %get3A_2304 = arith.constant 0 : index
      %get3A_2305 = arith.constant 6784 : index
      %get3A_2306 = vector.load %arg3[%get3A_2304, %get3A_2305] : memref<8x7168xi32, #tpu.memory_space<vmem>>, vector<8x128xi32>
      %add3A_2307 = arith.addi %mul3A_2303, %get3A_2306 : vector<8x128xi32>
      %add3A_2308 = arith.addi %add3A_2307, %mul3A_3 : vector<8x128xi32>
      %swap3A_2309 = arith.constant 0 : index
      %swap3A_2310 = arith.constant 53 : index
      %swap3A_2311 = arith.constant 0 : index
      %swap3A_2312 = vector.load %arg6[%swap3A_2309, %swap3A_2310, %swap3A_2311] : memref<8x56x128xi32, #tpu.memory_space<vmem>>, vector<8x1x128xi32>
      %swap3A_2313 = vector.shape_cast %swap3A_2312 : vector<8x1x128xi32> to vector<8x128xi32>
      %swap3A_2314 = vector.shape_cast %add3A_2297 : vector<8x128xi32> to vector<8x1x128xi32>
      tpu.vector_store %arg6[%swap3A_2309, %swap3A_2310, %swap3A_2311], %swap3A_2314 {strides = array<i32>} : memref<8x56x128xi32, #tpu.memory_space<vmem>>, vector<8x1x128xi32>,
      %swap3A_2315 = arith.constant 0 : index
      %swap3A_2316 = arith.constant 53 : index
      %swap3A_2317 = arith.constant 0 : index
      %swap3A_2318 = vector.load %arg7[%swap3A_2315, %swap3A_2316, %swap3A_2317] : memref<8x56x128xi32, #tpu.memory_space<vmem>>, vector<8x1x128xi32>
      %swap3A_2319 = vector.shape_cast %swap3A_2318 : vector<8x1x128xi32> to vector<8x128xi32>
      %swap3A_2320 = vector.shape_cast %add3A_2308 : vector<8x128xi32> to vector<8x1x128xi32>
      tpu.vector_store %arg7[%swap3A_2315, %swap3A_2316, %swap3A_2317], %swap3A_2320 {strides = array<i32>} : memref<8x56x128xi32, #tpu.memory_space<vmem>>, vector<8x1x128xi32>,
      %get3A_2321 = arith.constant 0 : index
      %get3A_2322 = arith.constant 6784 : index
      %get3A_2323 = vector.load %arg5[%get3A_2321, %get3A_2322] : memref<8x7168xf32, #tpu.memory_space<vmem>>, vector<8x128xf32>
      %swap3A_2324 = arith.constant 0 : index
      %swap3A_2325 = arith.constant 53 : index
      %swap3A_2326 = arith.constant 0 : index
      %swap3A_2327 = vector.load %arg8[%swap3A_2324, %swap3A_2325, %swap3A_2326] : memref<8x56x128xf32, #tpu.memory_space<vmem>>, vector<8x1x128xf32>
      %swap3A_2328 = vector.shape_cast %swap3A_2327 : vector<8x1x128xf32> to vector<8x128xf32>
      %swap3A_2329 = vector.shape_cast %get3A_2323 : vector<8x128xf32> to vector<8x1x128xf32>
      tpu.vector_store %arg8[%swap3A_2324, %swap3A_2325, %swap3A_2326], %swap3A_2329 {strides = array<i32>} : memref<8x56x128xf32, #tpu.memory_space<vmem>>, vector<8x1x128xf32>,
      %get3A_2330 = arith.constant 0 : index
      %get3A_2331 = arith.constant 6912 : index
      %get3A_2332 = vector.load %arg2[%get3A_2330, %get3A_2331] : memref<8x7168xi32, #tpu.memory_space<vmem>>, vector<8x128xi32>
      %mul3A_2333 = arith.constant 512 : i32
      %mul3A_2334 = vector.broadcast %mul3A_2333 : i32 to vector<8x128xi32>
      %mul3A_2335 = arith.muli %get3A_2332, %mul3A_2334 : vector<8x128xi32>
      %get3A_2336 = arith.constant 0 : index
      %get3A_2337 = arith.constant 6912 : index
      %get3A_2338 = vector.load %arg1[%get3A_2336, %get3A_2337] : memref<8x7168xi32, #tpu.memory_space<vmem>>, vector<8x128xi32>
      %add3A_2339 = arith.addi %mul3A_2335, %get3A_2338 : vector<8x128xi32>
      %add3A_2340 = arith.addi %add3A_2339, %mul3A_3 : vector<8x128xi32>
      %get3A_2341 = arith.constant 0 : index
      %get3A_2342 = arith.constant 6912 : index
      %get3A_2343 = vector.load %arg4[%get3A_2341, %get3A_2342] : memref<8x7168xi32, #tpu.memory_space<vmem>>, vector<8x128xi32>
      %mul3A_2344 = arith.constant 512 : i32
      %mul3A_2345 = vector.broadcast %mul3A_2344 : i32 to vector<8x128xi32>
      %mul3A_2346 = arith.muli %get3A_2343, %mul3A_2345 : vector<8x128xi32>
      %get3A_2347 = arith.constant 0 : index
      %get3A_2348 = arith.constant 6912 : index
      %get3A_2349 = vector.load %arg3[%get3A_2347, %get3A_2348] : memref<8x7168xi32, #tpu.memory_space<vmem>>, vector<8x128xi32>
      %add3A_2350 = arith.addi %mul3A_2346, %get3A_2349 : vector<8x128xi32>
      %add3A_2351 = arith.addi %add3A_2350, %mul3A_3 : vector<8x128xi32>
      %swap3A_2352 = arith.constant 0 : index
      %swap3A_2353 = arith.constant 54 : index
      %swap3A_2354 = arith.constant 0 : index
      %swap3A_2355 = vector.load %arg6[%swap3A_2352, %swap3A_2353, %swap3A_2354] : memref<8x56x128xi32, #tpu.memory_space<vmem>>, vector<8x1x128xi32>
      %swap3A_2356 = vector.shape_cast %swap3A_2355 : vector<8x1x128xi32> to vector<8x128xi32>
      %swap3A_2357 = vector.shape_cast %add3A_2340 : vector<8x128xi32> to vector<8x1x128xi32>
      tpu.vector_store %arg6[%swap3A_2352, %swap3A_2353, %swap3A_2354], %swap3A_2357 {strides = array<i32>} : memref<8x56x128xi32, #tpu.memory_space<vmem>>, vector<8x1x128xi32>,
      %swap3A_2358 = arith.constant 0 : index
      %swap3A_2359 = arith.constant 54 : index
      %swap3A_2360 = arith.constant 0 : index
      %swap3A_2361 = vector.load %arg7[%swap3A_2358, %swap3A_2359, %swap3A_2360] : memref<8x56x128xi32, #tpu.memory_space<vmem>>, vector<8x1x128xi32>
      %swap3A_2362 = vector.shape_cast %swap3A_2361 : vector<8x1x128xi32> to vector<8x128xi32>
      %swap3A_2363 = vector.shape_cast %add3A_2351 : vector<8x128xi32> to vector<8x1x128xi32>
      tpu.vector_store %arg7[%swap3A_2358, %swap3A_2359, %swap3A_2360], %swap3A_2363 {strides = array<i32>} : memref<8x56x128xi32, #tpu.memory_space<vmem>>, vector<8x1x128xi32>,
      %get3A_2364 = arith.constant 0 : index
      %get3A_2365 = arith.constant 6912 : index
      %get3A_2366 = vector.load %arg5[%get3A_2364, %get3A_2365] : memref<8x7168xf32, #tpu.memory_space<vmem>>, vector<8x128xf32>
      %swap3A_2367 = arith.constant 0 : index
      %swap3A_2368 = arith.constant 54 : index
      %swap3A_2369 = arith.constant 0 : index
      %swap3A_2370 = vector.load %arg8[%swap3A_2367, %swap3A_2368, %swap3A_2369] : memref<8x56x128xf32, #tpu.memory_space<vmem>>, vector<8x1x128xf32>
      %swap3A_2371 = vector.shape_cast %swap3A_2370 : vector<8x1x128xf32> to vector<8x128xf32>
      %swap3A_2372 = vector.shape_cast %get3A_2366 : vector<8x128xf32> to vector<8x1x128xf32>
      tpu.vector_store %arg8[%swap3A_2367, %swap3A_2368, %swap3A_2369], %swap3A_2372 {strides = array<i32>} : memref<8x56x128xf32, #tpu.memory_space<vmem>>, vector<8x1x128xf32>,
      %get3A_2373 = arith.constant 0 : index
      %get3A_2374 = arith.constant 7040 : index
      %get3A_2375 = vector.load %arg2[%get3A_2373, %get3A_2374] : memref<8x7168xi32, #tpu.memory_space<vmem>>, vector<8x128xi32>
      %mul3A_2376 = arith.constant 512 : i32
      %mul3A_2377 = vector.broadcast %mul3A_2376 : i32 to vector<8x128xi32>
      %mul3A_2378 = arith.muli %get3A_2375, %mul3A_2377 : vector<8x128xi32>
      %get3A_2379 = arith.constant 0 : index
      %get3A_2380 = arith.constant 7040 : index
      %get3A_2381 = vector.load %arg1[%get3A_2379, %get3A_2380] : memref<8x7168xi32, #tpu.memory_space<vmem>>, vector<8x128xi32>
      %add3A_2382 = arith.addi %mul3A_2378, %get3A_2381 : vector<8x128xi32>
      %add3A_2383 = arith.addi %add3A_2382, %mul3A_3 : vector<8x128xi32>
      %get3A_2384 = arith.constant 0 : index
      %get3A_2385 = arith.constant 7040 : index
      %get3A_2386 = vector.load %arg4[%get3A_2384, %get3A_2385] : memref<8x7168xi32, #tpu.memory_space<vmem>>, vector<8x128xi32>
      %mul3A_2387 = arith.constant 512 : i32
      %mul3A_2388 = vector.broadcast %mul3A_2387 : i32 to vector<8x128xi32>
      %mul3A_2389 = arith.muli %get3A_2386, %mul3A_2388 : vector<8x128xi32>
      %get3A_2390 = arith.constant 0 : index
      %get3A_2391 = arith.constant 7040 : index
      %get3A_2392 = vector.load %arg3[%get3A_2390, %get3A_2391] : memref<8x7168xi32, #tpu.memory_space<vmem>>, vector<8x128xi32>
      %add3A_2393 = arith.addi %mul3A_2389, %get3A_2392 : vector<8x128xi32>
      %add3A_2394 = arith.addi %add3A_2393, %mul3A_3 : vector<8x128xi32>
      %swap3A_2395 = arith.constant 0 : index
      %swap3A_2396 = arith.constant 55 : index
      %swap3A_2397 = arith.constant 0 : index
      %swap3A_2398 = vector.load %arg6[%swap3A_2395, %swap3A_2396, %swap3A_2397] : memref<8x56x128xi32, #tpu.memory_space<vmem>>, vector<8x1x128xi32>
      %swap3A_2399 = vector.shape_cast %swap3A_2398 : vector<8x1x128xi32> to vector<8x128xi32>
      %swap3A_2400 = vector.shape_cast %add3A_2383 : vector<8x128xi32> to vector<8x1x128xi32>
      tpu.vector_store %arg6[%swap3A_2395, %swap3A_2396, %swap3A_2397], %swap3A_2400 {strides = array<i32>} : memref<8x56x128xi32, #tpu.memory_space<vmem>>, vector<8x1x128xi32>,
      %swap3A_2401 = arith.constant 0 : index
      %swap3A_2402 = arith.constant 55 : index
      %swap3A_2403 = arith.constant 0 : index
      %swap3A_2404 = vector.load %arg7[%swap3A_2401, %swap3A_2402, %swap3A_2403] : memref<8x56x128xi32, #tpu.memory_space<vmem>>, vector<8x1x128xi32>
      %swap3A_2405 = vector.shape_cast %swap3A_2404 : vector<8x1x128xi32> to vector<8x128xi32>
      %swap3A_2406 = vector.shape_cast %add3A_2394 : vector<8x128xi32> to vector<8x1x128xi32>
      tpu.vector_store %arg7[%swap3A_2401, %swap3A_2402, %swap3A_2403], %swap3A_2406 {strides = array<i32>} : memref<8x56x128xi32, #tpu.memory_space<vmem>>, vector<8x1x128xi32>,
      %get3A_2407 = arith.constant 0 : index
      %get3A_2408 = arith.constant 7040 : index
      %get3A_2409 = vector.load %arg5[%get3A_2407, %get3A_2408] : memref<8x7168xf32, #tpu.memory_space<vmem>>, vector<8x128xf32>
      %swap3A_2410 = arith.constant 0 : index
      %swap3A_2411 = arith.constant 55 : index
      %swap3A_2412 = arith.constant 0 : index
      %swap3A_2413 = vector.load %arg8[%swap3A_2410, %swap3A_2411, %swap3A_2412] : memref<8x56x128xf32, #tpu.memory_space<vmem>>, vector<8x1x128xf32>
      %swap3A_2414 = vector.shape_cast %swap3A_2413 : vector<8x1x128xf32> to vector<8x128xf32>
      %swap3A_2415 = vector.shape_cast %get3A_2409 : vector<8x128xf32> to vector<8x1x128xf32>
      tpu.vector_store %arg8[%swap3A_2410, %swap3A_2411, %swap3A_2412], %swap3A_2415 {strides = array<i32>} : memref<8x56x128xf32, #tpu.memory_space<vmem>>, vector<8x1x128xf32>,
    } else {
    }
    %eq3A = arith.constant 6 : i32
    %eq3A_7 = arith.cmpi eq, %arg0, %eq3A : i32
    %convert_element_type3A_8 = arith.extui %eq3A_7 : i1 to i32
    %cond3A_9 = arith.constant 0 : i32
    %cond3A_10 = arith.cmpi ne, %convert_element_type3A_8, %cond3A_9 : i32
    scf.if %cond3A_10 {
      %get3A = arith.constant 0 : index
      %get3A_11 = arith.constant 0 : index
      %get3A_12 = vector.load %arg2[%get3A, %get3A_11] : memref<8x7168xi32, #tpu.memory_space<vmem>>, vector<8x128xi32>
      %mul3A_13 = arith.constant 512 : i32
      %mul3A_14 = vector.broadcast %mul3A_13 : i32 to vector<8x128xi32>
      %mul3A_15 = arith.muli %get3A_12, %mul3A_14 : vector<8x128xi32>
      %get3A_16 = arith.constant 0 : index
      %get3A_17 = arith.constant 0 : index
      %get3A_18 = vector.load %arg1[%get3A_16, %get3A_17] : memref<8x7168xi32, #tpu.memory_space<vmem>>, vector<8x128xi32>
      %add3A = arith.addi %mul3A_15, %get3A_18 : vector<8x128xi32>
      %add3A_19 = arith.addi %add3A, %mul3A_3 : vector<8x128xi32>
      %get3A_20 = arith.constant 0 : index
      %get3A_21 = arith.constant 0 : index
      %get3A_22 = vector.load %arg4[%get3A_20, %get3A_21] : memref<8x7168xi32, #tpu.memory_space<vmem>>, vector<8x128xi32>
      %mul3A_23 = arith.constant 512 : i32
      %mul3A_24 = vector.broadcast %mul3A_23 : i32 to vector<8x128xi32>
      %mul3A_25 = arith.muli %get3A_22, %mul3A_24 : vector<8x128xi32>
      %get3A_26 = arith.constant 0 : index
      %get3A_27 = arith.constant 0 : index
      %get3A_28 = vector.load %arg3[%get3A_26, %get3A_27] : memref<8x7168xi32, #tpu.memory_space<vmem>>, vector<8x128xi32>
      %add3A_29 = arith.addi %mul3A_25, %get3A_28 : vector<8x128xi32>
      %add3A_30 = arith.addi %add3A_29, %mul3A_3 : vector<8x128xi32>
      %mul3A_31 = arith.constant 7168 : i32
      %mul3A_32 = arith.muli %arg0, %mul3A_31 : i32
      %add3A_33 = arith.constant 0 : i32
      %add3A_34 = arith.addi %mul3A_32, %add3A_33 : i32
      %add3A_35 = vector.broadcast %add3A_34 : i32 to vector<8x128xi32>
      %add3A_36 = arith.addi %iota3A_4, %add3A_35 : vector<8x128xi32>
      %lt3A_37 = arith.constant 50000 : i32
      %lt3A_38 = vector.broadcast %lt3A_37 : i32 to vector<8x128xi32>
      %lt3A_39 = arith.cmpi slt, %add3A_36, %lt3A_38 : vector<8x128xi32>
      %jit3A = arith.constant 0 : i32
      %broadcast_in_dim3A = vector.broadcast %jit3A : i32 to vector<8x128xi32>
      %select_n3A = arith.select %lt3A_39, %add3A_19, %broadcast_in_dim3A : vector<8x128xi1>, vector<8x128xi32>
      %swap3A = arith.constant 0 : index
      %swap3A_40 = arith.constant 0 : index
      %swap3A_41 = arith.constant 0 : index
      %swap3A_42 = vector.load %arg6[%swap3A, %swap3A_40, %swap3A_41] : memref<8x56x128xi32, #tpu.memory_space<vmem>>, vector<8x1x128xi32>
      %swap3A_43 = vector.shape_cast %swap3A_42 : vector<8x1x128xi32> to vector<8x128xi32>
      %swap3A_44 = vector.shape_cast %select_n3A : vector<8x128xi32> to vector<8x1x128xi32>
      tpu.vector_store %arg6[%swap3A, %swap3A_40, %swap3A_41], %swap3A_44 {strides = array<i32>} : memref<8x56x128xi32, #tpu.memory_space<vmem>>, vector<8x1x128xi32>,
      %jit3A_45 = arith.constant 0 : i32
      %broadcast_in_dim3A_46 = vector.broadcast %jit3A_45 : i32 to vector<8x128xi32>
      %select_n3A_47 = arith.select %lt3A_39, %add3A_30, %broadcast_in_dim3A_46 : vector<8x128xi1>, vector<8x128xi32>
      %swap3A_48 = arith.constant 0 : index
      %swap3A_49 = arith.constant 0 : index
      %swap3A_50 = arith.constant 0 : index
      %swap3A_51 = vector.load %arg7[%swap3A_48, %swap3A_49, %swap3A_50] : memref<8x56x128xi32, #tpu.memory_space<vmem>>, vector<8x1x128xi32>
      %swap3A_52 = vector.shape_cast %swap3A_51 : vector<8x1x128xi32> to vector<8x128xi32>
      %swap3A_53 = vector.shape_cast %select_n3A_47 : vector<8x128xi32> to vector<8x1x128xi32>
      tpu.vector_store %arg7[%swap3A_48, %swap3A_49, %swap3A_50], %swap3A_53 {strides = array<i32>} : memref<8x56x128xi32, #tpu.memory_space<vmem>>, vector<8x1x128xi32>,
      %get3A_54 = arith.constant 0 : index
      %get3A_55 = arith.constant 0 : index
      %get3A_56 = vector.load %arg5[%get3A_54, %get3A_55] : memref<8x7168xf32, #tpu.memory_space<vmem>>, vector<8x128xf32>
      %jit3A_57 = arith.constant 0.000000e+00 : f32
      %broadcast_in_dim3A_58 = vector.broadcast %jit3A_57 : f32 to vector<8x128xf32>
      %select_n3A_59 = arith.select %lt3A_39, %get3A_56, %broadcast_in_dim3A_58 : vector<8x128xi1>, vector<8x128xf32>
      %swap3A_60 = arith.constant 0 : index
      %swap3A_61 = arith.constant 0 : index
      %swap3A_62 = arith.constant 0 : index
      %swap3A_63 = vector.load %arg8[%swap3A_60, %swap3A_61, %swap3A_62] : memref<8x56x128xf32, #tpu.memory_space<vmem>>, vector<8x1x128xf32>
      %swap3A_64 = vector.shape_cast %swap3A_63 : vector<8x1x128xf32> to vector<8x128xf32>
      %swap3A_65 = vector.shape_cast %select_n3A_59 : vector<8x128xf32> to vector<8x1x128xf32>
      tpu.vector_store %arg8[%swap3A_60, %swap3A_61, %swap3A_62], %swap3A_65 {strides = array<i32>} : memref<8x56x128xf32, #tpu.memory_space<vmem>>, vector<8x1x128xf32>,
      %get3A_66 = arith.constant 0 : index
      %get3A_67 = arith.constant 128 : index
      %get3A_68 = vector.load %arg2[%get3A_66, %get3A_67] : memref<8x7168xi32, #tpu.memory_space<vmem>>, vector<8x128xi32>
      %mul3A_69 = arith.constant 512 : i32
      %mul3A_70 = vector.broadcast %mul3A_69 : i32 to vector<8x128xi32>
      %mul3A_71 = arith.muli %get3A_68, %mul3A_70 : vector<8x128xi32>
      %get3A_72 = arith.constant 0 : index
      %get3A_73 = arith.constant 128 : index
      %get3A_74 = vector.load %arg1[%get3A_72, %get3A_73] : memref<8x7168xi32, #tpu.memory_space<vmem>>, vector<8x128xi32>
      %add3A_75 = arith.addi %mul3A_71, %get3A_74 : vector<8x128xi32>
      %add3A_76 = arith.addi %add3A_75, %mul3A_3 : vector<8x128xi32>
      %get3A_77 = arith.constant 0 : index
      %get3A_78 = arith.constant 128 : index
      %get3A_79 = vector.load %arg4[%get3A_77, %get3A_78] : memref<8x7168xi32, #tpu.memory_space<vmem>>, vector<8x128xi32>
      %mul3A_80 = arith.constant 512 : i32
      %mul3A_81 = vector.broadcast %mul3A_80 : i32 to vector<8x128xi32>
      %mul3A_82 = arith.muli %get3A_79, %mul3A_81 : vector<8x128xi32>
      %get3A_83 = arith.constant 0 : index
      %get3A_84 = arith.constant 128 : index
      %get3A_85 = vector.load %arg3[%get3A_83, %get3A_84] : memref<8x7168xi32, #tpu.memory_space<vmem>>, vector<8x128xi32>
      %add3A_86 = arith.addi %mul3A_82, %get3A_85 : vector<8x128xi32>
      %add3A_87 = arith.addi %add3A_86, %mul3A_3 : vector<8x128xi32>
      %mul3A_88 = arith.constant 7168 : i32
      %mul3A_89 = arith.muli %arg0, %mul3A_88 : i32
      %add3A_90 = arith.constant 128 : i32
      %add3A_91 = arith.addi %mul3A_89, %add3A_90 : i32
      %add3A_92 = vector.broadcast %add3A_91 : i32 to vector<8x128xi32>
      %add3A_93 = arith.addi %iota3A_4, %add3A_92 : vector<8x128xi32>
      %lt3A_94 = arith.constant 50000 : i32
      %lt3A_95 = vector.broadcast %lt3A_94 : i32 to vector<8x128xi32>
      %lt3A_96 = arith.cmpi slt, %add3A_93, %lt3A_95 : vector<8x128xi32>
      %jit3A_97 = arith.constant 0 : i32
      %broadcast_in_dim3A_98 = vector.broadcast %jit3A_97 : i32 to vector<8x128xi32>
      %select_n3A_99 = arith.select %lt3A_96, %add3A_76, %broadcast_in_dim3A_98 : vector<8x128xi1>, vector<8x128xi32>
      %swap3A_100 = arith.constant 0 : index
      %swap3A_101 = arith.constant 1 : index
      %swap3A_102 = arith.constant 0 : index
      %swap3A_103 = vector.load %arg6[%swap3A_100, %swap3A_101, %swap3A_102] : memref<8x56x128xi32, #tpu.memory_space<vmem>>, vector<8x1x128xi32>
      %swap3A_104 = vector.shape_cast %swap3A_103 : vector<8x1x128xi32> to vector<8x128xi32>
      %swap3A_105 = vector.shape_cast %select_n3A_99 : vector<8x128xi32> to vector<8x1x128xi32>
      tpu.vector_store %arg6[%swap3A_100, %swap3A_101, %swap3A_102], %swap3A_105 {strides = array<i32>} : memref<8x56x128xi32, #tpu.memory_space<vmem>>, vector<8x1x128xi32>,
      %jit3A_106 = arith.constant 0 : i32
      %broadcast_in_dim3A_107 = vector.broadcast %jit3A_106 : i32 to vector<8x128xi32>
      %select_n3A_108 = arith.select %lt3A_96, %add3A_87, %broadcast_in_dim3A_107 : vector<8x128xi1>, vector<8x128xi32>
      %swap3A_109 = arith.constant 0 : index
      %swap3A_110 = arith.constant 1 : index
      %swap3A_111 = arith.constant 0 : index
      %swap3A_112 = vector.load %arg7[%swap3A_109, %swap3A_110, %swap3A_111] : memref<8x56x128xi32, #tpu.memory_space<vmem>>, vector<8x1x128xi32>
      %swap3A_113 = vector.shape_cast %swap3A_112 : vector<8x1x128xi32> to vector<8x128xi32>
      %swap3A_114 = vector.shape_cast %select_n3A_108 : vector<8x128xi32> to vector<8x1x128xi32>
      tpu.vector_store %arg7[%swap3A_109, %swap3A_110, %swap3A_111], %swap3A_114 {strides = array<i32>} : memref<8x56x128xi32, #tpu.memory_space<vmem>>, vector<8x1x128xi32>,
      %get3A_115 = arith.constant 0 : index
      %get3A_116 = arith.constant 128 : index
      %get3A_117 = vector.load %arg5[%get3A_115, %get3A_116] : memref<8x7168xf32, #tpu.memory_space<vmem>>, vector<8x128xf32>
      %jit3A_118 = arith.constant 0.000000e+00 : f32
      %broadcast_in_dim3A_119 = vector.broadcast %jit3A_118 : f32 to vector<8x128xf32>
      %select_n3A_120 = arith.select %lt3A_96, %get3A_117, %broadcast_in_dim3A_119 : vector<8x128xi1>, vector<8x128xf32>
      %swap3A_121 = arith.constant 0 : index
      %swap3A_122 = arith.constant 1 : index
      %swap3A_123 = arith.constant 0 : index
      %swap3A_124 = vector.load %arg8[%swap3A_121, %swap3A_122, %swap3A_123] : memref<8x56x128xf32, #tpu.memory_space<vmem>>, vector<8x1x128xf32>
      %swap3A_125 = vector.shape_cast %swap3A_124 : vector<8x1x128xf32> to vector<8x128xf32>
      %swap3A_126 = vector.shape_cast %select_n3A_120 : vector<8x128xf32> to vector<8x1x128xf32>
      tpu.vector_store %arg8[%swap3A_121, %swap3A_122, %swap3A_123], %swap3A_126 {strides = array<i32>} : memref<8x56x128xf32, #tpu.memory_space<vmem>>, vector<8x1x128xf32>,
      %get3A_127 = arith.constant 0 : index
      %get3A_128 = arith.constant 256 : index
      %get3A_129 = vector.load %arg2[%get3A_127, %get3A_128] : memref<8x7168xi32, #tpu.memory_space<vmem>>, vector<8x128xi32>
      %mul3A_130 = arith.constant 512 : i32
      %mul3A_131 = vector.broadcast %mul3A_130 : i32 to vector<8x128xi32>
      %mul3A_132 = arith.muli %get3A_129, %mul3A_131 : vector<8x128xi32>
      %get3A_133 = arith.constant 0 : index
      %get3A_134 = arith.constant 256 : index
      %get3A_135 = vector.load %arg1[%get3A_133, %get3A_134] : memref<8x7168xi32, #tpu.memory_space<vmem>>, vector<8x128xi32>
      %add3A_136 = arith.addi %mul3A_132, %get3A_135 : vector<8x128xi32>
      %add3A_137 = arith.addi %add3A_136, %mul3A_3 : vector<8x128xi32>
      %get3A_138 = arith.constant 0 : index
      %get3A_139 = arith.constant 256 : index
      %get3A_140 = vector.load %arg4[%get3A_138, %get3A_139] : memref<8x7168xi32, #tpu.memory_space<vmem>>, vector<8x128xi32>
      %mul3A_141 = arith.constant 512 : i32
      %mul3A_142 = vector.broadcast %mul3A_141 : i32 to vector<8x128xi32>
      %mul3A_143 = arith.muli %get3A_140, %mul3A_142 : vector<8x128xi32>
      %get3A_144 = arith.constant 0 : index
      %get3A_145 = arith.constant 256 : index
      %get3A_146 = vector.load %arg3[%get3A_144, %get3A_145] : memref<8x7168xi32, #tpu.memory_space<vmem>>, vector<8x128xi32>
      %add3A_147 = arith.addi %mul3A_143, %get3A_146 : vector<8x128xi32>
      %add3A_148 = arith.addi %add3A_147, %mul3A_3 : vector<8x128xi32>
      %mul3A_149 = arith.constant 7168 : i32
      %mul3A_150 = arith.muli %arg0, %mul3A_149 : i32
      %add3A_151 = arith.constant 256 : i32
      %add3A_152 = arith.addi %mul3A_150, %add3A_151 : i32
      %add3A_153 = vector.broadcast %add3A_152 : i32 to vector<8x128xi32>
      %add3A_154 = arith.addi %iota3A_4, %add3A_153 : vector<8x128xi32>
      %lt3A_155 = arith.constant 50000 : i32
      %lt3A_156 = vector.broadcast %lt3A_155 : i32 to vector<8x128xi32>
      %lt3A_157 = arith.cmpi slt, %add3A_154, %lt3A_156 : vector<8x128xi32>
      %jit3A_158 = arith.constant 0 : i32
      %broadcast_in_dim3A_159 = vector.broadcast %jit3A_158 : i32 to vector<8x128xi32>
      %select_n3A_160 = arith.select %lt3A_157, %add3A_137, %broadcast_in_dim3A_159 : vector<8x128xi1>, vector<8x128xi32>
      %swap3A_161 = arith.constant 0 : index
      %swap3A_162 = arith.constant 2 : index
      %swap3A_163 = arith.constant 0 : index
      %swap3A_164 = vector.load %arg6[%swap3A_161, %swap3A_162, %swap3A_163] : memref<8x56x128xi32, #tpu.memory_space<vmem>>, vector<8x1x128xi32>
      %swap3A_165 = vector.shape_cast %swap3A_164 : vector<8x1x128xi32> to vector<8x128xi32>
      %swap3A_166 = vector.shape_cast %select_n3A_160 : vector<8x128xi32> to vector<8x1x128xi32>
      tpu.vector_store %arg6[%swap3A_161, %swap3A_162, %swap3A_163], %swap3A_166 {strides = array<i32>} : memref<8x56x128xi32, #tpu.memory_space<vmem>>, vector<8x1x128xi32>,
      %jit3A_167 = arith.constant 0 : i32
      %broadcast_in_dim3A_168 = vector.broadcast %jit3A_167 : i32 to vector<8x128xi32>
      %select_n3A_169 = arith.select %lt3A_157, %add3A_148, %broadcast_in_dim3A_168 : vector<8x128xi1>, vector<8x128xi32>
      %swap3A_170 = arith.constant 0 : index
      %swap3A_171 = arith.constant 2 : index
      %swap3A_172 = arith.constant 0 : index
      %swap3A_173 = vector.load %arg7[%swap3A_170, %swap3A_171, %swap3A_172] : memref<8x56x128xi32, #tpu.memory_space<vmem>>, vector<8x1x128xi32>
      %swap3A_174 = vector.shape_cast %swap3A_173 : vector<8x1x128xi32> to vector<8x128xi32>
      %swap3A_175 = vector.shape_cast %select_n3A_169 : vector<8x128xi32> to vector<8x1x128xi32>
      tpu.vector_store %arg7[%swap3A_170, %swap3A_171, %swap3A_172], %swap3A_175 {strides = array<i32>} : memref<8x56x128xi32, #tpu.memory_space<vmem>>, vector<8x1x128xi32>,
      %get3A_176 = arith.constant 0 : index
      %get3A_177 = arith.constant 256 : index
      %get3A_178 = vector.load %arg5[%get3A_176, %get3A_177] : memref<8x7168xf32, #tpu.memory_space<vmem>>, vector<8x128xf32>
      %jit3A_179 = arith.constant 0.000000e+00 : f32
      %broadcast_in_dim3A_180 = vector.broadcast %jit3A_179 : f32 to vector<8x128xf32>
      %select_n3A_181 = arith.select %lt3A_157, %get3A_178, %broadcast_in_dim3A_180 : vector<8x128xi1>, vector<8x128xf32>
      %swap3A_182 = arith.constant 0 : index
      %swap3A_183 = arith.constant 2 : index
      %swap3A_184 = arith.constant 0 : index
      %swap3A_185 = vector.load %arg8[%swap3A_182, %swap3A_183, %swap3A_184] : memref<8x56x128xf32, #tpu.memory_space<vmem>>, vector<8x1x128xf32>
      %swap3A_186 = vector.shape_cast %swap3A_185 : vector<8x1x128xf32> to vector<8x128xf32>
      %swap3A_187 = vector.shape_cast %select_n3A_181 : vector<8x128xf32> to vector<8x1x128xf32>
      tpu.vector_store %arg8[%swap3A_182, %swap3A_183, %swap3A_184], %swap3A_187 {strides = array<i32>} : memref<8x56x128xf32, #tpu.memory_space<vmem>>, vector<8x1x128xf32>,
      %get3A_188 = arith.constant 0 : index
      %get3A_189 = arith.constant 384 : index
      %get3A_190 = vector.load %arg2[%get3A_188, %get3A_189] : memref<8x7168xi32, #tpu.memory_space<vmem>>, vector<8x128xi32>
      %mul3A_191 = arith.constant 512 : i32
      %mul3A_192 = vector.broadcast %mul3A_191 : i32 to vector<8x128xi32>
      %mul3A_193 = arith.muli %get3A_190, %mul3A_192 : vector<8x128xi32>
      %get3A_194 = arith.constant 0 : index
      %get3A_195 = arith.constant 384 : index
      %get3A_196 = vector.load %arg1[%get3A_194, %get3A_195] : memref<8x7168xi32, #tpu.memory_space<vmem>>, vector<8x128xi32>
      %add3A_197 = arith.addi %mul3A_193, %get3A_196 : vector<8x128xi32>
      %add3A_198 = arith.addi %add3A_197, %mul3A_3 : vector<8x128xi32>
      %get3A_199 = arith.constant 0 : index
      %get3A_200 = arith.constant 384 : index
      %get3A_201 = vector.load %arg4[%get3A_199, %get3A_200] : memref<8x7168xi32, #tpu.memory_space<vmem>>, vector<8x128xi32>
      %mul3A_202 = arith.constant 512 : i32
      %mul3A_203 = vector.broadcast %mul3A_202 : i32 to vector<8x128xi32>
      %mul3A_204 = arith.muli %get3A_201, %mul3A_203 : vector<8x128xi32>
      %get3A_205 = arith.constant 0 : index
      %get3A_206 = arith.constant 384 : index
      %get3A_207 = vector.load %arg3[%get3A_205, %get3A_206] : memref<8x7168xi32, #tpu.memory_space<vmem>>, vector<8x128xi32>
      %add3A_208 = arith.addi %mul3A_204, %get3A_207 : vector<8x128xi32>
      %add3A_209 = arith.addi %add3A_208, %mul3A_3 : vector<8x128xi32>
      %mul3A_210 = arith.constant 7168 : i32
      %mul3A_211 = arith.muli %arg0, %mul3A_210 : i32
      %add3A_212 = arith.constant 384 : i32
      %add3A_213 = arith.addi %mul3A_211, %add3A_212 : i32
      %add3A_214 = vector.broadcast %add3A_213 : i32 to vector<8x128xi32>
      %add3A_215 = arith.addi %iota3A_4, %add3A_214 : vector<8x128xi32>
      %lt3A_216 = arith.constant 50000 : i32
      %lt3A_217 = vector.broadcast %lt3A_216 : i32 to vector<8x128xi32>
      %lt3A_218 = arith.cmpi slt, %add3A_215, %lt3A_217 : vector<8x128xi32>
      %jit3A_219 = arith.constant 0 : i32
      %broadcast_in_dim3A_220 = vector.broadcast %jit3A_219 : i32 to vector<8x128xi32>
      %select_n3A_221 = arith.select %lt3A_218, %add3A_198, %broadcast_in_dim3A_220 : vector<8x128xi1>, vector<8x128xi32>
      %swap3A_222 = arith.constant 0 : index
      %swap3A_223 = arith.constant 3 : index
      %swap3A_224 = arith.constant 0 : index
      %swap3A_225 = vector.load %arg6[%swap3A_222, %swap3A_223, %swap3A_224] : memref<8x56x128xi32, #tpu.memory_space<vmem>>, vector<8x1x128xi32>
      %swap3A_226 = vector.shape_cast %swap3A_225 : vector<8x1x128xi32> to vector<8x128xi32>
      %swap3A_227 = vector.shape_cast %select_n3A_221 : vector<8x128xi32> to vector<8x1x128xi32>
      tpu.vector_store %arg6[%swap3A_222, %swap3A_223, %swap3A_224], %swap3A_227 {strides = array<i32>} : memref<8x56x128xi32, #tpu.memory_space<vmem>>, vector<8x1x128xi32>,
      %jit3A_228 = arith.constant 0 : i32
      %broadcast_in_dim3A_229 = vector.broadcast %jit3A_228 : i32 to vector<8x128xi32>
      %select_n3A_230 = arith.select %lt3A_218, %add3A_209, %broadcast_in_dim3A_229 : vector<8x128xi1>, vector<8x128xi32>
      %swap3A_231 = arith.constant 0 : index
      %swap3A_232 = arith.constant 3 : index
      %swap3A_233 = arith.constant 0 : index
      %swap3A_234 = vector.load %arg7[%swap3A_231, %swap3A_232, %swap3A_233] : memref<8x56x128xi32, #tpu.memory_space<vmem>>, vector<8x1x128xi32>
      %swap3A_235 = vector.shape_cast %swap3A_234 : vector<8x1x128xi32> to vector<8x128xi32>
      %swap3A_236 = vector.shape_cast %select_n3A_230 : vector<8x128xi32> to vector<8x1x128xi32>
      tpu.vector_store %arg7[%swap3A_231, %swap3A_232, %swap3A_233], %swap3A_236 {strides = array<i32>} : memref<8x56x128xi32, #tpu.memory_space<vmem>>, vector<8x1x128xi32>,
      %get3A_237 = arith.constant 0 : index
      %get3A_238 = arith.constant 384 : index
      %get3A_239 = vector.load %arg5[%get3A_237, %get3A_238] : memref<8x7168xf32, #tpu.memory_space<vmem>>, vector<8x128xf32>
      %jit3A_240 = arith.constant 0.000000e+00 : f32
      %broadcast_in_dim3A_241 = vector.broadcast %jit3A_240 : f32 to vector<8x128xf32>
      %select_n3A_242 = arith.select %lt3A_218, %get3A_239, %broadcast_in_dim3A_241 : vector<8x128xi1>, vector<8x128xf32>
      %swap3A_243 = arith.constant 0 : index
      %swap3A_244 = arith.constant 3 : index
      %swap3A_245 = arith.constant 0 : index
      %swap3A_246 = vector.load %arg8[%swap3A_243, %swap3A_244, %swap3A_245] : memref<8x56x128xf32, #tpu.memory_space<vmem>>, vector<8x1x128xf32>
      %swap3A_247 = vector.shape_cast %swap3A_246 : vector<8x1x128xf32> to vector<8x128xf32>
      %swap3A_248 = vector.shape_cast %select_n3A_242 : vector<8x128xf32> to vector<8x1x128xf32>
      tpu.vector_store %arg8[%swap3A_243, %swap3A_244, %swap3A_245], %swap3A_248 {strides = array<i32>} : memref<8x56x128xf32, #tpu.memory_space<vmem>>, vector<8x1x128xf32>,
      %get3A_249 = arith.constant 0 : index
      %get3A_250 = arith.constant 512 : index
      %get3A_251 = vector.load %arg2[%get3A_249, %get3A_250] : memref<8x7168xi32, #tpu.memory_space<vmem>>, vector<8x128xi32>
      %mul3A_252 = arith.constant 512 : i32
      %mul3A_253 = vector.broadcast %mul3A_252 : i32 to vector<8x128xi32>
      %mul3A_254 = arith.muli %get3A_251, %mul3A_253 : vector<8x128xi32>
      %get3A_255 = arith.constant 0 : index
      %get3A_256 = arith.constant 512 : index
      %get3A_257 = vector.load %arg1[%get3A_255, %get3A_256] : memref<8x7168xi32, #tpu.memory_space<vmem>>, vector<8x128xi32>
      %add3A_258 = arith.addi %mul3A_254, %get3A_257 : vector<8x128xi32>
      %add3A_259 = arith.addi %add3A_258, %mul3A_3 : vector<8x128xi32>
      %get3A_260 = arith.constant 0 : index
      %get3A_261 = arith.constant 512 : index
      %get3A_262 = vector.load %arg4[%get3A_260, %get3A_261] : memref<8x7168xi32, #tpu.memory_space<vmem>>, vector<8x128xi32>
      %mul3A_263 = arith.constant 512 : i32
      %mul3A_264 = vector.broadcast %mul3A_263 : i32 to vector<8x128xi32>
      %mul3A_265 = arith.muli %get3A_262, %mul3A_264 : vector<8x128xi32>
      %get3A_266 = arith.constant 0 : index
      %get3A_267 = arith.constant 512 : index
      %get3A_268 = vector.load %arg3[%get3A_266, %get3A_267] : memref<8x7168xi32, #tpu.memory_space<vmem>>, vector<8x128xi32>
      %add3A_269 = arith.addi %mul3A_265, %get3A_268 : vector<8x128xi32>
      %add3A_270 = arith.addi %add3A_269, %mul3A_3 : vector<8x128xi32>
      %mul3A_271 = arith.constant 7168 : i32
      %mul3A_272 = arith.muli %arg0, %mul3A_271 : i32
      %add3A_273 = arith.constant 512 : i32
      %add3A_274 = arith.addi %mul3A_272, %add3A_273 : i32
      %add3A_275 = vector.broadcast %add3A_274 : i32 to vector<8x128xi32>
      %add3A_276 = arith.addi %iota3A_4, %add3A_275 : vector<8x128xi32>
      %lt3A_277 = arith.constant 50000 : i32
      %lt3A_278 = vector.broadcast %lt3A_277 : i32 to vector<8x128xi32>
      %lt3A_279 = arith.cmpi slt, %add3A_276, %lt3A_278 : vector<8x128xi32>
      %jit3A_280 = arith.constant 0 : i32
      %broadcast_in_dim3A_281 = vector.broadcast %jit3A_280 : i32 to vector<8x128xi32>
      %select_n3A_282 = arith.select %lt3A_279, %add3A_259, %broadcast_in_dim3A_281 : vector<8x128xi1>, vector<8x128xi32>
      %swap3A_283 = arith.constant 0 : index
      %swap3A_284 = arith.constant 4 : index
      %swap3A_285 = arith.constant 0 : index
      %swap3A_286 = vector.load %arg6[%swap3A_283, %swap3A_284, %swap3A_285] : memref<8x56x128xi32, #tpu.memory_space<vmem>>, vector<8x1x128xi32>
      %swap3A_287 = vector.shape_cast %swap3A_286 : vector<8x1x128xi32> to vector<8x128xi32>
      %swap3A_288 = vector.shape_cast %select_n3A_282 : vector<8x128xi32> to vector<8x1x128xi32>
      tpu.vector_store %arg6[%swap3A_283, %swap3A_284, %swap3A_285], %swap3A_288 {strides = array<i32>} : memref<8x56x128xi32, #tpu.memory_space<vmem>>, vector<8x1x128xi32>,
      %jit3A_289 = arith.constant 0 : i32
      %broadcast_in_dim3A_290 = vector.broadcast %jit3A_289 : i32 to vector<8x128xi32>
      %select_n3A_291 = arith.select %lt3A_279, %add3A_270, %broadcast_in_dim3A_290 : vector<8x128xi1>, vector<8x128xi32>
      %swap3A_292 = arith.constant 0 : index
      %swap3A_293 = arith.constant 4 : index
      %swap3A_294 = arith.constant 0 : index
      %swap3A_295 = vector.load %arg7[%swap3A_292, %swap3A_293, %swap3A_294] : memref<8x56x128xi32, #tpu.memory_space<vmem>>, vector<8x1x128xi32>
      %swap3A_296 = vector.shape_cast %swap3A_295 : vector<8x1x128xi32> to vector<8x128xi32>
      %swap3A_297 = vector.shape_cast %select_n3A_291 : vector<8x128xi32> to vector<8x1x128xi32>
      tpu.vector_store %arg7[%swap3A_292, %swap3A_293, %swap3A_294], %swap3A_297 {strides = array<i32>} : memref<8x56x128xi32, #tpu.memory_space<vmem>>, vector<8x1x128xi32>,
      %get3A_298 = arith.constant 0 : index
      %get3A_299 = arith.constant 512 : index
      %get3A_300 = vector.load %arg5[%get3A_298, %get3A_299] : memref<8x7168xf32, #tpu.memory_space<vmem>>, vector<8x128xf32>
      %jit3A_301 = arith.constant 0.000000e+00 : f32
      %broadcast_in_dim3A_302 = vector.broadcast %jit3A_301 : f32 to vector<8x128xf32>
      %select_n3A_303 = arith.select %lt3A_279, %get3A_300, %broadcast_in_dim3A_302 : vector<8x128xi1>, vector<8x128xf32>
      %swap3A_304 = arith.constant 0 : index
      %swap3A_305 = arith.constant 4 : index
      %swap3A_306 = arith.constant 0 : index
      %swap3A_307 = vector.load %arg8[%swap3A_304, %swap3A_305, %swap3A_306] : memref<8x56x128xf32, #tpu.memory_space<vmem>>, vector<8x1x128xf32>
      %swap3A_308 = vector.shape_cast %swap3A_307 : vector<8x1x128xf32> to vector<8x128xf32>
      %swap3A_309 = vector.shape_cast %select_n3A_303 : vector<8x128xf32> to vector<8x1x128xf32>
      tpu.vector_store %arg8[%swap3A_304, %swap3A_305, %swap3A_306], %swap3A_309 {strides = array<i32>} : memref<8x56x128xf32, #tpu.memory_space<vmem>>, vector<8x1x128xf32>,
      %get3A_310 = arith.constant 0 : index
      %get3A_311 = arith.constant 640 : index
      %get3A_312 = vector.load %arg2[%get3A_310, %get3A_311] : memref<8x7168xi32, #tpu.memory_space<vmem>>, vector<8x128xi32>
      %mul3A_313 = arith.constant 512 : i32
      %mul3A_314 = vector.broadcast %mul3A_313 : i32 to vector<8x128xi32>
      %mul3A_315 = arith.muli %get3A_312, %mul3A_314 : vector<8x128xi32>
      %get3A_316 = arith.constant 0 : index
      %get3A_317 = arith.constant 640 : index
      %get3A_318 = vector.load %arg1[%get3A_316, %get3A_317] : memref<8x7168xi32, #tpu.memory_space<vmem>>, vector<8x128xi32>
      %add3A_319 = arith.addi %mul3A_315, %get3A_318 : vector<8x128xi32>
      %add3A_320 = arith.addi %add3A_319, %mul3A_3 : vector<8x128xi32>
      %get3A_321 = arith.constant 0 : index
      %get3A_322 = arith.constant 640 : index
      %get3A_323 = vector.load %arg4[%get3A_321, %get3A_322] : memref<8x7168xi32, #tpu.memory_space<vmem>>, vector<8x128xi32>
      %mul3A_324 = arith.constant 512 : i32
      %mul3A_325 = vector.broadcast %mul3A_324 : i32 to vector<8x128xi32>
      %mul3A_326 = arith.muli %get3A_323, %mul3A_325 : vector<8x128xi32>
      %get3A_327 = arith.constant 0 : index
      %get3A_328 = arith.constant 640 : index
      %get3A_329 = vector.load %arg3[%get3A_327, %get3A_328] : memref<8x7168xi32, #tpu.memory_space<vmem>>, vector<8x128xi32>
      %add3A_330 = arith.addi %mul3A_326, %get3A_329 : vector<8x128xi32>
      %add3A_331 = arith.addi %add3A_330, %mul3A_3 : vector<8x128xi32>
      %mul3A_332 = arith.constant 7168 : i32
      %mul3A_333 = arith.muli %arg0, %mul3A_332 : i32
      %add3A_334 = arith.constant 640 : i32
      %add3A_335 = arith.addi %mul3A_333, %add3A_334 : i32
      %add3A_336 = vector.broadcast %add3A_335 : i32 to vector<8x128xi32>
      %add3A_337 = arith.addi %iota3A_4, %add3A_336 : vector<8x128xi32>
      %lt3A_338 = arith.constant 50000 : i32
      %lt3A_339 = vector.broadcast %lt3A_338 : i32 to vector<8x128xi32>
      %lt3A_340 = arith.cmpi slt, %add3A_337, %lt3A_339 : vector<8x128xi32>
      %jit3A_341 = arith.constant 0 : i32
      %broadcast_in_dim3A_342 = vector.broadcast %jit3A_341 : i32 to vector<8x128xi32>
      %select_n3A_343 = arith.select %lt3A_340, %add3A_320, %broadcast_in_dim3A_342 : vector<8x128xi1>, vector<8x128xi32>
      %swap3A_344 = arith.constant 0 : index
      %swap3A_345 = arith.constant 5 : index
      %swap3A_346 = arith.constant 0 : index
      %swap3A_347 = vector.load %arg6[%swap3A_344, %swap3A_345, %swap3A_346] : memref<8x56x128xi32, #tpu.memory_space<vmem>>, vector<8x1x128xi32>
      %swap3A_348 = vector.shape_cast %swap3A_347 : vector<8x1x128xi32> to vector<8x128xi32>
      %swap3A_349 = vector.shape_cast %select_n3A_343 : vector<8x128xi32> to vector<8x1x128xi32>
      tpu.vector_store %arg6[%swap3A_344, %swap3A_345, %swap3A_346], %swap3A_349 {strides = array<i32>} : memref<8x56x128xi32, #tpu.memory_space<vmem>>, vector<8x1x128xi32>,
      %jit3A_350 = arith.constant 0 : i32
      %broadcast_in_dim3A_351 = vector.broadcast %jit3A_350 : i32 to vector<8x128xi32>
      %select_n3A_352 = arith.select %lt3A_340, %add3A_331, %broadcast_in_dim3A_351 : vector<8x128xi1>, vector<8x128xi32>
      %swap3A_353 = arith.constant 0 : index
      %swap3A_354 = arith.constant 5 : index
      %swap3A_355 = arith.constant 0 : index
      %swap3A_356 = vector.load %arg7[%swap3A_353, %swap3A_354, %swap3A_355] : memref<8x56x128xi32, #tpu.memory_space<vmem>>, vector<8x1x128xi32>
      %swap3A_357 = vector.shape_cast %swap3A_356 : vector<8x1x128xi32> to vector<8x128xi32>
      %swap3A_358 = vector.shape_cast %select_n3A_352 : vector<8x128xi32> to vector<8x1x128xi32>
      tpu.vector_store %arg7[%swap3A_353, %swap3A_354, %swap3A_355], %swap3A_358 {strides = array<i32>} : memref<8x56x128xi32, #tpu.memory_space<vmem>>, vector<8x1x128xi32>,
      %get3A_359 = arith.constant 0 : index
      %get3A_360 = arith.constant 640 : index
      %get3A_361 = vector.load %arg5[%get3A_359, %get3A_360] : memref<8x7168xf32, #tpu.memory_space<vmem>>, vector<8x128xf32>
      %jit3A_362 = arith.constant 0.000000e+00 : f32
      %broadcast_in_dim3A_363 = vector.broadcast %jit3A_362 : f32 to vector<8x128xf32>
      %select_n3A_364 = arith.select %lt3A_340, %get3A_361, %broadcast_in_dim3A_363 : vector<8x128xi1>, vector<8x128xf32>
      %swap3A_365 = arith.constant 0 : index
      %swap3A_366 = arith.constant 5 : index
      %swap3A_367 = arith.constant 0 : index
      %swap3A_368 = vector.load %arg8[%swap3A_365, %swap3A_366, %swap3A_367] : memref<8x56x128xf32, #tpu.memory_space<vmem>>, vector<8x1x128xf32>
      %swap3A_369 = vector.shape_cast %swap3A_368 : vector<8x1x128xf32> to vector<8x128xf32>
      %swap3A_370 = vector.shape_cast %select_n3A_364 : vector<8x128xf32> to vector<8x1x128xf32>
      tpu.vector_store %arg8[%swap3A_365, %swap3A_366, %swap3A_367], %swap3A_370 {strides = array<i32>} : memref<8x56x128xf32, #tpu.memory_space<vmem>>, vector<8x1x128xf32>,
      %get3A_371 = arith.constant 0 : index
      %get3A_372 = arith.constant 768 : index
      %get3A_373 = vector.load %arg2[%get3A_371, %get3A_372] : memref<8x7168xi32, #tpu.memory_space<vmem>>, vector<8x128xi32>
      %mul3A_374 = arith.constant 512 : i32
      %mul3A_375 = vector.broadcast %mul3A_374 : i32 to vector<8x128xi32>
      %mul3A_376 = arith.muli %get3A_373, %mul3A_375 : vector<8x128xi32>
      %get3A_377 = arith.constant 0 : index
      %get3A_378 = arith.constant 768 : index
      %get3A_379 = vector.load %arg1[%get3A_377, %get3A_378] : memref<8x7168xi32, #tpu.memory_space<vmem>>, vector<8x128xi32>
      %add3A_380 = arith.addi %mul3A_376, %get3A_379 : vector<8x128xi32>
      %add3A_381 = arith.addi %add3A_380, %mul3A_3 : vector<8x128xi32>
      %get3A_382 = arith.constant 0 : index
      %get3A_383 = arith.constant 768 : index
      %get3A_384 = vector.load %arg4[%get3A_382, %get3A_383] : memref<8x7168xi32, #tpu.memory_space<vmem>>, vector<8x128xi32>
      %mul3A_385 = arith.constant 512 : i32
      %mul3A_386 = vector.broadcast %mul3A_385 : i32 to vector<8x128xi32>
      %mul3A_387 = arith.muli %get3A_384, %mul3A_386 : vector<8x128xi32>
      %get3A_388 = arith.constant 0 : index
      %get3A_389 = arith.constant 768 : index
      %get3A_390 = vector.load %arg3[%get3A_388, %get3A_389] : memref<8x7168xi32, #tpu.memory_space<vmem>>, vector<8x128xi32>
      %add3A_391 = arith.addi %mul3A_387, %get3A_390 : vector<8x128xi32>
      %add3A_392 = arith.addi %add3A_391, %mul3A_3 : vector<8x128xi32>
      %mul3A_393 = arith.constant 7168 : i32
      %mul3A_394 = arith.muli %arg0, %mul3A_393 : i32
      %add3A_395 = arith.constant 768 : i32
      %add3A_396 = arith.addi %mul3A_394, %add3A_395 : i32
      %add3A_397 = vector.broadcast %add3A_396 : i32 to vector<8x128xi32>
      %add3A_398 = arith.addi %iota3A_4, %add3A_397 : vector<8x128xi32>
      %lt3A_399 = arith.constant 50000 : i32
      %lt3A_400 = vector.broadcast %lt3A_399 : i32 to vector<8x128xi32>
      %lt3A_401 = arith.cmpi slt, %add3A_398, %lt3A_400 : vector<8x128xi32>
      %jit3A_402 = arith.constant 0 : i32
      %broadcast_in_dim3A_403 = vector.broadcast %jit3A_402 : i32 to vector<8x128xi32>
      %select_n3A_404 = arith.select %lt3A_401, %add3A_381, %broadcast_in_dim3A_403 : vector<8x128xi1>, vector<8x128xi32>
      %swap3A_405 = arith.constant 0 : index
      %swap3A_406 = arith.constant 6 : index
      %swap3A_407 = arith.constant 0 : index
      %swap3A_408 = vector.load %arg6[%swap3A_405, %swap3A_406, %swap3A_407] : memref<8x56x128xi32, #tpu.memory_space<vmem>>, vector<8x1x128xi32>
      %swap3A_409 = vector.shape_cast %swap3A_408 : vector<8x1x128xi32> to vector<8x128xi32>
      %swap3A_410 = vector.shape_cast %select_n3A_404 : vector<8x128xi32> to vector<8x1x128xi32>
      tpu.vector_store %arg6[%swap3A_405, %swap3A_406, %swap3A_407], %swap3A_410 {strides = array<i32>} : memref<8x56x128xi32, #tpu.memory_space<vmem>>, vector<8x1x128xi32>,
      %jit3A_411 = arith.constant 0 : i32
      %broadcast_in_dim3A_412 = vector.broadcast %jit3A_411 : i32 to vector<8x128xi32>
      %select_n3A_413 = arith.select %lt3A_401, %add3A_392, %broadcast_in_dim3A_412 : vector<8x128xi1>, vector<8x128xi32>
      %swap3A_414 = arith.constant 0 : index
      %swap3A_415 = arith.constant 6 : index
      %swap3A_416 = arith.constant 0 : index
      %swap3A_417 = vector.load %arg7[%swap3A_414, %swap3A_415, %swap3A_416] : memref<8x56x128xi32, #tpu.memory_space<vmem>>, vector<8x1x128xi32>
      %swap3A_418 = vector.shape_cast %swap3A_417 : vector<8x1x128xi32> to vector<8x128xi32>
      %swap3A_419 = vector.shape_cast %select_n3A_413 : vector<8x128xi32> to vector<8x1x128xi32>
      tpu.vector_store %arg7[%swap3A_414, %swap3A_415, %swap3A_416], %swap3A_419 {strides = array<i32>} : memref<8x56x128xi32, #tpu.memory_space<vmem>>, vector<8x1x128xi32>,
      %get3A_420 = arith.constant 0 : index
      %get3A_421 = arith.constant 768 : index
      %get3A_422 = vector.load %arg5[%get3A_420, %get3A_421] : memref<8x7168xf32, #tpu.memory_space<vmem>>, vector<8x128xf32>
      %jit3A_423 = arith.constant 0.000000e+00 : f32
      %broadcast_in_dim3A_424 = vector.broadcast %jit3A_423 : f32 to vector<8x128xf32>
      %select_n3A_425 = arith.select %lt3A_401, %get3A_422, %broadcast_in_dim3A_424 : vector<8x128xi1>, vector<8x128xf32>
      %swap3A_426 = arith.constant 0 : index
      %swap3A_427 = arith.constant 6 : index
      %swap3A_428 = arith.constant 0 : index
      %swap3A_429 = vector.load %arg8[%swap3A_426, %swap3A_427, %swap3A_428] : memref<8x56x128xf32, #tpu.memory_space<vmem>>, vector<8x1x128xf32>
      %swap3A_430 = vector.shape_cast %swap3A_429 : vector<8x1x128xf32> to vector<8x128xf32>
      %swap3A_431 = vector.shape_cast %select_n3A_425 : vector<8x128xf32> to vector<8x1x128xf32>
      tpu.vector_store %arg8[%swap3A_426, %swap3A_427, %swap3A_428], %swap3A_431 {strides = array<i32>} : memref<8x56x128xf32, #tpu.memory_space<vmem>>, vector<8x1x128xf32>,
      %get3A_432 = arith.constant 0 : index
      %get3A_433 = arith.constant 896 : index
      %get3A_434 = vector.load %arg2[%get3A_432, %get3A_433] : memref<8x7168xi32, #tpu.memory_space<vmem>>, vector<8x128xi32>
      %mul3A_435 = arith.constant 512 : i32
      %mul3A_436 = vector.broadcast %mul3A_435 : i32 to vector<8x128xi32>
      %mul3A_437 = arith.muli %get3A_434, %mul3A_436 : vector<8x128xi32>
      %get3A_438 = arith.constant 0 : index
      %get3A_439 = arith.constant 896 : index
      %get3A_440 = vector.load %arg1[%get3A_438, %get3A_439] : memref<8x7168xi32, #tpu.memory_space<vmem>>, vector<8x128xi32>
      %add3A_441 = arith.addi %mul3A_437, %get3A_440 : vector<8x128xi32>
      %add3A_442 = arith.addi %add3A_441, %mul3A_3 : vector<8x128xi32>
      %get3A_443 = arith.constant 0 : index
      %get3A_444 = arith.constant 896 : index
      %get3A_445 = vector.load %arg4[%get3A_443, %get3A_444] : memref<8x7168xi32, #tpu.memory_space<vmem>>, vector<8x128xi32>
      %mul3A_446 = arith.constant 512 : i32
      %mul3A_447 = vector.broadcast %mul3A_446 : i32 to vector<8x128xi32>
      %mul3A_448 = arith.muli %get3A_445, %mul3A_447 : vector<8x128xi32>
      %get3A_449 = arith.constant 0 : index
      %get3A_450 = arith.constant 896 : index
      %get3A_451 = vector.load %arg3[%get3A_449, %get3A_450] : memref<8x7168xi32, #tpu.memory_space<vmem>>, vector<8x128xi32>
      %add3A_452 = arith.addi %mul3A_448, %get3A_451 : vector<8x128xi32>
      %add3A_453 = arith.addi %add3A_452, %mul3A_3 : vector<8x128xi32>
      %mul3A_454 = arith.constant 7168 : i32
      %mul3A_455 = arith.muli %arg0, %mul3A_454 : i32
      %add3A_456 = arith.constant 896 : i32
      %add3A_457 = arith.addi %mul3A_455, %add3A_456 : i32
      %add3A_458 = vector.broadcast %add3A_457 : i32 to vector<8x128xi32>
      %add3A_459 = arith.addi %iota3A_4, %add3A_458 : vector<8x128xi32>
      %lt3A_460 = arith.constant 50000 : i32
      %lt3A_461 = vector.broadcast %lt3A_460 : i32 to vector<8x128xi32>
      %lt3A_462 = arith.cmpi slt, %add3A_459, %lt3A_461 : vector<8x128xi32>
      %jit3A_463 = arith.constant 0 : i32
      %broadcast_in_dim3A_464 = vector.broadcast %jit3A_463 : i32 to vector<8x128xi32>
      %select_n3A_465 = arith.select %lt3A_462, %add3A_442, %broadcast_in_dim3A_464 : vector<8x128xi1>, vector<8x128xi32>
      %swap3A_466 = arith.constant 0 : index
      %swap3A_467 = arith.constant 7 : index
      %swap3A_468 = arith.constant 0 : index
      %swap3A_469 = vector.load %arg6[%swap3A_466, %swap3A_467, %swap3A_468] : memref<8x56x128xi32, #tpu.memory_space<vmem>>, vector<8x1x128xi32>
      %swap3A_470 = vector.shape_cast %swap3A_469 : vector<8x1x128xi32> to vector<8x128xi32>
      %swap3A_471 = vector.shape_cast %select_n3A_465 : vector<8x128xi32> to vector<8x1x128xi32>
      tpu.vector_store %arg6[%swap3A_466, %swap3A_467, %swap3A_468], %swap3A_471 {strides = array<i32>} : memref<8x56x128xi32, #tpu.memory_space<vmem>>, vector<8x1x128xi32>,
      %jit3A_472 = arith.constant 0 : i32
      %broadcast_in_dim3A_473 = vector.broadcast %jit3A_472 : i32 to vector<8x128xi32>
      %select_n3A_474 = arith.select %lt3A_462, %add3A_453, %broadcast_in_dim3A_473 : vector<8x128xi1>, vector<8x128xi32>
      %swap3A_475 = arith.constant 0 : index
      %swap3A_476 = arith.constant 7 : index
      %swap3A_477 = arith.constant 0 : index
      %swap3A_478 = vector.load %arg7[%swap3A_475, %swap3A_476, %swap3A_477] : memref<8x56x128xi32, #tpu.memory_space<vmem>>, vector<8x1x128xi32>
      %swap3A_479 = vector.shape_cast %swap3A_478 : vector<8x1x128xi32> to vector<8x128xi32>
      %swap3A_480 = vector.shape_cast %select_n3A_474 : vector<8x128xi32> to vector<8x1x128xi32>
      tpu.vector_store %arg7[%swap3A_475, %swap3A_476, %swap3A_477], %swap3A_480 {strides = array<i32>} : memref<8x56x128xi32, #tpu.memory_space<vmem>>, vector<8x1x128xi32>,
      %get3A_481 = arith.constant 0 : index
      %get3A_482 = arith.constant 896 : index
      %get3A_483 = vector.load %arg5[%get3A_481, %get3A_482] : memref<8x7168xf32, #tpu.memory_space<vmem>>, vector<8x128xf32>
      %jit3A_484 = arith.constant 0.000000e+00 : f32
      %broadcast_in_dim3A_485 = vector.broadcast %jit3A_484 : f32 to vector<8x128xf32>
      %select_n3A_486 = arith.select %lt3A_462, %get3A_483, %broadcast_in_dim3A_485 : vector<8x128xi1>, vector<8x128xf32>
      %swap3A_487 = arith.constant 0 : index
      %swap3A_488 = arith.constant 7 : index
      %swap3A_489 = arith.constant 0 : index
      %swap3A_490 = vector.load %arg8[%swap3A_487, %swap3A_488, %swap3A_489] : memref<8x56x128xf32, #tpu.memory_space<vmem>>, vector<8x1x128xf32>
      %swap3A_491 = vector.shape_cast %swap3A_490 : vector<8x1x128xf32> to vector<8x128xf32>
      %swap3A_492 = vector.shape_cast %select_n3A_486 : vector<8x128xf32> to vector<8x1x128xf32>
      tpu.vector_store %arg8[%swap3A_487, %swap3A_488, %swap3A_489], %swap3A_492 {strides = array<i32>} : memref<8x56x128xf32, #tpu.memory_space<vmem>>, vector<8x1x128xf32>,
      %get3A_493 = arith.constant 0 : index
      %get3A_494 = arith.constant 1024 : index
      %get3A_495 = vector.load %arg2[%get3A_493, %get3A_494] : memref<8x7168xi32, #tpu.memory_space<vmem>>, vector<8x128xi32>
      %mul3A_496 = arith.constant 512 : i32
      %mul3A_497 = vector.broadcast %mul3A_496 : i32 to vector<8x128xi32>
      %mul3A_498 = arith.muli %get3A_495, %mul3A_497 : vector<8x128xi32>
      %get3A_499 = arith.constant 0 : index
      %get3A_500 = arith.constant 1024 : index
      %get3A_501 = vector.load %arg1[%get3A_499, %get3A_500] : memref<8x7168xi32, #tpu.memory_space<vmem>>, vector<8x128xi32>
      %add3A_502 = arith.addi %mul3A_498, %get3A_501 : vector<8x128xi32>
      %add3A_503 = arith.addi %add3A_502, %mul3A_3 : vector<8x128xi32>
      %get3A_504 = arith.constant 0 : index
      %get3A_505 = arith.constant 1024 : index
      %get3A_506 = vector.load %arg4[%get3A_504, %get3A_505] : memref<8x7168xi32, #tpu.memory_space<vmem>>, vector<8x128xi32>
      %mul3A_507 = arith.constant 512 : i32
      %mul3A_508 = vector.broadcast %mul3A_507 : i32 to vector<8x128xi32>
      %mul3A_509 = arith.muli %get3A_506, %mul3A_508 : vector<8x128xi32>
      %get3A_510 = arith.constant 0 : index
      %get3A_511 = arith.constant 1024 : index
      %get3A_512 = vector.load %arg3[%get3A_510, %get3A_511] : memref<8x7168xi32, #tpu.memory_space<vmem>>, vector<8x128xi32>
      %add3A_513 = arith.addi %mul3A_509, %get3A_512 : vector<8x128xi32>
      %add3A_514 = arith.addi %add3A_513, %mul3A_3 : vector<8x128xi32>
      %mul3A_515 = arith.constant 7168 : i32
      %mul3A_516 = arith.muli %arg0, %mul3A_515 : i32
      %add3A_517 = arith.constant 1024 : i32
      %add3A_518 = arith.addi %mul3A_516, %add3A_517 : i32
      %add3A_519 = vector.broadcast %add3A_518 : i32 to vector<8x128xi32>
      %add3A_520 = arith.addi %iota3A_4, %add3A_519 : vector<8x128xi32>
      %lt3A_521 = arith.constant 50000 : i32
      %lt3A_522 = vector.broadcast %lt3A_521 : i32 to vector<8x128xi32>
      %lt3A_523 = arith.cmpi slt, %add3A_520, %lt3A_522 : vector<8x128xi32>
      %jit3A_524 = arith.constant 0 : i32
      %broadcast_in_dim3A_525 = vector.broadcast %jit3A_524 : i32 to vector<8x128xi32>
      %select_n3A_526 = arith.select %lt3A_523, %add3A_503, %broadcast_in_dim3A_525 : vector<8x128xi1>, vector<8x128xi32>
      %swap3A_527 = arith.constant 0 : index
      %swap3A_528 = arith.constant 8 : index
      %swap3A_529 = arith.constant 0 : index
      %swap3A_530 = vector.load %arg6[%swap3A_527, %swap3A_528, %swap3A_529] : memref<8x56x128xi32, #tpu.memory_space<vmem>>, vector<8x1x128xi32>
      %swap3A_531 = vector.shape_cast %swap3A_530 : vector<8x1x128xi32> to vector<8x128xi32>
      %swap3A_532 = vector.shape_cast %select_n3A_526 : vector<8x128xi32> to vector<8x1x128xi32>
      tpu.vector_store %arg6[%swap3A_527, %swap3A_528, %swap3A_529], %swap3A_532 {strides = array<i32>} : memref<8x56x128xi32, #tpu.memory_space<vmem>>, vector<8x1x128xi32>,
      %jit3A_533 = arith.constant 0 : i32
      %broadcast_in_dim3A_534 = vector.broadcast %jit3A_533 : i32 to vector<8x128xi32>
      %select_n3A_535 = arith.select %lt3A_523, %add3A_514, %broadcast_in_dim3A_534 : vector<8x128xi1>, vector<8x128xi32>
      %swap3A_536 = arith.constant 0 : index
      %swap3A_537 = arith.constant 8 : index
      %swap3A_538 = arith.constant 0 : index
      %swap3A_539 = vector.load %arg7[%swap3A_536, %swap3A_537, %swap3A_538] : memref<8x56x128xi32, #tpu.memory_space<vmem>>, vector<8x1x128xi32>
      %swap3A_540 = vector.shape_cast %swap3A_539 : vector<8x1x128xi32> to vector<8x128xi32>
      %swap3A_541 = vector.shape_cast %select_n3A_535 : vector<8x128xi32> to vector<8x1x128xi32>
      tpu.vector_store %arg7[%swap3A_536, %swap3A_537, %swap3A_538], %swap3A_541 {strides = array<i32>} : memref<8x56x128xi32, #tpu.memory_space<vmem>>, vector<8x1x128xi32>,
      %get3A_542 = arith.constant 0 : index
      %get3A_543 = arith.constant 1024 : index
      %get3A_544 = vector.load %arg5[%get3A_542, %get3A_543] : memref<8x7168xf32, #tpu.memory_space<vmem>>, vector<8x128xf32>
      %jit3A_545 = arith.constant 0.000000e+00 : f32
      %broadcast_in_dim3A_546 = vector.broadcast %jit3A_545 : f32 to vector<8x128xf32>
      %select_n3A_547 = arith.select %lt3A_523, %get3A_544, %broadcast_in_dim3A_546 : vector<8x128xi1>, vector<8x128xf32>
      %swap3A_548 = arith.constant 0 : index
      %swap3A_549 = arith.constant 8 : index
      %swap3A_550 = arith.constant 0 : index
      %swap3A_551 = vector.load %arg8[%swap3A_548, %swap3A_549, %swap3A_550] : memref<8x56x128xf32, #tpu.memory_space<vmem>>, vector<8x1x128xf32>
      %swap3A_552 = vector.shape_cast %swap3A_551 : vector<8x1x128xf32> to vector<8x128xf32>
      %swap3A_553 = vector.shape_cast %select_n3A_547 : vector<8x128xf32> to vector<8x1x128xf32>
      tpu.vector_store %arg8[%swap3A_548, %swap3A_549, %swap3A_550], %swap3A_553 {strides = array<i32>} : memref<8x56x128xf32, #tpu.memory_space<vmem>>, vector<8x1x128xf32>,
      %get3A_554 = arith.constant 0 : index
      %get3A_555 = arith.constant 1152 : index
      %get3A_556 = vector.load %arg2[%get3A_554, %get3A_555] : memref<8x7168xi32, #tpu.memory_space<vmem>>, vector<8x128xi32>
      %mul3A_557 = arith.constant 512 : i32
      %mul3A_558 = vector.broadcast %mul3A_557 : i32 to vector<8x128xi32>
      %mul3A_559 = arith.muli %get3A_556, %mul3A_558 : vector<8x128xi32>
      %get3A_560 = arith.constant 0 : index
      %get3A_561 = arith.constant 1152 : index
      %get3A_562 = vector.load %arg1[%get3A_560, %get3A_561] : memref<8x7168xi32, #tpu.memory_space<vmem>>, vector<8x128xi32>
      %add3A_563 = arith.addi %mul3A_559, %get3A_562 : vector<8x128xi32>
      %add3A_564 = arith.addi %add3A_563, %mul3A_3 : vector<8x128xi32>
      %get3A_565 = arith.constant 0 : index
      %get3A_566 = arith.constant 1152 : index
      %get3A_567 = vector.load %arg4[%get3A_565, %get3A_566] : memref<8x7168xi32, #tpu.memory_space<vmem>>, vector<8x128xi32>
      %mul3A_568 = arith.constant 512 : i32
      %mul3A_569 = vector.broadcast %mul3A_568 : i32 to vector<8x128xi32>
      %mul3A_570 = arith.muli %get3A_567, %mul3A_569 : vector<8x128xi32>
      %get3A_571 = arith.constant 0 : index
      %get3A_572 = arith.constant 1152 : index
      %get3A_573 = vector.load %arg3[%get3A_571, %get3A_572] : memref<8x7168xi32, #tpu.memory_space<vmem>>, vector<8x128xi32>
      %add3A_574 = arith.addi %mul3A_570, %get3A_573 : vector<8x128xi32>
      %add3A_575 = arith.addi %add3A_574, %mul3A_3 : vector<8x128xi32>
      %mul3A_576 = arith.constant 7168 : i32
      %mul3A_577 = arith.muli %arg0, %mul3A_576 : i32
      %add3A_578 = arith.constant 1152 : i32
      %add3A_579 = arith.addi %mul3A_577, %add3A_578 : i32
      %add3A_580 = vector.broadcast %add3A_579 : i32 to vector<8x128xi32>
      %add3A_581 = arith.addi %iota3A_4, %add3A_580 : vector<8x128xi32>
      %lt3A_582 = arith.constant 50000 : i32
      %lt3A_583 = vector.broadcast %lt3A_582 : i32 to vector<8x128xi32>
      %lt3A_584 = arith.cmpi slt, %add3A_581, %lt3A_583 : vector<8x128xi32>
      %jit3A_585 = arith.constant 0 : i32
      %broadcast_in_dim3A_586 = vector.broadcast %jit3A_585 : i32 to vector<8x128xi32>
      %select_n3A_587 = arith.select %lt3A_584, %add3A_564, %broadcast_in_dim3A_586 : vector<8x128xi1>, vector<8x128xi32>
      %swap3A_588 = arith.constant 0 : index
      %swap3A_589 = arith.constant 9 : index
      %swap3A_590 = arith.constant 0 : index
      %swap3A_591 = vector.load %arg6[%swap3A_588, %swap3A_589, %swap3A_590] : memref<8x56x128xi32, #tpu.memory_space<vmem>>, vector<8x1x128xi32>
      %swap3A_592 = vector.shape_cast %swap3A_591 : vector<8x1x128xi32> to vector<8x128xi32>
      %swap3A_593 = vector.shape_cast %select_n3A_587 : vector<8x128xi32> to vector<8x1x128xi32>
      tpu.vector_store %arg6[%swap3A_588, %swap3A_589, %swap3A_590], %swap3A_593 {strides = array<i32>} : memref<8x56x128xi32, #tpu.memory_space<vmem>>, vector<8x1x128xi32>,
      %jit3A_594 = arith.constant 0 : i32
      %broadcast_in_dim3A_595 = vector.broadcast %jit3A_594 : i32 to vector<8x128xi32>
      %select_n3A_596 = arith.select %lt3A_584, %add3A_575, %broadcast_in_dim3A_595 : vector<8x128xi1>, vector<8x128xi32>
      %swap3A_597 = arith.constant 0 : index
      %swap3A_598 = arith.constant 9 : index
      %swap3A_599 = arith.constant 0 : index
      %swap3A_600 = vector.load %arg7[%swap3A_597, %swap3A_598, %swap3A_599] : memref<8x56x128xi32, #tpu.memory_space<vmem>>, vector<8x1x128xi32>
      %swap3A_601 = vector.shape_cast %swap3A_600 : vector<8x1x128xi32> to vector<8x128xi32>
      %swap3A_602 = vector.shape_cast %select_n3A_596 : vector<8x128xi32> to vector<8x1x128xi32>
      tpu.vector_store %arg7[%swap3A_597, %swap3A_598, %swap3A_599], %swap3A_602 {strides = array<i32>} : memref<8x56x128xi32, #tpu.memory_space<vmem>>, vector<8x1x128xi32>,
      %get3A_603 = arith.constant 0 : index
      %get3A_604 = arith.constant 1152 : index
      %get3A_605 = vector.load %arg5[%get3A_603, %get3A_604] : memref<8x7168xf32, #tpu.memory_space<vmem>>, vector<8x128xf32>
      %jit3A_606 = arith.constant 0.000000e+00 : f32
      %broadcast_in_dim3A_607 = vector.broadcast %jit3A_606 : f32 to vector<8x128xf32>
      %select_n3A_608 = arith.select %lt3A_584, %get3A_605, %broadcast_in_dim3A_607 : vector<8x128xi1>, vector<8x128xf32>
      %swap3A_609 = arith.constant 0 : index
      %swap3A_610 = arith.constant 9 : index
      %swap3A_611 = arith.constant 0 : index
      %swap3A_612 = vector.load %arg8[%swap3A_609, %swap3A_610, %swap3A_611] : memref<8x56x128xf32, #tpu.memory_space<vmem>>, vector<8x1x128xf32>
      %swap3A_613 = vector.shape_cast %swap3A_612 : vector<8x1x128xf32> to vector<8x128xf32>
      %swap3A_614 = vector.shape_cast %select_n3A_608 : vector<8x128xf32> to vector<8x1x128xf32>
      tpu.vector_store %arg8[%swap3A_609, %swap3A_610, %swap3A_611], %swap3A_614 {strides = array<i32>} : memref<8x56x128xf32, #tpu.memory_space<vmem>>, vector<8x1x128xf32>,
      %get3A_615 = arith.constant 0 : index
      %get3A_616 = arith.constant 1280 : index
      %get3A_617 = vector.load %arg2[%get3A_615, %get3A_616] : memref<8x7168xi32, #tpu.memory_space<vmem>>, vector<8x128xi32>
      %mul3A_618 = arith.constant 512 : i32
      %mul3A_619 = vector.broadcast %mul3A_618 : i32 to vector<8x128xi32>
      %mul3A_620 = arith.muli %get3A_617, %mul3A_619 : vector<8x128xi32>
      %get3A_621 = arith.constant 0 : index
      %get3A_622 = arith.constant 1280 : index
      %get3A_623 = vector.load %arg1[%get3A_621, %get3A_622] : memref<8x7168xi32, #tpu.memory_space<vmem>>, vector<8x128xi32>
      %add3A_624 = arith.addi %mul3A_620, %get3A_623 : vector<8x128xi32>
      %add3A_625 = arith.addi %add3A_624, %mul3A_3 : vector<8x128xi32>
      %get3A_626 = arith.constant 0 : index
      %get3A_627 = arith.constant 1280 : index
      %get3A_628 = vector.load %arg4[%get3A_626, %get3A_627] : memref<8x7168xi32, #tpu.memory_space<vmem>>, vector<8x128xi32>
      %mul3A_629 = arith.constant 512 : i32
      %mul3A_630 = vector.broadcast %mul3A_629 : i32 to vector<8x128xi32>
      %mul3A_631 = arith.muli %get3A_628, %mul3A_630 : vector<8x128xi32>
      %get3A_632 = arith.constant 0 : index
      %get3A_633 = arith.constant 1280 : index
      %get3A_634 = vector.load %arg3[%get3A_632, %get3A_633] : memref<8x7168xi32, #tpu.memory_space<vmem>>, vector<8x128xi32>
      %add3A_635 = arith.addi %mul3A_631, %get3A_634 : vector<8x128xi32>
      %add3A_636 = arith.addi %add3A_635, %mul3A_3 : vector<8x128xi32>
      %mul3A_637 = arith.constant 7168 : i32
      %mul3A_638 = arith.muli %arg0, %mul3A_637 : i32
      %add3A_639 = arith.constant 1280 : i32
      %add3A_640 = arith.addi %mul3A_638, %add3A_639 : i32
      %add3A_641 = vector.broadcast %add3A_640 : i32 to vector<8x128xi32>
      %add3A_642 = arith.addi %iota3A_4, %add3A_641 : vector<8x128xi32>
      %lt3A_643 = arith.constant 50000 : i32
      %lt3A_644 = vector.broadcast %lt3A_643 : i32 to vector<8x128xi32>
      %lt3A_645 = arith.cmpi slt, %add3A_642, %lt3A_644 : vector<8x128xi32>
      %jit3A_646 = arith.constant 0 : i32
      %broadcast_in_dim3A_647 = vector.broadcast %jit3A_646 : i32 to vector<8x128xi32>
      %select_n3A_648 = arith.select %lt3A_645, %add3A_625, %broadcast_in_dim3A_647 : vector<8x128xi1>, vector<8x128xi32>
      %swap3A_649 = arith.constant 0 : index
      %swap3A_650 = arith.constant 10 : index
      %swap3A_651 = arith.constant 0 : index
      %swap3A_652 = vector.load %arg6[%swap3A_649, %swap3A_650, %swap3A_651] : memref<8x56x128xi32, #tpu.memory_space<vmem>>, vector<8x1x128xi32>
      %swap3A_653 = vector.shape_cast %swap3A_652 : vector<8x1x128xi32> to vector<8x128xi32>
      %swap3A_654 = vector.shape_cast %select_n3A_648 : vector<8x128xi32> to vector<8x1x128xi32>
      tpu.vector_store %arg6[%swap3A_649, %swap3A_650, %swap3A_651], %swap3A_654 {strides = array<i32>} : memref<8x56x128xi32, #tpu.memory_space<vmem>>, vector<8x1x128xi32>,
      %jit3A_655 = arith.constant 0 : i32
      %broadcast_in_dim3A_656 = vector.broadcast %jit3A_655 : i32 to vector<8x128xi32>
      %select_n3A_657 = arith.select %lt3A_645, %add3A_636, %broadcast_in_dim3A_656 : vector<8x128xi1>, vector<8x128xi32>
      %swap3A_658 = arith.constant 0 : index
      %swap3A_659 = arith.constant 10 : index
      %swap3A_660 = arith.constant 0 : index
      %swap3A_661 = vector.load %arg7[%swap3A_658, %swap3A_659, %swap3A_660] : memref<8x56x128xi32, #tpu.memory_space<vmem>>, vector<8x1x128xi32>
      %swap3A_662 = vector.shape_cast %swap3A_661 : vector<8x1x128xi32> to vector<8x128xi32>
      %swap3A_663 = vector.shape_cast %select_n3A_657 : vector<8x128xi32> to vector<8x1x128xi32>
      tpu.vector_store %arg7[%swap3A_658, %swap3A_659, %swap3A_660], %swap3A_663 {strides = array<i32>} : memref<8x56x128xi32, #tpu.memory_space<vmem>>, vector<8x1x128xi32>,
      %get3A_664 = arith.constant 0 : index
      %get3A_665 = arith.constant 1280 : index
      %get3A_666 = vector.load %arg5[%get3A_664, %get3A_665] : memref<8x7168xf32, #tpu.memory_space<vmem>>, vector<8x128xf32>
      %jit3A_667 = arith.constant 0.000000e+00 : f32
      %broadcast_in_dim3A_668 = vector.broadcast %jit3A_667 : f32 to vector<8x128xf32>
      %select_n3A_669 = arith.select %lt3A_645, %get3A_666, %broadcast_in_dim3A_668 : vector<8x128xi1>, vector<8x128xf32>
      %swap3A_670 = arith.constant 0 : index
      %swap3A_671 = arith.constant 10 : index
      %swap3A_672 = arith.constant 0 : index
      %swap3A_673 = vector.load %arg8[%swap3A_670, %swap3A_671, %swap3A_672] : memref<8x56x128xf32, #tpu.memory_space<vmem>>, vector<8x1x128xf32>
      %swap3A_674 = vector.shape_cast %swap3A_673 : vector<8x1x128xf32> to vector<8x128xf32>
      %swap3A_675 = vector.shape_cast %select_n3A_669 : vector<8x128xf32> to vector<8x1x128xf32>
      tpu.vector_store %arg8[%swap3A_670, %swap3A_671, %swap3A_672], %swap3A_675 {strides = array<i32>} : memref<8x56x128xf32, #tpu.memory_space<vmem>>, vector<8x1x128xf32>,
      %get3A_676 = arith.constant 0 : index
      %get3A_677 = arith.constant 1408 : index
      %get3A_678 = vector.load %arg2[%get3A_676, %get3A_677] : memref<8x7168xi32, #tpu.memory_space<vmem>>, vector<8x128xi32>
      %mul3A_679 = arith.constant 512 : i32
      %mul3A_680 = vector.broadcast %mul3A_679 : i32 to vector<8x128xi32>
      %mul3A_681 = arith.muli %get3A_678, %mul3A_680 : vector<8x128xi32>
      %get3A_682 = arith.constant 0 : index
      %get3A_683 = arith.constant 1408 : index
      %get3A_684 = vector.load %arg1[%get3A_682, %get3A_683] : memref<8x7168xi32, #tpu.memory_space<vmem>>, vector<8x128xi32>
      %add3A_685 = arith.addi %mul3A_681, %get3A_684 : vector<8x128xi32>
      %add3A_686 = arith.addi %add3A_685, %mul3A_3 : vector<8x128xi32>
      %get3A_687 = arith.constant 0 : index
      %get3A_688 = arith.constant 1408 : index
      %get3A_689 = vector.load %arg4[%get3A_687, %get3A_688] : memref<8x7168xi32, #tpu.memory_space<vmem>>, vector<8x128xi32>
      %mul3A_690 = arith.constant 512 : i32
      %mul3A_691 = vector.broadcast %mul3A_690 : i32 to vector<8x128xi32>
      %mul3A_692 = arith.muli %get3A_689, %mul3A_691 : vector<8x128xi32>
      %get3A_693 = arith.constant 0 : index
      %get3A_694 = arith.constant 1408 : index
      %get3A_695 = vector.load %arg3[%get3A_693, %get3A_694] : memref<8x7168xi32, #tpu.memory_space<vmem>>, vector<8x128xi32>
      %add3A_696 = arith.addi %mul3A_692, %get3A_695 : vector<8x128xi32>
      %add3A_697 = arith.addi %add3A_696, %mul3A_3 : vector<8x128xi32>
      %mul3A_698 = arith.constant 7168 : i32
      %mul3A_699 = arith.muli %arg0, %mul3A_698 : i32
      %add3A_700 = arith.constant 1408 : i32
      %add3A_701 = arith.addi %mul3A_699, %add3A_700 : i32
      %add3A_702 = vector.broadcast %add3A_701 : i32 to vector<8x128xi32>
      %add3A_703 = arith.addi %iota3A_4, %add3A_702 : vector<8x128xi32>
      %lt3A_704 = arith.constant 50000 : i32
      %lt3A_705 = vector.broadcast %lt3A_704 : i32 to vector<8x128xi32>
      %lt3A_706 = arith.cmpi slt, %add3A_703, %lt3A_705 : vector<8x128xi32>
      %jit3A_707 = arith.constant 0 : i32
      %broadcast_in_dim3A_708 = vector.broadcast %jit3A_707 : i32 to vector<8x128xi32>
      %select_n3A_709 = arith.select %lt3A_706, %add3A_686, %broadcast_in_dim3A_708 : vector<8x128xi1>, vector<8x128xi32>
      %swap3A_710 = arith.constant 0 : index
      %swap3A_711 = arith.constant 11 : index
      %swap3A_712 = arith.constant 0 : index
      %swap3A_713 = vector.load %arg6[%swap3A_710, %swap3A_711, %swap3A_712] : memref<8x56x128xi32, #tpu.memory_space<vmem>>, vector<8x1x128xi32>
      %swap3A_714 = vector.shape_cast %swap3A_713 : vector<8x1x128xi32> to vector<8x128xi32>
      %swap3A_715 = vector.shape_cast %select_n3A_709 : vector<8x128xi32> to vector<8x1x128xi32>
      tpu.vector_store %arg6[%swap3A_710, %swap3A_711, %swap3A_712], %swap3A_715 {strides = array<i32>} : memref<8x56x128xi32, #tpu.memory_space<vmem>>, vector<8x1x128xi32>,
      %jit3A_716 = arith.constant 0 : i32
      %broadcast_in_dim3A_717 = vector.broadcast %jit3A_716 : i32 to vector<8x128xi32>
      %select_n3A_718 = arith.select %lt3A_706, %add3A_697, %broadcast_in_dim3A_717 : vector<8x128xi1>, vector<8x128xi32>
      %swap3A_719 = arith.constant 0 : index
      %swap3A_720 = arith.constant 11 : index
      %swap3A_721 = arith.constant 0 : index
      %swap3A_722 = vector.load %arg7[%swap3A_719, %swap3A_720, %swap3A_721] : memref<8x56x128xi32, #tpu.memory_space<vmem>>, vector<8x1x128xi32>
      %swap3A_723 = vector.shape_cast %swap3A_722 : vector<8x1x128xi32> to vector<8x128xi32>
      %swap3A_724 = vector.shape_cast %select_n3A_718 : vector<8x128xi32> to vector<8x1x128xi32>
      tpu.vector_store %arg7[%swap3A_719, %swap3A_720, %swap3A_721], %swap3A_724 {strides = array<i32>} : memref<8x56x128xi32, #tpu.memory_space<vmem>>, vector<8x1x128xi32>,
      %get3A_725 = arith.constant 0 : index
      %get3A_726 = arith.constant 1408 : index
      %get3A_727 = vector.load %arg5[%get3A_725, %get3A_726] : memref<8x7168xf32, #tpu.memory_space<vmem>>, vector<8x128xf32>
      %jit3A_728 = arith.constant 0.000000e+00 : f32
      %broadcast_in_dim3A_729 = vector.broadcast %jit3A_728 : f32 to vector<8x128xf32>
      %select_n3A_730 = arith.select %lt3A_706, %get3A_727, %broadcast_in_dim3A_729 : vector<8x128xi1>, vector<8x128xf32>
      %swap3A_731 = arith.constant 0 : index
      %swap3A_732 = arith.constant 11 : index
      %swap3A_733 = arith.constant 0 : index
      %swap3A_734 = vector.load %arg8[%swap3A_731, %swap3A_732, %swap3A_733] : memref<8x56x128xf32, #tpu.memory_space<vmem>>, vector<8x1x128xf32>
      %swap3A_735 = vector.shape_cast %swap3A_734 : vector<8x1x128xf32> to vector<8x128xf32>
      %swap3A_736 = vector.shape_cast %select_n3A_730 : vector<8x128xf32> to vector<8x1x128xf32>
      tpu.vector_store %arg8[%swap3A_731, %swap3A_732, %swap3A_733], %swap3A_736 {strides = array<i32>} : memref<8x56x128xf32, #tpu.memory_space<vmem>>, vector<8x1x128xf32>,
      %get3A_737 = arith.constant 0 : index
      %get3A_738 = arith.constant 1536 : index
      %get3A_739 = vector.load %arg2[%get3A_737, %get3A_738] : memref<8x7168xi32, #tpu.memory_space<vmem>>, vector<8x128xi32>
      %mul3A_740 = arith.constant 512 : i32
      %mul3A_741 = vector.broadcast %mul3A_740 : i32 to vector<8x128xi32>
      %mul3A_742 = arith.muli %get3A_739, %mul3A_741 : vector<8x128xi32>
      %get3A_743 = arith.constant 0 : index
      %get3A_744 = arith.constant 1536 : index
      %get3A_745 = vector.load %arg1[%get3A_743, %get3A_744] : memref<8x7168xi32, #tpu.memory_space<vmem>>, vector<8x128xi32>
      %add3A_746 = arith.addi %mul3A_742, %get3A_745 : vector<8x128xi32>
      %add3A_747 = arith.addi %add3A_746, %mul3A_3 : vector<8x128xi32>
      %get3A_748 = arith.constant 0 : index
      %get3A_749 = arith.constant 1536 : index
      %get3A_750 = vector.load %arg4[%get3A_748, %get3A_749] : memref<8x7168xi32, #tpu.memory_space<vmem>>, vector<8x128xi32>
      %mul3A_751 = arith.constant 512 : i32
      %mul3A_752 = vector.broadcast %mul3A_751 : i32 to vector<8x128xi32>
      %mul3A_753 = arith.muli %get3A_750, %mul3A_752 : vector<8x128xi32>
      %get3A_754 = arith.constant 0 : index
      %get3A_755 = arith.constant 1536 : index
      %get3A_756 = vector.load %arg3[%get3A_754, %get3A_755] : memref<8x7168xi32, #tpu.memory_space<vmem>>, vector<8x128xi32>
      %add3A_757 = arith.addi %mul3A_753, %get3A_756 : vector<8x128xi32>
      %add3A_758 = arith.addi %add3A_757, %mul3A_3 : vector<8x128xi32>
      %mul3A_759 = arith.constant 7168 : i32
      %mul3A_760 = arith.muli %arg0, %mul3A_759 : i32
      %add3A_761 = arith.constant 1536 : i32
      %add3A_762 = arith.addi %mul3A_760, %add3A_761 : i32
      %add3A_763 = vector.broadcast %add3A_762 : i32 to vector<8x128xi32>
      %add3A_764 = arith.addi %iota3A_4, %add3A_763 : vector<8x128xi32>
      %lt3A_765 = arith.constant 50000 : i32
      %lt3A_766 = vector.broadcast %lt3A_765 : i32 to vector<8x128xi32>
      %lt3A_767 = arith.cmpi slt, %add3A_764, %lt3A_766 : vector<8x128xi32>
      %jit3A_768 = arith.constant 0 : i32
      %broadcast_in_dim3A_769 = vector.broadcast %jit3A_768 : i32 to vector<8x128xi32>
      %select_n3A_770 = arith.select %lt3A_767, %add3A_747, %broadcast_in_dim3A_769 : vector<8x128xi1>, vector<8x128xi32>
      %swap3A_771 = arith.constant 0 : index
      %swap3A_772 = arith.constant 12 : index
      %swap3A_773 = arith.constant 0 : index
      %swap3A_774 = vector.load %arg6[%swap3A_771, %swap3A_772, %swap3A_773] : memref<8x56x128xi32, #tpu.memory_space<vmem>>, vector<8x1x128xi32>
      %swap3A_775 = vector.shape_cast %swap3A_774 : vector<8x1x128xi32> to vector<8x128xi32>
      %swap3A_776 = vector.shape_cast %select_n3A_770 : vector<8x128xi32> to vector<8x1x128xi32>
      tpu.vector_store %arg6[%swap3A_771, %swap3A_772, %swap3A_773], %swap3A_776 {strides = array<i32>} : memref<8x56x128xi32, #tpu.memory_space<vmem>>, vector<8x1x128xi32>,
      %jit3A_777 = arith.constant 0 : i32
      %broadcast_in_dim3A_778 = vector.broadcast %jit3A_777 : i32 to vector<8x128xi32>
      %select_n3A_779 = arith.select %lt3A_767, %add3A_758, %broadcast_in_dim3A_778 : vector<8x128xi1>, vector<8x128xi32>
      %swap3A_780 = arith.constant 0 : index
      %swap3A_781 = arith.constant 12 : index
      %swap3A_782 = arith.constant 0 : index
      %swap3A_783 = vector.load %arg7[%swap3A_780, %swap3A_781, %swap3A_782] : memref<8x56x128xi32, #tpu.memory_space<vmem>>, vector<8x1x128xi32>
      %swap3A_784 = vector.shape_cast %swap3A_783 : vector<8x1x128xi32> to vector<8x128xi32>
      %swap3A_785 = vector.shape_cast %select_n3A_779 : vector<8x128xi32> to vector<8x1x128xi32>
      tpu.vector_store %arg7[%swap3A_780, %swap3A_781, %swap3A_782], %swap3A_785 {strides = array<i32>} : memref<8x56x128xi32, #tpu.memory_space<vmem>>, vector<8x1x128xi32>,
      %get3A_786 = arith.constant 0 : index
      %get3A_787 = arith.constant 1536 : index
      %get3A_788 = vector.load %arg5[%get3A_786, %get3A_787] : memref<8x7168xf32, #tpu.memory_space<vmem>>, vector<8x128xf32>
      %jit3A_789 = arith.constant 0.000000e+00 : f32
      %broadcast_in_dim3A_790 = vector.broadcast %jit3A_789 : f32 to vector<8x128xf32>
      %select_n3A_791 = arith.select %lt3A_767, %get3A_788, %broadcast_in_dim3A_790 : vector<8x128xi1>, vector<8x128xf32>
      %swap3A_792 = arith.constant 0 : index
      %swap3A_793 = arith.constant 12 : index
      %swap3A_794 = arith.constant 0 : index
      %swap3A_795 = vector.load %arg8[%swap3A_792, %swap3A_793, %swap3A_794] : memref<8x56x128xf32, #tpu.memory_space<vmem>>, vector<8x1x128xf32>
      %swap3A_796 = vector.shape_cast %swap3A_795 : vector<8x1x128xf32> to vector<8x128xf32>
      %swap3A_797 = vector.shape_cast %select_n3A_791 : vector<8x128xf32> to vector<8x1x128xf32>
      tpu.vector_store %arg8[%swap3A_792, %swap3A_793, %swap3A_794], %swap3A_797 {strides = array<i32>} : memref<8x56x128xf32, #tpu.memory_space<vmem>>, vector<8x1x128xf32>,
      %get3A_798 = arith.constant 0 : index
      %get3A_799 = arith.constant 1664 : index
      %get3A_800 = vector.load %arg2[%get3A_798, %get3A_799] : memref<8x7168xi32, #tpu.memory_space<vmem>>, vector<8x128xi32>
      %mul3A_801 = arith.constant 512 : i32
      %mul3A_802 = vector.broadcast %mul3A_801 : i32 to vector<8x128xi32>
      %mul3A_803 = arith.muli %get3A_800, %mul3A_802 : vector<8x128xi32>
      %get3A_804 = arith.constant 0 : index
      %get3A_805 = arith.constant 1664 : index
      %get3A_806 = vector.load %arg1[%get3A_804, %get3A_805] : memref<8x7168xi32, #tpu.memory_space<vmem>>, vector<8x128xi32>
      %add3A_807 = arith.addi %mul3A_803, %get3A_806 : vector<8x128xi32>
      %add3A_808 = arith.addi %add3A_807, %mul3A_3 : vector<8x128xi32>
      %get3A_809 = arith.constant 0 : index
      %get3A_810 = arith.constant 1664 : index
      %get3A_811 = vector.load %arg4[%get3A_809, %get3A_810] : memref<8x7168xi32, #tpu.memory_space<vmem>>, vector<8x128xi32>
      %mul3A_812 = arith.constant 512 : i32
      %mul3A_813 = vector.broadcast %mul3A_812 : i32 to vector<8x128xi32>
      %mul3A_814 = arith.muli %get3A_811, %mul3A_813 : vector<8x128xi32>
      %get3A_815 = arith.constant 0 : index
      %get3A_816 = arith.constant 1664 : index
      %get3A_817 = vector.load %arg3[%get3A_815, %get3A_816] : memref<8x7168xi32, #tpu.memory_space<vmem>>, vector<8x128xi32>
      %add3A_818 = arith.addi %mul3A_814, %get3A_817 : vector<8x128xi32>
      %add3A_819 = arith.addi %add3A_818, %mul3A_3 : vector<8x128xi32>
      %mul3A_820 = arith.constant 7168 : i32
      %mul3A_821 = arith.muli %arg0, %mul3A_820 : i32
      %add3A_822 = arith.constant 1664 : i32
      %add3A_823 = arith.addi %mul3A_821, %add3A_822 : i32
      %add3A_824 = vector.broadcast %add3A_823 : i32 to vector<8x128xi32>
      %add3A_825 = arith.addi %iota3A_4, %add3A_824 : vector<8x128xi32>
      %lt3A_826 = arith.constant 50000 : i32
      %lt3A_827 = vector.broadcast %lt3A_826 : i32 to vector<8x128xi32>
      %lt3A_828 = arith.cmpi slt, %add3A_825, %lt3A_827 : vector<8x128xi32>
      %jit3A_829 = arith.constant 0 : i32
      %broadcast_in_dim3A_830 = vector.broadcast %jit3A_829 : i32 to vector<8x128xi32>
      %select_n3A_831 = arith.select %lt3A_828, %add3A_808, %broadcast_in_dim3A_830 : vector<8x128xi1>, vector<8x128xi32>
      %swap3A_832 = arith.constant 0 : index
      %swap3A_833 = arith.constant 13 : index
      %swap3A_834 = arith.constant 0 : index
      %swap3A_835 = vector.load %arg6[%swap3A_832, %swap3A_833, %swap3A_834] : memref<8x56x128xi32, #tpu.memory_space<vmem>>, vector<8x1x128xi32>
      %swap3A_836 = vector.shape_cast %swap3A_835 : vector<8x1x128xi32> to vector<8x128xi32>
      %swap3A_837 = vector.shape_cast %select_n3A_831 : vector<8x128xi32> to vector<8x1x128xi32>
      tpu.vector_store %arg6[%swap3A_832, %swap3A_833, %swap3A_834], %swap3A_837 {strides = array<i32>} : memref<8x56x128xi32, #tpu.memory_space<vmem>>, vector<8x1x128xi32>,
      %jit3A_838 = arith.constant 0 : i32
      %broadcast_in_dim3A_839 = vector.broadcast %jit3A_838 : i32 to vector<8x128xi32>
      %select_n3A_840 = arith.select %lt3A_828, %add3A_819, %broadcast_in_dim3A_839 : vector<8x128xi1>, vector<8x128xi32>
      %swap3A_841 = arith.constant 0 : index
      %swap3A_842 = arith.constant 13 : index
      %swap3A_843 = arith.constant 0 : index
      %swap3A_844 = vector.load %arg7[%swap3A_841, %swap3A_842, %swap3A_843] : memref<8x56x128xi32, #tpu.memory_space<vmem>>, vector<8x1x128xi32>
      %swap3A_845 = vector.shape_cast %swap3A_844 : vector<8x1x128xi32> to vector<8x128xi32>
      %swap3A_846 = vector.shape_cast %select_n3A_840 : vector<8x128xi32> to vector<8x1x128xi32>
      tpu.vector_store %arg7[%swap3A_841, %swap3A_842, %swap3A_843], %swap3A_846 {strides = array<i32>} : memref<8x56x128xi32, #tpu.memory_space<vmem>>, vector<8x1x128xi32>,
      %get3A_847 = arith.constant 0 : index
      %get3A_848 = arith.constant 1664 : index
      %get3A_849 = vector.load %arg5[%get3A_847, %get3A_848] : memref<8x7168xf32, #tpu.memory_space<vmem>>, vector<8x128xf32>
      %jit3A_850 = arith.constant 0.000000e+00 : f32
      %broadcast_in_dim3A_851 = vector.broadcast %jit3A_850 : f32 to vector<8x128xf32>
      %select_n3A_852 = arith.select %lt3A_828, %get3A_849, %broadcast_in_dim3A_851 : vector<8x128xi1>, vector<8x128xf32>
      %swap3A_853 = arith.constant 0 : index
      %swap3A_854 = arith.constant 13 : index
      %swap3A_855 = arith.constant 0 : index
      %swap3A_856 = vector.load %arg8[%swap3A_853, %swap3A_854, %swap3A_855] : memref<8x56x128xf32, #tpu.memory_space<vmem>>, vector<8x1x128xf32>
      %swap3A_857 = vector.shape_cast %swap3A_856 : vector<8x1x128xf32> to vector<8x128xf32>
      %swap3A_858 = vector.shape_cast %select_n3A_852 : vector<8x128xf32> to vector<8x1x128xf32>
      tpu.vector_store %arg8[%swap3A_853, %swap3A_854, %swap3A_855], %swap3A_858 {strides = array<i32>} : memref<8x56x128xf32, #tpu.memory_space<vmem>>, vector<8x1x128xf32>,
      %get3A_859 = arith.constant 0 : index
      %get3A_860 = arith.constant 1792 : index
      %get3A_861 = vector.load %arg2[%get3A_859, %get3A_860] : memref<8x7168xi32, #tpu.memory_space<vmem>>, vector<8x128xi32>
      %mul3A_862 = arith.constant 512 : i32
      %mul3A_863 = vector.broadcast %mul3A_862 : i32 to vector<8x128xi32>
      %mul3A_864 = arith.muli %get3A_861, %mul3A_863 : vector<8x128xi32>
      %get3A_865 = arith.constant 0 : index
      %get3A_866 = arith.constant 1792 : index
      %get3A_867 = vector.load %arg1[%get3A_865, %get3A_866] : memref<8x7168xi32, #tpu.memory_space<vmem>>, vector<8x128xi32>
      %add3A_868 = arith.addi %mul3A_864, %get3A_867 : vector<8x128xi32>
      %add3A_869 = arith.addi %add3A_868, %mul3A_3 : vector<8x128xi32>
      %get3A_870 = arith.constant 0 : index
      %get3A_871 = arith.constant 1792 : index
      %get3A_872 = vector.load %arg4[%get3A_870, %get3A_871] : memref<8x7168xi32, #tpu.memory_space<vmem>>, vector<8x128xi32>
      %mul3A_873 = arith.constant 512 : i32
      %mul3A_874 = vector.broadcast %mul3A_873 : i32 to vector<8x128xi32>
      %mul3A_875 = arith.muli %get3A_872, %mul3A_874 : vector<8x128xi32>
      %get3A_876 = arith.constant 0 : index
      %get3A_877 = arith.constant 1792 : index
      %get3A_878 = vector.load %arg3[%get3A_876, %get3A_877] : memref<8x7168xi32, #tpu.memory_space<vmem>>, vector<8x128xi32>
      %add3A_879 = arith.addi %mul3A_875, %get3A_878 : vector<8x128xi32>
      %add3A_880 = arith.addi %add3A_879, %mul3A_3 : vector<8x128xi32>
      %mul3A_881 = arith.constant 7168 : i32
      %mul3A_882 = arith.muli %arg0, %mul3A_881 : i32
      %add3A_883 = arith.constant 1792 : i32
      %add3A_884 = arith.addi %mul3A_882, %add3A_883 : i32
      %add3A_885 = vector.broadcast %add3A_884 : i32 to vector<8x128xi32>
      %add3A_886 = arith.addi %iota3A_4, %add3A_885 : vector<8x128xi32>
      %lt3A_887 = arith.constant 50000 : i32
      %lt3A_888 = vector.broadcast %lt3A_887 : i32 to vector<8x128xi32>
      %lt3A_889 = arith.cmpi slt, %add3A_886, %lt3A_888 : vector<8x128xi32>
      %jit3A_890 = arith.constant 0 : i32
      %broadcast_in_dim3A_891 = vector.broadcast %jit3A_890 : i32 to vector<8x128xi32>
      %select_n3A_892 = arith.select %lt3A_889, %add3A_869, %broadcast_in_dim3A_891 : vector<8x128xi1>, vector<8x128xi32>
      %swap3A_893 = arith.constant 0 : index
      %swap3A_894 = arith.constant 14 : index
      %swap3A_895 = arith.constant 0 : index
      %swap3A_896 = vector.load %arg6[%swap3A_893, %swap3A_894, %swap3A_895] : memref<8x56x128xi32, #tpu.memory_space<vmem>>, vector<8x1x128xi32>
      %swap3A_897 = vector.shape_cast %swap3A_896 : vector<8x1x128xi32> to vector<8x128xi32>
      %swap3A_898 = vector.shape_cast %select_n3A_892 : vector<8x128xi32> to vector<8x1x128xi32>
      tpu.vector_store %arg6[%swap3A_893, %swap3A_894, %swap3A_895], %swap3A_898 {strides = array<i32>} : memref<8x56x128xi32, #tpu.memory_space<vmem>>, vector<8x1x128xi32>,
      %jit3A_899 = arith.constant 0 : i32
      %broadcast_in_dim3A_900 = vector.broadcast %jit3A_899 : i32 to vector<8x128xi32>
      %select_n3A_901 = arith.select %lt3A_889, %add3A_880, %broadcast_in_dim3A_900 : vector<8x128xi1>, vector<8x128xi32>
      %swap3A_902 = arith.constant 0 : index
      %swap3A_903 = arith.constant 14 : index
      %swap3A_904 = arith.constant 0 : index
      %swap3A_905 = vector.load %arg7[%swap3A_902, %swap3A_903, %swap3A_904] : memref<8x56x128xi32, #tpu.memory_space<vmem>>, vector<8x1x128xi32>
      %swap3A_906 = vector.shape_cast %swap3A_905 : vector<8x1x128xi32> to vector<8x128xi32>
      %swap3A_907 = vector.shape_cast %select_n3A_901 : vector<8x128xi32> to vector<8x1x128xi32>
      tpu.vector_store %arg7[%swap3A_902, %swap3A_903, %swap3A_904], %swap3A_907 {strides = array<i32>} : memref<8x56x128xi32, #tpu.memory_space<vmem>>, vector<8x1x128xi32>,
      %get3A_908 = arith.constant 0 : index
      %get3A_909 = arith.constant 1792 : index
      %get3A_910 = vector.load %arg5[%get3A_908, %get3A_909] : memref<8x7168xf32, #tpu.memory_space<vmem>>, vector<8x128xf32>
      %jit3A_911 = arith.constant 0.000000e+00 : f32
      %broadcast_in_dim3A_912 = vector.broadcast %jit3A_911 : f32 to vector<8x128xf32>
      %select_n3A_913 = arith.select %lt3A_889, %get3A_910, %broadcast_in_dim3A_912 : vector<8x128xi1>, vector<8x128xf32>
      %swap3A_914 = arith.constant 0 : index
      %swap3A_915 = arith.constant 14 : index
      %swap3A_916 = arith.constant 0 : index
      %swap3A_917 = vector.load %arg8[%swap3A_914, %swap3A_915, %swap3A_916] : memref<8x56x128xf32, #tpu.memory_space<vmem>>, vector<8x1x128xf32>
      %swap3A_918 = vector.shape_cast %swap3A_917 : vector<8x1x128xf32> to vector<8x128xf32>
      %swap3A_919 = vector.shape_cast %select_n3A_913 : vector<8x128xf32> to vector<8x1x128xf32>
      tpu.vector_store %arg8[%swap3A_914, %swap3A_915, %swap3A_916], %swap3A_919 {strides = array<i32>} : memref<8x56x128xf32, #tpu.memory_space<vmem>>, vector<8x1x128xf32>,
      %get3A_920 = arith.constant 0 : index
      %get3A_921 = arith.constant 1920 : index
      %get3A_922 = vector.load %arg2[%get3A_920, %get3A_921] : memref<8x7168xi32, #tpu.memory_space<vmem>>, vector<8x128xi32>
      %mul3A_923 = arith.constant 512 : i32
      %mul3A_924 = vector.broadcast %mul3A_923 : i32 to vector<8x128xi32>
      %mul3A_925 = arith.muli %get3A_922, %mul3A_924 : vector<8x128xi32>
      %get3A_926 = arith.constant 0 : index
      %get3A_927 = arith.constant 1920 : index
      %get3A_928 = vector.load %arg1[%get3A_926, %get3A_927] : memref<8x7168xi32, #tpu.memory_space<vmem>>, vector<8x128xi32>
      %add3A_929 = arith.addi %mul3A_925, %get3A_928 : vector<8x128xi32>
      %add3A_930 = arith.addi %add3A_929, %mul3A_3 : vector<8x128xi32>
      %get3A_931 = arith.constant 0 : index
      %get3A_932 = arith.constant 1920 : index
      %get3A_933 = vector.load %arg4[%get3A_931, %get3A_932] : memref<8x7168xi32, #tpu.memory_space<vmem>>, vector<8x128xi32>
      %mul3A_934 = arith.constant 512 : i32
      %mul3A_935 = vector.broadcast %mul3A_934 : i32 to vector<8x128xi32>
      %mul3A_936 = arith.muli %get3A_933, %mul3A_935 : vector<8x128xi32>
      %get3A_937 = arith.constant 0 : index
      %get3A_938 = arith.constant 1920 : index
      %get3A_939 = vector.load %arg3[%get3A_937, %get3A_938] : memref<8x7168xi32, #tpu.memory_space<vmem>>, vector<8x128xi32>
      %add3A_940 = arith.addi %mul3A_936, %get3A_939 : vector<8x128xi32>
      %add3A_941 = arith.addi %add3A_940, %mul3A_3 : vector<8x128xi32>
      %mul3A_942 = arith.constant 7168 : i32
      %mul3A_943 = arith.muli %arg0, %mul3A_942 : i32
      %add3A_944 = arith.constant 1920 : i32
      %add3A_945 = arith.addi %mul3A_943, %add3A_944 : i32
      %add3A_946 = vector.broadcast %add3A_945 : i32 to vector<8x128xi32>
      %add3A_947 = arith.addi %iota3A_4, %add3A_946 : vector<8x128xi32>
      %lt3A_948 = arith.constant 50000 : i32
      %lt3A_949 = vector.broadcast %lt3A_948 : i32 to vector<8x128xi32>
      %lt3A_950 = arith.cmpi slt, %add3A_947, %lt3A_949 : vector<8x128xi32>
      %jit3A_951 = arith.constant 0 : i32
      %broadcast_in_dim3A_952 = vector.broadcast %jit3A_951 : i32 to vector<8x128xi32>
      %select_n3A_953 = arith.select %lt3A_950, %add3A_930, %broadcast_in_dim3A_952 : vector<8x128xi1>, vector<8x128xi32>
      %swap3A_954 = arith.constant 0 : index
      %swap3A_955 = arith.constant 15 : index
      %swap3A_956 = arith.constant 0 : index
      %swap3A_957 = vector.load %arg6[%swap3A_954, %swap3A_955, %swap3A_956] : memref<8x56x128xi32, #tpu.memory_space<vmem>>, vector<8x1x128xi32>
      %swap3A_958 = vector.shape_cast %swap3A_957 : vector<8x1x128xi32> to vector<8x128xi32>
      %swap3A_959 = vector.shape_cast %select_n3A_953 : vector<8x128xi32> to vector<8x1x128xi32>
      tpu.vector_store %arg6[%swap3A_954, %swap3A_955, %swap3A_956], %swap3A_959 {strides = array<i32>} : memref<8x56x128xi32, #tpu.memory_space<vmem>>, vector<8x1x128xi32>,
      %jit3A_960 = arith.constant 0 : i32
      %broadcast_in_dim3A_961 = vector.broadcast %jit3A_960 : i32 to vector<8x128xi32>
      %select_n3A_962 = arith.select %lt3A_950, %add3A_941, %broadcast_in_dim3A_961 : vector<8x128xi1>, vector<8x128xi32>
      %swap3A_963 = arith.constant 0 : index
      %swap3A_964 = arith.constant 15 : index
      %swap3A_965 = arith.constant 0 : index
      %swap3A_966 = vector.load %arg7[%swap3A_963, %swap3A_964, %swap3A_965] : memref<8x56x128xi32, #tpu.memory_space<vmem>>, vector<8x1x128xi32>
      %swap3A_967 = vector.shape_cast %swap3A_966 : vector<8x1x128xi32> to vector<8x128xi32>
      %swap3A_968 = vector.shape_cast %select_n3A_962 : vector<8x128xi32> to vector<8x1x128xi32>
      tpu.vector_store %arg7[%swap3A_963, %swap3A_964, %swap3A_965], %swap3A_968 {strides = array<i32>} : memref<8x56x128xi32, #tpu.memory_space<vmem>>, vector<8x1x128xi32>,
      %get3A_969 = arith.constant 0 : index
      %get3A_970 = arith.constant 1920 : index
      %get3A_971 = vector.load %arg5[%get3A_969, %get3A_970] : memref<8x7168xf32, #tpu.memory_space<vmem>>, vector<8x128xf32>
      %jit3A_972 = arith.constant 0.000000e+00 : f32
      %broadcast_in_dim3A_973 = vector.broadcast %jit3A_972 : f32 to vector<8x128xf32>
      %select_n3A_974 = arith.select %lt3A_950, %get3A_971, %broadcast_in_dim3A_973 : vector<8x128xi1>, vector<8x128xf32>
      %swap3A_975 = arith.constant 0 : index
      %swap3A_976 = arith.constant 15 : index
      %swap3A_977 = arith.constant 0 : index
      %swap3A_978 = vector.load %arg8[%swap3A_975, %swap3A_976, %swap3A_977] : memref<8x56x128xf32, #tpu.memory_space<vmem>>, vector<8x1x128xf32>
      %swap3A_979 = vector.shape_cast %swap3A_978 : vector<8x1x128xf32> to vector<8x128xf32>
      %swap3A_980 = vector.shape_cast %select_n3A_974 : vector<8x128xf32> to vector<8x1x128xf32>
      tpu.vector_store %arg8[%swap3A_975, %swap3A_976, %swap3A_977], %swap3A_980 {strides = array<i32>} : memref<8x56x128xf32, #tpu.memory_space<vmem>>, vector<8x1x128xf32>,
      %get3A_981 = arith.constant 0 : index
      %get3A_982 = arith.constant 2048 : index
      %get3A_983 = vector.load %arg2[%get3A_981, %get3A_982] : memref<8x7168xi32, #tpu.memory_space<vmem>>, vector<8x128xi32>
      %mul3A_984 = arith.constant 512 : i32
      %mul3A_985 = vector.broadcast %mul3A_984 : i32 to vector<8x128xi32>
      %mul3A_986 = arith.muli %get3A_983, %mul3A_985 : vector<8x128xi32>
      %get3A_987 = arith.constant 0 : index
      %get3A_988 = arith.constant 2048 : index
      %get3A_989 = vector.load %arg1[%get3A_987, %get3A_988] : memref<8x7168xi32, #tpu.memory_space<vmem>>, vector<8x128xi32>
      %add3A_990 = arith.addi %mul3A_986, %get3A_989 : vector<8x128xi32>
      %add3A_991 = arith.addi %add3A_990, %mul3A_3 : vector<8x128xi32>
      %get3A_992 = arith.constant 0 : index
      %get3A_993 = arith.constant 2048 : index
      %get3A_994 = vector.load %arg4[%get3A_992, %get3A_993] : memref<8x7168xi32, #tpu.memory_space<vmem>>, vector<8x128xi32>
      %mul3A_995 = arith.constant 512 : i32
      %mul3A_996 = vector.broadcast %mul3A_995 : i32 to vector<8x128xi32>
      %mul3A_997 = arith.muli %get3A_994, %mul3A_996 : vector<8x128xi32>
      %get3A_998 = arith.constant 0 : index
      %get3A_999 = arith.constant 2048 : index
      %get3A_1000 = vector.load %arg3[%get3A_998, %get3A_999] : memref<8x7168xi32, #tpu.memory_space<vmem>>, vector<8x128xi32>
      %add3A_1001 = arith.addi %mul3A_997, %get3A_1000 : vector<8x128xi32>
      %add3A_1002 = arith.addi %add3A_1001, %mul3A_3 : vector<8x128xi32>
      %mul3A_1003 = arith.constant 7168 : i32
      %mul3A_1004 = arith.muli %arg0, %mul3A_1003 : i32
      %add3A_1005 = arith.constant 2048 : i32
      %add3A_1006 = arith.addi %mul3A_1004, %add3A_1005 : i32
      %add3A_1007 = vector.broadcast %add3A_1006 : i32 to vector<8x128xi32>
      %add3A_1008 = arith.addi %iota3A_4, %add3A_1007 : vector<8x128xi32>
      %lt3A_1009 = arith.constant 50000 : i32
      %lt3A_1010 = vector.broadcast %lt3A_1009 : i32 to vector<8x128xi32>
      %lt3A_1011 = arith.cmpi slt, %add3A_1008, %lt3A_1010 : vector<8x128xi32>
      %jit3A_1012 = arith.constant 0 : i32
      %broadcast_in_dim3A_1013 = vector.broadcast %jit3A_1012 : i32 to vector<8x128xi32>
      %select_n3A_1014 = arith.select %lt3A_1011, %add3A_991, %broadcast_in_dim3A_1013 : vector<8x128xi1>, vector<8x128xi32>
      %swap3A_1015 = arith.constant 0 : index
      %swap3A_1016 = arith.constant 16 : index
      %swap3A_1017 = arith.constant 0 : index
      %swap3A_1018 = vector.load %arg6[%swap3A_1015, %swap3A_1016, %swap3A_1017] : memref<8x56x128xi32, #tpu.memory_space<vmem>>, vector<8x1x128xi32>
      %swap3A_1019 = vector.shape_cast %swap3A_1018 : vector<8x1x128xi32> to vector<8x128xi32>
      %swap3A_1020 = vector.shape_cast %select_n3A_1014 : vector<8x128xi32> to vector<8x1x128xi32>
      tpu.vector_store %arg6[%swap3A_1015, %swap3A_1016, %swap3A_1017], %swap3A_1020 {strides = array<i32>} : memref<8x56x128xi32, #tpu.memory_space<vmem>>, vector<8x1x128xi32>,
      %jit3A_1021 = arith.constant 0 : i32
      %broadcast_in_dim3A_1022 = vector.broadcast %jit3A_1021 : i32 to vector<8x128xi32>
      %select_n3A_1023 = arith.select %lt3A_1011, %add3A_1002, %broadcast_in_dim3A_1022 : vector<8x128xi1>, vector<8x128xi32>
      %swap3A_1024 = arith.constant 0 : index
      %swap3A_1025 = arith.constant 16 : index
      %swap3A_1026 = arith.constant 0 : index
      %swap3A_1027 = vector.load %arg7[%swap3A_1024, %swap3A_1025, %swap3A_1026] : memref<8x56x128xi32, #tpu.memory_space<vmem>>, vector<8x1x128xi32>
      %swap3A_1028 = vector.shape_cast %swap3A_1027 : vector<8x1x128xi32> to vector<8x128xi32>
      %swap3A_1029 = vector.shape_cast %select_n3A_1023 : vector<8x128xi32> to vector<8x1x128xi32>
      tpu.vector_store %arg7[%swap3A_1024, %swap3A_1025, %swap3A_1026], %swap3A_1029 {strides = array<i32>} : memref<8x56x128xi32, #tpu.memory_space<vmem>>, vector<8x1x128xi32>,
      %get3A_1030 = arith.constant 0 : index
      %get3A_1031 = arith.constant 2048 : index
      %get3A_1032 = vector.load %arg5[%get3A_1030, %get3A_1031] : memref<8x7168xf32, #tpu.memory_space<vmem>>, vector<8x128xf32>
      %jit3A_1033 = arith.constant 0.000000e+00 : f32
      %broadcast_in_dim3A_1034 = vector.broadcast %jit3A_1033 : f32 to vector<8x128xf32>
      %select_n3A_1035 = arith.select %lt3A_1011, %get3A_1032, %broadcast_in_dim3A_1034 : vector<8x128xi1>, vector<8x128xf32>
      %swap3A_1036 = arith.constant 0 : index
      %swap3A_1037 = arith.constant 16 : index
      %swap3A_1038 = arith.constant 0 : index
      %swap3A_1039 = vector.load %arg8[%swap3A_1036, %swap3A_1037, %swap3A_1038] : memref<8x56x128xf32, #tpu.memory_space<vmem>>, vector<8x1x128xf32>
      %swap3A_1040 = vector.shape_cast %swap3A_1039 : vector<8x1x128xf32> to vector<8x128xf32>
      %swap3A_1041 = vector.shape_cast %select_n3A_1035 : vector<8x128xf32> to vector<8x1x128xf32>
      tpu.vector_store %arg8[%swap3A_1036, %swap3A_1037, %swap3A_1038], %swap3A_1041 {strides = array<i32>} : memref<8x56x128xf32, #tpu.memory_space<vmem>>, vector<8x1x128xf32>,
      %get3A_1042 = arith.constant 0 : index
      %get3A_1043 = arith.constant 2176 : index
      %get3A_1044 = vector.load %arg2[%get3A_1042, %get3A_1043] : memref<8x7168xi32, #tpu.memory_space<vmem>>, vector<8x128xi32>
      %mul3A_1045 = arith.constant 512 : i32
      %mul3A_1046 = vector.broadcast %mul3A_1045 : i32 to vector<8x128xi32>
      %mul3A_1047 = arith.muli %get3A_1044, %mul3A_1046 : vector<8x128xi32>
      %get3A_1048 = arith.constant 0 : index
      %get3A_1049 = arith.constant 2176 : index
      %get3A_1050 = vector.load %arg1[%get3A_1048, %get3A_1049] : memref<8x7168xi32, #tpu.memory_space<vmem>>, vector<8x128xi32>
      %add3A_1051 = arith.addi %mul3A_1047, %get3A_1050 : vector<8x128xi32>
      %add3A_1052 = arith.addi %add3A_1051, %mul3A_3 : vector<8x128xi32>
      %get3A_1053 = arith.constant 0 : index
      %get3A_1054 = arith.constant 2176 : index
      %get3A_1055 = vector.load %arg4[%get3A_1053, %get3A_1054] : memref<8x7168xi32, #tpu.memory_space<vmem>>, vector<8x128xi32>
      %mul3A_1056 = arith.constant 512 : i32
      %mul3A_1057 = vector.broadcast %mul3A_1056 : i32 to vector<8x128xi32>
      %mul3A_1058 = arith.muli %get3A_1055, %mul3A_1057 : vector<8x128xi32>
      %get3A_1059 = arith.constant 0 : index
      %get3A_1060 = arith.constant 2176 : index
      %get3A_1061 = vector.load %arg3[%get3A_1059, %get3A_1060] : memref<8x7168xi32, #tpu.memory_space<vmem>>, vector<8x128xi32>
      %add3A_1062 = arith.addi %mul3A_1058, %get3A_1061 : vector<8x128xi32>
      %add3A_1063 = arith.addi %add3A_1062, %mul3A_3 : vector<8x128xi32>
      %mul3A_1064 = arith.constant 7168 : i32
      %mul3A_1065 = arith.muli %arg0, %mul3A_1064 : i32
      %add3A_1066 = arith.constant 2176 : i32
      %add3A_1067 = arith.addi %mul3A_1065, %add3A_1066 : i32
      %add3A_1068 = vector.broadcast %add3A_1067 : i32 to vector<8x128xi32>
      %add3A_1069 = arith.addi %iota3A_4, %add3A_1068 : vector<8x128xi32>
      %lt3A_1070 = arith.constant 50000 : i32
      %lt3A_1071 = vector.broadcast %lt3A_1070 : i32 to vector<8x128xi32>
      %lt3A_1072 = arith.cmpi slt, %add3A_1069, %lt3A_1071 : vector<8x128xi32>
      %jit3A_1073 = arith.constant 0 : i32
      %broadcast_in_dim3A_1074 = vector.broadcast %jit3A_1073 : i32 to vector<8x128xi32>
      %select_n3A_1075 = arith.select %lt3A_1072, %add3A_1052, %broadcast_in_dim3A_1074 : vector<8x128xi1>, vector<8x128xi32>
      %swap3A_1076 = arith.constant 0 : index
      %swap3A_1077 = arith.constant 17 : index
      %swap3A_1078 = arith.constant 0 : index
      %swap3A_1079 = vector.load %arg6[%swap3A_1076, %swap3A_1077, %swap3A_1078] : memref<8x56x128xi32, #tpu.memory_space<vmem>>, vector<8x1x128xi32>
      %swap3A_1080 = vector.shape_cast %swap3A_1079 : vector<8x1x128xi32> to vector<8x128xi32>
      %swap3A_1081 = vector.shape_cast %select_n3A_1075 : vector<8x128xi32> to vector<8x1x128xi32>
      tpu.vector_store %arg6[%swap3A_1076, %swap3A_1077, %swap3A_1078], %swap3A_1081 {strides = array<i32>} : memref<8x56x128xi32, #tpu.memory_space<vmem>>, vector<8x1x128xi32>,
      %jit3A_1082 = arith.constant 0 : i32
      %broadcast_in_dim3A_1083 = vector.broadcast %jit3A_1082 : i32 to vector<8x128xi32>
      %select_n3A_1084 = arith.select %lt3A_1072, %add3A_1063, %broadcast_in_dim3A_1083 : vector<8x128xi1>, vector<8x128xi32>
      %swap3A_1085 = arith.constant 0 : index
      %swap3A_1086 = arith.constant 17 : index
      %swap3A_1087 = arith.constant 0 : index
      %swap3A_1088 = vector.load %arg7[%swap3A_1085, %swap3A_1086, %swap3A_1087] : memref<8x56x128xi32, #tpu.memory_space<vmem>>, vector<8x1x128xi32>
      %swap3A_1089 = vector.shape_cast %swap3A_1088 : vector<8x1x128xi32> to vector<8x128xi32>
      %swap3A_1090 = vector.shape_cast %select_n3A_1084 : vector<8x128xi32> to vector<8x1x128xi32>
      tpu.vector_store %arg7[%swap3A_1085, %swap3A_1086, %swap3A_1087], %swap3A_1090 {strides = array<i32>} : memref<8x56x128xi32, #tpu.memory_space<vmem>>, vector<8x1x128xi32>,
      %get3A_1091 = arith.constant 0 : index
      %get3A_1092 = arith.constant 2176 : index
      %get3A_1093 = vector.load %arg5[%get3A_1091, %get3A_1092] : memref<8x7168xf32, #tpu.memory_space<vmem>>, vector<8x128xf32>
      %jit3A_1094 = arith.constant 0.000000e+00 : f32
      %broadcast_in_dim3A_1095 = vector.broadcast %jit3A_1094 : f32 to vector<8x128xf32>
      %select_n3A_1096 = arith.select %lt3A_1072, %get3A_1093, %broadcast_in_dim3A_1095 : vector<8x128xi1>, vector<8x128xf32>
      %swap3A_1097 = arith.constant 0 : index
      %swap3A_1098 = arith.constant 17 : index
      %swap3A_1099 = arith.constant 0 : index
      %swap3A_1100 = vector.load %arg8[%swap3A_1097, %swap3A_1098, %swap3A_1099] : memref<8x56x128xf32, #tpu.memory_space<vmem>>, vector<8x1x128xf32>
      %swap3A_1101 = vector.shape_cast %swap3A_1100 : vector<8x1x128xf32> to vector<8x128xf32>
      %swap3A_1102 = vector.shape_cast %select_n3A_1096 : vector<8x128xf32> to vector<8x1x128xf32>
      tpu.vector_store %arg8[%swap3A_1097, %swap3A_1098, %swap3A_1099], %swap3A_1102 {strides = array<i32>} : memref<8x56x128xf32, #tpu.memory_space<vmem>>, vector<8x1x128xf32>,
      %get3A_1103 = arith.constant 0 : index
      %get3A_1104 = arith.constant 2304 : index
      %get3A_1105 = vector.load %arg2[%get3A_1103, %get3A_1104] : memref<8x7168xi32, #tpu.memory_space<vmem>>, vector<8x128xi32>
      %mul3A_1106 = arith.constant 512 : i32
      %mul3A_1107 = vector.broadcast %mul3A_1106 : i32 to vector<8x128xi32>
      %mul3A_1108 = arith.muli %get3A_1105, %mul3A_1107 : vector<8x128xi32>
      %get3A_1109 = arith.constant 0 : index
      %get3A_1110 = arith.constant 2304 : index
      %get3A_1111 = vector.load %arg1[%get3A_1109, %get3A_1110] : memref<8x7168xi32, #tpu.memory_space<vmem>>, vector<8x128xi32>
      %add3A_1112 = arith.addi %mul3A_1108, %get3A_1111 : vector<8x128xi32>
      %add3A_1113 = arith.addi %add3A_1112, %mul3A_3 : vector<8x128xi32>
      %get3A_1114 = arith.constant 0 : index
      %get3A_1115 = arith.constant 2304 : index
      %get3A_1116 = vector.load %arg4[%get3A_1114, %get3A_1115] : memref<8x7168xi32, #tpu.memory_space<vmem>>, vector<8x128xi32>
      %mul3A_1117 = arith.constant 512 : i32
      %mul3A_1118 = vector.broadcast %mul3A_1117 : i32 to vector<8x128xi32>
      %mul3A_1119 = arith.muli %get3A_1116, %mul3A_1118 : vector<8x128xi32>
      %get3A_1120 = arith.constant 0 : index
      %get3A_1121 = arith.constant 2304 : index
      %get3A_1122 = vector.load %arg3[%get3A_1120, %get3A_1121] : memref<8x7168xi32, #tpu.memory_space<vmem>>, vector<8x128xi32>
      %add3A_1123 = arith.addi %mul3A_1119, %get3A_1122 : vector<8x128xi32>
      %add3A_1124 = arith.addi %add3A_1123, %mul3A_3 : vector<8x128xi32>
      %mul3A_1125 = arith.constant 7168 : i32
      %mul3A_1126 = arith.muli %arg0, %mul3A_1125 : i32
      %add3A_1127 = arith.constant 2304 : i32
      %add3A_1128 = arith.addi %mul3A_1126, %add3A_1127 : i32
      %add3A_1129 = vector.broadcast %add3A_1128 : i32 to vector<8x128xi32>
      %add3A_1130 = arith.addi %iota3A_4, %add3A_1129 : vector<8x128xi32>
      %lt3A_1131 = arith.constant 50000 : i32
      %lt3A_1132 = vector.broadcast %lt3A_1131 : i32 to vector<8x128xi32>
      %lt3A_1133 = arith.cmpi slt, %add3A_1130, %lt3A_1132 : vector<8x128xi32>
      %jit3A_1134 = arith.constant 0 : i32
      %broadcast_in_dim3A_1135 = vector.broadcast %jit3A_1134 : i32 to vector<8x128xi32>
      %select_n3A_1136 = arith.select %lt3A_1133, %add3A_1113, %broadcast_in_dim3A_1135 : vector<8x128xi1>, vector<8x128xi32>
      %swap3A_1137 = arith.constant 0 : index
      %swap3A_1138 = arith.constant 18 : index
      %swap3A_1139 = arith.constant 0 : index
      %swap3A_1140 = vector.load %arg6[%swap3A_1137, %swap3A_1138, %swap3A_1139] : memref<8x56x128xi32, #tpu.memory_space<vmem>>, vector<8x1x128xi32>
      %swap3A_1141 = vector.shape_cast %swap3A_1140 : vector<8x1x128xi32> to vector<8x128xi32>
      %swap3A_1142 = vector.shape_cast %select_n3A_1136 : vector<8x128xi32> to vector<8x1x128xi32>
      tpu.vector_store %arg6[%swap3A_1137, %swap3A_1138, %swap3A_1139], %swap3A_1142 {strides = array<i32>} : memref<8x56x128xi32, #tpu.memory_space<vmem>>, vector<8x1x128xi32>,
      %jit3A_1143 = arith.constant 0 : i32
      %broadcast_in_dim3A_1144 = vector.broadcast %jit3A_1143 : i32 to vector<8x128xi32>
      %select_n3A_1145 = arith.select %lt3A_1133, %add3A_1124, %broadcast_in_dim3A_1144 : vector<8x128xi1>, vector<8x128xi32>
      %swap3A_1146 = arith.constant 0 : index
      %swap3A_1147 = arith.constant 18 : index
      %swap3A_1148 = arith.constant 0 : index
      %swap3A_1149 = vector.load %arg7[%swap3A_1146, %swap3A_1147, %swap3A_1148] : memref<8x56x128xi32, #tpu.memory_space<vmem>>, vector<8x1x128xi32>
      %swap3A_1150 = vector.shape_cast %swap3A_1149 : vector<8x1x128xi32> to vector<8x128xi32>
      %swap3A_1151 = vector.shape_cast %select_n3A_1145 : vector<8x128xi32> to vector<8x1x128xi32>
      tpu.vector_store %arg7[%swap3A_1146, %swap3A_1147, %swap3A_1148], %swap3A_1151 {strides = array<i32>} : memref<8x56x128xi32, #tpu.memory_space<vmem>>, vector<8x1x128xi32>,
      %get3A_1152 = arith.constant 0 : index
      %get3A_1153 = arith.constant 2304 : index
      %get3A_1154 = vector.load %arg5[%get3A_1152, %get3A_1153] : memref<8x7168xf32, #tpu.memory_space<vmem>>, vector<8x128xf32>
      %jit3A_1155 = arith.constant 0.000000e+00 : f32
      %broadcast_in_dim3A_1156 = vector.broadcast %jit3A_1155 : f32 to vector<8x128xf32>
      %select_n3A_1157 = arith.select %lt3A_1133, %get3A_1154, %broadcast_in_dim3A_1156 : vector<8x128xi1>, vector<8x128xf32>
      %swap3A_1158 = arith.constant 0 : index
      %swap3A_1159 = arith.constant 18 : index
      %swap3A_1160 = arith.constant 0 : index
      %swap3A_1161 = vector.load %arg8[%swap3A_1158, %swap3A_1159, %swap3A_1160] : memref<8x56x128xf32, #tpu.memory_space<vmem>>, vector<8x1x128xf32>
      %swap3A_1162 = vector.shape_cast %swap3A_1161 : vector<8x1x128xf32> to vector<8x128xf32>
      %swap3A_1163 = vector.shape_cast %select_n3A_1157 : vector<8x128xf32> to vector<8x1x128xf32>
      tpu.vector_store %arg8[%swap3A_1158, %swap3A_1159, %swap3A_1160], %swap3A_1163 {strides = array<i32>} : memref<8x56x128xf32, #tpu.memory_space<vmem>>, vector<8x1x128xf32>,
      %get3A_1164 = arith.constant 0 : index
      %get3A_1165 = arith.constant 2432 : index
      %get3A_1166 = vector.load %arg2[%get3A_1164, %get3A_1165] : memref<8x7168xi32, #tpu.memory_space<vmem>>, vector<8x128xi32>
      %mul3A_1167 = arith.constant 512 : i32
      %mul3A_1168 = vector.broadcast %mul3A_1167 : i32 to vector<8x128xi32>
      %mul3A_1169 = arith.muli %get3A_1166, %mul3A_1168 : vector<8x128xi32>
      %get3A_1170 = arith.constant 0 : index
      %get3A_1171 = arith.constant 2432 : index
      %get3A_1172 = vector.load %arg1[%get3A_1170, %get3A_1171] : memref<8x7168xi32, #tpu.memory_space<vmem>>, vector<8x128xi32>
      %add3A_1173 = arith.addi %mul3A_1169, %get3A_1172 : vector<8x128xi32>
      %add3A_1174 = arith.addi %add3A_1173, %mul3A_3 : vector<8x128xi32>
      %get3A_1175 = arith.constant 0 : index
      %get3A_1176 = arith.constant 2432 : index
      %get3A_1177 = vector.load %arg4[%get3A_1175, %get3A_1176] : memref<8x7168xi32, #tpu.memory_space<vmem>>, vector<8x128xi32>
      %mul3A_1178 = arith.constant 512 : i32
      %mul3A_1179 = vector.broadcast %mul3A_1178 : i32 to vector<8x128xi32>
      %mul3A_1180 = arith.muli %get3A_1177, %mul3A_1179 : vector<8x128xi32>
      %get3A_1181 = arith.constant 0 : index
      %get3A_1182 = arith.constant 2432 : index
      %get3A_1183 = vector.load %arg3[%get3A_1181, %get3A_1182] : memref<8x7168xi32, #tpu.memory_space<vmem>>, vector<8x128xi32>
      %add3A_1184 = arith.addi %mul3A_1180, %get3A_1183 : vector<8x128xi32>
      %add3A_1185 = arith.addi %add3A_1184, %mul3A_3 : vector<8x128xi32>
      %mul3A_1186 = arith.constant 7168 : i32
      %mul3A_1187 = arith.muli %arg0, %mul3A_1186 : i32
      %add3A_1188 = arith.constant 2432 : i32
      %add3A_1189 = arith.addi %mul3A_1187, %add3A_1188 : i32
      %add3A_1190 = vector.broadcast %add3A_1189 : i32 to vector<8x128xi32>
      %add3A_1191 = arith.addi %iota3A_4, %add3A_1190 : vector<8x128xi32>
      %lt3A_1192 = arith.constant 50000 : i32
      %lt3A_1193 = vector.broadcast %lt3A_1192 : i32 to vector<8x128xi32>
      %lt3A_1194 = arith.cmpi slt, %add3A_1191, %lt3A_1193 : vector<8x128xi32>
      %jit3A_1195 = arith.constant 0 : i32
      %broadcast_in_dim3A_1196 = vector.broadcast %jit3A_1195 : i32 to vector<8x128xi32>
      %select_n3A_1197 = arith.select %lt3A_1194, %add3A_1174, %broadcast_in_dim3A_1196 : vector<8x128xi1>, vector<8x128xi32>
      %swap3A_1198 = arith.constant 0 : index
      %swap3A_1199 = arith.constant 19 : index
      %swap3A_1200 = arith.constant 0 : index
      %swap3A_1201 = vector.load %arg6[%swap3A_1198, %swap3A_1199, %swap3A_1200] : memref<8x56x128xi32, #tpu.memory_space<vmem>>, vector<8x1x128xi32>
      %swap3A_1202 = vector.shape_cast %swap3A_1201 : vector<8x1x128xi32> to vector<8x128xi32>
      %swap3A_1203 = vector.shape_cast %select_n3A_1197 : vector<8x128xi32> to vector<8x1x128xi32>
      tpu.vector_store %arg6[%swap3A_1198, %swap3A_1199, %swap3A_1200], %swap3A_1203 {strides = array<i32>} : memref<8x56x128xi32, #tpu.memory_space<vmem>>, vector<8x1x128xi32>,
      %jit3A_1204 = arith.constant 0 : i32
      %broadcast_in_dim3A_1205 = vector.broadcast %jit3A_1204 : i32 to vector<8x128xi32>
      %select_n3A_1206 = arith.select %lt3A_1194, %add3A_1185, %broadcast_in_dim3A_1205 : vector<8x128xi1>, vector<8x128xi32>
      %swap3A_1207 = arith.constant 0 : index
      %swap3A_1208 = arith.constant 19 : index
      %swap3A_1209 = arith.constant 0 : index
      %swap3A_1210 = vector.load %arg7[%swap3A_1207, %swap3A_1208, %swap3A_1209] : memref<8x56x128xi32, #tpu.memory_space<vmem>>, vector<8x1x128xi32>
      %swap3A_1211 = vector.shape_cast %swap3A_1210 : vector<8x1x128xi32> to vector<8x128xi32>
      %swap3A_1212 = vector.shape_cast %select_n3A_1206 : vector<8x128xi32> to vector<8x1x128xi32>
      tpu.vector_store %arg7[%swap3A_1207, %swap3A_1208, %swap3A_1209], %swap3A_1212 {strides = array<i32>} : memref<8x56x128xi32, #tpu.memory_space<vmem>>, vector<8x1x128xi32>,
      %get3A_1213 = arith.constant 0 : index
      %get3A_1214 = arith.constant 2432 : index
      %get3A_1215 = vector.load %arg5[%get3A_1213, %get3A_1214] : memref<8x7168xf32, #tpu.memory_space<vmem>>, vector<8x128xf32>
      %jit3A_1216 = arith.constant 0.000000e+00 : f32
      %broadcast_in_dim3A_1217 = vector.broadcast %jit3A_1216 : f32 to vector<8x128xf32>
      %select_n3A_1218 = arith.select %lt3A_1194, %get3A_1215, %broadcast_in_dim3A_1217 : vector<8x128xi1>, vector<8x128xf32>
      %swap3A_1219 = arith.constant 0 : index
      %swap3A_1220 = arith.constant 19 : index
      %swap3A_1221 = arith.constant 0 : index
      %swap3A_1222 = vector.load %arg8[%swap3A_1219, %swap3A_1220, %swap3A_1221] : memref<8x56x128xf32, #tpu.memory_space<vmem>>, vector<8x1x128xf32>
      %swap3A_1223 = vector.shape_cast %swap3A_1222 : vector<8x1x128xf32> to vector<8x128xf32>
      %swap3A_1224 = vector.shape_cast %select_n3A_1218 : vector<8x128xf32> to vector<8x1x128xf32>
      tpu.vector_store %arg8[%swap3A_1219, %swap3A_1220, %swap3A_1221], %swap3A_1224 {strides = array<i32>} : memref<8x56x128xf32, #tpu.memory_space<vmem>>, vector<8x1x128xf32>,
      %get3A_1225 = arith.constant 0 : index
      %get3A_1226 = arith.constant 2560 : index
      %get3A_1227 = vector.load %arg2[%get3A_1225, %get3A_1226] : memref<8x7168xi32, #tpu.memory_space<vmem>>, vector<8x128xi32>
      %mul3A_1228 = arith.constant 512 : i32
      %mul3A_1229 = vector.broadcast %mul3A_1228 : i32 to vector<8x128xi32>
      %mul3A_1230 = arith.muli %get3A_1227, %mul3A_1229 : vector<8x128xi32>
      %get3A_1231 = arith.constant 0 : index
      %get3A_1232 = arith.constant 2560 : index
      %get3A_1233 = vector.load %arg1[%get3A_1231, %get3A_1232] : memref<8x7168xi32, #tpu.memory_space<vmem>>, vector<8x128xi32>
      %add3A_1234 = arith.addi %mul3A_1230, %get3A_1233 : vector<8x128xi32>
      %add3A_1235 = arith.addi %add3A_1234, %mul3A_3 : vector<8x128xi32>
      %get3A_1236 = arith.constant 0 : index
      %get3A_1237 = arith.constant 2560 : index
      %get3A_1238 = vector.load %arg4[%get3A_1236, %get3A_1237] : memref<8x7168xi32, #tpu.memory_space<vmem>>, vector<8x128xi32>
      %mul3A_1239 = arith.constant 512 : i32
      %mul3A_1240 = vector.broadcast %mul3A_1239 : i32 to vector<8x128xi32>
      %mul3A_1241 = arith.muli %get3A_1238, %mul3A_1240 : vector<8x128xi32>
      %get3A_1242 = arith.constant 0 : index
      %get3A_1243 = arith.constant 2560 : index
      %get3A_1244 = vector.load %arg3[%get3A_1242, %get3A_1243] : memref<8x7168xi32, #tpu.memory_space<vmem>>, vector<8x128xi32>
      %add3A_1245 = arith.addi %mul3A_1241, %get3A_1244 : vector<8x128xi32>
      %add3A_1246 = arith.addi %add3A_1245, %mul3A_3 : vector<8x128xi32>
      %mul3A_1247 = arith.constant 7168 : i32
      %mul3A_1248 = arith.muli %arg0, %mul3A_1247 : i32
      %add3A_1249 = arith.constant 2560 : i32
      %add3A_1250 = arith.addi %mul3A_1248, %add3A_1249 : i32
      %add3A_1251 = vector.broadcast %add3A_1250 : i32 to vector<8x128xi32>
      %add3A_1252 = arith.addi %iota3A_4, %add3A_1251 : vector<8x128xi32>
      %lt3A_1253 = arith.constant 50000 : i32
      %lt3A_1254 = vector.broadcast %lt3A_1253 : i32 to vector<8x128xi32>
      %lt3A_1255 = arith.cmpi slt, %add3A_1252, %lt3A_1254 : vector<8x128xi32>
      %jit3A_1256 = arith.constant 0 : i32
      %broadcast_in_dim3A_1257 = vector.broadcast %jit3A_1256 : i32 to vector<8x128xi32>
      %select_n3A_1258 = arith.select %lt3A_1255, %add3A_1235, %broadcast_in_dim3A_1257 : vector<8x128xi1>, vector<8x128xi32>
      %swap3A_1259 = arith.constant 0 : index
      %swap3A_1260 = arith.constant 20 : index
      %swap3A_1261 = arith.constant 0 : index
      %swap3A_1262 = vector.load %arg6[%swap3A_1259, %swap3A_1260, %swap3A_1261] : memref<8x56x128xi32, #tpu.memory_space<vmem>>, vector<8x1x128xi32>
      %swap3A_1263 = vector.shape_cast %swap3A_1262 : vector<8x1x128xi32> to vector<8x128xi32>
      %swap3A_1264 = vector.shape_cast %select_n3A_1258 : vector<8x128xi32> to vector<8x1x128xi32>
      tpu.vector_store %arg6[%swap3A_1259, %swap3A_1260, %swap3A_1261], %swap3A_1264 {strides = array<i32>} : memref<8x56x128xi32, #tpu.memory_space<vmem>>, vector<8x1x128xi32>,
      %jit3A_1265 = arith.constant 0 : i32
      %broadcast_in_dim3A_1266 = vector.broadcast %jit3A_1265 : i32 to vector<8x128xi32>
      %select_n3A_1267 = arith.select %lt3A_1255, %add3A_1246, %broadcast_in_dim3A_1266 : vector<8x128xi1>, vector<8x128xi32>
      %swap3A_1268 = arith.constant 0 : index
      %swap3A_1269 = arith.constant 20 : index
      %swap3A_1270 = arith.constant 0 : index
      %swap3A_1271 = vector.load %arg7[%swap3A_1268, %swap3A_1269, %swap3A_1270] : memref<8x56x128xi32, #tpu.memory_space<vmem>>, vector<8x1x128xi32>
      %swap3A_1272 = vector.shape_cast %swap3A_1271 : vector<8x1x128xi32> to vector<8x128xi32>
      %swap3A_1273 = vector.shape_cast %select_n3A_1267 : vector<8x128xi32> to vector<8x1x128xi32>
      tpu.vector_store %arg7[%swap3A_1268, %swap3A_1269, %swap3A_1270], %swap3A_1273 {strides = array<i32>} : memref<8x56x128xi32, #tpu.memory_space<vmem>>, vector<8x1x128xi32>,
      %get3A_1274 = arith.constant 0 : index
      %get3A_1275 = arith.constant 2560 : index
      %get3A_1276 = vector.load %arg5[%get3A_1274, %get3A_1275] : memref<8x7168xf32, #tpu.memory_space<vmem>>, vector<8x128xf32>
      %jit3A_1277 = arith.constant 0.000000e+00 : f32
      %broadcast_in_dim3A_1278 = vector.broadcast %jit3A_1277 : f32 to vector<8x128xf32>
      %select_n3A_1279 = arith.select %lt3A_1255, %get3A_1276, %broadcast_in_dim3A_1278 : vector<8x128xi1>, vector<8x128xf32>
      %swap3A_1280 = arith.constant 0 : index
      %swap3A_1281 = arith.constant 20 : index
      %swap3A_1282 = arith.constant 0 : index
      %swap3A_1283 = vector.load %arg8[%swap3A_1280, %swap3A_1281, %swap3A_1282] : memref<8x56x128xf32, #tpu.memory_space<vmem>>, vector<8x1x128xf32>
      %swap3A_1284 = vector.shape_cast %swap3A_1283 : vector<8x1x128xf32> to vector<8x128xf32>
      %swap3A_1285 = vector.shape_cast %select_n3A_1279 : vector<8x128xf32> to vector<8x1x128xf32>
      tpu.vector_store %arg8[%swap3A_1280, %swap3A_1281, %swap3A_1282], %swap3A_1285 {strides = array<i32>} : memref<8x56x128xf32, #tpu.memory_space<vmem>>, vector<8x1x128xf32>,
      %get3A_1286 = arith.constant 0 : index
      %get3A_1287 = arith.constant 2688 : index
      %get3A_1288 = vector.load %arg2[%get3A_1286, %get3A_1287] : memref<8x7168xi32, #tpu.memory_space<vmem>>, vector<8x128xi32>
      %mul3A_1289 = arith.constant 512 : i32
      %mul3A_1290 = vector.broadcast %mul3A_1289 : i32 to vector<8x128xi32>
      %mul3A_1291 = arith.muli %get3A_1288, %mul3A_1290 : vector<8x128xi32>
      %get3A_1292 = arith.constant 0 : index
      %get3A_1293 = arith.constant 2688 : index
      %get3A_1294 = vector.load %arg1[%get3A_1292, %get3A_1293] : memref<8x7168xi32, #tpu.memory_space<vmem>>, vector<8x128xi32>
      %add3A_1295 = arith.addi %mul3A_1291, %get3A_1294 : vector<8x128xi32>
      %add3A_1296 = arith.addi %add3A_1295, %mul3A_3 : vector<8x128xi32>
      %get3A_1297 = arith.constant 0 : index
      %get3A_1298 = arith.constant 2688 : index
      %get3A_1299 = vector.load %arg4[%get3A_1297, %get3A_1298] : memref<8x7168xi32, #tpu.memory_space<vmem>>, vector<8x128xi32>
      %mul3A_1300 = arith.constant 512 : i32
      %mul3A_1301 = vector.broadcast %mul3A_1300 : i32 to vector<8x128xi32>
      %mul3A_1302 = arith.muli %get3A_1299, %mul3A_1301 : vector<8x128xi32>
      %get3A_1303 = arith.constant 0 : index
      %get3A_1304 = arith.constant 2688 : index
      %get3A_1305 = vector.load %arg3[%get3A_1303, %get3A_1304] : memref<8x7168xi32, #tpu.memory_space<vmem>>, vector<8x128xi32>
      %add3A_1306 = arith.addi %mul3A_1302, %get3A_1305 : vector<8x128xi32>
      %add3A_1307 = arith.addi %add3A_1306, %mul3A_3 : vector<8x128xi32>
      %mul3A_1308 = arith.constant 7168 : i32
      %mul3A_1309 = arith.muli %arg0, %mul3A_1308 : i32
      %add3A_1310 = arith.constant 2688 : i32
      %add3A_1311 = arith.addi %mul3A_1309, %add3A_1310 : i32
      %add3A_1312 = vector.broadcast %add3A_1311 : i32 to vector<8x128xi32>
      %add3A_1313 = arith.addi %iota3A_4, %add3A_1312 : vector<8x128xi32>
      %lt3A_1314 = arith.constant 50000 : i32
      %lt3A_1315 = vector.broadcast %lt3A_1314 : i32 to vector<8x128xi32>
      %lt3A_1316 = arith.cmpi slt, %add3A_1313, %lt3A_1315 : vector<8x128xi32>
      %jit3A_1317 = arith.constant 0 : i32
      %broadcast_in_dim3A_1318 = vector.broadcast %jit3A_1317 : i32 to vector<8x128xi32>
      %select_n3A_1319 = arith.select %lt3A_1316, %add3A_1296, %broadcast_in_dim3A_1318 : vector<8x128xi1>, vector<8x128xi32>
      %swap3A_1320 = arith.constant 0 : index
      %swap3A_1321 = arith.constant 21 : index
      %swap3A_1322 = arith.constant 0 : index
      %swap3A_1323 = vector.load %arg6[%swap3A_1320, %swap3A_1321, %swap3A_1322] : memref<8x56x128xi32, #tpu.memory_space<vmem>>, vector<8x1x128xi32>
      %swap3A_1324 = vector.shape_cast %swap3A_1323 : vector<8x1x128xi32> to vector<8x128xi32>
      %swap3A_1325 = vector.shape_cast %select_n3A_1319 : vector<8x128xi32> to vector<8x1x128xi32>
      tpu.vector_store %arg6[%swap3A_1320, %swap3A_1321, %swap3A_1322], %swap3A_1325 {strides = array<i32>} : memref<8x56x128xi32, #tpu.memory_space<vmem>>, vector<8x1x128xi32>,
      %jit3A_1326 = arith.constant 0 : i32
      %broadcast_in_dim3A_1327 = vector.broadcast %jit3A_1326 : i32 to vector<8x128xi32>
      %select_n3A_1328 = arith.select %lt3A_1316, %add3A_1307, %broadcast_in_dim3A_1327 : vector<8x128xi1>, vector<8x128xi32>
      %swap3A_1329 = arith.constant 0 : index
      %swap3A_1330 = arith.constant 21 : index
      %swap3A_1331 = arith.constant 0 : index
      %swap3A_1332 = vector.load %arg7[%swap3A_1329, %swap3A_1330, %swap3A_1331] : memref<8x56x128xi32, #tpu.memory_space<vmem>>, vector<8x1x128xi32>
      %swap3A_1333 = vector.shape_cast %swap3A_1332 : vector<8x1x128xi32> to vector<8x128xi32>
      %swap3A_1334 = vector.shape_cast %select_n3A_1328 : vector<8x128xi32> to vector<8x1x128xi32>
      tpu.vector_store %arg7[%swap3A_1329, %swap3A_1330, %swap3A_1331], %swap3A_1334 {strides = array<i32>} : memref<8x56x128xi32, #tpu.memory_space<vmem>>, vector<8x1x128xi32>,
      %get3A_1335 = arith.constant 0 : index
      %get3A_1336 = arith.constant 2688 : index
      %get3A_1337 = vector.load %arg5[%get3A_1335, %get3A_1336] : memref<8x7168xf32, #tpu.memory_space<vmem>>, vector<8x128xf32>
      %jit3A_1338 = arith.constant 0.000000e+00 : f32
      %broadcast_in_dim3A_1339 = vector.broadcast %jit3A_1338 : f32 to vector<8x128xf32>
      %select_n3A_1340 = arith.select %lt3A_1316, %get3A_1337, %broadcast_in_dim3A_1339 : vector<8x128xi1>, vector<8x128xf32>
      %swap3A_1341 = arith.constant 0 : index
      %swap3A_1342 = arith.constant 21 : index
      %swap3A_1343 = arith.constant 0 : index
      %swap3A_1344 = vector.load %arg8[%swap3A_1341, %swap3A_1342, %swap3A_1343] : memref<8x56x128xf32, #tpu.memory_space<vmem>>, vector<8x1x128xf32>
      %swap3A_1345 = vector.shape_cast %swap3A_1344 : vector<8x1x128xf32> to vector<8x128xf32>
      %swap3A_1346 = vector.shape_cast %select_n3A_1340 : vector<8x128xf32> to vector<8x1x128xf32>
      tpu.vector_store %arg8[%swap3A_1341, %swap3A_1342, %swap3A_1343], %swap3A_1346 {strides = array<i32>} : memref<8x56x128xf32, #tpu.memory_space<vmem>>, vector<8x1x128xf32>,
      %get3A_1347 = arith.constant 0 : index
      %get3A_1348 = arith.constant 2816 : index
      %get3A_1349 = vector.load %arg2[%get3A_1347, %get3A_1348] : memref<8x7168xi32, #tpu.memory_space<vmem>>, vector<8x128xi32>
      %mul3A_1350 = arith.constant 512 : i32
      %mul3A_1351 = vector.broadcast %mul3A_1350 : i32 to vector<8x128xi32>
      %mul3A_1352 = arith.muli %get3A_1349, %mul3A_1351 : vector<8x128xi32>
      %get3A_1353 = arith.constant 0 : index
      %get3A_1354 = arith.constant 2816 : index
      %get3A_1355 = vector.load %arg1[%get3A_1353, %get3A_1354] : memref<8x7168xi32, #tpu.memory_space<vmem>>, vector<8x128xi32>
      %add3A_1356 = arith.addi %mul3A_1352, %get3A_1355 : vector<8x128xi32>
      %add3A_1357 = arith.addi %add3A_1356, %mul3A_3 : vector<8x128xi32>
      %get3A_1358 = arith.constant 0 : index
      %get3A_1359 = arith.constant 2816 : index
      %get3A_1360 = vector.load %arg4[%get3A_1358, %get3A_1359] : memref<8x7168xi32, #tpu.memory_space<vmem>>, vector<8x128xi32>
      %mul3A_1361 = arith.constant 512 : i32
      %mul3A_1362 = vector.broadcast %mul3A_1361 : i32 to vector<8x128xi32>
      %mul3A_1363 = arith.muli %get3A_1360, %mul3A_1362 : vector<8x128xi32>
      %get3A_1364 = arith.constant 0 : index
      %get3A_1365 = arith.constant 2816 : index
      %get3A_1366 = vector.load %arg3[%get3A_1364, %get3A_1365] : memref<8x7168xi32, #tpu.memory_space<vmem>>, vector<8x128xi32>
      %add3A_1367 = arith.addi %mul3A_1363, %get3A_1366 : vector<8x128xi32>
      %add3A_1368 = arith.addi %add3A_1367, %mul3A_3 : vector<8x128xi32>
      %mul3A_1369 = arith.constant 7168 : i32
      %mul3A_1370 = arith.muli %arg0, %mul3A_1369 : i32
      %add3A_1371 = arith.constant 2816 : i32
      %add3A_1372 = arith.addi %mul3A_1370, %add3A_1371 : i32
      %add3A_1373 = vector.broadcast %add3A_1372 : i32 to vector<8x128xi32>
      %add3A_1374 = arith.addi %iota3A_4, %add3A_1373 : vector<8x128xi32>
      %lt3A_1375 = arith.constant 50000 : i32
      %lt3A_1376 = vector.broadcast %lt3A_1375 : i32 to vector<8x128xi32>
      %lt3A_1377 = arith.cmpi slt, %add3A_1374, %lt3A_1376 : vector<8x128xi32>
      %jit3A_1378 = arith.constant 0 : i32
      %broadcast_in_dim3A_1379 = vector.broadcast %jit3A_1378 : i32 to vector<8x128xi32>
      %select_n3A_1380 = arith.select %lt3A_1377, %add3A_1357, %broadcast_in_dim3A_1379 : vector<8x128xi1>, vector<8x128xi32>
      %swap3A_1381 = arith.constant 0 : index
      %swap3A_1382 = arith.constant 22 : index
      %swap3A_1383 = arith.constant 0 : index
      %swap3A_1384 = vector.load %arg6[%swap3A_1381, %swap3A_1382, %swap3A_1383] : memref<8x56x128xi32, #tpu.memory_space<vmem>>, vector<8x1x128xi32>
      %swap3A_1385 = vector.shape_cast %swap3A_1384 : vector<8x1x128xi32> to vector<8x128xi32>
      %swap3A_1386 = vector.shape_cast %select_n3A_1380 : vector<8x128xi32> to vector<8x1x128xi32>
      tpu.vector_store %arg6[%swap3A_1381, %swap3A_1382, %swap3A_1383], %swap3A_1386 {strides = array<i32>} : memref<8x56x128xi32, #tpu.memory_space<vmem>>, vector<8x1x128xi32>,
      %jit3A_1387 = arith.constant 0 : i32
      %broadcast_in_dim3A_1388 = vector.broadcast %jit3A_1387 : i32 to vector<8x128xi32>
      %select_n3A_1389 = arith.select %lt3A_1377, %add3A_1368, %broadcast_in_dim3A_1388 : vector<8x128xi1>, vector<8x128xi32>
      %swap3A_1390 = arith.constant 0 : index
      %swap3A_1391 = arith.constant 22 : index
      %swap3A_1392 = arith.constant 0 : index
      %swap3A_1393 = vector.load %arg7[%swap3A_1390, %swap3A_1391, %swap3A_1392] : memref<8x56x128xi32, #tpu.memory_space<vmem>>, vector<8x1x128xi32>
      %swap3A_1394 = vector.shape_cast %swap3A_1393 : vector<8x1x128xi32> to vector<8x128xi32>
      %swap3A_1395 = vector.shape_cast %select_n3A_1389 : vector<8x128xi32> to vector<8x1x128xi32>
      tpu.vector_store %arg7[%swap3A_1390, %swap3A_1391, %swap3A_1392], %swap3A_1395 {strides = array<i32>} : memref<8x56x128xi32, #tpu.memory_space<vmem>>, vector<8x1x128xi32>,
      %get3A_1396 = arith.constant 0 : index
      %get3A_1397 = arith.constant 2816 : index
      %get3A_1398 = vector.load %arg5[%get3A_1396, %get3A_1397] : memref<8x7168xf32, #tpu.memory_space<vmem>>, vector<8x128xf32>
      %jit3A_1399 = arith.constant 0.000000e+00 : f32
      %broadcast_in_dim3A_1400 = vector.broadcast %jit3A_1399 : f32 to vector<8x128xf32>
      %select_n3A_1401 = arith.select %lt3A_1377, %get3A_1398, %broadcast_in_dim3A_1400 : vector<8x128xi1>, vector<8x128xf32>
      %swap3A_1402 = arith.constant 0 : index
      %swap3A_1403 = arith.constant 22 : index
      %swap3A_1404 = arith.constant 0 : index
      %swap3A_1405 = vector.load %arg8[%swap3A_1402, %swap3A_1403, %swap3A_1404] : memref<8x56x128xf32, #tpu.memory_space<vmem>>, vector<8x1x128xf32>
      %swap3A_1406 = vector.shape_cast %swap3A_1405 : vector<8x1x128xf32> to vector<8x128xf32>
      %swap3A_1407 = vector.shape_cast %select_n3A_1401 : vector<8x128xf32> to vector<8x1x128xf32>
      tpu.vector_store %arg8[%swap3A_1402, %swap3A_1403, %swap3A_1404], %swap3A_1407 {strides = array<i32>} : memref<8x56x128xf32, #tpu.memory_space<vmem>>, vector<8x1x128xf32>,
      %get3A_1408 = arith.constant 0 : index
      %get3A_1409 = arith.constant 2944 : index
      %get3A_1410 = vector.load %arg2[%get3A_1408, %get3A_1409] : memref<8x7168xi32, #tpu.memory_space<vmem>>, vector<8x128xi32>
      %mul3A_1411 = arith.constant 512 : i32
      %mul3A_1412 = vector.broadcast %mul3A_1411 : i32 to vector<8x128xi32>
      %mul3A_1413 = arith.muli %get3A_1410, %mul3A_1412 : vector<8x128xi32>
      %get3A_1414 = arith.constant 0 : index
      %get3A_1415 = arith.constant 2944 : index
      %get3A_1416 = vector.load %arg1[%get3A_1414, %get3A_1415] : memref<8x7168xi32, #tpu.memory_space<vmem>>, vector<8x128xi32>
      %add3A_1417 = arith.addi %mul3A_1413, %get3A_1416 : vector<8x128xi32>
      %add3A_1418 = arith.addi %add3A_1417, %mul3A_3 : vector<8x128xi32>
      %get3A_1419 = arith.constant 0 : index
      %get3A_1420 = arith.constant 2944 : index
      %get3A_1421 = vector.load %arg4[%get3A_1419, %get3A_1420] : memref<8x7168xi32, #tpu.memory_space<vmem>>, vector<8x128xi32>
      %mul3A_1422 = arith.constant 512 : i32
      %mul3A_1423 = vector.broadcast %mul3A_1422 : i32 to vector<8x128xi32>
      %mul3A_1424 = arith.muli %get3A_1421, %mul3A_1423 : vector<8x128xi32>
      %get3A_1425 = arith.constant 0 : index
      %get3A_1426 = arith.constant 2944 : index
      %get3A_1427 = vector.load %arg3[%get3A_1425, %get3A_1426] : memref<8x7168xi32, #tpu.memory_space<vmem>>, vector<8x128xi32>
      %add3A_1428 = arith.addi %mul3A_1424, %get3A_1427 : vector<8x128xi32>
      %add3A_1429 = arith.addi %add3A_1428, %mul3A_3 : vector<8x128xi32>
      %mul3A_1430 = arith.constant 7168 : i32
      %mul3A_1431 = arith.muli %arg0, %mul3A_1430 : i32
      %add3A_1432 = arith.constant 2944 : i32
      %add3A_1433 = arith.addi %mul3A_1431, %add3A_1432 : i32
      %add3A_1434 = vector.broadcast %add3A_1433 : i32 to vector<8x128xi32>
      %add3A_1435 = arith.addi %iota3A_4, %add3A_1434 : vector<8x128xi32>
      %lt3A_1436 = arith.constant 50000 : i32
      %lt3A_1437 = vector.broadcast %lt3A_1436 : i32 to vector<8x128xi32>
      %lt3A_1438 = arith.cmpi slt, %add3A_1435, %lt3A_1437 : vector<8x128xi32>
      %jit3A_1439 = arith.constant 0 : i32
      %broadcast_in_dim3A_1440 = vector.broadcast %jit3A_1439 : i32 to vector<8x128xi32>
      %select_n3A_1441 = arith.select %lt3A_1438, %add3A_1418, %broadcast_in_dim3A_1440 : vector<8x128xi1>, vector<8x128xi32>
      %swap3A_1442 = arith.constant 0 : index
      %swap3A_1443 = arith.constant 23 : index
      %swap3A_1444 = arith.constant 0 : index
      %swap3A_1445 = vector.load %arg6[%swap3A_1442, %swap3A_1443, %swap3A_1444] : memref<8x56x128xi32, #tpu.memory_space<vmem>>, vector<8x1x128xi32>
      %swap3A_1446 = vector.shape_cast %swap3A_1445 : vector<8x1x128xi32> to vector<8x128xi32>
      %swap3A_1447 = vector.shape_cast %select_n3A_1441 : vector<8x128xi32> to vector<8x1x128xi32>
      tpu.vector_store %arg6[%swap3A_1442, %swap3A_1443, %swap3A_1444], %swap3A_1447 {strides = array<i32>} : memref<8x56x128xi32, #tpu.memory_space<vmem>>, vector<8x1x128xi32>,
      %jit3A_1448 = arith.constant 0 : i32
      %broadcast_in_dim3A_1449 = vector.broadcast %jit3A_1448 : i32 to vector<8x128xi32>
      %select_n3A_1450 = arith.select %lt3A_1438, %add3A_1429, %broadcast_in_dim3A_1449 : vector<8x128xi1>, vector<8x128xi32>
      %swap3A_1451 = arith.constant 0 : index
      %swap3A_1452 = arith.constant 23 : index
      %swap3A_1453 = arith.constant 0 : index
      %swap3A_1454 = vector.load %arg7[%swap3A_1451, %swap3A_1452, %swap3A_1453] : memref<8x56x128xi32, #tpu.memory_space<vmem>>, vector<8x1x128xi32>
      %swap3A_1455 = vector.shape_cast %swap3A_1454 : vector<8x1x128xi32> to vector<8x128xi32>
      %swap3A_1456 = vector.shape_cast %select_n3A_1450 : vector<8x128xi32> to vector<8x1x128xi32>
      tpu.vector_store %arg7[%swap3A_1451, %swap3A_1452, %swap3A_1453], %swap3A_1456 {strides = array<i32>} : memref<8x56x128xi32, #tpu.memory_space<vmem>>, vector<8x1x128xi32>,
      %get3A_1457 = arith.constant 0 : index
      %get3A_1458 = arith.constant 2944 : index
      %get3A_1459 = vector.load %arg5[%get3A_1457, %get3A_1458] : memref<8x7168xf32, #tpu.memory_space<vmem>>, vector<8x128xf32>
      %jit3A_1460 = arith.constant 0.000000e+00 : f32
      %broadcast_in_dim3A_1461 = vector.broadcast %jit3A_1460 : f32 to vector<8x128xf32>
      %select_n3A_1462 = arith.select %lt3A_1438, %get3A_1459, %broadcast_in_dim3A_1461 : vector<8x128xi1>, vector<8x128xf32>
      %swap3A_1463 = arith.constant 0 : index
      %swap3A_1464 = arith.constant 23 : index
      %swap3A_1465 = arith.constant 0 : index
      %swap3A_1466 = vector.load %arg8[%swap3A_1463, %swap3A_1464, %swap3A_1465] : memref<8x56x128xf32, #tpu.memory_space<vmem>>, vector<8x1x128xf32>
      %swap3A_1467 = vector.shape_cast %swap3A_1466 : vector<8x1x128xf32> to vector<8x128xf32>
      %swap3A_1468 = vector.shape_cast %select_n3A_1462 : vector<8x128xf32> to vector<8x1x128xf32>
      tpu.vector_store %arg8[%swap3A_1463, %swap3A_1464, %swap3A_1465], %swap3A_1468 {strides = array<i32>} : memref<8x56x128xf32, #tpu.memory_space<vmem>>, vector<8x1x128xf32>,
      %get3A_1469 = arith.constant 0 : index
      %get3A_1470 = arith.constant 3072 : index
      %get3A_1471 = vector.load %arg2[%get3A_1469, %get3A_1470] : memref<8x7168xi32, #tpu.memory_space<vmem>>, vector<8x128xi32>
      %mul3A_1472 = arith.constant 512 : i32
      %mul3A_1473 = vector.broadcast %mul3A_1472 : i32 to vector<8x128xi32>
      %mul3A_1474 = arith.muli %get3A_1471, %mul3A_1473 : vector<8x128xi32>
      %get3A_1475 = arith.constant 0 : index
      %get3A_1476 = arith.constant 3072 : index
      %get3A_1477 = vector.load %arg1[%get3A_1475, %get3A_1476] : memref<8x7168xi32, #tpu.memory_space<vmem>>, vector<8x128xi32>
      %add3A_1478 = arith.addi %mul3A_1474, %get3A_1477 : vector<8x128xi32>
      %add3A_1479 = arith.addi %add3A_1478, %mul3A_3 : vector<8x128xi32>
      %get3A_1480 = arith.constant 0 : index
      %get3A_1481 = arith.constant 3072 : index
      %get3A_1482 = vector.load %arg4[%get3A_1480, %get3A_1481] : memref<8x7168xi32, #tpu.memory_space<vmem>>, vector<8x128xi32>
      %mul3A_1483 = arith.constant 512 : i32
      %mul3A_1484 = vector.broadcast %mul3A_1483 : i32 to vector<8x128xi32>
      %mul3A_1485 = arith.muli %get3A_1482, %mul3A_1484 : vector<8x128xi32>
      %get3A_1486 = arith.constant 0 : index
      %get3A_1487 = arith.constant 3072 : index
      %get3A_1488 = vector.load %arg3[%get3A_1486, %get3A_1487] : memref<8x7168xi32, #tpu.memory_space<vmem>>, vector<8x128xi32>
      %add3A_1489 = arith.addi %mul3A_1485, %get3A_1488 : vector<8x128xi32>
      %add3A_1490 = arith.addi %add3A_1489, %mul3A_3 : vector<8x128xi32>
      %mul3A_1491 = arith.constant 7168 : i32
      %mul3A_1492 = arith.muli %arg0, %mul3A_1491 : i32
      %add3A_1493 = arith.constant 3072 : i32
      %add3A_1494 = arith.addi %mul3A_1492, %add3A_1493 : i32
      %add3A_1495 = vector.broadcast %add3A_1494 : i32 to vector<8x128xi32>
      %add3A_1496 = arith.addi %iota3A_4, %add3A_1495 : vector<8x128xi32>
      %lt3A_1497 = arith.constant 50000 : i32
      %lt3A_1498 = vector.broadcast %lt3A_1497 : i32 to vector<8x128xi32>
      %lt3A_1499 = arith.cmpi slt, %add3A_1496, %lt3A_1498 : vector<8x128xi32>
      %jit3A_1500 = arith.constant 0 : i32
      %broadcast_in_dim3A_1501 = vector.broadcast %jit3A_1500 : i32 to vector<8x128xi32>
      %select_n3A_1502 = arith.select %lt3A_1499, %add3A_1479, %broadcast_in_dim3A_1501 : vector<8x128xi1>, vector<8x128xi32>
      %swap3A_1503 = arith.constant 0 : index
      %swap3A_1504 = arith.constant 24 : index
      %swap3A_1505 = arith.constant 0 : index
      %swap3A_1506 = vector.load %arg6[%swap3A_1503, %swap3A_1504, %swap3A_1505] : memref<8x56x128xi32, #tpu.memory_space<vmem>>, vector<8x1x128xi32>
      %swap3A_1507 = vector.shape_cast %swap3A_1506 : vector<8x1x128xi32> to vector<8x128xi32>
      %swap3A_1508 = vector.shape_cast %select_n3A_1502 : vector<8x128xi32> to vector<8x1x128xi32>
      tpu.vector_store %arg6[%swap3A_1503, %swap3A_1504, %swap3A_1505], %swap3A_1508 {strides = array<i32>} : memref<8x56x128xi32, #tpu.memory_space<vmem>>, vector<8x1x128xi32>,
      %jit3A_1509 = arith.constant 0 : i32
      %broadcast_in_dim3A_1510 = vector.broadcast %jit3A_1509 : i32 to vector<8x128xi32>
      %select_n3A_1511 = arith.select %lt3A_1499, %add3A_1490, %broadcast_in_dim3A_1510 : vector<8x128xi1>, vector<8x128xi32>
      %swap3A_1512 = arith.constant 0 : index
      %swap3A_1513 = arith.constant 24 : index
      %swap3A_1514 = arith.constant 0 : index
      %swap3A_1515 = vector.load %arg7[%swap3A_1512, %swap3A_1513, %swap3A_1514] : memref<8x56x128xi32, #tpu.memory_space<vmem>>, vector<8x1x128xi32>
      %swap3A_1516 = vector.shape_cast %swap3A_1515 : vector<8x1x128xi32> to vector<8x128xi32>
      %swap3A_1517 = vector.shape_cast %select_n3A_1511 : vector<8x128xi32> to vector<8x1x128xi32>
      tpu.vector_store %arg7[%swap3A_1512, %swap3A_1513, %swap3A_1514], %swap3A_1517 {strides = array<i32>} : memref<8x56x128xi32, #tpu.memory_space<vmem>>, vector<8x1x128xi32>,
      %get3A_1518 = arith.constant 0 : index
      %get3A_1519 = arith.constant 3072 : index
      %get3A_1520 = vector.load %arg5[%get3A_1518, %get3A_1519] : memref<8x7168xf32, #tpu.memory_space<vmem>>, vector<8x128xf32>
      %jit3A_1521 = arith.constant 0.000000e+00 : f32
      %broadcast_in_dim3A_1522 = vector.broadcast %jit3A_1521 : f32 to vector<8x128xf32>
      %select_n3A_1523 = arith.select %lt3A_1499, %get3A_1520, %broadcast_in_dim3A_1522 : vector<8x128xi1>, vector<8x128xf32>
      %swap3A_1524 = arith.constant 0 : index
      %swap3A_1525 = arith.constant 24 : index
      %swap3A_1526 = arith.constant 0 : index
      %swap3A_1527 = vector.load %arg8[%swap3A_1524, %swap3A_1525, %swap3A_1526] : memref<8x56x128xf32, #tpu.memory_space<vmem>>, vector<8x1x128xf32>
      %swap3A_1528 = vector.shape_cast %swap3A_1527 : vector<8x1x128xf32> to vector<8x128xf32>
      %swap3A_1529 = vector.shape_cast %select_n3A_1523 : vector<8x128xf32> to vector<8x1x128xf32>
      tpu.vector_store %arg8[%swap3A_1524, %swap3A_1525, %swap3A_1526], %swap3A_1529 {strides = array<i32>} : memref<8x56x128xf32, #tpu.memory_space<vmem>>, vector<8x1x128xf32>,
      %get3A_1530 = arith.constant 0 : index
      %get3A_1531 = arith.constant 3200 : index
      %get3A_1532 = vector.load %arg2[%get3A_1530, %get3A_1531] : memref<8x7168xi32, #tpu.memory_space<vmem>>, vector<8x128xi32>
      %mul3A_1533 = arith.constant 512 : i32
      %mul3A_1534 = vector.broadcast %mul3A_1533 : i32 to vector<8x128xi32>
      %mul3A_1535 = arith.muli %get3A_1532, %mul3A_1534 : vector<8x128xi32>
      %get3A_1536 = arith.constant 0 : index
      %get3A_1537 = arith.constant 3200 : index
      %get3A_1538 = vector.load %arg1[%get3A_1536, %get3A_1537] : memref<8x7168xi32, #tpu.memory_space<vmem>>, vector<8x128xi32>
      %add3A_1539 = arith.addi %mul3A_1535, %get3A_1538 : vector<8x128xi32>
      %add3A_1540 = arith.addi %add3A_1539, %mul3A_3 : vector<8x128xi32>
      %get3A_1541 = arith.constant 0 : index
      %get3A_1542 = arith.constant 3200 : index
      %get3A_1543 = vector.load %arg4[%get3A_1541, %get3A_1542] : memref<8x7168xi32, #tpu.memory_space<vmem>>, vector<8x128xi32>
      %mul3A_1544 = arith.constant 512 : i32
      %mul3A_1545 = vector.broadcast %mul3A_1544 : i32 to vector<8x128xi32>
      %mul3A_1546 = arith.muli %get3A_1543, %mul3A_1545 : vector<8x128xi32>
      %get3A_1547 = arith.constant 0 : index
      %get3A_1548 = arith.constant 3200 : index
      %get3A_1549 = vector.load %arg3[%get3A_1547, %get3A_1548] : memref<8x7168xi32, #tpu.memory_space<vmem>>, vector<8x128xi32>
      %add3A_1550 = arith.addi %mul3A_1546, %get3A_1549 : vector<8x128xi32>
      %add3A_1551 = arith.addi %add3A_1550, %mul3A_3 : vector<8x128xi32>
      %mul3A_1552 = arith.constant 7168 : i32
      %mul3A_1553 = arith.muli %arg0, %mul3A_1552 : i32
      %add3A_1554 = arith.constant 3200 : i32
      %add3A_1555 = arith.addi %mul3A_1553, %add3A_1554 : i32
      %add3A_1556 = vector.broadcast %add3A_1555 : i32 to vector<8x128xi32>
      %add3A_1557 = arith.addi %iota3A_4, %add3A_1556 : vector<8x128xi32>
      %lt3A_1558 = arith.constant 50000 : i32
      %lt3A_1559 = vector.broadcast %lt3A_1558 : i32 to vector<8x128xi32>
      %lt3A_1560 = arith.cmpi slt, %add3A_1557, %lt3A_1559 : vector<8x128xi32>
      %jit3A_1561 = arith.constant 0 : i32
      %broadcast_in_dim3A_1562 = vector.broadcast %jit3A_1561 : i32 to vector<8x128xi32>
      %select_n3A_1563 = arith.select %lt3A_1560, %add3A_1540, %broadcast_in_dim3A_1562 : vector<8x128xi1>, vector<8x128xi32>
      %swap3A_1564 = arith.constant 0 : index
      %swap3A_1565 = arith.constant 25 : index
      %swap3A_1566 = arith.constant 0 : index
      %swap3A_1567 = vector.load %arg6[%swap3A_1564, %swap3A_1565, %swap3A_1566] : memref<8x56x128xi32, #tpu.memory_space<vmem>>, vector<8x1x128xi32>
      %swap3A_1568 = vector.shape_cast %swap3A_1567 : vector<8x1x128xi32> to vector<8x128xi32>
      %swap3A_1569 = vector.shape_cast %select_n3A_1563 : vector<8x128xi32> to vector<8x1x128xi32>
      tpu.vector_store %arg6[%swap3A_1564, %swap3A_1565, %swap3A_1566], %swap3A_1569 {strides = array<i32>} : memref<8x56x128xi32, #tpu.memory_space<vmem>>, vector<8x1x128xi32>,
      %jit3A_1570 = arith.constant 0 : i32
      %broadcast_in_dim3A_1571 = vector.broadcast %jit3A_1570 : i32 to vector<8x128xi32>
      %select_n3A_1572 = arith.select %lt3A_1560, %add3A_1551, %broadcast_in_dim3A_1571 : vector<8x128xi1>, vector<8x128xi32>
      %swap3A_1573 = arith.constant 0 : index
      %swap3A_1574 = arith.constant 25 : index
      %swap3A_1575 = arith.constant 0 : index
      %swap3A_1576 = vector.load %arg7[%swap3A_1573, %swap3A_1574, %swap3A_1575] : memref<8x56x128xi32, #tpu.memory_space<vmem>>, vector<8x1x128xi32>
      %swap3A_1577 = vector.shape_cast %swap3A_1576 : vector<8x1x128xi32> to vector<8x128xi32>
      %swap3A_1578 = vector.shape_cast %select_n3A_1572 : vector<8x128xi32> to vector<8x1x128xi32>
      tpu.vector_store %arg7[%swap3A_1573, %swap3A_1574, %swap3A_1575], %swap3A_1578 {strides = array<i32>} : memref<8x56x128xi32, #tpu.memory_space<vmem>>, vector<8x1x128xi32>,
      %get3A_1579 = arith.constant 0 : index
      %get3A_1580 = arith.constant 3200 : index
      %get3A_1581 = vector.load %arg5[%get3A_1579, %get3A_1580] : memref<8x7168xf32, #tpu.memory_space<vmem>>, vector<8x128xf32>
      %jit3A_1582 = arith.constant 0.000000e+00 : f32
      %broadcast_in_dim3A_1583 = vector.broadcast %jit3A_1582 : f32 to vector<8x128xf32>
      %select_n3A_1584 = arith.select %lt3A_1560, %get3A_1581, %broadcast_in_dim3A_1583 : vector<8x128xi1>, vector<8x128xf32>
      %swap3A_1585 = arith.constant 0 : index
      %swap3A_1586 = arith.constant 25 : index
      %swap3A_1587 = arith.constant 0 : index
      %swap3A_1588 = vector.load %arg8[%swap3A_1585, %swap3A_1586, %swap3A_1587] : memref<8x56x128xf32, #tpu.memory_space<vmem>>, vector<8x1x128xf32>
      %swap3A_1589 = vector.shape_cast %swap3A_1588 : vector<8x1x128xf32> to vector<8x128xf32>
      %swap3A_1590 = vector.shape_cast %select_n3A_1584 : vector<8x128xf32> to vector<8x1x128xf32>
      tpu.vector_store %arg8[%swap3A_1585, %swap3A_1586, %swap3A_1587], %swap3A_1590 {strides = array<i32>} : memref<8x56x128xf32, #tpu.memory_space<vmem>>, vector<8x1x128xf32>,
      %get3A_1591 = arith.constant 0 : index
      %get3A_1592 = arith.constant 3328 : index
      %get3A_1593 = vector.load %arg2[%get3A_1591, %get3A_1592] : memref<8x7168xi32, #tpu.memory_space<vmem>>, vector<8x128xi32>
      %mul3A_1594 = arith.constant 512 : i32
      %mul3A_1595 = vector.broadcast %mul3A_1594 : i32 to vector<8x128xi32>
      %mul3A_1596 = arith.muli %get3A_1593, %mul3A_1595 : vector<8x128xi32>
      %get3A_1597 = arith.constant 0 : index
      %get3A_1598 = arith.constant 3328 : index
      %get3A_1599 = vector.load %arg1[%get3A_1597, %get3A_1598] : memref<8x7168xi32, #tpu.memory_space<vmem>>, vector<8x128xi32>
      %add3A_1600 = arith.addi %mul3A_1596, %get3A_1599 : vector<8x128xi32>
      %add3A_1601 = arith.addi %add3A_1600, %mul3A_3 : vector<8x128xi32>
      %get3A_1602 = arith.constant 0 : index
      %get3A_1603 = arith.constant 3328 : index
      %get3A_1604 = vector.load %arg4[%get3A_1602, %get3A_1603] : memref<8x7168xi32, #tpu.memory_space<vmem>>, vector<8x128xi32>
      %mul3A_1605 = arith.constant 512 : i32
      %mul3A_1606 = vector.broadcast %mul3A_1605 : i32 to vector<8x128xi32>
      %mul3A_1607 = arith.muli %get3A_1604, %mul3A_1606 : vector<8x128xi32>
      %get3A_1608 = arith.constant 0 : index
      %get3A_1609 = arith.constant 3328 : index
      %get3A_1610 = vector.load %arg3[%get3A_1608, %get3A_1609] : memref<8x7168xi32, #tpu.memory_space<vmem>>, vector<8x128xi32>
      %add3A_1611 = arith.addi %mul3A_1607, %get3A_1610 : vector<8x128xi32>
      %add3A_1612 = arith.addi %add3A_1611, %mul3A_3 : vector<8x128xi32>
      %mul3A_1613 = arith.constant 7168 : i32
      %mul3A_1614 = arith.muli %arg0, %mul3A_1613 : i32
      %add3A_1615 = arith.constant 3328 : i32
      %add3A_1616 = arith.addi %mul3A_1614, %add3A_1615 : i32
      %add3A_1617 = vector.broadcast %add3A_1616 : i32 to vector<8x128xi32>
      %add3A_1618 = arith.addi %iota3A_4, %add3A_1617 : vector<8x128xi32>
      %lt3A_1619 = arith.constant 50000 : i32
      %lt3A_1620 = vector.broadcast %lt3A_1619 : i32 to vector<8x128xi32>
      %lt3A_1621 = arith.cmpi slt, %add3A_1618, %lt3A_1620 : vector<8x128xi32>
      %jit3A_1622 = arith.constant 0 : i32
      %broadcast_in_dim3A_1623 = vector.broadcast %jit3A_1622 : i32 to vector<8x128xi32>
      %select_n3A_1624 = arith.select %lt3A_1621, %add3A_1601, %broadcast_in_dim3A_1623 : vector<8x128xi1>, vector<8x128xi32>
      %swap3A_1625 = arith.constant 0 : index
      %swap3A_1626 = arith.constant 26 : index
      %swap3A_1627 = arith.constant 0 : index
      %swap3A_1628 = vector.load %arg6[%swap3A_1625, %swap3A_1626, %swap3A_1627] : memref<8x56x128xi32, #tpu.memory_space<vmem>>, vector<8x1x128xi32>
      %swap3A_1629 = vector.shape_cast %swap3A_1628 : vector<8x1x128xi32> to vector<8x128xi32>
      %swap3A_1630 = vector.shape_cast %select_n3A_1624 : vector<8x128xi32> to vector<8x1x128xi32>
      tpu.vector_store %arg6[%swap3A_1625, %swap3A_1626, %swap3A_1627], %swap3A_1630 {strides = array<i32>} : memref<8x56x128xi32, #tpu.memory_space<vmem>>, vector<8x1x128xi32>,
      %jit3A_1631 = arith.constant 0 : i32
      %broadcast_in_dim3A_1632 = vector.broadcast %jit3A_1631 : i32 to vector<8x128xi32>
      %select_n3A_1633 = arith.select %lt3A_1621, %add3A_1612, %broadcast_in_dim3A_1632 : vector<8x128xi1>, vector<8x128xi32>
      %swap3A_1634 = arith.constant 0 : index
      %swap3A_1635 = arith.constant 26 : index
      %swap3A_1636 = arith.constant 0 : index
      %swap3A_1637 = vector.load %arg7[%swap3A_1634, %swap3A_1635, %swap3A_1636] : memref<8x56x128xi32, #tpu.memory_space<vmem>>, vector<8x1x128xi32>
      %swap3A_1638 = vector.shape_cast %swap3A_1637 : vector<8x1x128xi32> to vector<8x128xi32>
      %swap3A_1639 = vector.shape_cast %select_n3A_1633 : vector<8x128xi32> to vector<8x1x128xi32>
      tpu.vector_store %arg7[%swap3A_1634, %swap3A_1635, %swap3A_1636], %swap3A_1639 {strides = array<i32>} : memref<8x56x128xi32, #tpu.memory_space<vmem>>, vector<8x1x128xi32>,
      %get3A_1640 = arith.constant 0 : index
      %get3A_1641 = arith.constant 3328 : index
      %get3A_1642 = vector.load %arg5[%get3A_1640, %get3A_1641] : memref<8x7168xf32, #tpu.memory_space<vmem>>, vector<8x128xf32>
      %jit3A_1643 = arith.constant 0.000000e+00 : f32
      %broadcast_in_dim3A_1644 = vector.broadcast %jit3A_1643 : f32 to vector<8x128xf32>
      %select_n3A_1645 = arith.select %lt3A_1621, %get3A_1642, %broadcast_in_dim3A_1644 : vector<8x128xi1>, vector<8x128xf32>
      %swap3A_1646 = arith.constant 0 : index
      %swap3A_1647 = arith.constant 26 : index
      %swap3A_1648 = arith.constant 0 : index
      %swap3A_1649 = vector.load %arg8[%swap3A_1646, %swap3A_1647, %swap3A_1648] : memref<8x56x128xf32, #tpu.memory_space<vmem>>, vector<8x1x128xf32>
      %swap3A_1650 = vector.shape_cast %swap3A_1649 : vector<8x1x128xf32> to vector<8x128xf32>
      %swap3A_1651 = vector.shape_cast %select_n3A_1645 : vector<8x128xf32> to vector<8x1x128xf32>
      tpu.vector_store %arg8[%swap3A_1646, %swap3A_1647, %swap3A_1648], %swap3A_1651 {strides = array<i32>} : memref<8x56x128xf32, #tpu.memory_space<vmem>>, vector<8x1x128xf32>,
      %get3A_1652 = arith.constant 0 : index
      %get3A_1653 = arith.constant 3456 : index
      %get3A_1654 = vector.load %arg2[%get3A_1652, %get3A_1653] : memref<8x7168xi32, #tpu.memory_space<vmem>>, vector<8x128xi32>
      %mul3A_1655 = arith.constant 512 : i32
      %mul3A_1656 = vector.broadcast %mul3A_1655 : i32 to vector<8x128xi32>
      %mul3A_1657 = arith.muli %get3A_1654, %mul3A_1656 : vector<8x128xi32>
      %get3A_1658 = arith.constant 0 : index
      %get3A_1659 = arith.constant 3456 : index
      %get3A_1660 = vector.load %arg1[%get3A_1658, %get3A_1659] : memref<8x7168xi32, #tpu.memory_space<vmem>>, vector<8x128xi32>
      %add3A_1661 = arith.addi %mul3A_1657, %get3A_1660 : vector<8x128xi32>
      %add3A_1662 = arith.addi %add3A_1661, %mul3A_3 : vector<8x128xi32>
      %get3A_1663 = arith.constant 0 : index
      %get3A_1664 = arith.constant 3456 : index
      %get3A_1665 = vector.load %arg4[%get3A_1663, %get3A_1664] : memref<8x7168xi32, #tpu.memory_space<vmem>>, vector<8x128xi32>
      %mul3A_1666 = arith.constant 512 : i32
      %mul3A_1667 = vector.broadcast %mul3A_1666 : i32 to vector<8x128xi32>
      %mul3A_1668 = arith.muli %get3A_1665, %mul3A_1667 : vector<8x128xi32>
      %get3A_1669 = arith.constant 0 : index
      %get3A_1670 = arith.constant 3456 : index
      %get3A_1671 = vector.load %arg3[%get3A_1669, %get3A_1670] : memref<8x7168xi32, #tpu.memory_space<vmem>>, vector<8x128xi32>
      %add3A_1672 = arith.addi %mul3A_1668, %get3A_1671 : vector<8x128xi32>
      %add3A_1673 = arith.addi %add3A_1672, %mul3A_3 : vector<8x128xi32>
      %mul3A_1674 = arith.constant 7168 : i32
      %mul3A_1675 = arith.muli %arg0, %mul3A_1674 : i32
      %add3A_1676 = arith.constant 3456 : i32
      %add3A_1677 = arith.addi %mul3A_1675, %add3A_1676 : i32
      %add3A_1678 = vector.broadcast %add3A_1677 : i32 to vector<8x128xi32>
      %add3A_1679 = arith.addi %iota3A_4, %add3A_1678 : vector<8x128xi32>
      %lt3A_1680 = arith.constant 50000 : i32
      %lt3A_1681 = vector.broadcast %lt3A_1680 : i32 to vector<8x128xi32>
      %lt3A_1682 = arith.cmpi slt, %add3A_1679, %lt3A_1681 : vector<8x128xi32>
      %jit3A_1683 = arith.constant 0 : i32
      %broadcast_in_dim3A_1684 = vector.broadcast %jit3A_1683 : i32 to vector<8x128xi32>
      %select_n3A_1685 = arith.select %lt3A_1682, %add3A_1662, %broadcast_in_dim3A_1684 : vector<8x128xi1>, vector<8x128xi32>
      %swap3A_1686 = arith.constant 0 : index
      %swap3A_1687 = arith.constant 27 : index
      %swap3A_1688 = arith.constant 0 : index
      %swap3A_1689 = vector.load %arg6[%swap3A_1686, %swap3A_1687, %swap3A_1688] : memref<8x56x128xi32, #tpu.memory_space<vmem>>, vector<8x1x128xi32>
      %swap3A_1690 = vector.shape_cast %swap3A_1689 : vector<8x1x128xi32> to vector<8x128xi32>
      %swap3A_1691 = vector.shape_cast %select_n3A_1685 : vector<8x128xi32> to vector<8x1x128xi32>
      tpu.vector_store %arg6[%swap3A_1686, %swap3A_1687, %swap3A_1688], %swap3A_1691 {strides = array<i32>} : memref<8x56x128xi32, #tpu.memory_space<vmem>>, vector<8x1x128xi32>,
      %jit3A_1692 = arith.constant 0 : i32
      %broadcast_in_dim3A_1693 = vector.broadcast %jit3A_1692 : i32 to vector<8x128xi32>
      %select_n3A_1694 = arith.select %lt3A_1682, %add3A_1673, %broadcast_in_dim3A_1693 : vector<8x128xi1>, vector<8x128xi32>
      %swap3A_1695 = arith.constant 0 : index
      %swap3A_1696 = arith.constant 27 : index
      %swap3A_1697 = arith.constant 0 : index
      %swap3A_1698 = vector.load %arg7[%swap3A_1695, %swap3A_1696, %swap3A_1697] : memref<8x56x128xi32, #tpu.memory_space<vmem>>, vector<8x1x128xi32>
      %swap3A_1699 = vector.shape_cast %swap3A_1698 : vector<8x1x128xi32> to vector<8x128xi32>
      %swap3A_1700 = vector.shape_cast %select_n3A_1694 : vector<8x128xi32> to vector<8x1x128xi32>
      tpu.vector_store %arg7[%swap3A_1695, %swap3A_1696, %swap3A_1697], %swap3A_1700 {strides = array<i32>} : memref<8x56x128xi32, #tpu.memory_space<vmem>>, vector<8x1x128xi32>,
      %get3A_1701 = arith.constant 0 : index
      %get3A_1702 = arith.constant 3456 : index
      %get3A_1703 = vector.load %arg5[%get3A_1701, %get3A_1702] : memref<8x7168xf32, #tpu.memory_space<vmem>>, vector<8x128xf32>
      %jit3A_1704 = arith.constant 0.000000e+00 : f32
      %broadcast_in_dim3A_1705 = vector.broadcast %jit3A_1704 : f32 to vector<8x128xf32>
      %select_n3A_1706 = arith.select %lt3A_1682, %get3A_1703, %broadcast_in_dim3A_1705 : vector<8x128xi1>, vector<8x128xf32>
      %swap3A_1707 = arith.constant 0 : index
      %swap3A_1708 = arith.constant 27 : index
      %swap3A_1709 = arith.constant 0 : index
      %swap3A_1710 = vector.load %arg8[%swap3A_1707, %swap3A_1708, %swap3A_1709] : memref<8x56x128xf32, #tpu.memory_space<vmem>>, vector<8x1x128xf32>
      %swap3A_1711 = vector.shape_cast %swap3A_1710 : vector<8x1x128xf32> to vector<8x128xf32>
      %swap3A_1712 = vector.shape_cast %select_n3A_1706 : vector<8x128xf32> to vector<8x1x128xf32>
      tpu.vector_store %arg8[%swap3A_1707, %swap3A_1708, %swap3A_1709], %swap3A_1712 {strides = array<i32>} : memref<8x56x128xf32, #tpu.memory_space<vmem>>, vector<8x1x128xf32>,
      %get3A_1713 = arith.constant 0 : index
      %get3A_1714 = arith.constant 3584 : index
      %get3A_1715 = vector.load %arg2[%get3A_1713, %get3A_1714] : memref<8x7168xi32, #tpu.memory_space<vmem>>, vector<8x128xi32>
      %mul3A_1716 = arith.constant 512 : i32
      %mul3A_1717 = vector.broadcast %mul3A_1716 : i32 to vector<8x128xi32>
      %mul3A_1718 = arith.muli %get3A_1715, %mul3A_1717 : vector<8x128xi32>
      %get3A_1719 = arith.constant 0 : index
      %get3A_1720 = arith.constant 3584 : index
      %get3A_1721 = vector.load %arg1[%get3A_1719, %get3A_1720] : memref<8x7168xi32, #tpu.memory_space<vmem>>, vector<8x128xi32>
      %add3A_1722 = arith.addi %mul3A_1718, %get3A_1721 : vector<8x128xi32>
      %add3A_1723 = arith.addi %add3A_1722, %mul3A_3 : vector<8x128xi32>
      %get3A_1724 = arith.constant 0 : index
      %get3A_1725 = arith.constant 3584 : index
      %get3A_1726 = vector.load %arg4[%get3A_1724, %get3A_1725] : memref<8x7168xi32, #tpu.memory_space<vmem>>, vector<8x128xi32>
      %mul3A_1727 = arith.constant 512 : i32
      %mul3A_1728 = vector.broadcast %mul3A_1727 : i32 to vector<8x128xi32>
      %mul3A_1729 = arith.muli %get3A_1726, %mul3A_1728 : vector<8x128xi32>
      %get3A_1730 = arith.constant 0 : index
      %get3A_1731 = arith.constant 3584 : index
      %get3A_1732 = vector.load %arg3[%get3A_1730, %get3A_1731] : memref<8x7168xi32, #tpu.memory_space<vmem>>, vector<8x128xi32>
      %add3A_1733 = arith.addi %mul3A_1729, %get3A_1732 : vector<8x128xi32>
      %add3A_1734 = arith.addi %add3A_1733, %mul3A_3 : vector<8x128xi32>
      %mul3A_1735 = arith.constant 7168 : i32
      %mul3A_1736 = arith.muli %arg0, %mul3A_1735 : i32
      %add3A_1737 = arith.constant 3584 : i32
      %add3A_1738 = arith.addi %mul3A_1736, %add3A_1737 : i32
      %add3A_1739 = vector.broadcast %add3A_1738 : i32 to vector<8x128xi32>
      %add3A_1740 = arith.addi %iota3A_4, %add3A_1739 : vector<8x128xi32>
      %lt3A_1741 = arith.constant 50000 : i32
      %lt3A_1742 = vector.broadcast %lt3A_1741 : i32 to vector<8x128xi32>
      %lt3A_1743 = arith.cmpi slt, %add3A_1740, %lt3A_1742 : vector<8x128xi32>
      %jit3A_1744 = arith.constant 0 : i32
      %broadcast_in_dim3A_1745 = vector.broadcast %jit3A_1744 : i32 to vector<8x128xi32>
      %select_n3A_1746 = arith.select %lt3A_1743, %add3A_1723, %broadcast_in_dim3A_1745 : vector<8x128xi1>, vector<8x128xi32>
      %swap3A_1747 = arith.constant 0 : index
      %swap3A_1748 = arith.constant 28 : index
      %swap3A_1749 = arith.constant 0 : index
      %swap3A_1750 = vector.load %arg6[%swap3A_1747, %swap3A_1748, %swap3A_1749] : memref<8x56x128xi32, #tpu.memory_space<vmem>>, vector<8x1x128xi32>
      %swap3A_1751 = vector.shape_cast %swap3A_1750 : vector<8x1x128xi32> to vector<8x128xi32>
      %swap3A_1752 = vector.shape_cast %select_n3A_1746 : vector<8x128xi32> to vector<8x1x128xi32>
      tpu.vector_store %arg6[%swap3A_1747, %swap3A_1748, %swap3A_1749], %swap3A_1752 {strides = array<i32>} : memref<8x56x128xi32, #tpu.memory_space<vmem>>, vector<8x1x128xi32>,
      %jit3A_1753 = arith.constant 0 : i32
      %broadcast_in_dim3A_1754 = vector.broadcast %jit3A_1753 : i32 to vector<8x128xi32>
      %select_n3A_1755 = arith.select %lt3A_1743, %add3A_1734, %broadcast_in_dim3A_1754 : vector<8x128xi1>, vector<8x128xi32>
      %swap3A_1756 = arith.constant 0 : index
      %swap3A_1757 = arith.constant 28 : index
      %swap3A_1758 = arith.constant 0 : index
      %swap3A_1759 = vector.load %arg7[%swap3A_1756, %swap3A_1757, %swap3A_1758] : memref<8x56x128xi32, #tpu.memory_space<vmem>>, vector<8x1x128xi32>
      %swap3A_1760 = vector.shape_cast %swap3A_1759 : vector<8x1x128xi32> to vector<8x128xi32>
      %swap3A_1761 = vector.shape_cast %select_n3A_1755 : vector<8x128xi32> to vector<8x1x128xi32>
      tpu.vector_store %arg7[%swap3A_1756, %swap3A_1757, %swap3A_1758], %swap3A_1761 {strides = array<i32>} : memref<8x56x128xi32, #tpu.memory_space<vmem>>, vector<8x1x128xi32>,
      %get3A_1762 = arith.constant 0 : index
      %get3A_1763 = arith.constant 3584 : index
      %get3A_1764 = vector.load %arg5[%get3A_1762, %get3A_1763] : memref<8x7168xf32, #tpu.memory_space<vmem>>, vector<8x128xf32>
      %jit3A_1765 = arith.constant 0.000000e+00 : f32
      %broadcast_in_dim3A_1766 = vector.broadcast %jit3A_1765 : f32 to vector<8x128xf32>
      %select_n3A_1767 = arith.select %lt3A_1743, %get3A_1764, %broadcast_in_dim3A_1766 : vector<8x128xi1>, vector<8x128xf32>
      %swap3A_1768 = arith.constant 0 : index
      %swap3A_1769 = arith.constant 28 : index
      %swap3A_1770 = arith.constant 0 : index
      %swap3A_1771 = vector.load %arg8[%swap3A_1768, %swap3A_1769, %swap3A_1770] : memref<8x56x128xf32, #tpu.memory_space<vmem>>, vector<8x1x128xf32>
      %swap3A_1772 = vector.shape_cast %swap3A_1771 : vector<8x1x128xf32> to vector<8x128xf32>
      %swap3A_1773 = vector.shape_cast %select_n3A_1767 : vector<8x128xf32> to vector<8x1x128xf32>
      tpu.vector_store %arg8[%swap3A_1768, %swap3A_1769, %swap3A_1770], %swap3A_1773 {strides = array<i32>} : memref<8x56x128xf32, #tpu.memory_space<vmem>>, vector<8x1x128xf32>,
      %get3A_1774 = arith.constant 0 : index
      %get3A_1775 = arith.constant 3712 : index
      %get3A_1776 = vector.load %arg2[%get3A_1774, %get3A_1775] : memref<8x7168xi32, #tpu.memory_space<vmem>>, vector<8x128xi32>
      %mul3A_1777 = arith.constant 512 : i32
      %mul3A_1778 = vector.broadcast %mul3A_1777 : i32 to vector<8x128xi32>
      %mul3A_1779 = arith.muli %get3A_1776, %mul3A_1778 : vector<8x128xi32>
      %get3A_1780 = arith.constant 0 : index
      %get3A_1781 = arith.constant 3712 : index
      %get3A_1782 = vector.load %arg1[%get3A_1780, %get3A_1781] : memref<8x7168xi32, #tpu.memory_space<vmem>>, vector<8x128xi32>
      %add3A_1783 = arith.addi %mul3A_1779, %get3A_1782 : vector<8x128xi32>
      %add3A_1784 = arith.addi %add3A_1783, %mul3A_3 : vector<8x128xi32>
      %get3A_1785 = arith.constant 0 : index
      %get3A_1786 = arith.constant 3712 : index
      %get3A_1787 = vector.load %arg4[%get3A_1785, %get3A_1786] : memref<8x7168xi32, #tpu.memory_space<vmem>>, vector<8x128xi32>
      %mul3A_1788 = arith.constant 512 : i32
      %mul3A_1789 = vector.broadcast %mul3A_1788 : i32 to vector<8x128xi32>
      %mul3A_1790 = arith.muli %get3A_1787, %mul3A_1789 : vector<8x128xi32>
      %get3A_1791 = arith.constant 0 : index
      %get3A_1792 = arith.constant 3712 : index
      %get3A_1793 = vector.load %arg3[%get3A_1791, %get3A_1792] : memref<8x7168xi32, #tpu.memory_space<vmem>>, vector<8x128xi32>
      %add3A_1794 = arith.addi %mul3A_1790, %get3A_1793 : vector<8x128xi32>
      %add3A_1795 = arith.addi %add3A_1794, %mul3A_3 : vector<8x128xi32>
      %mul3A_1796 = arith.constant 7168 : i32
      %mul3A_1797 = arith.muli %arg0, %mul3A_1796 : i32
      %add3A_1798 = arith.constant 3712 : i32
      %add3A_1799 = arith.addi %mul3A_1797, %add3A_1798 : i32
      %add3A_1800 = vector.broadcast %add3A_1799 : i32 to vector<8x128xi32>
      %add3A_1801 = arith.addi %iota3A_4, %add3A_1800 : vector<8x128xi32>
      %lt3A_1802 = arith.constant 50000 : i32
      %lt3A_1803 = vector.broadcast %lt3A_1802 : i32 to vector<8x128xi32>
      %lt3A_1804 = arith.cmpi slt, %add3A_1801, %lt3A_1803 : vector<8x128xi32>
      %jit3A_1805 = arith.constant 0 : i32
      %broadcast_in_dim3A_1806 = vector.broadcast %jit3A_1805 : i32 to vector<8x128xi32>
      %select_n3A_1807 = arith.select %lt3A_1804, %add3A_1784, %broadcast_in_dim3A_1806 : vector<8x128xi1>, vector<8x128xi32>
      %swap3A_1808 = arith.constant 0 : index
      %swap3A_1809 = arith.constant 29 : index
      %swap3A_1810 = arith.constant 0 : index
      %swap3A_1811 = vector.load %arg6[%swap3A_1808, %swap3A_1809, %swap3A_1810] : memref<8x56x128xi32, #tpu.memory_space<vmem>>, vector<8x1x128xi32>
      %swap3A_1812 = vector.shape_cast %swap3A_1811 : vector<8x1x128xi32> to vector<8x128xi32>
      %swap3A_1813 = vector.shape_cast %select_n3A_1807 : vector<8x128xi32> to vector<8x1x128xi32>
      tpu.vector_store %arg6[%swap3A_1808, %swap3A_1809, %swap3A_1810], %swap3A_1813 {strides = array<i32>} : memref<8x56x128xi32, #tpu.memory_space<vmem>>, vector<8x1x128xi32>,
      %jit3A_1814 = arith.constant 0 : i32
      %broadcast_in_dim3A_1815 = vector.broadcast %jit3A_1814 : i32 to vector<8x128xi32>
      %select_n3A_1816 = arith.select %lt3A_1804, %add3A_1795, %broadcast_in_dim3A_1815 : vector<8x128xi1>, vector<8x128xi32>
      %swap3A_1817 = arith.constant 0 : index
      %swap3A_1818 = arith.constant 29 : index
      %swap3A_1819 = arith.constant 0 : index
      %swap3A_1820 = vector.load %arg7[%swap3A_1817, %swap3A_1818, %swap3A_1819] : memref<8x56x128xi32, #tpu.memory_space<vmem>>, vector<8x1x128xi32>
      %swap3A_1821 = vector.shape_cast %swap3A_1820 : vector<8x1x128xi32> to vector<8x128xi32>
      %swap3A_1822 = vector.shape_cast %select_n3A_1816 : vector<8x128xi32> to vector<8x1x128xi32>
      tpu.vector_store %arg7[%swap3A_1817, %swap3A_1818, %swap3A_1819], %swap3A_1822 {strides = array<i32>} : memref<8x56x128xi32, #tpu.memory_space<vmem>>, vector<8x1x128xi32>,
      %get3A_1823 = arith.constant 0 : index
      %get3A_1824 = arith.constant 3712 : index
      %get3A_1825 = vector.load %arg5[%get3A_1823, %get3A_1824] : memref<8x7168xf32, #tpu.memory_space<vmem>>, vector<8x128xf32>
      %jit3A_1826 = arith.constant 0.000000e+00 : f32
      %broadcast_in_dim3A_1827 = vector.broadcast %jit3A_1826 : f32 to vector<8x128xf32>
      %select_n3A_1828 = arith.select %lt3A_1804, %get3A_1825, %broadcast_in_dim3A_1827 : vector<8x128xi1>, vector<8x128xf32>
      %swap3A_1829 = arith.constant 0 : index
      %swap3A_1830 = arith.constant 29 : index
      %swap3A_1831 = arith.constant 0 : index
      %swap3A_1832 = vector.load %arg8[%swap3A_1829, %swap3A_1830, %swap3A_1831] : memref<8x56x128xf32, #tpu.memory_space<vmem>>, vector<8x1x128xf32>
      %swap3A_1833 = vector.shape_cast %swap3A_1832 : vector<8x1x128xf32> to vector<8x128xf32>
      %swap3A_1834 = vector.shape_cast %select_n3A_1828 : vector<8x128xf32> to vector<8x1x128xf32>
      tpu.vector_store %arg8[%swap3A_1829, %swap3A_1830, %swap3A_1831], %swap3A_1834 {strides = array<i32>} : memref<8x56x128xf32, #tpu.memory_space<vmem>>, vector<8x1x128xf32>,
      %get3A_1835 = arith.constant 0 : index
      %get3A_1836 = arith.constant 3840 : index
      %get3A_1837 = vector.load %arg2[%get3A_1835, %get3A_1836] : memref<8x7168xi32, #tpu.memory_space<vmem>>, vector<8x128xi32>
      %mul3A_1838 = arith.constant 512 : i32
      %mul3A_1839 = vector.broadcast %mul3A_1838 : i32 to vector<8x128xi32>
      %mul3A_1840 = arith.muli %get3A_1837, %mul3A_1839 : vector<8x128xi32>
      %get3A_1841 = arith.constant 0 : index
      %get3A_1842 = arith.constant 3840 : index
      %get3A_1843 = vector.load %arg1[%get3A_1841, %get3A_1842] : memref<8x7168xi32, #tpu.memory_space<vmem>>, vector<8x128xi32>
      %add3A_1844 = arith.addi %mul3A_1840, %get3A_1843 : vector<8x128xi32>
      %add3A_1845 = arith.addi %add3A_1844, %mul3A_3 : vector<8x128xi32>
      %get3A_1846 = arith.constant 0 : index
      %get3A_1847 = arith.constant 3840 : index
      %get3A_1848 = vector.load %arg4[%get3A_1846, %get3A_1847] : memref<8x7168xi32, #tpu.memory_space<vmem>>, vector<8x128xi32>
      %mul3A_1849 = arith.constant 512 : i32
      %mul3A_1850 = vector.broadcast %mul3A_1849 : i32 to vector<8x128xi32>
      %mul3A_1851 = arith.muli %get3A_1848, %mul3A_1850 : vector<8x128xi32>
      %get3A_1852 = arith.constant 0 : index
      %get3A_1853 = arith.constant 3840 : index
      %get3A_1854 = vector.load %arg3[%get3A_1852, %get3A_1853] : memref<8x7168xi32, #tpu.memory_space<vmem>>, vector<8x128xi32>
      %add3A_1855 = arith.addi %mul3A_1851, %get3A_1854 : vector<8x128xi32>
      %add3A_1856 = arith.addi %add3A_1855, %mul3A_3 : vector<8x128xi32>
      %mul3A_1857 = arith.constant 7168 : i32
      %mul3A_1858 = arith.muli %arg0, %mul3A_1857 : i32
      %add3A_1859 = arith.constant 3840 : i32
      %add3A_1860 = arith.addi %mul3A_1858, %add3A_1859 : i32
      %add3A_1861 = vector.broadcast %add3A_1860 : i32 to vector<8x128xi32>
      %add3A_1862 = arith.addi %iota3A_4, %add3A_1861 : vector<8x128xi32>
      %lt3A_1863 = arith.constant 50000 : i32
      %lt3A_1864 = vector.broadcast %lt3A_1863 : i32 to vector<8x128xi32>
      %lt3A_1865 = arith.cmpi slt, %add3A_1862, %lt3A_1864 : vector<8x128xi32>
      %jit3A_1866 = arith.constant 0 : i32
      %broadcast_in_dim3A_1867 = vector.broadcast %jit3A_1866 : i32 to vector<8x128xi32>
      %select_n3A_1868 = arith.select %lt3A_1865, %add3A_1845, %broadcast_in_dim3A_1867 : vector<8x128xi1>, vector<8x128xi32>
      %swap3A_1869 = arith.constant 0 : index
      %swap3A_1870 = arith.constant 30 : index
      %swap3A_1871 = arith.constant 0 : index
      %swap3A_1872 = vector.load %arg6[%swap3A_1869, %swap3A_1870, %swap3A_1871] : memref<8x56x128xi32, #tpu.memory_space<vmem>>, vector<8x1x128xi32>
      %swap3A_1873 = vector.shape_cast %swap3A_1872 : vector<8x1x128xi32> to vector<8x128xi32>
      %swap3A_1874 = vector.shape_cast %select_n3A_1868 : vector<8x128xi32> to vector<8x1x128xi32>
      tpu.vector_store %arg6[%swap3A_1869, %swap3A_1870, %swap3A_1871], %swap3A_1874 {strides = array<i32>} : memref<8x56x128xi32, #tpu.memory_space<vmem>>, vector<8x1x128xi32>,
      %jit3A_1875 = arith.constant 0 : i32
      %broadcast_in_dim3A_1876 = vector.broadcast %jit3A_1875 : i32 to vector<8x128xi32>
      %select_n3A_1877 = arith.select %lt3A_1865, %add3A_1856, %broadcast_in_dim3A_1876 : vector<8x128xi1>, vector<8x128xi32>
      %swap3A_1878 = arith.constant 0 : index
      %swap3A_1879 = arith.constant 30 : index
      %swap3A_1880 = arith.constant 0 : index
      %swap3A_1881 = vector.load %arg7[%swap3A_1878, %swap3A_1879, %swap3A_1880] : memref<8x56x128xi32, #tpu.memory_space<vmem>>, vector<8x1x128xi32>
      %swap3A_1882 = vector.shape_cast %swap3A_1881 : vector<8x1x128xi32> to vector<8x128xi32>
      %swap3A_1883 = vector.shape_cast %select_n3A_1877 : vector<8x128xi32> to vector<8x1x128xi32>
      tpu.vector_store %arg7[%swap3A_1878, %swap3A_1879, %swap3A_1880], %swap3A_1883 {strides = array<i32>} : memref<8x56x128xi32, #tpu.memory_space<vmem>>, vector<8x1x128xi32>,
      %get3A_1884 = arith.constant 0 : index
      %get3A_1885 = arith.constant 3840 : index
      %get3A_1886 = vector.load %arg5[%get3A_1884, %get3A_1885] : memref<8x7168xf32, #tpu.memory_space<vmem>>, vector<8x128xf32>
      %jit3A_1887 = arith.constant 0.000000e+00 : f32
      %broadcast_in_dim3A_1888 = vector.broadcast %jit3A_1887 : f32 to vector<8x128xf32>
      %select_n3A_1889 = arith.select %lt3A_1865, %get3A_1886, %broadcast_in_dim3A_1888 : vector<8x128xi1>, vector<8x128xf32>
      %swap3A_1890 = arith.constant 0 : index
      %swap3A_1891 = arith.constant 30 : index
      %swap3A_1892 = arith.constant 0 : index
      %swap3A_1893 = vector.load %arg8[%swap3A_1890, %swap3A_1891, %swap3A_1892] : memref<8x56x128xf32, #tpu.memory_space<vmem>>, vector<8x1x128xf32>
      %swap3A_1894 = vector.shape_cast %swap3A_1893 : vector<8x1x128xf32> to vector<8x128xf32>
      %swap3A_1895 = vector.shape_cast %select_n3A_1889 : vector<8x128xf32> to vector<8x1x128xf32>
      tpu.vector_store %arg8[%swap3A_1890, %swap3A_1891, %swap3A_1892], %swap3A_1895 {strides = array<i32>} : memref<8x56x128xf32, #tpu.memory_space<vmem>>, vector<8x1x128xf32>,
      %get3A_1896 = arith.constant 0 : index
      %get3A_1897 = arith.constant 3968 : index
      %get3A_1898 = vector.load %arg2[%get3A_1896, %get3A_1897] : memref<8x7168xi32, #tpu.memory_space<vmem>>, vector<8x128xi32>
      %mul3A_1899 = arith.constant 512 : i32
      %mul3A_1900 = vector.broadcast %mul3A_1899 : i32 to vector<8x128xi32>
      %mul3A_1901 = arith.muli %get3A_1898, %mul3A_1900 : vector<8x128xi32>
      %get3A_1902 = arith.constant 0 : index
      %get3A_1903 = arith.constant 3968 : index
      %get3A_1904 = vector.load %arg1[%get3A_1902, %get3A_1903] : memref<8x7168xi32, #tpu.memory_space<vmem>>, vector<8x128xi32>
      %add3A_1905 = arith.addi %mul3A_1901, %get3A_1904 : vector<8x128xi32>
      %add3A_1906 = arith.addi %add3A_1905, %mul3A_3 : vector<8x128xi32>
      %get3A_1907 = arith.constant 0 : index
      %get3A_1908 = arith.constant 3968 : index
      %get3A_1909 = vector.load %arg4[%get3A_1907, %get3A_1908] : memref<8x7168xi32, #tpu.memory_space<vmem>>, vector<8x128xi32>
      %mul3A_1910 = arith.constant 512 : i32
      %mul3A_1911 = vector.broadcast %mul3A_1910 : i32 to vector<8x128xi32>
      %mul3A_1912 = arith.muli %get3A_1909, %mul3A_1911 : vector<8x128xi32>
      %get3A_1913 = arith.constant 0 : index
      %get3A_1914 = arith.constant 3968 : index
      %get3A_1915 = vector.load %arg3[%get3A_1913, %get3A_1914] : memref<8x7168xi32, #tpu.memory_space<vmem>>, vector<8x128xi32>
      %add3A_1916 = arith.addi %mul3A_1912, %get3A_1915 : vector<8x128xi32>
      %add3A_1917 = arith.addi %add3A_1916, %mul3A_3 : vector<8x128xi32>
      %mul3A_1918 = arith.constant 7168 : i32
      %mul3A_1919 = arith.muli %arg0, %mul3A_1918 : i32
      %add3A_1920 = arith.constant 3968 : i32
      %add3A_1921 = arith.addi %mul3A_1919, %add3A_1920 : i32
      %add3A_1922 = vector.broadcast %add3A_1921 : i32 to vector<8x128xi32>
      %add3A_1923 = arith.addi %iota3A_4, %add3A_1922 : vector<8x128xi32>
      %lt3A_1924 = arith.constant 50000 : i32
      %lt3A_1925 = vector.broadcast %lt3A_1924 : i32 to vector<8x128xi32>
      %lt3A_1926 = arith.cmpi slt, %add3A_1923, %lt3A_1925 : vector<8x128xi32>
      %jit3A_1927 = arith.constant 0 : i32
      %broadcast_in_dim3A_1928 = vector.broadcast %jit3A_1927 : i32 to vector<8x128xi32>
      %select_n3A_1929 = arith.select %lt3A_1926, %add3A_1906, %broadcast_in_dim3A_1928 : vector<8x128xi1>, vector<8x128xi32>
      %swap3A_1930 = arith.constant 0 : index
      %swap3A_1931 = arith.constant 31 : index
      %swap3A_1932 = arith.constant 0 : index
      %swap3A_1933 = vector.load %arg6[%swap3A_1930, %swap3A_1931, %swap3A_1932] : memref<8x56x128xi32, #tpu.memory_space<vmem>>, vector<8x1x128xi32>
      %swap3A_1934 = vector.shape_cast %swap3A_1933 : vector<8x1x128xi32> to vector<8x128xi32>
      %swap3A_1935 = vector.shape_cast %select_n3A_1929 : vector<8x128xi32> to vector<8x1x128xi32>
      tpu.vector_store %arg6[%swap3A_1930, %swap3A_1931, %swap3A_1932], %swap3A_1935 {strides = array<i32>} : memref<8x56x128xi32, #tpu.memory_space<vmem>>, vector<8x1x128xi32>,
      %jit3A_1936 = arith.constant 0 : i32
      %broadcast_in_dim3A_1937 = vector.broadcast %jit3A_1936 : i32 to vector<8x128xi32>
      %select_n3A_1938 = arith.select %lt3A_1926, %add3A_1917, %broadcast_in_dim3A_1937 : vector<8x128xi1>, vector<8x128xi32>
      %swap3A_1939 = arith.constant 0 : index
      %swap3A_1940 = arith.constant 31 : index
      %swap3A_1941 = arith.constant 0 : index
      %swap3A_1942 = vector.load %arg7[%swap3A_1939, %swap3A_1940, %swap3A_1941] : memref<8x56x128xi32, #tpu.memory_space<vmem>>, vector<8x1x128xi32>
      %swap3A_1943 = vector.shape_cast %swap3A_1942 : vector<8x1x128xi32> to vector<8x128xi32>
      %swap3A_1944 = vector.shape_cast %select_n3A_1938 : vector<8x128xi32> to vector<8x1x128xi32>
      tpu.vector_store %arg7[%swap3A_1939, %swap3A_1940, %swap3A_1941], %swap3A_1944 {strides = array<i32>} : memref<8x56x128xi32, #tpu.memory_space<vmem>>, vector<8x1x128xi32>,
      %get3A_1945 = arith.constant 0 : index
      %get3A_1946 = arith.constant 3968 : index
      %get3A_1947 = vector.load %arg5[%get3A_1945, %get3A_1946] : memref<8x7168xf32, #tpu.memory_space<vmem>>, vector<8x128xf32>
      %jit3A_1948 = arith.constant 0.000000e+00 : f32
      %broadcast_in_dim3A_1949 = vector.broadcast %jit3A_1948 : f32 to vector<8x128xf32>
      %select_n3A_1950 = arith.select %lt3A_1926, %get3A_1947, %broadcast_in_dim3A_1949 : vector<8x128xi1>, vector<8x128xf32>
      %swap3A_1951 = arith.constant 0 : index
      %swap3A_1952 = arith.constant 31 : index
      %swap3A_1953 = arith.constant 0 : index
      %swap3A_1954 = vector.load %arg8[%swap3A_1951, %swap3A_1952, %swap3A_1953] : memref<8x56x128xf32, #tpu.memory_space<vmem>>, vector<8x1x128xf32>
      %swap3A_1955 = vector.shape_cast %swap3A_1954 : vector<8x1x128xf32> to vector<8x128xf32>
      %swap3A_1956 = vector.shape_cast %select_n3A_1950 : vector<8x128xf32> to vector<8x1x128xf32>
      tpu.vector_store %arg8[%swap3A_1951, %swap3A_1952, %swap3A_1953], %swap3A_1956 {strides = array<i32>} : memref<8x56x128xf32, #tpu.memory_space<vmem>>, vector<8x1x128xf32>,
      %get3A_1957 = arith.constant 0 : index
      %get3A_1958 = arith.constant 4096 : index
      %get3A_1959 = vector.load %arg2[%get3A_1957, %get3A_1958] : memref<8x7168xi32, #tpu.memory_space<vmem>>, vector<8x128xi32>
      %mul3A_1960 = arith.constant 512 : i32
      %mul3A_1961 = vector.broadcast %mul3A_1960 : i32 to vector<8x128xi32>
      %mul3A_1962 = arith.muli %get3A_1959, %mul3A_1961 : vector<8x128xi32>
      %get3A_1963 = arith.constant 0 : index
      %get3A_1964 = arith.constant 4096 : index
      %get3A_1965 = vector.load %arg1[%get3A_1963, %get3A_1964] : memref<8x7168xi32, #tpu.memory_space<vmem>>, vector<8x128xi32>
      %add3A_1966 = arith.addi %mul3A_1962, %get3A_1965 : vector<8x128xi32>
      %add3A_1967 = arith.addi %add3A_1966, %mul3A_3 : vector<8x128xi32>
      %get3A_1968 = arith.constant 0 : index
      %get3A_1969 = arith.constant 4096 : index
      %get3A_1970 = vector.load %arg4[%get3A_1968, %get3A_1969] : memref<8x7168xi32, #tpu.memory_space<vmem>>, vector<8x128xi32>
      %mul3A_1971 = arith.constant 512 : i32
      %mul3A_1972 = vector.broadcast %mul3A_1971 : i32 to vector<8x128xi32>
      %mul3A_1973 = arith.muli %get3A_1970, %mul3A_1972 : vector<8x128xi32>
      %get3A_1974 = arith.constant 0 : index
      %get3A_1975 = arith.constant 4096 : index
      %get3A_1976 = vector.load %arg3[%get3A_1974, %get3A_1975] : memref<8x7168xi32, #tpu.memory_space<vmem>>, vector<8x128xi32>
      %add3A_1977 = arith.addi %mul3A_1973, %get3A_1976 : vector<8x128xi32>
      %add3A_1978 = arith.addi %add3A_1977, %mul3A_3 : vector<8x128xi32>
      %mul3A_1979 = arith.constant 7168 : i32
      %mul3A_1980 = arith.muli %arg0, %mul3A_1979 : i32
      %add3A_1981 = arith.constant 4096 : i32
      %add3A_1982 = arith.addi %mul3A_1980, %add3A_1981 : i32
      %add3A_1983 = vector.broadcast %add3A_1982 : i32 to vector<8x128xi32>
      %add3A_1984 = arith.addi %iota3A_4, %add3A_1983 : vector<8x128xi32>
      %lt3A_1985 = arith.constant 50000 : i32
      %lt3A_1986 = vector.broadcast %lt3A_1985 : i32 to vector<8x128xi32>
      %lt3A_1987 = arith.cmpi slt, %add3A_1984, %lt3A_1986 : vector<8x128xi32>
      %jit3A_1988 = arith.constant 0 : i32
      %broadcast_in_dim3A_1989 = vector.broadcast %jit3A_1988 : i32 to vector<8x128xi32>
      %select_n3A_1990 = arith.select %lt3A_1987, %add3A_1967, %broadcast_in_dim3A_1989 : vector<8x128xi1>, vector<8x128xi32>
      %swap3A_1991 = arith.constant 0 : index
      %swap3A_1992 = arith.constant 32 : index
      %swap3A_1993 = arith.constant 0 : index
      %swap3A_1994 = vector.load %arg6[%swap3A_1991, %swap3A_1992, %swap3A_1993] : memref<8x56x128xi32, #tpu.memory_space<vmem>>, vector<8x1x128xi32>
      %swap3A_1995 = vector.shape_cast %swap3A_1994 : vector<8x1x128xi32> to vector<8x128xi32>
      %swap3A_1996 = vector.shape_cast %select_n3A_1990 : vector<8x128xi32> to vector<8x1x128xi32>
      tpu.vector_store %arg6[%swap3A_1991, %swap3A_1992, %swap3A_1993], %swap3A_1996 {strides = array<i32>} : memref<8x56x128xi32, #tpu.memory_space<vmem>>, vector<8x1x128xi32>,
      %jit3A_1997 = arith.constant 0 : i32
      %broadcast_in_dim3A_1998 = vector.broadcast %jit3A_1997 : i32 to vector<8x128xi32>
      %select_n3A_1999 = arith.select %lt3A_1987, %add3A_1978, %broadcast_in_dim3A_1998 : vector<8x128xi1>, vector<8x128xi32>
      %swap3A_2000 = arith.constant 0 : index
      %swap3A_2001 = arith.constant 32 : index
      %swap3A_2002 = arith.constant 0 : index
      %swap3A_2003 = vector.load %arg7[%swap3A_2000, %swap3A_2001, %swap3A_2002] : memref<8x56x128xi32, #tpu.memory_space<vmem>>, vector<8x1x128xi32>
      %swap3A_2004 = vector.shape_cast %swap3A_2003 : vector<8x1x128xi32> to vector<8x128xi32>
      %swap3A_2005 = vector.shape_cast %select_n3A_1999 : vector<8x128xi32> to vector<8x1x128xi32>
      tpu.vector_store %arg7[%swap3A_2000, %swap3A_2001, %swap3A_2002], %swap3A_2005 {strides = array<i32>} : memref<8x56x128xi32, #tpu.memory_space<vmem>>, vector<8x1x128xi32>,
      %get3A_2006 = arith.constant 0 : index
      %get3A_2007 = arith.constant 4096 : index
      %get3A_2008 = vector.load %arg5[%get3A_2006, %get3A_2007] : memref<8x7168xf32, #tpu.memory_space<vmem>>, vector<8x128xf32>
      %jit3A_2009 = arith.constant 0.000000e+00 : f32
      %broadcast_in_dim3A_2010 = vector.broadcast %jit3A_2009 : f32 to vector<8x128xf32>
      %select_n3A_2011 = arith.select %lt3A_1987, %get3A_2008, %broadcast_in_dim3A_2010 : vector<8x128xi1>, vector<8x128xf32>
      %swap3A_2012 = arith.constant 0 : index
      %swap3A_2013 = arith.constant 32 : index
      %swap3A_2014 = arith.constant 0 : index
      %swap3A_2015 = vector.load %arg8[%swap3A_2012, %swap3A_2013, %swap3A_2014] : memref<8x56x128xf32, #tpu.memory_space<vmem>>, vector<8x1x128xf32>
      %swap3A_2016 = vector.shape_cast %swap3A_2015 : vector<8x1x128xf32> to vector<8x128xf32>
      %swap3A_2017 = vector.shape_cast %select_n3A_2011 : vector<8x128xf32> to vector<8x1x128xf32>
      tpu.vector_store %arg8[%swap3A_2012, %swap3A_2013, %swap3A_2014], %swap3A_2017 {strides = array<i32>} : memref<8x56x128xf32, #tpu.memory_space<vmem>>, vector<8x1x128xf32>,
      %get3A_2018 = arith.constant 0 : index
      %get3A_2019 = arith.constant 4224 : index
      %get3A_2020 = vector.load %arg2[%get3A_2018, %get3A_2019] : memref<8x7168xi32, #tpu.memory_space<vmem>>, vector<8x128xi32>
      %mul3A_2021 = arith.constant 512 : i32
      %mul3A_2022 = vector.broadcast %mul3A_2021 : i32 to vector<8x128xi32>
      %mul3A_2023 = arith.muli %get3A_2020, %mul3A_2022 : vector<8x128xi32>
      %get3A_2024 = arith.constant 0 : index
      %get3A_2025 = arith.constant 4224 : index
      %get3A_2026 = vector.load %arg1[%get3A_2024, %get3A_2025] : memref<8x7168xi32, #tpu.memory_space<vmem>>, vector<8x128xi32>
      %add3A_2027 = arith.addi %mul3A_2023, %get3A_2026 : vector<8x128xi32>
      %add3A_2028 = arith.addi %add3A_2027, %mul3A_3 : vector<8x128xi32>
      %get3A_2029 = arith.constant 0 : index
      %get3A_2030 = arith.constant 4224 : index
      %get3A_2031 = vector.load %arg4[%get3A_2029, %get3A_2030] : memref<8x7168xi32, #tpu.memory_space<vmem>>, vector<8x128xi32>
      %mul3A_2032 = arith.constant 512 : i32
      %mul3A_2033 = vector.broadcast %mul3A_2032 : i32 to vector<8x128xi32>
      %mul3A_2034 = arith.muli %get3A_2031, %mul3A_2033 : vector<8x128xi32>
      %get3A_2035 = arith.constant 0 : index
      %get3A_2036 = arith.constant 4224 : index
      %get3A_2037 = vector.load %arg3[%get3A_2035, %get3A_2036] : memref<8x7168xi32, #tpu.memory_space<vmem>>, vector<8x128xi32>
      %add3A_2038 = arith.addi %mul3A_2034, %get3A_2037 : vector<8x128xi32>
      %add3A_2039 = arith.addi %add3A_2038, %mul3A_3 : vector<8x128xi32>
      %mul3A_2040 = arith.constant 7168 : i32
      %mul3A_2041 = arith.muli %arg0, %mul3A_2040 : i32
      %add3A_2042 = arith.constant 4224 : i32
      %add3A_2043 = arith.addi %mul3A_2041, %add3A_2042 : i32
      %add3A_2044 = vector.broadcast %add3A_2043 : i32 to vector<8x128xi32>
      %add3A_2045 = arith.addi %iota3A_4, %add3A_2044 : vector<8x128xi32>
      %lt3A_2046 = arith.constant 50000 : i32
      %lt3A_2047 = vector.broadcast %lt3A_2046 : i32 to vector<8x128xi32>
      %lt3A_2048 = arith.cmpi slt, %add3A_2045, %lt3A_2047 : vector<8x128xi32>
      %jit3A_2049 = arith.constant 0 : i32
      %broadcast_in_dim3A_2050 = vector.broadcast %jit3A_2049 : i32 to vector<8x128xi32>
      %select_n3A_2051 = arith.select %lt3A_2048, %add3A_2028, %broadcast_in_dim3A_2050 : vector<8x128xi1>, vector<8x128xi32>
      %swap3A_2052 = arith.constant 0 : index
      %swap3A_2053 = arith.constant 33 : index
      %swap3A_2054 = arith.constant 0 : index
      %swap3A_2055 = vector.load %arg6[%swap3A_2052, %swap3A_2053, %swap3A_2054] : memref<8x56x128xi32, #tpu.memory_space<vmem>>, vector<8x1x128xi32>
      %swap3A_2056 = vector.shape_cast %swap3A_2055 : vector<8x1x128xi32> to vector<8x128xi32>
      %swap3A_2057 = vector.shape_cast %select_n3A_2051 : vector<8x128xi32> to vector<8x1x128xi32>
      tpu.vector_store %arg6[%swap3A_2052, %swap3A_2053, %swap3A_2054], %swap3A_2057 {strides = array<i32>} : memref<8x56x128xi32, #tpu.memory_space<vmem>>, vector<8x1x128xi32>,
      %jit3A_2058 = arith.constant 0 : i32
      %broadcast_in_dim3A_2059 = vector.broadcast %jit3A_2058 : i32 to vector<8x128xi32>
      %select_n3A_2060 = arith.select %lt3A_2048, %add3A_2039, %broadcast_in_dim3A_2059 : vector<8x128xi1>, vector<8x128xi32>
      %swap3A_2061 = arith.constant 0 : index
      %swap3A_2062 = arith.constant 33 : index
      %swap3A_2063 = arith.constant 0 : index
      %swap3A_2064 = vector.load %arg7[%swap3A_2061, %swap3A_2062, %swap3A_2063] : memref<8x56x128xi32, #tpu.memory_space<vmem>>, vector<8x1x128xi32>
      %swap3A_2065 = vector.shape_cast %swap3A_2064 : vector<8x1x128xi32> to vector<8x128xi32>
      %swap3A_2066 = vector.shape_cast %select_n3A_2060 : vector<8x128xi32> to vector<8x1x128xi32>
      tpu.vector_store %arg7[%swap3A_2061, %swap3A_2062, %swap3A_2063], %swap3A_2066 {strides = array<i32>} : memref<8x56x128xi32, #tpu.memory_space<vmem>>, vector<8x1x128xi32>,
      %get3A_2067 = arith.constant 0 : index
      %get3A_2068 = arith.constant 4224 : index
      %get3A_2069 = vector.load %arg5[%get3A_2067, %get3A_2068] : memref<8x7168xf32, #tpu.memory_space<vmem>>, vector<8x128xf32>
      %jit3A_2070 = arith.constant 0.000000e+00 : f32
      %broadcast_in_dim3A_2071 = vector.broadcast %jit3A_2070 : f32 to vector<8x128xf32>
      %select_n3A_2072 = arith.select %lt3A_2048, %get3A_2069, %broadcast_in_dim3A_2071 : vector<8x128xi1>, vector<8x128xf32>
      %swap3A_2073 = arith.constant 0 : index
      %swap3A_2074 = arith.constant 33 : index
      %swap3A_2075 = arith.constant 0 : index
      %swap3A_2076 = vector.load %arg8[%swap3A_2073, %swap3A_2074, %swap3A_2075] : memref<8x56x128xf32, #tpu.memory_space<vmem>>, vector<8x1x128xf32>
      %swap3A_2077 = vector.shape_cast %swap3A_2076 : vector<8x1x128xf32> to vector<8x128xf32>
      %swap3A_2078 = vector.shape_cast %select_n3A_2072 : vector<8x128xf32> to vector<8x1x128xf32>
      tpu.vector_store %arg8[%swap3A_2073, %swap3A_2074, %swap3A_2075], %swap3A_2078 {strides = array<i32>} : memref<8x56x128xf32, #tpu.memory_space<vmem>>, vector<8x1x128xf32>,
      %get3A_2079 = arith.constant 0 : index
      %get3A_2080 = arith.constant 4352 : index
      %get3A_2081 = vector.load %arg2[%get3A_2079, %get3A_2080] : memref<8x7168xi32, #tpu.memory_space<vmem>>, vector<8x128xi32>
      %mul3A_2082 = arith.constant 512 : i32
      %mul3A_2083 = vector.broadcast %mul3A_2082 : i32 to vector<8x128xi32>
      %mul3A_2084 = arith.muli %get3A_2081, %mul3A_2083 : vector<8x128xi32>
      %get3A_2085 = arith.constant 0 : index
      %get3A_2086 = arith.constant 4352 : index
      %get3A_2087 = vector.load %arg1[%get3A_2085, %get3A_2086] : memref<8x7168xi32, #tpu.memory_space<vmem>>, vector<8x128xi32>
      %add3A_2088 = arith.addi %mul3A_2084, %get3A_2087 : vector<8x128xi32>
      %add3A_2089 = arith.addi %add3A_2088, %mul3A_3 : vector<8x128xi32>
      %get3A_2090 = arith.constant 0 : index
      %get3A_2091 = arith.constant 4352 : index
      %get3A_2092 = vector.load %arg4[%get3A_2090, %get3A_2091] : memref<8x7168xi32, #tpu.memory_space<vmem>>, vector<8x128xi32>
      %mul3A_2093 = arith.constant 512 : i32
      %mul3A_2094 = vector.broadcast %mul3A_2093 : i32 to vector<8x128xi32>
      %mul3A_2095 = arith.muli %get3A_2092, %mul3A_2094 : vector<8x128xi32>
      %get3A_2096 = arith.constant 0 : index
      %get3A_2097 = arith.constant 4352 : index
      %get3A_2098 = vector.load %arg3[%get3A_2096, %get3A_2097] : memref<8x7168xi32, #tpu.memory_space<vmem>>, vector<8x128xi32>
      %add3A_2099 = arith.addi %mul3A_2095, %get3A_2098 : vector<8x128xi32>
      %add3A_2100 = arith.addi %add3A_2099, %mul3A_3 : vector<8x128xi32>
      %mul3A_2101 = arith.constant 7168 : i32
      %mul3A_2102 = arith.muli %arg0, %mul3A_2101 : i32
      %add3A_2103 = arith.constant 4352 : i32
      %add3A_2104 = arith.addi %mul3A_2102, %add3A_2103 : i32
      %add3A_2105 = vector.broadcast %add3A_2104 : i32 to vector<8x128xi32>
      %add3A_2106 = arith.addi %iota3A_4, %add3A_2105 : vector<8x128xi32>
      %lt3A_2107 = arith.constant 50000 : i32
      %lt3A_2108 = vector.broadcast %lt3A_2107 : i32 to vector<8x128xi32>
      %lt3A_2109 = arith.cmpi slt, %add3A_2106, %lt3A_2108 : vector<8x128xi32>
      %jit3A_2110 = arith.constant 0 : i32
      %broadcast_in_dim3A_2111 = vector.broadcast %jit3A_2110 : i32 to vector<8x128xi32>
      %select_n3A_2112 = arith.select %lt3A_2109, %add3A_2089, %broadcast_in_dim3A_2111 : vector<8x128xi1>, vector<8x128xi32>
      %swap3A_2113 = arith.constant 0 : index
      %swap3A_2114 = arith.constant 34 : index
      %swap3A_2115 = arith.constant 0 : index
      %swap3A_2116 = vector.load %arg6[%swap3A_2113, %swap3A_2114, %swap3A_2115] : memref<8x56x128xi32, #tpu.memory_space<vmem>>, vector<8x1x128xi32>
      %swap3A_2117 = vector.shape_cast %swap3A_2116 : vector<8x1x128xi32> to vector<8x128xi32>
      %swap3A_2118 = vector.shape_cast %select_n3A_2112 : vector<8x128xi32> to vector<8x1x128xi32>
      tpu.vector_store %arg6[%swap3A_2113, %swap3A_2114, %swap3A_2115], %swap3A_2118 {strides = array<i32>} : memref<8x56x128xi32, #tpu.memory_space<vmem>>, vector<8x1x128xi32>,
      %jit3A_2119 = arith.constant 0 : i32
      %broadcast_in_dim3A_2120 = vector.broadcast %jit3A_2119 : i32 to vector<8x128xi32>
      %select_n3A_2121 = arith.select %lt3A_2109, %add3A_2100, %broadcast_in_dim3A_2120 : vector<8x128xi1>, vector<8x128xi32>
      %swap3A_2122 = arith.constant 0 : index
      %swap3A_2123 = arith.constant 34 : index
      %swap3A_2124 = arith.constant 0 : index
      %swap3A_2125 = vector.load %arg7[%swap3A_2122, %swap3A_2123, %swap3A_2124] : memref<8x56x128xi32, #tpu.memory_space<vmem>>, vector<8x1x128xi32>
      %swap3A_2126 = vector.shape_cast %swap3A_2125 : vector<8x1x128xi32> to vector<8x128xi32>
      %swap3A_2127 = vector.shape_cast %select_n3A_2121 : vector<8x128xi32> to vector<8x1x128xi32>
      tpu.vector_store %arg7[%swap3A_2122, %swap3A_2123, %swap3A_2124], %swap3A_2127 {strides = array<i32>} : memref<8x56x128xi32, #tpu.memory_space<vmem>>, vector<8x1x128xi32>,
      %get3A_2128 = arith.constant 0 : index
      %get3A_2129 = arith.constant 4352 : index
      %get3A_2130 = vector.load %arg5[%get3A_2128, %get3A_2129] : memref<8x7168xf32, #tpu.memory_space<vmem>>, vector<8x128xf32>
      %jit3A_2131 = arith.constant 0.000000e+00 : f32
      %broadcast_in_dim3A_2132 = vector.broadcast %jit3A_2131 : f32 to vector<8x128xf32>
      %select_n3A_2133 = arith.select %lt3A_2109, %get3A_2130, %broadcast_in_dim3A_2132 : vector<8x128xi1>, vector<8x128xf32>
      %swap3A_2134 = arith.constant 0 : index
      %swap3A_2135 = arith.constant 34 : index
      %swap3A_2136 = arith.constant 0 : index
      %swap3A_2137 = vector.load %arg8[%swap3A_2134, %swap3A_2135, %swap3A_2136] : memref<8x56x128xf32, #tpu.memory_space<vmem>>, vector<8x1x128xf32>
      %swap3A_2138 = vector.shape_cast %swap3A_2137 : vector<8x1x128xf32> to vector<8x128xf32>
      %swap3A_2139 = vector.shape_cast %select_n3A_2133 : vector<8x128xf32> to vector<8x1x128xf32>
      tpu.vector_store %arg8[%swap3A_2134, %swap3A_2135, %swap3A_2136], %swap3A_2139 {strides = array<i32>} : memref<8x56x128xf32, #tpu.memory_space<vmem>>, vector<8x1x128xf32>,
      %get3A_2140 = arith.constant 0 : index
      %get3A_2141 = arith.constant 4480 : index
      %get3A_2142 = vector.load %arg2[%get3A_2140, %get3A_2141] : memref<8x7168xi32, #tpu.memory_space<vmem>>, vector<8x128xi32>
      %mul3A_2143 = arith.constant 512 : i32
      %mul3A_2144 = vector.broadcast %mul3A_2143 : i32 to vector<8x128xi32>
      %mul3A_2145 = arith.muli %get3A_2142, %mul3A_2144 : vector<8x128xi32>
      %get3A_2146 = arith.constant 0 : index
      %get3A_2147 = arith.constant 4480 : index
      %get3A_2148 = vector.load %arg1[%get3A_2146, %get3A_2147] : memref<8x7168xi32, #tpu.memory_space<vmem>>, vector<8x128xi32>
      %add3A_2149 = arith.addi %mul3A_2145, %get3A_2148 : vector<8x128xi32>
      %add3A_2150 = arith.addi %add3A_2149, %mul3A_3 : vector<8x128xi32>
      %get3A_2151 = arith.constant 0 : index
      %get3A_2152 = arith.constant 4480 : index
      %get3A_2153 = vector.load %arg4[%get3A_2151, %get3A_2152] : memref<8x7168xi32, #tpu.memory_space<vmem>>, vector<8x128xi32>
      %mul3A_2154 = arith.constant 512 : i32
      %mul3A_2155 = vector.broadcast %mul3A_2154 : i32 to vector<8x128xi32>
      %mul3A_2156 = arith.muli %get3A_2153, %mul3A_2155 : vector<8x128xi32>
      %get3A_2157 = arith.constant 0 : index
      %get3A_2158 = arith.constant 4480 : index
      %get3A_2159 = vector.load %arg3[%get3A_2157, %get3A_2158] : memref<8x7168xi32, #tpu.memory_space<vmem>>, vector<8x128xi32>
      %add3A_2160 = arith.addi %mul3A_2156, %get3A_2159 : vector<8x128xi32>
      %add3A_2161 = arith.addi %add3A_2160, %mul3A_3 : vector<8x128xi32>
      %mul3A_2162 = arith.constant 7168 : i32
      %mul3A_2163 = arith.muli %arg0, %mul3A_2162 : i32
      %add3A_2164 = arith.constant 4480 : i32
      %add3A_2165 = arith.addi %mul3A_2163, %add3A_2164 : i32
      %add3A_2166 = vector.broadcast %add3A_2165 : i32 to vector<8x128xi32>
      %add3A_2167 = arith.addi %iota3A_4, %add3A_2166 : vector<8x128xi32>
      %lt3A_2168 = arith.constant 50000 : i32
      %lt3A_2169 = vector.broadcast %lt3A_2168 : i32 to vector<8x128xi32>
      %lt3A_2170 = arith.cmpi slt, %add3A_2167, %lt3A_2169 : vector<8x128xi32>
      %jit3A_2171 = arith.constant 0 : i32
      %broadcast_in_dim3A_2172 = vector.broadcast %jit3A_2171 : i32 to vector<8x128xi32>
      %select_n3A_2173 = arith.select %lt3A_2170, %add3A_2150, %broadcast_in_dim3A_2172 : vector<8x128xi1>, vector<8x128xi32>
      %swap3A_2174 = arith.constant 0 : index
      %swap3A_2175 = arith.constant 35 : index
      %swap3A_2176 = arith.constant 0 : index
      %swap3A_2177 = vector.load %arg6[%swap3A_2174, %swap3A_2175, %swap3A_2176] : memref<8x56x128xi32, #tpu.memory_space<vmem>>, vector<8x1x128xi32>
      %swap3A_2178 = vector.shape_cast %swap3A_2177 : vector<8x1x128xi32> to vector<8x128xi32>
      %swap3A_2179 = vector.shape_cast %select_n3A_2173 : vector<8x128xi32> to vector<8x1x128xi32>
      tpu.vector_store %arg6[%swap3A_2174, %swap3A_2175, %swap3A_2176], %swap3A_2179 {strides = array<i32>} : memref<8x56x128xi32, #tpu.memory_space<vmem>>, vector<8x1x128xi32>,
      %jit3A_2180 = arith.constant 0 : i32
      %broadcast_in_dim3A_2181 = vector.broadcast %jit3A_2180 : i32 to vector<8x128xi32>
      %select_n3A_2182 = arith.select %lt3A_2170, %add3A_2161, %broadcast_in_dim3A_2181 : vector<8x128xi1>, vector<8x128xi32>
      %swap3A_2183 = arith.constant 0 : index
      %swap3A_2184 = arith.constant 35 : index
      %swap3A_2185 = arith.constant 0 : index
      %swap3A_2186 = vector.load %arg7[%swap3A_2183, %swap3A_2184, %swap3A_2185] : memref<8x56x128xi32, #tpu.memory_space<vmem>>, vector<8x1x128xi32>
      %swap3A_2187 = vector.shape_cast %swap3A_2186 : vector<8x1x128xi32> to vector<8x128xi32>
      %swap3A_2188 = vector.shape_cast %select_n3A_2182 : vector<8x128xi32> to vector<8x1x128xi32>
      tpu.vector_store %arg7[%swap3A_2183, %swap3A_2184, %swap3A_2185], %swap3A_2188 {strides = array<i32>} : memref<8x56x128xi32, #tpu.memory_space<vmem>>, vector<8x1x128xi32>,
      %get3A_2189 = arith.constant 0 : index
      %get3A_2190 = arith.constant 4480 : index
      %get3A_2191 = vector.load %arg5[%get3A_2189, %get3A_2190] : memref<8x7168xf32, #tpu.memory_space<vmem>>, vector<8x128xf32>
      %jit3A_2192 = arith.constant 0.000000e+00 : f32
      %broadcast_in_dim3A_2193 = vector.broadcast %jit3A_2192 : f32 to vector<8x128xf32>
      %select_n3A_2194 = arith.select %lt3A_2170, %get3A_2191, %broadcast_in_dim3A_2193 : vector<8x128xi1>, vector<8x128xf32>
      %swap3A_2195 = arith.constant 0 : index
      %swap3A_2196 = arith.constant 35 : index
      %swap3A_2197 = arith.constant 0 : index
      %swap3A_2198 = vector.load %arg8[%swap3A_2195, %swap3A_2196, %swap3A_2197] : memref<8x56x128xf32, #tpu.memory_space<vmem>>, vector<8x1x128xf32>
      %swap3A_2199 = vector.shape_cast %swap3A_2198 : vector<8x1x128xf32> to vector<8x128xf32>
      %swap3A_2200 = vector.shape_cast %select_n3A_2194 : vector<8x128xf32> to vector<8x1x128xf32>
      tpu.vector_store %arg8[%swap3A_2195, %swap3A_2196, %swap3A_2197], %swap3A_2200 {strides = array<i32>} : memref<8x56x128xf32, #tpu.memory_space<vmem>>, vector<8x1x128xf32>,
      %get3A_2201 = arith.constant 0 : index
      %get3A_2202 = arith.constant 4608 : index
      %get3A_2203 = vector.load %arg2[%get3A_2201, %get3A_2202] : memref<8x7168xi32, #tpu.memory_space<vmem>>, vector<8x128xi32>
      %mul3A_2204 = arith.constant 512 : i32
      %mul3A_2205 = vector.broadcast %mul3A_2204 : i32 to vector<8x128xi32>
      %mul3A_2206 = arith.muli %get3A_2203, %mul3A_2205 : vector<8x128xi32>
      %get3A_2207 = arith.constant 0 : index
      %get3A_2208 = arith.constant 4608 : index
      %get3A_2209 = vector.load %arg1[%get3A_2207, %get3A_2208] : memref<8x7168xi32, #tpu.memory_space<vmem>>, vector<8x128xi32>
      %add3A_2210 = arith.addi %mul3A_2206, %get3A_2209 : vector<8x128xi32>
      %add3A_2211 = arith.addi %add3A_2210, %mul3A_3 : vector<8x128xi32>
      %get3A_2212 = arith.constant 0 : index
      %get3A_2213 = arith.constant 4608 : index
      %get3A_2214 = vector.load %arg4[%get3A_2212, %get3A_2213] : memref<8x7168xi32, #tpu.memory_space<vmem>>, vector<8x128xi32>
      %mul3A_2215 = arith.constant 512 : i32
      %mul3A_2216 = vector.broadcast %mul3A_2215 : i32 to vector<8x128xi32>
      %mul3A_2217 = arith.muli %get3A_2214, %mul3A_2216 : vector<8x128xi32>
      %get3A_2218 = arith.constant 0 : index
      %get3A_2219 = arith.constant 4608 : index
      %get3A_2220 = vector.load %arg3[%get3A_2218, %get3A_2219] : memref<8x7168xi32, #tpu.memory_space<vmem>>, vector<8x128xi32>
      %add3A_2221 = arith.addi %mul3A_2217, %get3A_2220 : vector<8x128xi32>
      %add3A_2222 = arith.addi %add3A_2221, %mul3A_3 : vector<8x128xi32>
      %mul3A_2223 = arith.constant 7168 : i32
      %mul3A_2224 = arith.muli %arg0, %mul3A_2223 : i32
      %add3A_2225 = arith.constant 4608 : i32
      %add3A_2226 = arith.addi %mul3A_2224, %add3A_2225 : i32
      %add3A_2227 = vector.broadcast %add3A_2226 : i32 to vector<8x128xi32>
      %add3A_2228 = arith.addi %iota3A_4, %add3A_2227 : vector<8x128xi32>
      %lt3A_2229 = arith.constant 50000 : i32
      %lt3A_2230 = vector.broadcast %lt3A_2229 : i32 to vector<8x128xi32>
      %lt3A_2231 = arith.cmpi slt, %add3A_2228, %lt3A_2230 : vector<8x128xi32>
      %jit3A_2232 = arith.constant 0 : i32
      %broadcast_in_dim3A_2233 = vector.broadcast %jit3A_2232 : i32 to vector<8x128xi32>
      %select_n3A_2234 = arith.select %lt3A_2231, %add3A_2211, %broadcast_in_dim3A_2233 : vector<8x128xi1>, vector<8x128xi32>
      %swap3A_2235 = arith.constant 0 : index
      %swap3A_2236 = arith.constant 36 : index
      %swap3A_2237 = arith.constant 0 : index
      %swap3A_2238 = vector.load %arg6[%swap3A_2235, %swap3A_2236, %swap3A_2237] : memref<8x56x128xi32, #tpu.memory_space<vmem>>, vector<8x1x128xi32>
      %swap3A_2239 = vector.shape_cast %swap3A_2238 : vector<8x1x128xi32> to vector<8x128xi32>
      %swap3A_2240 = vector.shape_cast %select_n3A_2234 : vector<8x128xi32> to vector<8x1x128xi32>
      tpu.vector_store %arg6[%swap3A_2235, %swap3A_2236, %swap3A_2237], %swap3A_2240 {strides = array<i32>} : memref<8x56x128xi32, #tpu.memory_space<vmem>>, vector<8x1x128xi32>,
      %jit3A_2241 = arith.constant 0 : i32
      %broadcast_in_dim3A_2242 = vector.broadcast %jit3A_2241 : i32 to vector<8x128xi32>
      %select_n3A_2243 = arith.select %lt3A_2231, %add3A_2222, %broadcast_in_dim3A_2242 : vector<8x128xi1>, vector<8x128xi32>
      %swap3A_2244 = arith.constant 0 : index
      %swap3A_2245 = arith.constant 36 : index
      %swap3A_2246 = arith.constant 0 : index
      %swap3A_2247 = vector.load %arg7[%swap3A_2244, %swap3A_2245, %swap3A_2246] : memref<8x56x128xi32, #tpu.memory_space<vmem>>, vector<8x1x128xi32>
      %swap3A_2248 = vector.shape_cast %swap3A_2247 : vector<8x1x128xi32> to vector<8x128xi32>
      %swap3A_2249 = vector.shape_cast %select_n3A_2243 : vector<8x128xi32> to vector<8x1x128xi32>
      tpu.vector_store %arg7[%swap3A_2244, %swap3A_2245, %swap3A_2246], %swap3A_2249 {strides = array<i32>} : memref<8x56x128xi32, #tpu.memory_space<vmem>>, vector<8x1x128xi32>,
      %get3A_2250 = arith.constant 0 : index
      %get3A_2251 = arith.constant 4608 : index
      %get3A_2252 = vector.load %arg5[%get3A_2250, %get3A_2251] : memref<8x7168xf32, #tpu.memory_space<vmem>>, vector<8x128xf32>
      %jit3A_2253 = arith.constant 0.000000e+00 : f32
      %broadcast_in_dim3A_2254 = vector.broadcast %jit3A_2253 : f32 to vector<8x128xf32>
      %select_n3A_2255 = arith.select %lt3A_2231, %get3A_2252, %broadcast_in_dim3A_2254 : vector<8x128xi1>, vector<8x128xf32>
      %swap3A_2256 = arith.constant 0 : index
      %swap3A_2257 = arith.constant 36 : index
      %swap3A_2258 = arith.constant 0 : index
      %swap3A_2259 = vector.load %arg8[%swap3A_2256, %swap3A_2257, %swap3A_2258] : memref<8x56x128xf32, #tpu.memory_space<vmem>>, vector<8x1x128xf32>
      %swap3A_2260 = vector.shape_cast %swap3A_2259 : vector<8x1x128xf32> to vector<8x128xf32>
      %swap3A_2261 = vector.shape_cast %select_n3A_2255 : vector<8x128xf32> to vector<8x1x128xf32>
      tpu.vector_store %arg8[%swap3A_2256, %swap3A_2257, %swap3A_2258], %swap3A_2261 {strides = array<i32>} : memref<8x56x128xf32, #tpu.memory_space<vmem>>, vector<8x1x128xf32>,
      %get3A_2262 = arith.constant 0 : index
      %get3A_2263 = arith.constant 4736 : index
      %get3A_2264 = vector.load %arg2[%get3A_2262, %get3A_2263] : memref<8x7168xi32, #tpu.memory_space<vmem>>, vector<8x128xi32>
      %mul3A_2265 = arith.constant 512 : i32
      %mul3A_2266 = vector.broadcast %mul3A_2265 : i32 to vector<8x128xi32>
      %mul3A_2267 = arith.muli %get3A_2264, %mul3A_2266 : vector<8x128xi32>
      %get3A_2268 = arith.constant 0 : index
      %get3A_2269 = arith.constant 4736 : index
      %get3A_2270 = vector.load %arg1[%get3A_2268, %get3A_2269] : memref<8x7168xi32, #tpu.memory_space<vmem>>, vector<8x128xi32>
      %add3A_2271 = arith.addi %mul3A_2267, %get3A_2270 : vector<8x128xi32>
      %add3A_2272 = arith.addi %add3A_2271, %mul3A_3 : vector<8x128xi32>
      %get3A_2273 = arith.constant 0 : index
      %get3A_2274 = arith.constant 4736 : index
      %get3A_2275 = vector.load %arg4[%get3A_2273, %get3A_2274] : memref<8x7168xi32, #tpu.memory_space<vmem>>, vector<8x128xi32>
      %mul3A_2276 = arith.constant 512 : i32
      %mul3A_2277 = vector.broadcast %mul3A_2276 : i32 to vector<8x128xi32>
      %mul3A_2278 = arith.muli %get3A_2275, %mul3A_2277 : vector<8x128xi32>
      %get3A_2279 = arith.constant 0 : index
      %get3A_2280 = arith.constant 4736 : index
      %get3A_2281 = vector.load %arg3[%get3A_2279, %get3A_2280] : memref<8x7168xi32, #tpu.memory_space<vmem>>, vector<8x128xi32>
      %add3A_2282 = arith.addi %mul3A_2278, %get3A_2281 : vector<8x128xi32>
      %add3A_2283 = arith.addi %add3A_2282, %mul3A_3 : vector<8x128xi32>
      %mul3A_2284 = arith.constant 7168 : i32
      %mul3A_2285 = arith.muli %arg0, %mul3A_2284 : i32
      %add3A_2286 = arith.constant 4736 : i32
      %add3A_2287 = arith.addi %mul3A_2285, %add3A_2286 : i32
      %add3A_2288 = vector.broadcast %add3A_2287 : i32 to vector<8x128xi32>
      %add3A_2289 = arith.addi %iota3A_4, %add3A_2288 : vector<8x128xi32>
      %lt3A_2290 = arith.constant 50000 : i32
      %lt3A_2291 = vector.broadcast %lt3A_2290 : i32 to vector<8x128xi32>
      %lt3A_2292 = arith.cmpi slt, %add3A_2289, %lt3A_2291 : vector<8x128xi32>
      %jit3A_2293 = arith.constant 0 : i32
      %broadcast_in_dim3A_2294 = vector.broadcast %jit3A_2293 : i32 to vector<8x128xi32>
      %select_n3A_2295 = arith.select %lt3A_2292, %add3A_2272, %broadcast_in_dim3A_2294 : vector<8x128xi1>, vector<8x128xi32>
      %swap3A_2296 = arith.constant 0 : index
      %swap3A_2297 = arith.constant 37 : index
      %swap3A_2298 = arith.constant 0 : index
      %swap3A_2299 = vector.load %arg6[%swap3A_2296, %swap3A_2297, %swap3A_2298] : memref<8x56x128xi32, #tpu.memory_space<vmem>>, vector<8x1x128xi32>
      %swap3A_2300 = vector.shape_cast %swap3A_2299 : vector<8x1x128xi32> to vector<8x128xi32>
      %swap3A_2301 = vector.shape_cast %select_n3A_2295 : vector<8x128xi32> to vector<8x1x128xi32>
      tpu.vector_store %arg6[%swap3A_2296, %swap3A_2297, %swap3A_2298], %swap3A_2301 {strides = array<i32>} : memref<8x56x128xi32, #tpu.memory_space<vmem>>, vector<8x1x128xi32>,
      %jit3A_2302 = arith.constant 0 : i32
      %broadcast_in_dim3A_2303 = vector.broadcast %jit3A_2302 : i32 to vector<8x128xi32>
      %select_n3A_2304 = arith.select %lt3A_2292, %add3A_2283, %broadcast_in_dim3A_2303 : vector<8x128xi1>, vector<8x128xi32>
      %swap3A_2305 = arith.constant 0 : index
      %swap3A_2306 = arith.constant 37 : index
      %swap3A_2307 = arith.constant 0 : index
      %swap3A_2308 = vector.load %arg7[%swap3A_2305, %swap3A_2306, %swap3A_2307] : memref<8x56x128xi32, #tpu.memory_space<vmem>>, vector<8x1x128xi32>
      %swap3A_2309 = vector.shape_cast %swap3A_2308 : vector<8x1x128xi32> to vector<8x128xi32>
      %swap3A_2310 = vector.shape_cast %select_n3A_2304 : vector<8x128xi32> to vector<8x1x128xi32>
      tpu.vector_store %arg7[%swap3A_2305, %swap3A_2306, %swap3A_2307], %swap3A_2310 {strides = array<i32>} : memref<8x56x128xi32, #tpu.memory_space<vmem>>, vector<8x1x128xi32>,
      %get3A_2311 = arith.constant 0 : index
      %get3A_2312 = arith.constant 4736 : index
      %get3A_2313 = vector.load %arg5[%get3A_2311, %get3A_2312] : memref<8x7168xf32, #tpu.memory_space<vmem>>, vector<8x128xf32>
      %jit3A_2314 = arith.constant 0.000000e+00 : f32
      %broadcast_in_dim3A_2315 = vector.broadcast %jit3A_2314 : f32 to vector<8x128xf32>
      %select_n3A_2316 = arith.select %lt3A_2292, %get3A_2313, %broadcast_in_dim3A_2315 : vector<8x128xi1>, vector<8x128xf32>
      %swap3A_2317 = arith.constant 0 : index
      %swap3A_2318 = arith.constant 37 : index
      %swap3A_2319 = arith.constant 0 : index
      %swap3A_2320 = vector.load %arg8[%swap3A_2317, %swap3A_2318, %swap3A_2319] : memref<8x56x128xf32, #tpu.memory_space<vmem>>, vector<8x1x128xf32>
      %swap3A_2321 = vector.shape_cast %swap3A_2320 : vector<8x1x128xf32> to vector<8x128xf32>
      %swap3A_2322 = vector.shape_cast %select_n3A_2316 : vector<8x128xf32> to vector<8x1x128xf32>
      tpu.vector_store %arg8[%swap3A_2317, %swap3A_2318, %swap3A_2319], %swap3A_2322 {strides = array<i32>} : memref<8x56x128xf32, #tpu.memory_space<vmem>>, vector<8x1x128xf32>,
      %get3A_2323 = arith.constant 0 : index
      %get3A_2324 = arith.constant 4864 : index
      %get3A_2325 = vector.load %arg2[%get3A_2323, %get3A_2324] : memref<8x7168xi32, #tpu.memory_space<vmem>>, vector<8x128xi32>
      %mul3A_2326 = arith.constant 512 : i32
      %mul3A_2327 = vector.broadcast %mul3A_2326 : i32 to vector<8x128xi32>
      %mul3A_2328 = arith.muli %get3A_2325, %mul3A_2327 : vector<8x128xi32>
      %get3A_2329 = arith.constant 0 : index
      %get3A_2330 = arith.constant 4864 : index
      %get3A_2331 = vector.load %arg1[%get3A_2329, %get3A_2330] : memref<8x7168xi32, #tpu.memory_space<vmem>>, vector<8x128xi32>
      %add3A_2332 = arith.addi %mul3A_2328, %get3A_2331 : vector<8x128xi32>
      %add3A_2333 = arith.addi %add3A_2332, %mul3A_3 : vector<8x128xi32>
      %get3A_2334 = arith.constant 0 : index
      %get3A_2335 = arith.constant 4864 : index
      %get3A_2336 = vector.load %arg4[%get3A_2334, %get3A_2335] : memref<8x7168xi32, #tpu.memory_space<vmem>>, vector<8x128xi32>
      %mul3A_2337 = arith.constant 512 : i32
      %mul3A_2338 = vector.broadcast %mul3A_2337 : i32 to vector<8x128xi32>
      %mul3A_2339 = arith.muli %get3A_2336, %mul3A_2338 : vector<8x128xi32>
      %get3A_2340 = arith.constant 0 : index
      %get3A_2341 = arith.constant 4864 : index
      %get3A_2342 = vector.load %arg3[%get3A_2340, %get3A_2341] : memref<8x7168xi32, #tpu.memory_space<vmem>>, vector<8x128xi32>
      %add3A_2343 = arith.addi %mul3A_2339, %get3A_2342 : vector<8x128xi32>
      %add3A_2344 = arith.addi %add3A_2343, %mul3A_3 : vector<8x128xi32>
      %mul3A_2345 = arith.constant 7168 : i32
      %mul3A_2346 = arith.muli %arg0, %mul3A_2345 : i32
      %add3A_2347 = arith.constant 4864 : i32
      %add3A_2348 = arith.addi %mul3A_2346, %add3A_2347 : i32
      %add3A_2349 = vector.broadcast %add3A_2348 : i32 to vector<8x128xi32>
      %add3A_2350 = arith.addi %iota3A_4, %add3A_2349 : vector<8x128xi32>
      %lt3A_2351 = arith.constant 50000 : i32
      %lt3A_2352 = vector.broadcast %lt3A_2351 : i32 to vector<8x128xi32>
      %lt3A_2353 = arith.cmpi slt, %add3A_2350, %lt3A_2352 : vector<8x128xi32>
      %jit3A_2354 = arith.constant 0 : i32
      %broadcast_in_dim3A_2355 = vector.broadcast %jit3A_2354 : i32 to vector<8x128xi32>
      %select_n3A_2356 = arith.select %lt3A_2353, %add3A_2333, %broadcast_in_dim3A_2355 : vector<8x128xi1>, vector<8x128xi32>
      %swap3A_2357 = arith.constant 0 : index
      %swap3A_2358 = arith.constant 38 : index
      %swap3A_2359 = arith.constant 0 : index
      %swap3A_2360 = vector.load %arg6[%swap3A_2357, %swap3A_2358, %swap3A_2359] : memref<8x56x128xi32, #tpu.memory_space<vmem>>, vector<8x1x128xi32>
      %swap3A_2361 = vector.shape_cast %swap3A_2360 : vector<8x1x128xi32> to vector<8x128xi32>
      %swap3A_2362 = vector.shape_cast %select_n3A_2356 : vector<8x128xi32> to vector<8x1x128xi32>
      tpu.vector_store %arg6[%swap3A_2357, %swap3A_2358, %swap3A_2359], %swap3A_2362 {strides = array<i32>} : memref<8x56x128xi32, #tpu.memory_space<vmem>>, vector<8x1x128xi32>,
      %jit3A_2363 = arith.constant 0 : i32
      %broadcast_in_dim3A_2364 = vector.broadcast %jit3A_2363 : i32 to vector<8x128xi32>
      %select_n3A_2365 = arith.select %lt3A_2353, %add3A_2344, %broadcast_in_dim3A_2364 : vector<8x128xi1>, vector<8x128xi32>
      %swap3A_2366 = arith.constant 0 : index
      %swap3A_2367 = arith.constant 38 : index
      %swap3A_2368 = arith.constant 0 : index
      %swap3A_2369 = vector.load %arg7[%swap3A_2366, %swap3A_2367, %swap3A_2368] : memref<8x56x128xi32, #tpu.memory_space<vmem>>, vector<8x1x128xi32>
      %swap3A_2370 = vector.shape_cast %swap3A_2369 : vector<8x1x128xi32> to vector<8x128xi32>
      %swap3A_2371 = vector.shape_cast %select_n3A_2365 : vector<8x128xi32> to vector<8x1x128xi32>
      tpu.vector_store %arg7[%swap3A_2366, %swap3A_2367, %swap3A_2368], %swap3A_2371 {strides = array<i32>} : memref<8x56x128xi32, #tpu.memory_space<vmem>>, vector<8x1x128xi32>,
      %get3A_2372 = arith.constant 0 : index
      %get3A_2373 = arith.constant 4864 : index
      %get3A_2374 = vector.load %arg5[%get3A_2372, %get3A_2373] : memref<8x7168xf32, #tpu.memory_space<vmem>>, vector<8x128xf32>
      %jit3A_2375 = arith.constant 0.000000e+00 : f32
      %broadcast_in_dim3A_2376 = vector.broadcast %jit3A_2375 : f32 to vector<8x128xf32>
      %select_n3A_2377 = arith.select %lt3A_2353, %get3A_2374, %broadcast_in_dim3A_2376 : vector<8x128xi1>, vector<8x128xf32>
      %swap3A_2378 = arith.constant 0 : index
      %swap3A_2379 = arith.constant 38 : index
      %swap3A_2380 = arith.constant 0 : index
      %swap3A_2381 = vector.load %arg8[%swap3A_2378, %swap3A_2379, %swap3A_2380] : memref<8x56x128xf32, #tpu.memory_space<vmem>>, vector<8x1x128xf32>
      %swap3A_2382 = vector.shape_cast %swap3A_2381 : vector<8x1x128xf32> to vector<8x128xf32>
      %swap3A_2383 = vector.shape_cast %select_n3A_2377 : vector<8x128xf32> to vector<8x1x128xf32>
      tpu.vector_store %arg8[%swap3A_2378, %swap3A_2379, %swap3A_2380], %swap3A_2383 {strides = array<i32>} : memref<8x56x128xf32, #tpu.memory_space<vmem>>, vector<8x1x128xf32>,
      %get3A_2384 = arith.constant 0 : index
      %get3A_2385 = arith.constant 4992 : index
      %get3A_2386 = vector.load %arg2[%get3A_2384, %get3A_2385] : memref<8x7168xi32, #tpu.memory_space<vmem>>, vector<8x128xi32>
      %mul3A_2387 = arith.constant 512 : i32
      %mul3A_2388 = vector.broadcast %mul3A_2387 : i32 to vector<8x128xi32>
      %mul3A_2389 = arith.muli %get3A_2386, %mul3A_2388 : vector<8x128xi32>
      %get3A_2390 = arith.constant 0 : index
      %get3A_2391 = arith.constant 4992 : index
      %get3A_2392 = vector.load %arg1[%get3A_2390, %get3A_2391] : memref<8x7168xi32, #tpu.memory_space<vmem>>, vector<8x128xi32>
      %add3A_2393 = arith.addi %mul3A_2389, %get3A_2392 : vector<8x128xi32>
      %add3A_2394 = arith.addi %add3A_2393, %mul3A_3 : vector<8x128xi32>
      %get3A_2395 = arith.constant 0 : index
      %get3A_2396 = arith.constant 4992 : index
      %get3A_2397 = vector.load %arg4[%get3A_2395, %get3A_2396] : memref<8x7168xi32, #tpu.memory_space<vmem>>, vector<8x128xi32>
      %mul3A_2398 = arith.constant 512 : i32
      %mul3A_2399 = vector.broadcast %mul3A_2398 : i32 to vector<8x128xi32>
      %mul3A_2400 = arith.muli %get3A_2397, %mul3A_2399 : vector<8x128xi32>
      %get3A_2401 = arith.constant 0 : index
      %get3A_2402 = arith.constant 4992 : index
      %get3A_2403 = vector.load %arg3[%get3A_2401, %get3A_2402] : memref<8x7168xi32, #tpu.memory_space<vmem>>, vector<8x128xi32>
      %add3A_2404 = arith.addi %mul3A_2400, %get3A_2403 : vector<8x128xi32>
      %add3A_2405 = arith.addi %add3A_2404, %mul3A_3 : vector<8x128xi32>
      %mul3A_2406 = arith.constant 7168 : i32
      %mul3A_2407 = arith.muli %arg0, %mul3A_2406 : i32
      %add3A_2408 = arith.constant 4992 : i32
      %add3A_2409 = arith.addi %mul3A_2407, %add3A_2408 : i32
      %add3A_2410 = vector.broadcast %add3A_2409 : i32 to vector<8x128xi32>
      %add3A_2411 = arith.addi %iota3A_4, %add3A_2410 : vector<8x128xi32>
      %lt3A_2412 = arith.constant 50000 : i32
      %lt3A_2413 = vector.broadcast %lt3A_2412 : i32 to vector<8x128xi32>
      %lt3A_2414 = arith.cmpi slt, %add3A_2411, %lt3A_2413 : vector<8x128xi32>
      %jit3A_2415 = arith.constant 0 : i32
      %broadcast_in_dim3A_2416 = vector.broadcast %jit3A_2415 : i32 to vector<8x128xi32>
      %select_n3A_2417 = arith.select %lt3A_2414, %add3A_2394, %broadcast_in_dim3A_2416 : vector<8x128xi1>, vector<8x128xi32>
      %swap3A_2418 = arith.constant 0 : index
      %swap3A_2419 = arith.constant 39 : index
      %swap3A_2420 = arith.constant 0 : index
      %swap3A_2421 = vector.load %arg6[%swap3A_2418, %swap3A_2419, %swap3A_2420] : memref<8x56x128xi32, #tpu.memory_space<vmem>>, vector<8x1x128xi32>
      %swap3A_2422 = vector.shape_cast %swap3A_2421 : vector<8x1x128xi32> to vector<8x128xi32>
      %swap3A_2423 = vector.shape_cast %select_n3A_2417 : vector<8x128xi32> to vector<8x1x128xi32>
      tpu.vector_store %arg6[%swap3A_2418, %swap3A_2419, %swap3A_2420], %swap3A_2423 {strides = array<i32>} : memref<8x56x128xi32, #tpu.memory_space<vmem>>, vector<8x1x128xi32>,
      %jit3A_2424 = arith.constant 0 : i32
      %broadcast_in_dim3A_2425 = vector.broadcast %jit3A_2424 : i32 to vector<8x128xi32>
      %select_n3A_2426 = arith.select %lt3A_2414, %add3A_2405, %broadcast_in_dim3A_2425 : vector<8x128xi1>, vector<8x128xi32>
      %swap3A_2427 = arith.constant 0 : index
      %swap3A_2428 = arith.constant 39 : index
      %swap3A_2429 = arith.constant 0 : index
      %swap3A_2430 = vector.load %arg7[%swap3A_2427, %swap3A_2428, %swap3A_2429] : memref<8x56x128xi32, #tpu.memory_space<vmem>>, vector<8x1x128xi32>
      %swap3A_2431 = vector.shape_cast %swap3A_2430 : vector<8x1x128xi32> to vector<8x128xi32>
      %swap3A_2432 = vector.shape_cast %select_n3A_2426 : vector<8x128xi32> to vector<8x1x128xi32>
      tpu.vector_store %arg7[%swap3A_2427, %swap3A_2428, %swap3A_2429], %swap3A_2432 {strides = array<i32>} : memref<8x56x128xi32, #tpu.memory_space<vmem>>, vector<8x1x128xi32>,
      %get3A_2433 = arith.constant 0 : index
      %get3A_2434 = arith.constant 4992 : index
      %get3A_2435 = vector.load %arg5[%get3A_2433, %get3A_2434] : memref<8x7168xf32, #tpu.memory_space<vmem>>, vector<8x128xf32>
      %jit3A_2436 = arith.constant 0.000000e+00 : f32
      %broadcast_in_dim3A_2437 = vector.broadcast %jit3A_2436 : f32 to vector<8x128xf32>
      %select_n3A_2438 = arith.select %lt3A_2414, %get3A_2435, %broadcast_in_dim3A_2437 : vector<8x128xi1>, vector<8x128xf32>
      %swap3A_2439 = arith.constant 0 : index
      %swap3A_2440 = arith.constant 39 : index
      %swap3A_2441 = arith.constant 0 : index
      %swap3A_2442 = vector.load %arg8[%swap3A_2439, %swap3A_2440, %swap3A_2441] : memref<8x56x128xf32, #tpu.memory_space<vmem>>, vector<8x1x128xf32>
      %swap3A_2443 = vector.shape_cast %swap3A_2442 : vector<8x1x128xf32> to vector<8x128xf32>
      %swap3A_2444 = vector.shape_cast %select_n3A_2438 : vector<8x128xf32> to vector<8x1x128xf32>
      tpu.vector_store %arg8[%swap3A_2439, %swap3A_2440, %swap3A_2441], %swap3A_2444 {strides = array<i32>} : memref<8x56x128xf32, #tpu.memory_space<vmem>>, vector<8x1x128xf32>,
      %get3A_2445 = arith.constant 0 : index
      %get3A_2446 = arith.constant 5120 : index
      %get3A_2447 = vector.load %arg2[%get3A_2445, %get3A_2446] : memref<8x7168xi32, #tpu.memory_space<vmem>>, vector<8x128xi32>
      %mul3A_2448 = arith.constant 512 : i32
      %mul3A_2449 = vector.broadcast %mul3A_2448 : i32 to vector<8x128xi32>
      %mul3A_2450 = arith.muli %get3A_2447, %mul3A_2449 : vector<8x128xi32>
      %get3A_2451 = arith.constant 0 : index
      %get3A_2452 = arith.constant 5120 : index
      %get3A_2453 = vector.load %arg1[%get3A_2451, %get3A_2452] : memref<8x7168xi32, #tpu.memory_space<vmem>>, vector<8x128xi32>
      %add3A_2454 = arith.addi %mul3A_2450, %get3A_2453 : vector<8x128xi32>
      %add3A_2455 = arith.addi %add3A_2454, %mul3A_3 : vector<8x128xi32>
      %get3A_2456 = arith.constant 0 : index
      %get3A_2457 = arith.constant 5120 : index
      %get3A_2458 = vector.load %arg4[%get3A_2456, %get3A_2457] : memref<8x7168xi32, #tpu.memory_space<vmem>>, vector<8x128xi32>
      %mul3A_2459 = arith.constant 512 : i32
      %mul3A_2460 = vector.broadcast %mul3A_2459 : i32 to vector<8x128xi32>
      %mul3A_2461 = arith.muli %get3A_2458, %mul3A_2460 : vector<8x128xi32>
      %get3A_2462 = arith.constant 0 : index
      %get3A_2463 = arith.constant 5120 : index
      %get3A_2464 = vector.load %arg3[%get3A_2462, %get3A_2463] : memref<8x7168xi32, #tpu.memory_space<vmem>>, vector<8x128xi32>
      %add3A_2465 = arith.addi %mul3A_2461, %get3A_2464 : vector<8x128xi32>
      %add3A_2466 = arith.addi %add3A_2465, %mul3A_3 : vector<8x128xi32>
      %mul3A_2467 = arith.constant 7168 : i32
      %mul3A_2468 = arith.muli %arg0, %mul3A_2467 : i32
      %add3A_2469 = arith.constant 5120 : i32
      %add3A_2470 = arith.addi %mul3A_2468, %add3A_2469 : i32
      %add3A_2471 = vector.broadcast %add3A_2470 : i32 to vector<8x128xi32>
      %add3A_2472 = arith.addi %iota3A_4, %add3A_2471 : vector<8x128xi32>
      %lt3A_2473 = arith.constant 50000 : i32
      %lt3A_2474 = vector.broadcast %lt3A_2473 : i32 to vector<8x128xi32>
      %lt3A_2475 = arith.cmpi slt, %add3A_2472, %lt3A_2474 : vector<8x128xi32>
      %jit3A_2476 = arith.constant 0 : i32
      %broadcast_in_dim3A_2477 = vector.broadcast %jit3A_2476 : i32 to vector<8x128xi32>
      %select_n3A_2478 = arith.select %lt3A_2475, %add3A_2455, %broadcast_in_dim3A_2477 : vector<8x128xi1>, vector<8x128xi32>
      %swap3A_2479 = arith.constant 0 : index
      %swap3A_2480 = arith.constant 40 : index
      %swap3A_2481 = arith.constant 0 : index
      %swap3A_2482 = vector.load %arg6[%swap3A_2479, %swap3A_2480, %swap3A_2481] : memref<8x56x128xi32, #tpu.memory_space<vmem>>, vector<8x1x128xi32>
      %swap3A_2483 = vector.shape_cast %swap3A_2482 : vector<8x1x128xi32> to vector<8x128xi32>
      %swap3A_2484 = vector.shape_cast %select_n3A_2478 : vector<8x128xi32> to vector<8x1x128xi32>
      tpu.vector_store %arg6[%swap3A_2479, %swap3A_2480, %swap3A_2481], %swap3A_2484 {strides = array<i32>} : memref<8x56x128xi32, #tpu.memory_space<vmem>>, vector<8x1x128xi32>,
      %jit3A_2485 = arith.constant 0 : i32
      %broadcast_in_dim3A_2486 = vector.broadcast %jit3A_2485 : i32 to vector<8x128xi32>
      %select_n3A_2487 = arith.select %lt3A_2475, %add3A_2466, %broadcast_in_dim3A_2486 : vector<8x128xi1>, vector<8x128xi32>
      %swap3A_2488 = arith.constant 0 : index
      %swap3A_2489 = arith.constant 40 : index
      %swap3A_2490 = arith.constant 0 : index
      %swap3A_2491 = vector.load %arg7[%swap3A_2488, %swap3A_2489, %swap3A_2490] : memref<8x56x128xi32, #tpu.memory_space<vmem>>, vector<8x1x128xi32>
      %swap3A_2492 = vector.shape_cast %swap3A_2491 : vector<8x1x128xi32> to vector<8x128xi32>
      %swap3A_2493 = vector.shape_cast %select_n3A_2487 : vector<8x128xi32> to vector<8x1x128xi32>
      tpu.vector_store %arg7[%swap3A_2488, %swap3A_2489, %swap3A_2490], %swap3A_2493 {strides = array<i32>} : memref<8x56x128xi32, #tpu.memory_space<vmem>>, vector<8x1x128xi32>,
      %get3A_2494 = arith.constant 0 : index
      %get3A_2495 = arith.constant 5120 : index
      %get3A_2496 = vector.load %arg5[%get3A_2494, %get3A_2495] : memref<8x7168xf32, #tpu.memory_space<vmem>>, vector<8x128xf32>
      %jit3A_2497 = arith.constant 0.000000e+00 : f32
      %broadcast_in_dim3A_2498 = vector.broadcast %jit3A_2497 : f32 to vector<8x128xf32>
      %select_n3A_2499 = arith.select %lt3A_2475, %get3A_2496, %broadcast_in_dim3A_2498 : vector<8x128xi1>, vector<8x128xf32>
      %swap3A_2500 = arith.constant 0 : index
      %swap3A_2501 = arith.constant 40 : index
      %swap3A_2502 = arith.constant 0 : index
      %swap3A_2503 = vector.load %arg8[%swap3A_2500, %swap3A_2501, %swap3A_2502] : memref<8x56x128xf32, #tpu.memory_space<vmem>>, vector<8x1x128xf32>
      %swap3A_2504 = vector.shape_cast %swap3A_2503 : vector<8x1x128xf32> to vector<8x128xf32>
      %swap3A_2505 = vector.shape_cast %select_n3A_2499 : vector<8x128xf32> to vector<8x1x128xf32>
      tpu.vector_store %arg8[%swap3A_2500, %swap3A_2501, %swap3A_2502], %swap3A_2505 {strides = array<i32>} : memref<8x56x128xf32, #tpu.memory_space<vmem>>, vector<8x1x128xf32>,
      %get3A_2506 = arith.constant 0 : index
      %get3A_2507 = arith.constant 5248 : index
      %get3A_2508 = vector.load %arg2[%get3A_2506, %get3A_2507] : memref<8x7168xi32, #tpu.memory_space<vmem>>, vector<8x128xi32>
      %mul3A_2509 = arith.constant 512 : i32
      %mul3A_2510 = vector.broadcast %mul3A_2509 : i32 to vector<8x128xi32>
      %mul3A_2511 = arith.muli %get3A_2508, %mul3A_2510 : vector<8x128xi32>
      %get3A_2512 = arith.constant 0 : index
      %get3A_2513 = arith.constant 5248 : index
      %get3A_2514 = vector.load %arg1[%get3A_2512, %get3A_2513] : memref<8x7168xi32, #tpu.memory_space<vmem>>, vector<8x128xi32>
      %add3A_2515 = arith.addi %mul3A_2511, %get3A_2514 : vector<8x128xi32>
      %add3A_2516 = arith.addi %add3A_2515, %mul3A_3 : vector<8x128xi32>
      %get3A_2517 = arith.constant 0 : index
      %get3A_2518 = arith.constant 5248 : index
      %get3A_2519 = vector.load %arg4[%get3A_2517, %get3A_2518] : memref<8x7168xi32, #tpu.memory_space<vmem>>, vector<8x128xi32>
      %mul3A_2520 = arith.constant 512 : i32
      %mul3A_2521 = vector.broadcast %mul3A_2520 : i32 to vector<8x128xi32>
      %mul3A_2522 = arith.muli %get3A_2519, %mul3A_2521 : vector<8x128xi32>
      %get3A_2523 = arith.constant 0 : index
      %get3A_2524 = arith.constant 5248 : index
      %get3A_2525 = vector.load %arg3[%get3A_2523, %get3A_2524] : memref<8x7168xi32, #tpu.memory_space<vmem>>, vector<8x128xi32>
      %add3A_2526 = arith.addi %mul3A_2522, %get3A_2525 : vector<8x128xi32>
      %add3A_2527 = arith.addi %add3A_2526, %mul3A_3 : vector<8x128xi32>
      %mul3A_2528 = arith.constant 7168 : i32
      %mul3A_2529 = arith.muli %arg0, %mul3A_2528 : i32
      %add3A_2530 = arith.constant 5248 : i32
      %add3A_2531 = arith.addi %mul3A_2529, %add3A_2530 : i32
      %add3A_2532 = vector.broadcast %add3A_2531 : i32 to vector<8x128xi32>
      %add3A_2533 = arith.addi %iota3A_4, %add3A_2532 : vector<8x128xi32>
      %lt3A_2534 = arith.constant 50000 : i32
      %lt3A_2535 = vector.broadcast %lt3A_2534 : i32 to vector<8x128xi32>
      %lt3A_2536 = arith.cmpi slt, %add3A_2533, %lt3A_2535 : vector<8x128xi32>
      %jit3A_2537 = arith.constant 0 : i32
      %broadcast_in_dim3A_2538 = vector.broadcast %jit3A_2537 : i32 to vector<8x128xi32>
      %select_n3A_2539 = arith.select %lt3A_2536, %add3A_2516, %broadcast_in_dim3A_2538 : vector<8x128xi1>, vector<8x128xi32>
      %swap3A_2540 = arith.constant 0 : index
      %swap3A_2541 = arith.constant 41 : index
      %swap3A_2542 = arith.constant 0 : index
      %swap3A_2543 = vector.load %arg6[%swap3A_2540, %swap3A_2541, %swap3A_2542] : memref<8x56x128xi32, #tpu.memory_space<vmem>>, vector<8x1x128xi32>
      %swap3A_2544 = vector.shape_cast %swap3A_2543 : vector<8x1x128xi32> to vector<8x128xi32>
      %swap3A_2545 = vector.shape_cast %select_n3A_2539 : vector<8x128xi32> to vector<8x1x128xi32>
      tpu.vector_store %arg6[%swap3A_2540, %swap3A_2541, %swap3A_2542], %swap3A_2545 {strides = array<i32>} : memref<8x56x128xi32, #tpu.memory_space<vmem>>, vector<8x1x128xi32>,
      %jit3A_2546 = arith.constant 0 : i32
      %broadcast_in_dim3A_2547 = vector.broadcast %jit3A_2546 : i32 to vector<8x128xi32>
      %select_n3A_2548 = arith.select %lt3A_2536, %add3A_2527, %broadcast_in_dim3A_2547 : vector<8x128xi1>, vector<8x128xi32>
      %swap3A_2549 = arith.constant 0 : index
      %swap3A_2550 = arith.constant 41 : index
      %swap3A_2551 = arith.constant 0 : index
      %swap3A_2552 = vector.load %arg7[%swap3A_2549, %swap3A_2550, %swap3A_2551] : memref<8x56x128xi32, #tpu.memory_space<vmem>>, vector<8x1x128xi32>
      %swap3A_2553 = vector.shape_cast %swap3A_2552 : vector<8x1x128xi32> to vector<8x128xi32>
      %swap3A_2554 = vector.shape_cast %select_n3A_2548 : vector<8x128xi32> to vector<8x1x128xi32>
      tpu.vector_store %arg7[%swap3A_2549, %swap3A_2550, %swap3A_2551], %swap3A_2554 {strides = array<i32>} : memref<8x56x128xi32, #tpu.memory_space<vmem>>, vector<8x1x128xi32>,
      %get3A_2555 = arith.constant 0 : index
      %get3A_2556 = arith.constant 5248 : index
      %get3A_2557 = vector.load %arg5[%get3A_2555, %get3A_2556] : memref<8x7168xf32, #tpu.memory_space<vmem>>, vector<8x128xf32>
      %jit3A_2558 = arith.constant 0.000000e+00 : f32
      %broadcast_in_dim3A_2559 = vector.broadcast %jit3A_2558 : f32 to vector<8x128xf32>
      %select_n3A_2560 = arith.select %lt3A_2536, %get3A_2557, %broadcast_in_dim3A_2559 : vector<8x128xi1>, vector<8x128xf32>
      %swap3A_2561 = arith.constant 0 : index
      %swap3A_2562 = arith.constant 41 : index
      %swap3A_2563 = arith.constant 0 : index
      %swap3A_2564 = vector.load %arg8[%swap3A_2561, %swap3A_2562, %swap3A_2563] : memref<8x56x128xf32, #tpu.memory_space<vmem>>, vector<8x1x128xf32>
      %swap3A_2565 = vector.shape_cast %swap3A_2564 : vector<8x1x128xf32> to vector<8x128xf32>
      %swap3A_2566 = vector.shape_cast %select_n3A_2560 : vector<8x128xf32> to vector<8x1x128xf32>
      tpu.vector_store %arg8[%swap3A_2561, %swap3A_2562, %swap3A_2563], %swap3A_2566 {strides = array<i32>} : memref<8x56x128xf32, #tpu.memory_space<vmem>>, vector<8x1x128xf32>,
      %get3A_2567 = arith.constant 0 : index
      %get3A_2568 = arith.constant 5376 : index
      %get3A_2569 = vector.load %arg2[%get3A_2567, %get3A_2568] : memref<8x7168xi32, #tpu.memory_space<vmem>>, vector<8x128xi32>
      %mul3A_2570 = arith.constant 512 : i32
      %mul3A_2571 = vector.broadcast %mul3A_2570 : i32 to vector<8x128xi32>
      %mul3A_2572 = arith.muli %get3A_2569, %mul3A_2571 : vector<8x128xi32>
      %get3A_2573 = arith.constant 0 : index
      %get3A_2574 = arith.constant 5376 : index
      %get3A_2575 = vector.load %arg1[%get3A_2573, %get3A_2574] : memref<8x7168xi32, #tpu.memory_space<vmem>>, vector<8x128xi32>
      %add3A_2576 = arith.addi %mul3A_2572, %get3A_2575 : vector<8x128xi32>
      %add3A_2577 = arith.addi %add3A_2576, %mul3A_3 : vector<8x128xi32>
      %get3A_2578 = arith.constant 0 : index
      %get3A_2579 = arith.constant 5376 : index
      %get3A_2580 = vector.load %arg4[%get3A_2578, %get3A_2579] : memref<8x7168xi32, #tpu.memory_space<vmem>>, vector<8x128xi32>
      %mul3A_2581 = arith.constant 512 : i32
      %mul3A_2582 = vector.broadcast %mul3A_2581 : i32 to vector<8x128xi32>
      %mul3A_2583 = arith.muli %get3A_2580, %mul3A_2582 : vector<8x128xi32>
      %get3A_2584 = arith.constant 0 : index
      %get3A_2585 = arith.constant 5376 : index
      %get3A_2586 = vector.load %arg3[%get3A_2584, %get3A_2585] : memref<8x7168xi32, #tpu.memory_space<vmem>>, vector<8x128xi32>
      %add3A_2587 = arith.addi %mul3A_2583, %get3A_2586 : vector<8x128xi32>
      %add3A_2588 = arith.addi %add3A_2587, %mul3A_3 : vector<8x128xi32>
      %mul3A_2589 = arith.constant 7168 : i32
      %mul3A_2590 = arith.muli %arg0, %mul3A_2589 : i32
      %add3A_2591 = arith.constant 5376 : i32
      %add3A_2592 = arith.addi %mul3A_2590, %add3A_2591 : i32
      %add3A_2593 = vector.broadcast %add3A_2592 : i32 to vector<8x128xi32>
      %add3A_2594 = arith.addi %iota3A_4, %add3A_2593 : vector<8x128xi32>
      %lt3A_2595 = arith.constant 50000 : i32
      %lt3A_2596 = vector.broadcast %lt3A_2595 : i32 to vector<8x128xi32>
      %lt3A_2597 = arith.cmpi slt, %add3A_2594, %lt3A_2596 : vector<8x128xi32>
      %jit3A_2598 = arith.constant 0 : i32
      %broadcast_in_dim3A_2599 = vector.broadcast %jit3A_2598 : i32 to vector<8x128xi32>
      %select_n3A_2600 = arith.select %lt3A_2597, %add3A_2577, %broadcast_in_dim3A_2599 : vector<8x128xi1>, vector<8x128xi32>
      %swap3A_2601 = arith.constant 0 : index
      %swap3A_2602 = arith.constant 42 : index
      %swap3A_2603 = arith.constant 0 : index
      %swap3A_2604 = vector.load %arg6[%swap3A_2601, %swap3A_2602, %swap3A_2603] : memref<8x56x128xi32, #tpu.memory_space<vmem>>, vector<8x1x128xi32>
      %swap3A_2605 = vector.shape_cast %swap3A_2604 : vector<8x1x128xi32> to vector<8x128xi32>
      %swap3A_2606 = vector.shape_cast %select_n3A_2600 : vector<8x128xi32> to vector<8x1x128xi32>
      tpu.vector_store %arg6[%swap3A_2601, %swap3A_2602, %swap3A_2603], %swap3A_2606 {strides = array<i32>} : memref<8x56x128xi32, #tpu.memory_space<vmem>>, vector<8x1x128xi32>,
      %jit3A_2607 = arith.constant 0 : i32
      %broadcast_in_dim3A_2608 = vector.broadcast %jit3A_2607 : i32 to vector<8x128xi32>
      %select_n3A_2609 = arith.select %lt3A_2597, %add3A_2588, %broadcast_in_dim3A_2608 : vector<8x128xi1>, vector<8x128xi32>
      %swap3A_2610 = arith.constant 0 : index
      %swap3A_2611 = arith.constant 42 : index
      %swap3A_2612 = arith.constant 0 : index
      %swap3A_2613 = vector.load %arg7[%swap3A_2610, %swap3A_2611, %swap3A_2612] : memref<8x56x128xi32, #tpu.memory_space<vmem>>, vector<8x1x128xi32>
      %swap3A_2614 = vector.shape_cast %swap3A_2613 : vector<8x1x128xi32> to vector<8x128xi32>
      %swap3A_2615 = vector.shape_cast %select_n3A_2609 : vector<8x128xi32> to vector<8x1x128xi32>
      tpu.vector_store %arg7[%swap3A_2610, %swap3A_2611, %swap3A_2612], %swap3A_2615 {strides = array<i32>} : memref<8x56x128xi32, #tpu.memory_space<vmem>>, vector<8x1x128xi32>,
      %get3A_2616 = arith.constant 0 : index
      %get3A_2617 = arith.constant 5376 : index
      %get3A_2618 = vector.load %arg5[%get3A_2616, %get3A_2617] : memref<8x7168xf32, #tpu.memory_space<vmem>>, vector<8x128xf32>
      %jit3A_2619 = arith.constant 0.000000e+00 : f32
      %broadcast_in_dim3A_2620 = vector.broadcast %jit3A_2619 : f32 to vector<8x128xf32>
      %select_n3A_2621 = arith.select %lt3A_2597, %get3A_2618, %broadcast_in_dim3A_2620 : vector<8x128xi1>, vector<8x128xf32>
      %swap3A_2622 = arith.constant 0 : index
      %swap3A_2623 = arith.constant 42 : index
      %swap3A_2624 = arith.constant 0 : index
      %swap3A_2625 = vector.load %arg8[%swap3A_2622, %swap3A_2623, %swap3A_2624] : memref<8x56x128xf32, #tpu.memory_space<vmem>>, vector<8x1x128xf32>
      %swap3A_2626 = vector.shape_cast %swap3A_2625 : vector<8x1x128xf32> to vector<8x128xf32>
      %swap3A_2627 = vector.shape_cast %select_n3A_2621 : vector<8x128xf32> to vector<8x1x128xf32>
      tpu.vector_store %arg8[%swap3A_2622, %swap3A_2623, %swap3A_2624], %swap3A_2627 {strides = array<i32>} : memref<8x56x128xf32, #tpu.memory_space<vmem>>, vector<8x1x128xf32>,
      %get3A_2628 = arith.constant 0 : index
      %get3A_2629 = arith.constant 5504 : index
      %get3A_2630 = vector.load %arg2[%get3A_2628, %get3A_2629] : memref<8x7168xi32, #tpu.memory_space<vmem>>, vector<8x128xi32>
      %mul3A_2631 = arith.constant 512 : i32
      %mul3A_2632 = vector.broadcast %mul3A_2631 : i32 to vector<8x128xi32>
      %mul3A_2633 = arith.muli %get3A_2630, %mul3A_2632 : vector<8x128xi32>
      %get3A_2634 = arith.constant 0 : index
      %get3A_2635 = arith.constant 5504 : index
      %get3A_2636 = vector.load %arg1[%get3A_2634, %get3A_2635] : memref<8x7168xi32, #tpu.memory_space<vmem>>, vector<8x128xi32>
      %add3A_2637 = arith.addi %mul3A_2633, %get3A_2636 : vector<8x128xi32>
      %add3A_2638 = arith.addi %add3A_2637, %mul3A_3 : vector<8x128xi32>
      %get3A_2639 = arith.constant 0 : index
      %get3A_2640 = arith.constant 5504 : index
      %get3A_2641 = vector.load %arg4[%get3A_2639, %get3A_2640] : memref<8x7168xi32, #tpu.memory_space<vmem>>, vector<8x128xi32>
      %mul3A_2642 = arith.constant 512 : i32
      %mul3A_2643 = vector.broadcast %mul3A_2642 : i32 to vector<8x128xi32>
      %mul3A_2644 = arith.muli %get3A_2641, %mul3A_2643 : vector<8x128xi32>
      %get3A_2645 = arith.constant 0 : index
      %get3A_2646 = arith.constant 5504 : index
      %get3A_2647 = vector.load %arg3[%get3A_2645, %get3A_2646] : memref<8x7168xi32, #tpu.memory_space<vmem>>, vector<8x128xi32>
      %add3A_2648 = arith.addi %mul3A_2644, %get3A_2647 : vector<8x128xi32>
      %add3A_2649 = arith.addi %add3A_2648, %mul3A_3 : vector<8x128xi32>
      %mul3A_2650 = arith.constant 7168 : i32
      %mul3A_2651 = arith.muli %arg0, %mul3A_2650 : i32
      %add3A_2652 = arith.constant 5504 : i32
      %add3A_2653 = arith.addi %mul3A_2651, %add3A_2652 : i32
      %add3A_2654 = vector.broadcast %add3A_2653 : i32 to vector<8x128xi32>
      %add3A_2655 = arith.addi %iota3A_4, %add3A_2654 : vector<8x128xi32>
      %lt3A_2656 = arith.constant 50000 : i32
      %lt3A_2657 = vector.broadcast %lt3A_2656 : i32 to vector<8x128xi32>
      %lt3A_2658 = arith.cmpi slt, %add3A_2655, %lt3A_2657 : vector<8x128xi32>
      %jit3A_2659 = arith.constant 0 : i32
      %broadcast_in_dim3A_2660 = vector.broadcast %jit3A_2659 : i32 to vector<8x128xi32>
      %select_n3A_2661 = arith.select %lt3A_2658, %add3A_2638, %broadcast_in_dim3A_2660 : vector<8x128xi1>, vector<8x128xi32>
      %swap3A_2662 = arith.constant 0 : index
      %swap3A_2663 = arith.constant 43 : index
      %swap3A_2664 = arith.constant 0 : index
      %swap3A_2665 = vector.load %arg6[%swap3A_2662, %swap3A_2663, %swap3A_2664] : memref<8x56x128xi32, #tpu.memory_space<vmem>>, vector<8x1x128xi32>
      %swap3A_2666 = vector.shape_cast %swap3A_2665 : vector<8x1x128xi32> to vector<8x128xi32>
      %swap3A_2667 = vector.shape_cast %select_n3A_2661 : vector<8x128xi32> to vector<8x1x128xi32>
      tpu.vector_store %arg6[%swap3A_2662, %swap3A_2663, %swap3A_2664], %swap3A_2667 {strides = array<i32>} : memref<8x56x128xi32, #tpu.memory_space<vmem>>, vector<8x1x128xi32>,
      %jit3A_2668 = arith.constant 0 : i32
      %broadcast_in_dim3A_2669 = vector.broadcast %jit3A_2668 : i32 to vector<8x128xi32>
      %select_n3A_2670 = arith.select %lt3A_2658, %add3A_2649, %broadcast_in_dim3A_2669 : vector<8x128xi1>, vector<8x128xi32>
      %swap3A_2671 = arith.constant 0 : index
      %swap3A_2672 = arith.constant 43 : index
      %swap3A_2673 = arith.constant 0 : index
      %swap3A_2674 = vector.load %arg7[%swap3A_2671, %swap3A_2672, %swap3A_2673] : memref<8x56x128xi32, #tpu.memory_space<vmem>>, vector<8x1x128xi32>
      %swap3A_2675 = vector.shape_cast %swap3A_2674 : vector<8x1x128xi32> to vector<8x128xi32>
      %swap3A_2676 = vector.shape_cast %select_n3A_2670 : vector<8x128xi32> to vector<8x1x128xi32>
      tpu.vector_store %arg7[%swap3A_2671, %swap3A_2672, %swap3A_2673], %swap3A_2676 {strides = array<i32>} : memref<8x56x128xi32, #tpu.memory_space<vmem>>, vector<8x1x128xi32>,
      %get3A_2677 = arith.constant 0 : index
      %get3A_2678 = arith.constant 5504 : index
      %get3A_2679 = vector.load %arg5[%get3A_2677, %get3A_2678] : memref<8x7168xf32, #tpu.memory_space<vmem>>, vector<8x128xf32>
      %jit3A_2680 = arith.constant 0.000000e+00 : f32
      %broadcast_in_dim3A_2681 = vector.broadcast %jit3A_2680 : f32 to vector<8x128xf32>
      %select_n3A_2682 = arith.select %lt3A_2658, %get3A_2679, %broadcast_in_dim3A_2681 : vector<8x128xi1>, vector<8x128xf32>
      %swap3A_2683 = arith.constant 0 : index
      %swap3A_2684 = arith.constant 43 : index
      %swap3A_2685 = arith.constant 0 : index
      %swap3A_2686 = vector.load %arg8[%swap3A_2683, %swap3A_2684, %swap3A_2685] : memref<8x56x128xf32, #tpu.memory_space<vmem>>, vector<8x1x128xf32>
      %swap3A_2687 = vector.shape_cast %swap3A_2686 : vector<8x1x128xf32> to vector<8x128xf32>
      %swap3A_2688 = vector.shape_cast %select_n3A_2682 : vector<8x128xf32> to vector<8x1x128xf32>
      tpu.vector_store %arg8[%swap3A_2683, %swap3A_2684, %swap3A_2685], %swap3A_2688 {strides = array<i32>} : memref<8x56x128xf32, #tpu.memory_space<vmem>>, vector<8x1x128xf32>,
      %get3A_2689 = arith.constant 0 : index
      %get3A_2690 = arith.constant 5632 : index
      %get3A_2691 = vector.load %arg2[%get3A_2689, %get3A_2690] : memref<8x7168xi32, #tpu.memory_space<vmem>>, vector<8x128xi32>
      %mul3A_2692 = arith.constant 512 : i32
      %mul3A_2693 = vector.broadcast %mul3A_2692 : i32 to vector<8x128xi32>
      %mul3A_2694 = arith.muli %get3A_2691, %mul3A_2693 : vector<8x128xi32>
      %get3A_2695 = arith.constant 0 : index
      %get3A_2696 = arith.constant 5632 : index
      %get3A_2697 = vector.load %arg1[%get3A_2695, %get3A_2696] : memref<8x7168xi32, #tpu.memory_space<vmem>>, vector<8x128xi32>
      %add3A_2698 = arith.addi %mul3A_2694, %get3A_2697 : vector<8x128xi32>
      %add3A_2699 = arith.addi %add3A_2698, %mul3A_3 : vector<8x128xi32>
      %get3A_2700 = arith.constant 0 : index
      %get3A_2701 = arith.constant 5632 : index
      %get3A_2702 = vector.load %arg4[%get3A_2700, %get3A_2701] : memref<8x7168xi32, #tpu.memory_space<vmem>>, vector<8x128xi32>
      %mul3A_2703 = arith.constant 512 : i32
      %mul3A_2704 = vector.broadcast %mul3A_2703 : i32 to vector<8x128xi32>
      %mul3A_2705 = arith.muli %get3A_2702, %mul3A_2704 : vector<8x128xi32>
      %get3A_2706 = arith.constant 0 : index
      %get3A_2707 = arith.constant 5632 : index
      %get3A_2708 = vector.load %arg3[%get3A_2706, %get3A_2707] : memref<8x7168xi32, #tpu.memory_space<vmem>>, vector<8x128xi32>
      %add3A_2709 = arith.addi %mul3A_2705, %get3A_2708 : vector<8x128xi32>
      %add3A_2710 = arith.addi %add3A_2709, %mul3A_3 : vector<8x128xi32>
      %mul3A_2711 = arith.constant 7168 : i32
      %mul3A_2712 = arith.muli %arg0, %mul3A_2711 : i32
      %add3A_2713 = arith.constant 5632 : i32
      %add3A_2714 = arith.addi %mul3A_2712, %add3A_2713 : i32
      %add3A_2715 = vector.broadcast %add3A_2714 : i32 to vector<8x128xi32>
      %add3A_2716 = arith.addi %iota3A_4, %add3A_2715 : vector<8x128xi32>
      %lt3A_2717 = arith.constant 50000 : i32
      %lt3A_2718 = vector.broadcast %lt3A_2717 : i32 to vector<8x128xi32>
      %lt3A_2719 = arith.cmpi slt, %add3A_2716, %lt3A_2718 : vector<8x128xi32>
      %jit3A_2720 = arith.constant 0 : i32
      %broadcast_in_dim3A_2721 = vector.broadcast %jit3A_2720 : i32 to vector<8x128xi32>
      %select_n3A_2722 = arith.select %lt3A_2719, %add3A_2699, %broadcast_in_dim3A_2721 : vector<8x128xi1>, vector<8x128xi32>
      %swap3A_2723 = arith.constant 0 : index
      %swap3A_2724 = arith.constant 44 : index
      %swap3A_2725 = arith.constant 0 : index
      %swap3A_2726 = vector.load %arg6[%swap3A_2723, %swap3A_2724, %swap3A_2725] : memref<8x56x128xi32, #tpu.memory_space<vmem>>, vector<8x1x128xi32>
      %swap3A_2727 = vector.shape_cast %swap3A_2726 : vector<8x1x128xi32> to vector<8x128xi32>
      %swap3A_2728 = vector.shape_cast %select_n3A_2722 : vector<8x128xi32> to vector<8x1x128xi32>
      tpu.vector_store %arg6[%swap3A_2723, %swap3A_2724, %swap3A_2725], %swap3A_2728 {strides = array<i32>} : memref<8x56x128xi32, #tpu.memory_space<vmem>>, vector<8x1x128xi32>,
      %jit3A_2729 = arith.constant 0 : i32
      %broadcast_in_dim3A_2730 = vector.broadcast %jit3A_2729 : i32 to vector<8x128xi32>
      %select_n3A_2731 = arith.select %lt3A_2719, %add3A_2710, %broadcast_in_dim3A_2730 : vector<8x128xi1>, vector<8x128xi32>
      %swap3A_2732 = arith.constant 0 : index
      %swap3A_2733 = arith.constant 44 : index
      %swap3A_2734 = arith.constant 0 : index
      %swap3A_2735 = vector.load %arg7[%swap3A_2732, %swap3A_2733, %swap3A_2734] : memref<8x56x128xi32, #tpu.memory_space<vmem>>, vector<8x1x128xi32>
      %swap3A_2736 = vector.shape_cast %swap3A_2735 : vector<8x1x128xi32> to vector<8x128xi32>
      %swap3A_2737 = vector.shape_cast %select_n3A_2731 : vector<8x128xi32> to vector<8x1x128xi32>
      tpu.vector_store %arg7[%swap3A_2732, %swap3A_2733, %swap3A_2734], %swap3A_2737 {strides = array<i32>} : memref<8x56x128xi32, #tpu.memory_space<vmem>>, vector<8x1x128xi32>,
      %get3A_2738 = arith.constant 0 : index
      %get3A_2739 = arith.constant 5632 : index
      %get3A_2740 = vector.load %arg5[%get3A_2738, %get3A_2739] : memref<8x7168xf32, #tpu.memory_space<vmem>>, vector<8x128xf32>
      %jit3A_2741 = arith.constant 0.000000e+00 : f32
      %broadcast_in_dim3A_2742 = vector.broadcast %jit3A_2741 : f32 to vector<8x128xf32>
      %select_n3A_2743 = arith.select %lt3A_2719, %get3A_2740, %broadcast_in_dim3A_2742 : vector<8x128xi1>, vector<8x128xf32>
      %swap3A_2744 = arith.constant 0 : index
      %swap3A_2745 = arith.constant 44 : index
      %swap3A_2746 = arith.constant 0 : index
      %swap3A_2747 = vector.load %arg8[%swap3A_2744, %swap3A_2745, %swap3A_2746] : memref<8x56x128xf32, #tpu.memory_space<vmem>>, vector<8x1x128xf32>
      %swap3A_2748 = vector.shape_cast %swap3A_2747 : vector<8x1x128xf32> to vector<8x128xf32>
      %swap3A_2749 = vector.shape_cast %select_n3A_2743 : vector<8x128xf32> to vector<8x1x128xf32>
      tpu.vector_store %arg8[%swap3A_2744, %swap3A_2745, %swap3A_2746], %swap3A_2749 {strides = array<i32>} : memref<8x56x128xf32, #tpu.memory_space<vmem>>, vector<8x1x128xf32>,
      %get3A_2750 = arith.constant 0 : index
      %get3A_2751 = arith.constant 5760 : index
      %get3A_2752 = vector.load %arg2[%get3A_2750, %get3A_2751] : memref<8x7168xi32, #tpu.memory_space<vmem>>, vector<8x128xi32>
      %mul3A_2753 = arith.constant 512 : i32
      %mul3A_2754 = vector.broadcast %mul3A_2753 : i32 to vector<8x128xi32>
      %mul3A_2755 = arith.muli %get3A_2752, %mul3A_2754 : vector<8x128xi32>
      %get3A_2756 = arith.constant 0 : index
      %get3A_2757 = arith.constant 5760 : index
      %get3A_2758 = vector.load %arg1[%get3A_2756, %get3A_2757] : memref<8x7168xi32, #tpu.memory_space<vmem>>, vector<8x128xi32>
      %add3A_2759 = arith.addi %mul3A_2755, %get3A_2758 : vector<8x128xi32>
      %add3A_2760 = arith.addi %add3A_2759, %mul3A_3 : vector<8x128xi32>
      %get3A_2761 = arith.constant 0 : index
      %get3A_2762 = arith.constant 5760 : index
      %get3A_2763 = vector.load %arg4[%get3A_2761, %get3A_2762] : memref<8x7168xi32, #tpu.memory_space<vmem>>, vector<8x128xi32>
      %mul3A_2764 = arith.constant 512 : i32
      %mul3A_2765 = vector.broadcast %mul3A_2764 : i32 to vector<8x128xi32>
      %mul3A_2766 = arith.muli %get3A_2763, %mul3A_2765 : vector<8x128xi32>
      %get3A_2767 = arith.constant 0 : index
      %get3A_2768 = arith.constant 5760 : index
      %get3A_2769 = vector.load %arg3[%get3A_2767, %get3A_2768] : memref<8x7168xi32, #tpu.memory_space<vmem>>, vector<8x128xi32>
      %add3A_2770 = arith.addi %mul3A_2766, %get3A_2769 : vector<8x128xi32>
      %add3A_2771 = arith.addi %add3A_2770, %mul3A_3 : vector<8x128xi32>
      %mul3A_2772 = arith.constant 7168 : i32
      %mul3A_2773 = arith.muli %arg0, %mul3A_2772 : i32
      %add3A_2774 = arith.constant 5760 : i32
      %add3A_2775 = arith.addi %mul3A_2773, %add3A_2774 : i32
      %add3A_2776 = vector.broadcast %add3A_2775 : i32 to vector<8x128xi32>
      %add3A_2777 = arith.addi %iota3A_4, %add3A_2776 : vector<8x128xi32>
      %lt3A_2778 = arith.constant 50000 : i32
      %lt3A_2779 = vector.broadcast %lt3A_2778 : i32 to vector<8x128xi32>
      %lt3A_2780 = arith.cmpi slt, %add3A_2777, %lt3A_2779 : vector<8x128xi32>
      %jit3A_2781 = arith.constant 0 : i32
      %broadcast_in_dim3A_2782 = vector.broadcast %jit3A_2781 : i32 to vector<8x128xi32>
      %select_n3A_2783 = arith.select %lt3A_2780, %add3A_2760, %broadcast_in_dim3A_2782 : vector<8x128xi1>, vector<8x128xi32>
      %swap3A_2784 = arith.constant 0 : index
      %swap3A_2785 = arith.constant 45 : index
      %swap3A_2786 = arith.constant 0 : index
      %swap3A_2787 = vector.load %arg6[%swap3A_2784, %swap3A_2785, %swap3A_2786] : memref<8x56x128xi32, #tpu.memory_space<vmem>>, vector<8x1x128xi32>
      %swap3A_2788 = vector.shape_cast %swap3A_2787 : vector<8x1x128xi32> to vector<8x128xi32>
      %swap3A_2789 = vector.shape_cast %select_n3A_2783 : vector<8x128xi32> to vector<8x1x128xi32>
      tpu.vector_store %arg6[%swap3A_2784, %swap3A_2785, %swap3A_2786], %swap3A_2789 {strides = array<i32>} : memref<8x56x128xi32, #tpu.memory_space<vmem>>, vector<8x1x128xi32>,
      %jit3A_2790 = arith.constant 0 : i32
      %broadcast_in_dim3A_2791 = vector.broadcast %jit3A_2790 : i32 to vector<8x128xi32>
      %select_n3A_2792 = arith.select %lt3A_2780, %add3A_2771, %broadcast_in_dim3A_2791 : vector<8x128xi1>, vector<8x128xi32>
      %swap3A_2793 = arith.constant 0 : index
      %swap3A_2794 = arith.constant 45 : index
      %swap3A_2795 = arith.constant 0 : index
      %swap3A_2796 = vector.load %arg7[%swap3A_2793, %swap3A_2794, %swap3A_2795] : memref<8x56x128xi32, #tpu.memory_space<vmem>>, vector<8x1x128xi32>
      %swap3A_2797 = vector.shape_cast %swap3A_2796 : vector<8x1x128xi32> to vector<8x128xi32>
      %swap3A_2798 = vector.shape_cast %select_n3A_2792 : vector<8x128xi32> to vector<8x1x128xi32>
      tpu.vector_store %arg7[%swap3A_2793, %swap3A_2794, %swap3A_2795], %swap3A_2798 {strides = array<i32>} : memref<8x56x128xi32, #tpu.memory_space<vmem>>, vector<8x1x128xi32>,
      %get3A_2799 = arith.constant 0 : index
      %get3A_2800 = arith.constant 5760 : index
      %get3A_2801 = vector.load %arg5[%get3A_2799, %get3A_2800] : memref<8x7168xf32, #tpu.memory_space<vmem>>, vector<8x128xf32>
      %jit3A_2802 = arith.constant 0.000000e+00 : f32
      %broadcast_in_dim3A_2803 = vector.broadcast %jit3A_2802 : f32 to vector<8x128xf32>
      %select_n3A_2804 = arith.select %lt3A_2780, %get3A_2801, %broadcast_in_dim3A_2803 : vector<8x128xi1>, vector<8x128xf32>
      %swap3A_2805 = arith.constant 0 : index
      %swap3A_2806 = arith.constant 45 : index
      %swap3A_2807 = arith.constant 0 : index
      %swap3A_2808 = vector.load %arg8[%swap3A_2805, %swap3A_2806, %swap3A_2807] : memref<8x56x128xf32, #tpu.memory_space<vmem>>, vector<8x1x128xf32>
      %swap3A_2809 = vector.shape_cast %swap3A_2808 : vector<8x1x128xf32> to vector<8x128xf32>
      %swap3A_2810 = vector.shape_cast %select_n3A_2804 : vector<8x128xf32> to vector<8x1x128xf32>
      tpu.vector_store %arg8[%swap3A_2805, %swap3A_2806, %swap3A_2807], %swap3A_2810 {strides = array<i32>} : memref<8x56x128xf32, #tpu.memory_space<vmem>>, vector<8x1x128xf32>,
      %get3A_2811 = arith.constant 0 : index
      %get3A_2812 = arith.constant 5888 : index
      %get3A_2813 = vector.load %arg2[%get3A_2811, %get3A_2812] : memref<8x7168xi32, #tpu.memory_space<vmem>>, vector<8x128xi32>
      %mul3A_2814 = arith.constant 512 : i32
      %mul3A_2815 = vector.broadcast %mul3A_2814 : i32 to vector<8x128xi32>
      %mul3A_2816 = arith.muli %get3A_2813, %mul3A_2815 : vector<8x128xi32>
      %get3A_2817 = arith.constant 0 : index
      %get3A_2818 = arith.constant 5888 : index
      %get3A_2819 = vector.load %arg1[%get3A_2817, %get3A_2818] : memref<8x7168xi32, #tpu.memory_space<vmem>>, vector<8x128xi32>
      %add3A_2820 = arith.addi %mul3A_2816, %get3A_2819 : vector<8x128xi32>
      %add3A_2821 = arith.addi %add3A_2820, %mul3A_3 : vector<8x128xi32>
      %get3A_2822 = arith.constant 0 : index
      %get3A_2823 = arith.constant 5888 : index
      %get3A_2824 = vector.load %arg4[%get3A_2822, %get3A_2823] : memref<8x7168xi32, #tpu.memory_space<vmem>>, vector<8x128xi32>
      %mul3A_2825 = arith.constant 512 : i32
      %mul3A_2826 = vector.broadcast %mul3A_2825 : i32 to vector<8x128xi32>
      %mul3A_2827 = arith.muli %get3A_2824, %mul3A_2826 : vector<8x128xi32>
      %get3A_2828 = arith.constant 0 : index
      %get3A_2829 = arith.constant 5888 : index
      %get3A_2830 = vector.load %arg3[%get3A_2828, %get3A_2829] : memref<8x7168xi32, #tpu.memory_space<vmem>>, vector<8x128xi32>
      %add3A_2831 = arith.addi %mul3A_2827, %get3A_2830 : vector<8x128xi32>
      %add3A_2832 = arith.addi %add3A_2831, %mul3A_3 : vector<8x128xi32>
      %mul3A_2833 = arith.constant 7168 : i32
      %mul3A_2834 = arith.muli %arg0, %mul3A_2833 : i32
      %add3A_2835 = arith.constant 5888 : i32
      %add3A_2836 = arith.addi %mul3A_2834, %add3A_2835 : i32
      %add3A_2837 = vector.broadcast %add3A_2836 : i32 to vector<8x128xi32>
      %add3A_2838 = arith.addi %iota3A_4, %add3A_2837 : vector<8x128xi32>
      %lt3A_2839 = arith.constant 50000 : i32
      %lt3A_2840 = vector.broadcast %lt3A_2839 : i32 to vector<8x128xi32>
      %lt3A_2841 = arith.cmpi slt, %add3A_2838, %lt3A_2840 : vector<8x128xi32>
      %jit3A_2842 = arith.constant 0 : i32
      %broadcast_in_dim3A_2843 = vector.broadcast %jit3A_2842 : i32 to vector<8x128xi32>
      %select_n3A_2844 = arith.select %lt3A_2841, %add3A_2821, %broadcast_in_dim3A_2843 : vector<8x128xi1>, vector<8x128xi32>
      %swap3A_2845 = arith.constant 0 : index
      %swap3A_2846 = arith.constant 46 : index
      %swap3A_2847 = arith.constant 0 : index
      %swap3A_2848 = vector.load %arg6[%swap3A_2845, %swap3A_2846, %swap3A_2847] : memref<8x56x128xi32, #tpu.memory_space<vmem>>, vector<8x1x128xi32>
      %swap3A_2849 = vector.shape_cast %swap3A_2848 : vector<8x1x128xi32> to vector<8x128xi32>
      %swap3A_2850 = vector.shape_cast %select_n3A_2844 : vector<8x128xi32> to vector<8x1x128xi32>
      tpu.vector_store %arg6[%swap3A_2845, %swap3A_2846, %swap3A_2847], %swap3A_2850 {strides = array<i32>} : memref<8x56x128xi32, #tpu.memory_space<vmem>>, vector<8x1x128xi32>,
      %jit3A_2851 = arith.constant 0 : i32
      %broadcast_in_dim3A_2852 = vector.broadcast %jit3A_2851 : i32 to vector<8x128xi32>
      %select_n3A_2853 = arith.select %lt3A_2841, %add3A_2832, %broadcast_in_dim3A_2852 : vector<8x128xi1>, vector<8x128xi32>
      %swap3A_2854 = arith.constant 0 : index
      %swap3A_2855 = arith.constant 46 : index
      %swap3A_2856 = arith.constant 0 : index
      %swap3A_2857 = vector.load %arg7[%swap3A_2854, %swap3A_2855, %swap3A_2856] : memref<8x56x128xi32, #tpu.memory_space<vmem>>, vector<8x1x128xi32>
      %swap3A_2858 = vector.shape_cast %swap3A_2857 : vector<8x1x128xi32> to vector<8x128xi32>
      %swap3A_2859 = vector.shape_cast %select_n3A_2853 : vector<8x128xi32> to vector<8x1x128xi32>
      tpu.vector_store %arg7[%swap3A_2854, %swap3A_2855, %swap3A_2856], %swap3A_2859 {strides = array<i32>} : memref<8x56x128xi32, #tpu.memory_space<vmem>>, vector<8x1x128xi32>,
      %get3A_2860 = arith.constant 0 : index
      %get3A_2861 = arith.constant 5888 : index
      %get3A_2862 = vector.load %arg5[%get3A_2860, %get3A_2861] : memref<8x7168xf32, #tpu.memory_space<vmem>>, vector<8x128xf32>
      %jit3A_2863 = arith.constant 0.000000e+00 : f32
      %broadcast_in_dim3A_2864 = vector.broadcast %jit3A_2863 : f32 to vector<8x128xf32>
      %select_n3A_2865 = arith.select %lt3A_2841, %get3A_2862, %broadcast_in_dim3A_2864 : vector<8x128xi1>, vector<8x128xf32>
      %swap3A_2866 = arith.constant 0 : index
      %swap3A_2867 = arith.constant 46 : index
      %swap3A_2868 = arith.constant 0 : index
      %swap3A_2869 = vector.load %arg8[%swap3A_2866, %swap3A_2867, %swap3A_2868] : memref<8x56x128xf32, #tpu.memory_space<vmem>>, vector<8x1x128xf32>
      %swap3A_2870 = vector.shape_cast %swap3A_2869 : vector<8x1x128xf32> to vector<8x128xf32>
      %swap3A_2871 = vector.shape_cast %select_n3A_2865 : vector<8x128xf32> to vector<8x1x128xf32>
      tpu.vector_store %arg8[%swap3A_2866, %swap3A_2867, %swap3A_2868], %swap3A_2871 {strides = array<i32>} : memref<8x56x128xf32, #tpu.memory_space<vmem>>, vector<8x1x128xf32>,
      %get3A_2872 = arith.constant 0 : index
      %get3A_2873 = arith.constant 6016 : index
      %get3A_2874 = vector.load %arg2[%get3A_2872, %get3A_2873] : memref<8x7168xi32, #tpu.memory_space<vmem>>, vector<8x128xi32>
      %mul3A_2875 = arith.constant 512 : i32
      %mul3A_2876 = vector.broadcast %mul3A_2875 : i32 to vector<8x128xi32>
      %mul3A_2877 = arith.muli %get3A_2874, %mul3A_2876 : vector<8x128xi32>
      %get3A_2878 = arith.constant 0 : index
      %get3A_2879 = arith.constant 6016 : index
      %get3A_2880 = vector.load %arg1[%get3A_2878, %get3A_2879] : memref<8x7168xi32, #tpu.memory_space<vmem>>, vector<8x128xi32>
      %add3A_2881 = arith.addi %mul3A_2877, %get3A_2880 : vector<8x128xi32>
      %add3A_2882 = arith.addi %add3A_2881, %mul3A_3 : vector<8x128xi32>
      %get3A_2883 = arith.constant 0 : index
      %get3A_2884 = arith.constant 6016 : index
      %get3A_2885 = vector.load %arg4[%get3A_2883, %get3A_2884] : memref<8x7168xi32, #tpu.memory_space<vmem>>, vector<8x128xi32>
      %mul3A_2886 = arith.constant 512 : i32
      %mul3A_2887 = vector.broadcast %mul3A_2886 : i32 to vector<8x128xi32>
      %mul3A_2888 = arith.muli %get3A_2885, %mul3A_2887 : vector<8x128xi32>
      %get3A_2889 = arith.constant 0 : index
      %get3A_2890 = arith.constant 6016 : index
      %get3A_2891 = vector.load %arg3[%get3A_2889, %get3A_2890] : memref<8x7168xi32, #tpu.memory_space<vmem>>, vector<8x128xi32>
      %add3A_2892 = arith.addi %mul3A_2888, %get3A_2891 : vector<8x128xi32>
      %add3A_2893 = arith.addi %add3A_2892, %mul3A_3 : vector<8x128xi32>
      %mul3A_2894 = arith.constant 7168 : i32
      %mul3A_2895 = arith.muli %arg0, %mul3A_2894 : i32
      %add3A_2896 = arith.constant 6016 : i32
      %add3A_2897 = arith.addi %mul3A_2895, %add3A_2896 : i32
      %add3A_2898 = vector.broadcast %add3A_2897 : i32 to vector<8x128xi32>
      %add3A_2899 = arith.addi %iota3A_4, %add3A_2898 : vector<8x128xi32>
      %lt3A_2900 = arith.constant 50000 : i32
      %lt3A_2901 = vector.broadcast %lt3A_2900 : i32 to vector<8x128xi32>
      %lt3A_2902 = arith.cmpi slt, %add3A_2899, %lt3A_2901 : vector<8x128xi32>
      %jit3A_2903 = arith.constant 0 : i32
      %broadcast_in_dim3A_2904 = vector.broadcast %jit3A_2903 : i32 to vector<8x128xi32>
      %select_n3A_2905 = arith.select %lt3A_2902, %add3A_2882, %broadcast_in_dim3A_2904 : vector<8x128xi1>, vector<8x128xi32>
      %swap3A_2906 = arith.constant 0 : index
      %swap3A_2907 = arith.constant 47 : index
      %swap3A_2908 = arith.constant 0 : index
      %swap3A_2909 = vector.load %arg6[%swap3A_2906, %swap3A_2907, %swap3A_2908] : memref<8x56x128xi32, #tpu.memory_space<vmem>>, vector<8x1x128xi32>
      %swap3A_2910 = vector.shape_cast %swap3A_2909 : vector<8x1x128xi32> to vector<8x128xi32>
      %swap3A_2911 = vector.shape_cast %select_n3A_2905 : vector<8x128xi32> to vector<8x1x128xi32>
      tpu.vector_store %arg6[%swap3A_2906, %swap3A_2907, %swap3A_2908], %swap3A_2911 {strides = array<i32>} : memref<8x56x128xi32, #tpu.memory_space<vmem>>, vector<8x1x128xi32>,
      %jit3A_2912 = arith.constant 0 : i32
      %broadcast_in_dim3A_2913 = vector.broadcast %jit3A_2912 : i32 to vector<8x128xi32>
      %select_n3A_2914 = arith.select %lt3A_2902, %add3A_2893, %broadcast_in_dim3A_2913 : vector<8x128xi1>, vector<8x128xi32>
      %swap3A_2915 = arith.constant 0 : index
      %swap3A_2916 = arith.constant 47 : index
      %swap3A_2917 = arith.constant 0 : index
      %swap3A_2918 = vector.load %arg7[%swap3A_2915, %swap3A_2916, %swap3A_2917] : memref<8x56x128xi32, #tpu.memory_space<vmem>>, vector<8x1x128xi32>
      %swap3A_2919 = vector.shape_cast %swap3A_2918 : vector<8x1x128xi32> to vector<8x128xi32>
      %swap3A_2920 = vector.shape_cast %select_n3A_2914 : vector<8x128xi32> to vector<8x1x128xi32>
      tpu.vector_store %arg7[%swap3A_2915, %swap3A_2916, %swap3A_2917], %swap3A_2920 {strides = array<i32>} : memref<8x56x128xi32, #tpu.memory_space<vmem>>, vector<8x1x128xi32>,
      %get3A_2921 = arith.constant 0 : index
      %get3A_2922 = arith.constant 6016 : index
      %get3A_2923 = vector.load %arg5[%get3A_2921, %get3A_2922] : memref<8x7168xf32, #tpu.memory_space<vmem>>, vector<8x128xf32>
      %jit3A_2924 = arith.constant 0.000000e+00 : f32
      %broadcast_in_dim3A_2925 = vector.broadcast %jit3A_2924 : f32 to vector<8x128xf32>
      %select_n3A_2926 = arith.select %lt3A_2902, %get3A_2923, %broadcast_in_dim3A_2925 : vector<8x128xi1>, vector<8x128xf32>
      %swap3A_2927 = arith.constant 0 : index
      %swap3A_2928 = arith.constant 47 : index
      %swap3A_2929 = arith.constant 0 : index
      %swap3A_2930 = vector.load %arg8[%swap3A_2927, %swap3A_2928, %swap3A_2929] : memref<8x56x128xf32, #tpu.memory_space<vmem>>, vector<8x1x128xf32>
      %swap3A_2931 = vector.shape_cast %swap3A_2930 : vector<8x1x128xf32> to vector<8x128xf32>
      %swap3A_2932 = vector.shape_cast %select_n3A_2926 : vector<8x128xf32> to vector<8x1x128xf32>
      tpu.vector_store %arg8[%swap3A_2927, %swap3A_2928, %swap3A_2929], %swap3A_2932 {strides = array<i32>} : memref<8x56x128xf32, #tpu.memory_space<vmem>>, vector<8x1x128xf32>,
      %get3A_2933 = arith.constant 0 : index
      %get3A_2934 = arith.constant 6144 : index
      %get3A_2935 = vector.load %arg2[%get3A_2933, %get3A_2934] : memref<8x7168xi32, #tpu.memory_space<vmem>>, vector<8x128xi32>
      %mul3A_2936 = arith.constant 512 : i32
      %mul3A_2937 = vector.broadcast %mul3A_2936 : i32 to vector<8x128xi32>
      %mul3A_2938 = arith.muli %get3A_2935, %mul3A_2937 : vector<8x128xi32>
      %get3A_2939 = arith.constant 0 : index
      %get3A_2940 = arith.constant 6144 : index
      %get3A_2941 = vector.load %arg1[%get3A_2939, %get3A_2940] : memref<8x7168xi32, #tpu.memory_space<vmem>>, vector<8x128xi32>
      %add3A_2942 = arith.addi %mul3A_2938, %get3A_2941 : vector<8x128xi32>
      %add3A_2943 = arith.addi %add3A_2942, %mul3A_3 : vector<8x128xi32>
      %get3A_2944 = arith.constant 0 : index
      %get3A_2945 = arith.constant 6144 : index
      %get3A_2946 = vector.load %arg4[%get3A_2944, %get3A_2945] : memref<8x7168xi32, #tpu.memory_space<vmem>>, vector<8x128xi32>
      %mul3A_2947 = arith.constant 512 : i32
      %mul3A_2948 = vector.broadcast %mul3A_2947 : i32 to vector<8x128xi32>
      %mul3A_2949 = arith.muli %get3A_2946, %mul3A_2948 : vector<8x128xi32>
      %get3A_2950 = arith.constant 0 : index
      %get3A_2951 = arith.constant 6144 : index
      %get3A_2952 = vector.load %arg3[%get3A_2950, %get3A_2951] : memref<8x7168xi32, #tpu.memory_space<vmem>>, vector<8x128xi32>
      %add3A_2953 = arith.addi %mul3A_2949, %get3A_2952 : vector<8x128xi32>
      %add3A_2954 = arith.addi %add3A_2953, %mul3A_3 : vector<8x128xi32>
      %mul3A_2955 = arith.constant 7168 : i32
      %mul3A_2956 = arith.muli %arg0, %mul3A_2955 : i32
      %add3A_2957 = arith.constant 6144 : i32
      %add3A_2958 = arith.addi %mul3A_2956, %add3A_2957 : i32
      %add3A_2959 = vector.broadcast %add3A_2958 : i32 to vector<8x128xi32>
      %add3A_2960 = arith.addi %iota3A_4, %add3A_2959 : vector<8x128xi32>
      %lt3A_2961 = arith.constant 50000 : i32
      %lt3A_2962 = vector.broadcast %lt3A_2961 : i32 to vector<8x128xi32>
      %lt3A_2963 = arith.cmpi slt, %add3A_2960, %lt3A_2962 : vector<8x128xi32>
      %jit3A_2964 = arith.constant 0 : i32
      %broadcast_in_dim3A_2965 = vector.broadcast %jit3A_2964 : i32 to vector<8x128xi32>
      %select_n3A_2966 = arith.select %lt3A_2963, %add3A_2943, %broadcast_in_dim3A_2965 : vector<8x128xi1>, vector<8x128xi32>
      %swap3A_2967 = arith.constant 0 : index
      %swap3A_2968 = arith.constant 48 : index
      %swap3A_2969 = arith.constant 0 : index
      %swap3A_2970 = vector.load %arg6[%swap3A_2967, %swap3A_2968, %swap3A_2969] : memref<8x56x128xi32, #tpu.memory_space<vmem>>, vector<8x1x128xi32>
      %swap3A_2971 = vector.shape_cast %swap3A_2970 : vector<8x1x128xi32> to vector<8x128xi32>
      %swap3A_2972 = vector.shape_cast %select_n3A_2966 : vector<8x128xi32> to vector<8x1x128xi32>
      tpu.vector_store %arg6[%swap3A_2967, %swap3A_2968, %swap3A_2969], %swap3A_2972 {strides = array<i32>} : memref<8x56x128xi32, #tpu.memory_space<vmem>>, vector<8x1x128xi32>,
      %jit3A_2973 = arith.constant 0 : i32
      %broadcast_in_dim3A_2974 = vector.broadcast %jit3A_2973 : i32 to vector<8x128xi32>
      %select_n3A_2975 = arith.select %lt3A_2963, %add3A_2954, %broadcast_in_dim3A_2974 : vector<8x128xi1>, vector<8x128xi32>
      %swap3A_2976 = arith.constant 0 : index
      %swap3A_2977 = arith.constant 48 : index
      %swap3A_2978 = arith.constant 0 : index
      %swap3A_2979 = vector.load %arg7[%swap3A_2976, %swap3A_2977, %swap3A_2978] : memref<8x56x128xi32, #tpu.memory_space<vmem>>, vector<8x1x128xi32>
      %swap3A_2980 = vector.shape_cast %swap3A_2979 : vector<8x1x128xi32> to vector<8x128xi32>
      %swap3A_2981 = vector.shape_cast %select_n3A_2975 : vector<8x128xi32> to vector<8x1x128xi32>
      tpu.vector_store %arg7[%swap3A_2976, %swap3A_2977, %swap3A_2978], %swap3A_2981 {strides = array<i32>} : memref<8x56x128xi32, #tpu.memory_space<vmem>>, vector<8x1x128xi32>,
      %get3A_2982 = arith.constant 0 : index
      %get3A_2983 = arith.constant 6144 : index
      %get3A_2984 = vector.load %arg5[%get3A_2982, %get3A_2983] : memref<8x7168xf32, #tpu.memory_space<vmem>>, vector<8x128xf32>
      %jit3A_2985 = arith.constant 0.000000e+00 : f32
      %broadcast_in_dim3A_2986 = vector.broadcast %jit3A_2985 : f32 to vector<8x128xf32>
      %select_n3A_2987 = arith.select %lt3A_2963, %get3A_2984, %broadcast_in_dim3A_2986 : vector<8x128xi1>, vector<8x128xf32>
      %swap3A_2988 = arith.constant 0 : index
      %swap3A_2989 = arith.constant 48 : index
      %swap3A_2990 = arith.constant 0 : index
      %swap3A_2991 = vector.load %arg8[%swap3A_2988, %swap3A_2989, %swap3A_2990] : memref<8x56x128xf32, #tpu.memory_space<vmem>>, vector<8x1x128xf32>
      %swap3A_2992 = vector.shape_cast %swap3A_2991 : vector<8x1x128xf32> to vector<8x128xf32>
      %swap3A_2993 = vector.shape_cast %select_n3A_2987 : vector<8x128xf32> to vector<8x1x128xf32>
      tpu.vector_store %arg8[%swap3A_2988, %swap3A_2989, %swap3A_2990], %swap3A_2993 {strides = array<i32>} : memref<8x56x128xf32, #tpu.memory_space<vmem>>, vector<8x1x128xf32>,
      %get3A_2994 = arith.constant 0 : index
      %get3A_2995 = arith.constant 6272 : index
      %get3A_2996 = vector.load %arg2[%get3A_2994, %get3A_2995] : memref<8x7168xi32, #tpu.memory_space<vmem>>, vector<8x128xi32>
      %mul3A_2997 = arith.constant 512 : i32
      %mul3A_2998 = vector.broadcast %mul3A_2997 : i32 to vector<8x128xi32>
      %mul3A_2999 = arith.muli %get3A_2996, %mul3A_2998 : vector<8x128xi32>
      %get3A_3000 = arith.constant 0 : index
      %get3A_3001 = arith.constant 6272 : index
      %get3A_3002 = vector.load %arg1[%get3A_3000, %get3A_3001] : memref<8x7168xi32, #tpu.memory_space<vmem>>, vector<8x128xi32>
      %add3A_3003 = arith.addi %mul3A_2999, %get3A_3002 : vector<8x128xi32>
      %add3A_3004 = arith.addi %add3A_3003, %mul3A_3 : vector<8x128xi32>
      %get3A_3005 = arith.constant 0 : index
      %get3A_3006 = arith.constant 6272 : index
      %get3A_3007 = vector.load %arg4[%get3A_3005, %get3A_3006] : memref<8x7168xi32, #tpu.memory_space<vmem>>, vector<8x128xi32>
      %mul3A_3008 = arith.constant 512 : i32
      %mul3A_3009 = vector.broadcast %mul3A_3008 : i32 to vector<8x128xi32>
      %mul3A_3010 = arith.muli %get3A_3007, %mul3A_3009 : vector<8x128xi32>
      %get3A_3011 = arith.constant 0 : index
      %get3A_3012 = arith.constant 6272 : index
      %get3A_3013 = vector.load %arg3[%get3A_3011, %get3A_3012] : memref<8x7168xi32, #tpu.memory_space<vmem>>, vector<8x128xi32>
      %add3A_3014 = arith.addi %mul3A_3010, %get3A_3013 : vector<8x128xi32>
      %add3A_3015 = arith.addi %add3A_3014, %mul3A_3 : vector<8x128xi32>
      %mul3A_3016 = arith.constant 7168 : i32
      %mul3A_3017 = arith.muli %arg0, %mul3A_3016 : i32
      %add3A_3018 = arith.constant 6272 : i32
      %add3A_3019 = arith.addi %mul3A_3017, %add3A_3018 : i32
      %add3A_3020 = vector.broadcast %add3A_3019 : i32 to vector<8x128xi32>
      %add3A_3021 = arith.addi %iota3A_4, %add3A_3020 : vector<8x128xi32>
      %lt3A_3022 = arith.constant 50000 : i32
      %lt3A_3023 = vector.broadcast %lt3A_3022 : i32 to vector<8x128xi32>
      %lt3A_3024 = arith.cmpi slt, %add3A_3021, %lt3A_3023 : vector<8x128xi32>
      %jit3A_3025 = arith.constant 0 : i32
      %broadcast_in_dim3A_3026 = vector.broadcast %jit3A_3025 : i32 to vector<8x128xi32>
      %select_n3A_3027 = arith.select %lt3A_3024, %add3A_3004, %broadcast_in_dim3A_3026 : vector<8x128xi1>, vector<8x128xi32>
      %swap3A_3028 = arith.constant 0 : index
      %swap3A_3029 = arith.constant 49 : index
      %swap3A_3030 = arith.constant 0 : index
      %swap3A_3031 = vector.load %arg6[%swap3A_3028, %swap3A_3029, %swap3A_3030] : memref<8x56x128xi32, #tpu.memory_space<vmem>>, vector<8x1x128xi32>
      %swap3A_3032 = vector.shape_cast %swap3A_3031 : vector<8x1x128xi32> to vector<8x128xi32>
      %swap3A_3033 = vector.shape_cast %select_n3A_3027 : vector<8x128xi32> to vector<8x1x128xi32>
      tpu.vector_store %arg6[%swap3A_3028, %swap3A_3029, %swap3A_3030], %swap3A_3033 {strides = array<i32>} : memref<8x56x128xi32, #tpu.memory_space<vmem>>, vector<8x1x128xi32>,
      %jit3A_3034 = arith.constant 0 : i32
      %broadcast_in_dim3A_3035 = vector.broadcast %jit3A_3034 : i32 to vector<8x128xi32>
      %select_n3A_3036 = arith.select %lt3A_3024, %add3A_3015, %broadcast_in_dim3A_3035 : vector<8x128xi1>, vector<8x128xi32>
      %swap3A_3037 = arith.constant 0 : index
      %swap3A_3038 = arith.constant 49 : index
      %swap3A_3039 = arith.constant 0 : index
      %swap3A_3040 = vector.load %arg7[%swap3A_3037, %swap3A_3038, %swap3A_3039] : memref<8x56x128xi32, #tpu.memory_space<vmem>>, vector<8x1x128xi32>
      %swap3A_3041 = vector.shape_cast %swap3A_3040 : vector<8x1x128xi32> to vector<8x128xi32>
      %swap3A_3042 = vector.shape_cast %select_n3A_3036 : vector<8x128xi32> to vector<8x1x128xi32>
      tpu.vector_store %arg7[%swap3A_3037, %swap3A_3038, %swap3A_3039], %swap3A_3042 {strides = array<i32>} : memref<8x56x128xi32, #tpu.memory_space<vmem>>, vector<8x1x128xi32>,
      %get3A_3043 = arith.constant 0 : index
      %get3A_3044 = arith.constant 6272 : index
      %get3A_3045 = vector.load %arg5[%get3A_3043, %get3A_3044] : memref<8x7168xf32, #tpu.memory_space<vmem>>, vector<8x128xf32>
      %jit3A_3046 = arith.constant 0.000000e+00 : f32
      %broadcast_in_dim3A_3047 = vector.broadcast %jit3A_3046 : f32 to vector<8x128xf32>
      %select_n3A_3048 = arith.select %lt3A_3024, %get3A_3045, %broadcast_in_dim3A_3047 : vector<8x128xi1>, vector<8x128xf32>
      %swap3A_3049 = arith.constant 0 : index
      %swap3A_3050 = arith.constant 49 : index
      %swap3A_3051 = arith.constant 0 : index
      %swap3A_3052 = vector.load %arg8[%swap3A_3049, %swap3A_3050, %swap3A_3051] : memref<8x56x128xf32, #tpu.memory_space<vmem>>, vector<8x1x128xf32>
      %swap3A_3053 = vector.shape_cast %swap3A_3052 : vector<8x1x128xf32> to vector<8x128xf32>
      %swap3A_3054 = vector.shape_cast %select_n3A_3048 : vector<8x128xf32> to vector<8x1x128xf32>
      tpu.vector_store %arg8[%swap3A_3049, %swap3A_3050, %swap3A_3051], %swap3A_3054 {strides = array<i32>} : memref<8x56x128xf32, #tpu.memory_space<vmem>>, vector<8x1x128xf32>,
      %get3A_3055 = arith.constant 0 : index
      %get3A_3056 = arith.constant 6400 : index
      %get3A_3057 = vector.load %arg2[%get3A_3055, %get3A_3056] : memref<8x7168xi32, #tpu.memory_space<vmem>>, vector<8x128xi32>
      %mul3A_3058 = arith.constant 512 : i32
      %mul3A_3059 = vector.broadcast %mul3A_3058 : i32 to vector<8x128xi32>
      %mul3A_3060 = arith.muli %get3A_3057, %mul3A_3059 : vector<8x128xi32>
      %get3A_3061 = arith.constant 0 : index
      %get3A_3062 = arith.constant 6400 : index
      %get3A_3063 = vector.load %arg1[%get3A_3061, %get3A_3062] : memref<8x7168xi32, #tpu.memory_space<vmem>>, vector<8x128xi32>
      %add3A_3064 = arith.addi %mul3A_3060, %get3A_3063 : vector<8x128xi32>
      %add3A_3065 = arith.addi %add3A_3064, %mul3A_3 : vector<8x128xi32>
      %get3A_3066 = arith.constant 0 : index
      %get3A_3067 = arith.constant 6400 : index
      %get3A_3068 = vector.load %arg4[%get3A_3066, %get3A_3067] : memref<8x7168xi32, #tpu.memory_space<vmem>>, vector<8x128xi32>
      %mul3A_3069 = arith.constant 512 : i32
      %mul3A_3070 = vector.broadcast %mul3A_3069 : i32 to vector<8x128xi32>
      %mul3A_3071 = arith.muli %get3A_3068, %mul3A_3070 : vector<8x128xi32>
      %get3A_3072 = arith.constant 0 : index
      %get3A_3073 = arith.constant 6400 : index
      %get3A_3074 = vector.load %arg3[%get3A_3072, %get3A_3073] : memref<8x7168xi32, #tpu.memory_space<vmem>>, vector<8x128xi32>
      %add3A_3075 = arith.addi %mul3A_3071, %get3A_3074 : vector<8x128xi32>
      %add3A_3076 = arith.addi %add3A_3075, %mul3A_3 : vector<8x128xi32>
      %mul3A_3077 = arith.constant 7168 : i32
      %mul3A_3078 = arith.muli %arg0, %mul3A_3077 : i32
      %add3A_3079 = arith.constant 6400 : i32
      %add3A_3080 = arith.addi %mul3A_3078, %add3A_3079 : i32
      %add3A_3081 = vector.broadcast %add3A_3080 : i32 to vector<8x128xi32>
      %add3A_3082 = arith.addi %iota3A_4, %add3A_3081 : vector<8x128xi32>
      %lt3A_3083 = arith.constant 50000 : i32
      %lt3A_3084 = vector.broadcast %lt3A_3083 : i32 to vector<8x128xi32>
      %lt3A_3085 = arith.cmpi slt, %add3A_3082, %lt3A_3084 : vector<8x128xi32>
      %jit3A_3086 = arith.constant 0 : i32
      %broadcast_in_dim3A_3087 = vector.broadcast %jit3A_3086 : i32 to vector<8x128xi32>
      %select_n3A_3088 = arith.select %lt3A_3085, %add3A_3065, %broadcast_in_dim3A_3087 : vector<8x128xi1>, vector<8x128xi32>
      %swap3A_3089 = arith.constant 0 : index
      %swap3A_3090 = arith.constant 50 : index
      %swap3A_3091 = arith.constant 0 : index
      %swap3A_3092 = vector.load %arg6[%swap3A_3089, %swap3A_3090, %swap3A_3091] : memref<8x56x128xi32, #tpu.memory_space<vmem>>, vector<8x1x128xi32>
      %swap3A_3093 = vector.shape_cast %swap3A_3092 : vector<8x1x128xi32> to vector<8x128xi32>
      %swap3A_3094 = vector.shape_cast %select_n3A_3088 : vector<8x128xi32> to vector<8x1x128xi32>
      tpu.vector_store %arg6[%swap3A_3089, %swap3A_3090, %swap3A_3091], %swap3A_3094 {strides = array<i32>} : memref<8x56x128xi32, #tpu.memory_space<vmem>>, vector<8x1x128xi32>,
      %jit3A_3095 = arith.constant 0 : i32
      %broadcast_in_dim3A_3096 = vector.broadcast %jit3A_3095 : i32 to vector<8x128xi32>
      %select_n3A_3097 = arith.select %lt3A_3085, %add3A_3076, %broadcast_in_dim3A_3096 : vector<8x128xi1>, vector<8x128xi32>
      %swap3A_3098 = arith.constant 0 : index
      %swap3A_3099 = arith.constant 50 : index
      %swap3A_3100 = arith.constant 0 : index
      %swap3A_3101 = vector.load %arg7[%swap3A_3098, %swap3A_3099, %swap3A_3100] : memref<8x56x128xi32, #tpu.memory_space<vmem>>, vector<8x1x128xi32>
      %swap3A_3102 = vector.shape_cast %swap3A_3101 : vector<8x1x128xi32> to vector<8x128xi32>
      %swap3A_3103 = vector.shape_cast %select_n3A_3097 : vector<8x128xi32> to vector<8x1x128xi32>
      tpu.vector_store %arg7[%swap3A_3098, %swap3A_3099, %swap3A_3100], %swap3A_3103 {strides = array<i32>} : memref<8x56x128xi32, #tpu.memory_space<vmem>>, vector<8x1x128xi32>,
      %get3A_3104 = arith.constant 0 : index
      %get3A_3105 = arith.constant 6400 : index
      %get3A_3106 = vector.load %arg5[%get3A_3104, %get3A_3105] : memref<8x7168xf32, #tpu.memory_space<vmem>>, vector<8x128xf32>
      %jit3A_3107 = arith.constant 0.000000e+00 : f32
      %broadcast_in_dim3A_3108 = vector.broadcast %jit3A_3107 : f32 to vector<8x128xf32>
      %select_n3A_3109 = arith.select %lt3A_3085, %get3A_3106, %broadcast_in_dim3A_3108 : vector<8x128xi1>, vector<8x128xf32>
      %swap3A_3110 = arith.constant 0 : index
      %swap3A_3111 = arith.constant 50 : index
      %swap3A_3112 = arith.constant 0 : index
      %swap3A_3113 = vector.load %arg8[%swap3A_3110, %swap3A_3111, %swap3A_3112] : memref<8x56x128xf32, #tpu.memory_space<vmem>>, vector<8x1x128xf32>
      %swap3A_3114 = vector.shape_cast %swap3A_3113 : vector<8x1x128xf32> to vector<8x128xf32>
      %swap3A_3115 = vector.shape_cast %select_n3A_3109 : vector<8x128xf32> to vector<8x1x128xf32>
      tpu.vector_store %arg8[%swap3A_3110, %swap3A_3111, %swap3A_3112], %swap3A_3115 {strides = array<i32>} : memref<8x56x128xf32, #tpu.memory_space<vmem>>, vector<8x1x128xf32>,
      %get3A_3116 = arith.constant 0 : index
      %get3A_3117 = arith.constant 6528 : index
      %get3A_3118 = vector.load %arg2[%get3A_3116, %get3A_3117] : memref<8x7168xi32, #tpu.memory_space<vmem>>, vector<8x128xi32>
      %mul3A_3119 = arith.constant 512 : i32
      %mul3A_3120 = vector.broadcast %mul3A_3119 : i32 to vector<8x128xi32>
      %mul3A_3121 = arith.muli %get3A_3118, %mul3A_3120 : vector<8x128xi32>
      %get3A_3122 = arith.constant 0 : index
      %get3A_3123 = arith.constant 6528 : index
      %get3A_3124 = vector.load %arg1[%get3A_3122, %get3A_3123] : memref<8x7168xi32, #tpu.memory_space<vmem>>, vector<8x128xi32>
      %add3A_3125 = arith.addi %mul3A_3121, %get3A_3124 : vector<8x128xi32>
      %add3A_3126 = arith.addi %add3A_3125, %mul3A_3 : vector<8x128xi32>
      %get3A_3127 = arith.constant 0 : index
      %get3A_3128 = arith.constant 6528 : index
      %get3A_3129 = vector.load %arg4[%get3A_3127, %get3A_3128] : memref<8x7168xi32, #tpu.memory_space<vmem>>, vector<8x128xi32>
      %mul3A_3130 = arith.constant 512 : i32
      %mul3A_3131 = vector.broadcast %mul3A_3130 : i32 to vector<8x128xi32>
      %mul3A_3132 = arith.muli %get3A_3129, %mul3A_3131 : vector<8x128xi32>
      %get3A_3133 = arith.constant 0 : index
      %get3A_3134 = arith.constant 6528 : index
      %get3A_3135 = vector.load %arg3[%get3A_3133, %get3A_3134] : memref<8x7168xi32, #tpu.memory_space<vmem>>, vector<8x128xi32>
      %add3A_3136 = arith.addi %mul3A_3132, %get3A_3135 : vector<8x128xi32>
      %add3A_3137 = arith.addi %add3A_3136, %mul3A_3 : vector<8x128xi32>
      %mul3A_3138 = arith.constant 7168 : i32
      %mul3A_3139 = arith.muli %arg0, %mul3A_3138 : i32
      %add3A_3140 = arith.constant 6528 : i32
      %add3A_3141 = arith.addi %mul3A_3139, %add3A_3140 : i32
      %add3A_3142 = vector.broadcast %add3A_3141 : i32 to vector<8x128xi32>
      %add3A_3143 = arith.addi %iota3A_4, %add3A_3142 : vector<8x128xi32>
      %lt3A_3144 = arith.constant 50000 : i32
      %lt3A_3145 = vector.broadcast %lt3A_3144 : i32 to vector<8x128xi32>
      %lt3A_3146 = arith.cmpi slt, %add3A_3143, %lt3A_3145 : vector<8x128xi32>
      %jit3A_3147 = arith.constant 0 : i32
      %broadcast_in_dim3A_3148 = vector.broadcast %jit3A_3147 : i32 to vector<8x128xi32>
      %select_n3A_3149 = arith.select %lt3A_3146, %add3A_3126, %broadcast_in_dim3A_3148 : vector<8x128xi1>, vector<8x128xi32>
      %swap3A_3150 = arith.constant 0 : index
      %swap3A_3151 = arith.constant 51 : index
      %swap3A_3152 = arith.constant 0 : index
      %swap3A_3153 = vector.load %arg6[%swap3A_3150, %swap3A_3151, %swap3A_3152] : memref<8x56x128xi32, #tpu.memory_space<vmem>>, vector<8x1x128xi32>
      %swap3A_3154 = vector.shape_cast %swap3A_3153 : vector<8x1x128xi32> to vector<8x128xi32>
      %swap3A_3155 = vector.shape_cast %select_n3A_3149 : vector<8x128xi32> to vector<8x1x128xi32>
      tpu.vector_store %arg6[%swap3A_3150, %swap3A_3151, %swap3A_3152], %swap3A_3155 {strides = array<i32>} : memref<8x56x128xi32, #tpu.memory_space<vmem>>, vector<8x1x128xi32>,
      %jit3A_3156 = arith.constant 0 : i32
      %broadcast_in_dim3A_3157 = vector.broadcast %jit3A_3156 : i32 to vector<8x128xi32>
      %select_n3A_3158 = arith.select %lt3A_3146, %add3A_3137, %broadcast_in_dim3A_3157 : vector<8x128xi1>, vector<8x128xi32>
      %swap3A_3159 = arith.constant 0 : index
      %swap3A_3160 = arith.constant 51 : index
      %swap3A_3161 = arith.constant 0 : index
      %swap3A_3162 = vector.load %arg7[%swap3A_3159, %swap3A_3160, %swap3A_3161] : memref<8x56x128xi32, #tpu.memory_space<vmem>>, vector<8x1x128xi32>
      %swap3A_3163 = vector.shape_cast %swap3A_3162 : vector<8x1x128xi32> to vector<8x128xi32>
      %swap3A_3164 = vector.shape_cast %select_n3A_3158 : vector<8x128xi32> to vector<8x1x128xi32>
      tpu.vector_store %arg7[%swap3A_3159, %swap3A_3160, %swap3A_3161], %swap3A_3164 {strides = array<i32>} : memref<8x56x128xi32, #tpu.memory_space<vmem>>, vector<8x1x128xi32>,
      %get3A_3165 = arith.constant 0 : index
      %get3A_3166 = arith.constant 6528 : index
      %get3A_3167 = vector.load %arg5[%get3A_3165, %get3A_3166] : memref<8x7168xf32, #tpu.memory_space<vmem>>, vector<8x128xf32>
      %jit3A_3168 = arith.constant 0.000000e+00 : f32
      %broadcast_in_dim3A_3169 = vector.broadcast %jit3A_3168 : f32 to vector<8x128xf32>
      %select_n3A_3170 = arith.select %lt3A_3146, %get3A_3167, %broadcast_in_dim3A_3169 : vector<8x128xi1>, vector<8x128xf32>
      %swap3A_3171 = arith.constant 0 : index
      %swap3A_3172 = arith.constant 51 : index
      %swap3A_3173 = arith.constant 0 : index
      %swap3A_3174 = vector.load %arg8[%swap3A_3171, %swap3A_3172, %swap3A_3173] : memref<8x56x128xf32, #tpu.memory_space<vmem>>, vector<8x1x128xf32>
      %swap3A_3175 = vector.shape_cast %swap3A_3174 : vector<8x1x128xf32> to vector<8x128xf32>
      %swap3A_3176 = vector.shape_cast %select_n3A_3170 : vector<8x128xf32> to vector<8x1x128xf32>
      tpu.vector_store %arg8[%swap3A_3171, %swap3A_3172, %swap3A_3173], %swap3A_3176 {strides = array<i32>} : memref<8x56x128xf32, #tpu.memory_space<vmem>>, vector<8x1x128xf32>,
      %get3A_3177 = arith.constant 0 : index
      %get3A_3178 = arith.constant 6656 : index
      %get3A_3179 = vector.load %arg2[%get3A_3177, %get3A_3178] : memref<8x7168xi32, #tpu.memory_space<vmem>>, vector<8x128xi32>
      %mul3A_3180 = arith.constant 512 : i32
      %mul3A_3181 = vector.broadcast %mul3A_3180 : i32 to vector<8x128xi32>
      %mul3A_3182 = arith.muli %get3A_3179, %mul3A_3181 : vector<8x128xi32>
      %get3A_3183 = arith.constant 0 : index
      %get3A_3184 = arith.constant 6656 : index
      %get3A_3185 = vector.load %arg1[%get3A_3183, %get3A_3184] : memref<8x7168xi32, #tpu.memory_space<vmem>>, vector<8x128xi32>
      %add3A_3186 = arith.addi %mul3A_3182, %get3A_3185 : vector<8x128xi32>
      %add3A_3187 = arith.addi %add3A_3186, %mul3A_3 : vector<8x128xi32>
      %get3A_3188 = arith.constant 0 : index
      %get3A_3189 = arith.constant 6656 : index
      %get3A_3190 = vector.load %arg4[%get3A_3188, %get3A_3189] : memref<8x7168xi32, #tpu.memory_space<vmem>>, vector<8x128xi32>
      %mul3A_3191 = arith.constant 512 : i32
      %mul3A_3192 = vector.broadcast %mul3A_3191 : i32 to vector<8x128xi32>
      %mul3A_3193 = arith.muli %get3A_3190, %mul3A_3192 : vector<8x128xi32>
      %get3A_3194 = arith.constant 0 : index
      %get3A_3195 = arith.constant 6656 : index
      %get3A_3196 = vector.load %arg3[%get3A_3194, %get3A_3195] : memref<8x7168xi32, #tpu.memory_space<vmem>>, vector<8x128xi32>
      %add3A_3197 = arith.addi %mul3A_3193, %get3A_3196 : vector<8x128xi32>
      %add3A_3198 = arith.addi %add3A_3197, %mul3A_3 : vector<8x128xi32>
      %mul3A_3199 = arith.constant 7168 : i32
      %mul3A_3200 = arith.muli %arg0, %mul3A_3199 : i32
      %add3A_3201 = arith.constant 6656 : i32
      %add3A_3202 = arith.addi %mul3A_3200, %add3A_3201 : i32
      %add3A_3203 = vector.broadcast %add3A_3202 : i32 to vector<8x128xi32>
      %add3A_3204 = arith.addi %iota3A_4, %add3A_3203 : vector<8x128xi32>
      %lt3A_3205 = arith.constant 50000 : i32
      %lt3A_3206 = vector.broadcast %lt3A_3205 : i32 to vector<8x128xi32>
      %lt3A_3207 = arith.cmpi slt, %add3A_3204, %lt3A_3206 : vector<8x128xi32>
      %jit3A_3208 = arith.constant 0 : i32
      %broadcast_in_dim3A_3209 = vector.broadcast %jit3A_3208 : i32 to vector<8x128xi32>
      %select_n3A_3210 = arith.select %lt3A_3207, %add3A_3187, %broadcast_in_dim3A_3209 : vector<8x128xi1>, vector<8x128xi32>
      %swap3A_3211 = arith.constant 0 : index
      %swap3A_3212 = arith.constant 52 : index
      %swap3A_3213 = arith.constant 0 : index
      %swap3A_3214 = vector.load %arg6[%swap3A_3211, %swap3A_3212, %swap3A_3213] : memref<8x56x128xi32, #tpu.memory_space<vmem>>, vector<8x1x128xi32>
      %swap3A_3215 = vector.shape_cast %swap3A_3214 : vector<8x1x128xi32> to vector<8x128xi32>
      %swap3A_3216 = vector.shape_cast %select_n3A_3210 : vector<8x128xi32> to vector<8x1x128xi32>
      tpu.vector_store %arg6[%swap3A_3211, %swap3A_3212, %swap3A_3213], %swap3A_3216 {strides = array<i32>} : memref<8x56x128xi32, #tpu.memory_space<vmem>>, vector<8x1x128xi32>,
      %jit3A_3217 = arith.constant 0 : i32
      %broadcast_in_dim3A_3218 = vector.broadcast %jit3A_3217 : i32 to vector<8x128xi32>
      %select_n3A_3219 = arith.select %lt3A_3207, %add3A_3198, %broadcast_in_dim3A_3218 : vector<8x128xi1>, vector<8x128xi32>
      %swap3A_3220 = arith.constant 0 : index
      %swap3A_3221 = arith.constant 52 : index
      %swap3A_3222 = arith.constant 0 : index
      %swap3A_3223 = vector.load %arg7[%swap3A_3220, %swap3A_3221, %swap3A_3222] : memref<8x56x128xi32, #tpu.memory_space<vmem>>, vector<8x1x128xi32>
      %swap3A_3224 = vector.shape_cast %swap3A_3223 : vector<8x1x128xi32> to vector<8x128xi32>
      %swap3A_3225 = vector.shape_cast %select_n3A_3219 : vector<8x128xi32> to vector<8x1x128xi32>
      tpu.vector_store %arg7[%swap3A_3220, %swap3A_3221, %swap3A_3222], %swap3A_3225 {strides = array<i32>} : memref<8x56x128xi32, #tpu.memory_space<vmem>>, vector<8x1x128xi32>,
      %get3A_3226 = arith.constant 0 : index
      %get3A_3227 = arith.constant 6656 : index
      %get3A_3228 = vector.load %arg5[%get3A_3226, %get3A_3227] : memref<8x7168xf32, #tpu.memory_space<vmem>>, vector<8x128xf32>
      %jit3A_3229 = arith.constant 0.000000e+00 : f32
      %broadcast_in_dim3A_3230 = vector.broadcast %jit3A_3229 : f32 to vector<8x128xf32>
      %select_n3A_3231 = arith.select %lt3A_3207, %get3A_3228, %broadcast_in_dim3A_3230 : vector<8x128xi1>, vector<8x128xf32>
      %swap3A_3232 = arith.constant 0 : index
      %swap3A_3233 = arith.constant 52 : index
      %swap3A_3234 = arith.constant 0 : index
      %swap3A_3235 = vector.load %arg8[%swap3A_3232, %swap3A_3233, %swap3A_3234] : memref<8x56x128xf32, #tpu.memory_space<vmem>>, vector<8x1x128xf32>
      %swap3A_3236 = vector.shape_cast %swap3A_3235 : vector<8x1x128xf32> to vector<8x128xf32>
      %swap3A_3237 = vector.shape_cast %select_n3A_3231 : vector<8x128xf32> to vector<8x1x128xf32>
      tpu.vector_store %arg8[%swap3A_3232, %swap3A_3233, %swap3A_3234], %swap3A_3237 {strides = array<i32>} : memref<8x56x128xf32, #tpu.memory_space<vmem>>, vector<8x1x128xf32>,
      %get3A_3238 = arith.constant 0 : index
      %get3A_3239 = arith.constant 6784 : index
      %get3A_3240 = vector.load %arg2[%get3A_3238, %get3A_3239] : memref<8x7168xi32, #tpu.memory_space<vmem>>, vector<8x128xi32>
      %mul3A_3241 = arith.constant 512 : i32
      %mul3A_3242 = vector.broadcast %mul3A_3241 : i32 to vector<8x128xi32>
      %mul3A_3243 = arith.muli %get3A_3240, %mul3A_3242 : vector<8x128xi32>
      %get3A_3244 = arith.constant 0 : index
      %get3A_3245 = arith.constant 6784 : index
      %get3A_3246 = vector.load %arg1[%get3A_3244, %get3A_3245] : memref<8x7168xi32, #tpu.memory_space<vmem>>, vector<8x128xi32>
      %add3A_3247 = arith.addi %mul3A_3243, %get3A_3246 : vector<8x128xi32>
      %add3A_3248 = arith.addi %add3A_3247, %mul3A_3 : vector<8x128xi32>
      %get3A_3249 = arith.constant 0 : index
      %get3A_3250 = arith.constant 6784 : index
      %get3A_3251 = vector.load %arg4[%get3A_3249, %get3A_3250] : memref<8x7168xi32, #tpu.memory_space<vmem>>, vector<8x128xi32>
      %mul3A_3252 = arith.constant 512 : i32
      %mul3A_3253 = vector.broadcast %mul3A_3252 : i32 to vector<8x128xi32>
      %mul3A_3254 = arith.muli %get3A_3251, %mul3A_3253 : vector<8x128xi32>
      %get3A_3255 = arith.constant 0 : index
      %get3A_3256 = arith.constant 6784 : index
      %get3A_3257 = vector.load %arg3[%get3A_3255, %get3A_3256] : memref<8x7168xi32, #tpu.memory_space<vmem>>, vector<8x128xi32>
      %add3A_3258 = arith.addi %mul3A_3254, %get3A_3257 : vector<8x128xi32>
      %add3A_3259 = arith.addi %add3A_3258, %mul3A_3 : vector<8x128xi32>
      %mul3A_3260 = arith.constant 7168 : i32
      %mul3A_3261 = arith.muli %arg0, %mul3A_3260 : i32
      %add3A_3262 = arith.constant 6784 : i32
      %add3A_3263 = arith.addi %mul3A_3261, %add3A_3262 : i32
      %add3A_3264 = vector.broadcast %add3A_3263 : i32 to vector<8x128xi32>
      %add3A_3265 = arith.addi %iota3A_4, %add3A_3264 : vector<8x128xi32>
      %lt3A_3266 = arith.constant 50000 : i32
      %lt3A_3267 = vector.broadcast %lt3A_3266 : i32 to vector<8x128xi32>
      %lt3A_3268 = arith.cmpi slt, %add3A_3265, %lt3A_3267 : vector<8x128xi32>
      %jit3A_3269 = arith.constant 0 : i32
      %broadcast_in_dim3A_3270 = vector.broadcast %jit3A_3269 : i32 to vector<8x128xi32>
      %select_n3A_3271 = arith.select %lt3A_3268, %add3A_3248, %broadcast_in_dim3A_3270 : vector<8x128xi1>, vector<8x128xi32>
      %swap3A_3272 = arith.constant 0 : index
      %swap3A_3273 = arith.constant 53 : index
      %swap3A_3274 = arith.constant 0 : index
      %swap3A_3275 = vector.load %arg6[%swap3A_3272, %swap3A_3273, %swap3A_3274] : memref<8x56x128xi32, #tpu.memory_space<vmem>>, vector<8x1x128xi32>
      %swap3A_3276 = vector.shape_cast %swap3A_3275 : vector<8x1x128xi32> to vector<8x128xi32>
      %swap3A_3277 = vector.shape_cast %select_n3A_3271 : vector<8x128xi32> to vector<8x1x128xi32>
      tpu.vector_store %arg6[%swap3A_3272, %swap3A_3273, %swap3A_3274], %swap3A_3277 {strides = array<i32>} : memref<8x56x128xi32, #tpu.memory_space<vmem>>, vector<8x1x128xi32>,
      %jit3A_3278 = arith.constant 0 : i32
      %broadcast_in_dim3A_3279 = vector.broadcast %jit3A_3278 : i32 to vector<8x128xi32>
      %select_n3A_3280 = arith.select %lt3A_3268, %add3A_3259, %broadcast_in_dim3A_3279 : vector<8x128xi1>, vector<8x128xi32>
      %swap3A_3281 = arith.constant 0 : index
      %swap3A_3282 = arith.constant 53 : index
      %swap3A_3283 = arith.constant 0 : index
      %swap3A_3284 = vector.load %arg7[%swap3A_3281, %swap3A_3282, %swap3A_3283] : memref<8x56x128xi32, #tpu.memory_space<vmem>>, vector<8x1x128xi32>
      %swap3A_3285 = vector.shape_cast %swap3A_3284 : vector<8x1x128xi32> to vector<8x128xi32>
      %swap3A_3286 = vector.shape_cast %select_n3A_3280 : vector<8x128xi32> to vector<8x1x128xi32>
      tpu.vector_store %arg7[%swap3A_3281, %swap3A_3282, %swap3A_3283], %swap3A_3286 {strides = array<i32>} : memref<8x56x128xi32, #tpu.memory_space<vmem>>, vector<8x1x128xi32>,
      %get3A_3287 = arith.constant 0 : index
      %get3A_3288 = arith.constant 6784 : index
      %get3A_3289 = vector.load %arg5[%get3A_3287, %get3A_3288] : memref<8x7168xf32, #tpu.memory_space<vmem>>, vector<8x128xf32>
      %jit3A_3290 = arith.constant 0.000000e+00 : f32
      %broadcast_in_dim3A_3291 = vector.broadcast %jit3A_3290 : f32 to vector<8x128xf32>
      %select_n3A_3292 = arith.select %lt3A_3268, %get3A_3289, %broadcast_in_dim3A_3291 : vector<8x128xi1>, vector<8x128xf32>
      %swap3A_3293 = arith.constant 0 : index
      %swap3A_3294 = arith.constant 53 : index
      %swap3A_3295 = arith.constant 0 : index
      %swap3A_3296 = vector.load %arg8[%swap3A_3293, %swap3A_3294, %swap3A_3295] : memref<8x56x128xf32, #tpu.memory_space<vmem>>, vector<8x1x128xf32>
      %swap3A_3297 = vector.shape_cast %swap3A_3296 : vector<8x1x128xf32> to vector<8x128xf32>
      %swap3A_3298 = vector.shape_cast %select_n3A_3292 : vector<8x128xf32> to vector<8x1x128xf32>
      tpu.vector_store %arg8[%swap3A_3293, %swap3A_3294, %swap3A_3295], %swap3A_3298 {strides = array<i32>} : memref<8x56x128xf32, #tpu.memory_space<vmem>>, vector<8x1x128xf32>,
      %get3A_3299 = arith.constant 0 : index
      %get3A_3300 = arith.constant 6912 : index
      %get3A_3301 = vector.load %arg2[%get3A_3299, %get3A_3300] : memref<8x7168xi32, #tpu.memory_space<vmem>>, vector<8x128xi32>
      %mul3A_3302 = arith.constant 512 : i32
      %mul3A_3303 = vector.broadcast %mul3A_3302 : i32 to vector<8x128xi32>
      %mul3A_3304 = arith.muli %get3A_3301, %mul3A_3303 : vector<8x128xi32>
      %get3A_3305 = arith.constant 0 : index
      %get3A_3306 = arith.constant 6912 : index
      %get3A_3307 = vector.load %arg1[%get3A_3305, %get3A_3306] : memref<8x7168xi32, #tpu.memory_space<vmem>>, vector<8x128xi32>
      %add3A_3308 = arith.addi %mul3A_3304, %get3A_3307 : vector<8x128xi32>
      %add3A_3309 = arith.addi %add3A_3308, %mul3A_3 : vector<8x128xi32>
      %get3A_3310 = arith.constant 0 : index
      %get3A_3311 = arith.constant 6912 : index
      %get3A_3312 = vector.load %arg4[%get3A_3310, %get3A_3311] : memref<8x7168xi32, #tpu.memory_space<vmem>>, vector<8x128xi32>
      %mul3A_3313 = arith.constant 512 : i32
      %mul3A_3314 = vector.broadcast %mul3A_3313 : i32 to vector<8x128xi32>
      %mul3A_3315 = arith.muli %get3A_3312, %mul3A_3314 : vector<8x128xi32>
      %get3A_3316 = arith.constant 0 : index
      %get3A_3317 = arith.constant 6912 : index
      %get3A_3318 = vector.load %arg3[%get3A_3316, %get3A_3317] : memref<8x7168xi32, #tpu.memory_space<vmem>>, vector<8x128xi32>
      %add3A_3319 = arith.addi %mul3A_3315, %get3A_3318 : vector<8x128xi32>
      %add3A_3320 = arith.addi %add3A_3319, %mul3A_3 : vector<8x128xi32>
      %mul3A_3321 = arith.constant 7168 : i32
      %mul3A_3322 = arith.muli %arg0, %mul3A_3321 : i32
      %add3A_3323 = arith.constant 6912 : i32
      %add3A_3324 = arith.addi %mul3A_3322, %add3A_3323 : i32
      %add3A_3325 = vector.broadcast %add3A_3324 : i32 to vector<8x128xi32>
      %add3A_3326 = arith.addi %iota3A_4, %add3A_3325 : vector<8x128xi32>
      %lt3A_3327 = arith.constant 50000 : i32
      %lt3A_3328 = vector.broadcast %lt3A_3327 : i32 to vector<8x128xi32>
      %lt3A_3329 = arith.cmpi slt, %add3A_3326, %lt3A_3328 : vector<8x128xi32>
      %jit3A_3330 = arith.constant 0 : i32
      %broadcast_in_dim3A_3331 = vector.broadcast %jit3A_3330 : i32 to vector<8x128xi32>
      %select_n3A_3332 = arith.select %lt3A_3329, %add3A_3309, %broadcast_in_dim3A_3331 : vector<8x128xi1>, vector<8x128xi32>
      %swap3A_3333 = arith.constant 0 : index
      %swap3A_3334 = arith.constant 54 : index
      %swap3A_3335 = arith.constant 0 : index
      %swap3A_3336 = vector.load %arg6[%swap3A_3333, %swap3A_3334, %swap3A_3335] : memref<8x56x128xi32, #tpu.memory_space<vmem>>, vector<8x1x128xi32>
      %swap3A_3337 = vector.shape_cast %swap3A_3336 : vector<8x1x128xi32> to vector<8x128xi32>
      %swap3A_3338 = vector.shape_cast %select_n3A_3332 : vector<8x128xi32> to vector<8x1x128xi32>
      tpu.vector_store %arg6[%swap3A_3333, %swap3A_3334, %swap3A_3335], %swap3A_3338 {strides = array<i32>} : memref<8x56x128xi32, #tpu.memory_space<vmem>>, vector<8x1x128xi32>,
      %jit3A_3339 = arith.constant 0 : i32
      %broadcast_in_dim3A_3340 = vector.broadcast %jit3A_3339 : i32 to vector<8x128xi32>
      %select_n3A_3341 = arith.select %lt3A_3329, %add3A_3320, %broadcast_in_dim3A_3340 : vector<8x128xi1>, vector<8x128xi32>
      %swap3A_3342 = arith.constant 0 : index
      %swap3A_3343 = arith.constant 54 : index
      %swap3A_3344 = arith.constant 0 : index
      %swap3A_3345 = vector.load %arg7[%swap3A_3342, %swap3A_3343, %swap3A_3344] : memref<8x56x128xi32, #tpu.memory_space<vmem>>, vector<8x1x128xi32>
      %swap3A_3346 = vector.shape_cast %swap3A_3345 : vector<8x1x128xi32> to vector<8x128xi32>
      %swap3A_3347 = vector.shape_cast %select_n3A_3341 : vector<8x128xi32> to vector<8x1x128xi32>
      tpu.vector_store %arg7[%swap3A_3342, %swap3A_3343, %swap3A_3344], %swap3A_3347 {strides = array<i32>} : memref<8x56x128xi32, #tpu.memory_space<vmem>>, vector<8x1x128xi32>,
      %get3A_3348 = arith.constant 0 : index
      %get3A_3349 = arith.constant 6912 : index
      %get3A_3350 = vector.load %arg5[%get3A_3348, %get3A_3349] : memref<8x7168xf32, #tpu.memory_space<vmem>>, vector<8x128xf32>
      %jit3A_3351 = arith.constant 0.000000e+00 : f32
      %broadcast_in_dim3A_3352 = vector.broadcast %jit3A_3351 : f32 to vector<8x128xf32>
      %select_n3A_3353 = arith.select %lt3A_3329, %get3A_3350, %broadcast_in_dim3A_3352 : vector<8x128xi1>, vector<8x128xf32>
      %swap3A_3354 = arith.constant 0 : index
      %swap3A_3355 = arith.constant 54 : index
      %swap3A_3356 = arith.constant 0 : index
      %swap3A_3357 = vector.load %arg8[%swap3A_3354, %swap3A_3355, %swap3A_3356] : memref<8x56x128xf32, #tpu.memory_space<vmem>>, vector<8x1x128xf32>
      %swap3A_3358 = vector.shape_cast %swap3A_3357 : vector<8x1x128xf32> to vector<8x128xf32>
      %swap3A_3359 = vector.shape_cast %select_n3A_3353 : vector<8x128xf32> to vector<8x1x128xf32>
      tpu.vector_store %arg8[%swap3A_3354, %swap3A_3355, %swap3A_3356], %swap3A_3359 {strides = array<i32>} : memref<8x56x128xf32, #tpu.memory_space<vmem>>, vector<8x1x128xf32>,
      %get3A_3360 = arith.constant 0 : index
      %get3A_3361 = arith.constant 7040 : index
      %get3A_3362 = vector.load %arg2[%get3A_3360, %get3A_3361] : memref<8x7168xi32, #tpu.memory_space<vmem>>, vector<8x128xi32>
      %mul3A_3363 = arith.constant 512 : i32
      %mul3A_3364 = vector.broadcast %mul3A_3363 : i32 to vector<8x128xi32>
      %mul3A_3365 = arith.muli %get3A_3362, %mul3A_3364 : vector<8x128xi32>
      %get3A_3366 = arith.constant 0 : index
      %get3A_3367 = arith.constant 7040 : index
      %get3A_3368 = vector.load %arg1[%get3A_3366, %get3A_3367] : memref<8x7168xi32, #tpu.memory_space<vmem>>, vector<8x128xi32>
      %add3A_3369 = arith.addi %mul3A_3365, %get3A_3368 : vector<8x128xi32>
      %add3A_3370 = arith.addi %add3A_3369, %mul3A_3 : vector<8x128xi32>
      %get3A_3371 = arith.constant 0 : index
      %get3A_3372 = arith.constant 7040 : index
      %get3A_3373 = vector.load %arg4[%get3A_3371, %get3A_3372] : memref<8x7168xi32, #tpu.memory_space<vmem>>, vector<8x128xi32>
      %mul3A_3374 = arith.constant 512 : i32
      %mul3A_3375 = vector.broadcast %mul3A_3374 : i32 to vector<8x128xi32>
      %mul3A_3376 = arith.muli %get3A_3373, %mul3A_3375 : vector<8x128xi32>
      %get3A_3377 = arith.constant 0 : index
      %get3A_3378 = arith.constant 7040 : index
      %get3A_3379 = vector.load %arg3[%get3A_3377, %get3A_3378] : memref<8x7168xi32, #tpu.memory_space<vmem>>, vector<8x128xi32>
      %add3A_3380 = arith.addi %mul3A_3376, %get3A_3379 : vector<8x128xi32>
      %add3A_3381 = arith.addi %add3A_3380, %mul3A_3 : vector<8x128xi32>
      %mul3A_3382 = arith.constant 7168 : i32
      %mul3A_3383 = arith.muli %arg0, %mul3A_3382 : i32
      %add3A_3384 = arith.constant 7040 : i32
      %add3A_3385 = arith.addi %mul3A_3383, %add3A_3384 : i32
      %add3A_3386 = vector.broadcast %add3A_3385 : i32 to vector<8x128xi32>
      %add3A_3387 = arith.addi %iota3A_4, %add3A_3386 : vector<8x128xi32>
      %lt3A_3388 = arith.constant 50000 : i32
      %lt3A_3389 = vector.broadcast %lt3A_3388 : i32 to vector<8x128xi32>
      %lt3A_3390 = arith.cmpi slt, %add3A_3387, %lt3A_3389 : vector<8x128xi32>
      %jit3A_3391 = arith.constant 0 : i32
      %broadcast_in_dim3A_3392 = vector.broadcast %jit3A_3391 : i32 to vector<8x128xi32>
      %select_n3A_3393 = arith.select %lt3A_3390, %add3A_3370, %broadcast_in_dim3A_3392 : vector<8x128xi1>, vector<8x128xi32>
      %swap3A_3394 = arith.constant 0 : index
      %swap3A_3395 = arith.constant 55 : index
      %swap3A_3396 = arith.constant 0 : index
      %swap3A_3397 = vector.load %arg6[%swap3A_3394, %swap3A_3395, %swap3A_3396] : memref<8x56x128xi32, #tpu.memory_space<vmem>>, vector<8x1x128xi32>
      %swap3A_3398 = vector.shape_cast %swap3A_3397 : vector<8x1x128xi32> to vector<8x128xi32>
      %swap3A_3399 = vector.shape_cast %select_n3A_3393 : vector<8x128xi32> to vector<8x1x128xi32>
      tpu.vector_store %arg6[%swap3A_3394, %swap3A_3395, %swap3A_3396], %swap3A_3399 {strides = array<i32>} : memref<8x56x128xi32, #tpu.memory_space<vmem>>, vector<8x1x128xi32>,
      %jit3A_3400 = arith.constant 0 : i32
      %broadcast_in_dim3A_3401 = vector.broadcast %jit3A_3400 : i32 to vector<8x128xi32>
      %select_n3A_3402 = arith.select %lt3A_3390, %add3A_3381, %broadcast_in_dim3A_3401 : vector<8x128xi1>, vector<8x128xi32>
      %swap3A_3403 = arith.constant 0 : index
      %swap3A_3404 = arith.constant 55 : index
      %swap3A_3405 = arith.constant 0 : index
      %swap3A_3406 = vector.load %arg7[%swap3A_3403, %swap3A_3404, %swap3A_3405] : memref<8x56x128xi32, #tpu.memory_space<vmem>>, vector<8x1x128xi32>
      %swap3A_3407 = vector.shape_cast %swap3A_3406 : vector<8x1x128xi32> to vector<8x128xi32>
      %swap3A_3408 = vector.shape_cast %select_n3A_3402 : vector<8x128xi32> to vector<8x1x128xi32>
      tpu.vector_store %arg7[%swap3A_3403, %swap3A_3404, %swap3A_3405], %swap3A_3408 {strides = array<i32>} : memref<8x56x128xi32, #tpu.memory_space<vmem>>, vector<8x1x128xi32>,
      %get3A_3409 = arith.constant 0 : index
      %get3A_3410 = arith.constant 7040 : index
      %get3A_3411 = vector.load %arg5[%get3A_3409, %get3A_3410] : memref<8x7168xf32, #tpu.memory_space<vmem>>, vector<8x128xf32>
      %jit3A_3412 = arith.constant 0.000000e+00 : f32
      %broadcast_in_dim3A_3413 = vector.broadcast %jit3A_3412 : f32 to vector<8x128xf32>
      %select_n3A_3414 = arith.select %lt3A_3390, %get3A_3411, %broadcast_in_dim3A_3413 : vector<8x128xi1>, vector<8x128xf32>
      %swap3A_3415 = arith.constant 0 : index
      %swap3A_3416 = arith.constant 55 : index
      %swap3A_3417 = arith.constant 0 : index
      %swap3A_3418 = vector.load %arg8[%swap3A_3415, %swap3A_3416, %swap3A_3417] : memref<8x56x128xf32, #tpu.memory_space<vmem>>, vector<8x1x128xf32>
      %swap3A_3419 = vector.shape_cast %swap3A_3418 : vector<8x1x128xf32> to vector<8x128xf32>
      %swap3A_3420 = vector.shape_cast %select_n3A_3414 : vector<8x128xf32> to vector<8x1x128xf32>
      tpu.vector_store %arg8[%swap3A_3415, %swap3A_3416, %swap3A_3417], %swap3A_3420 {strides = array<i32>} : memref<8x56x128xf32, #tpu.memory_space<vmem>>, vector<8x1x128xf32>,
    } else {
    }
    return
  }
  func.func @transform_0(%arg0: i32) -> (i32, i32) {
    %c0_i32 = arith.constant 0 : i32
    %c0_i32_0 = arith.constant 0 : i32
    return %c0_i32, %arg0 : i32, i32
  }
  func.func @transform_1(%arg0: i32) -> (i32, i32) {
    %c0_i32 = arith.constant 0 : i32
    %c0_i32_0 = arith.constant 0 : i32
    return %c0_i32, %arg0 : i32, i32
  }
  func.func @transform_2(%arg0: i32) -> (i32, i32) {
    %c0_i32 = arith.constant 0 : i32
    %c0_i32_0 = arith.constant 0 : i32
    return %c0_i32, %arg0 : i32, i32
  }
  func.func @transform_3(%arg0: i32) -> (i32, i32) {
    %c0_i32 = arith.constant 0 : i32
    %c0_i32_0 = arith.constant 0 : i32
    return %c0_i32, %arg0 : i32, i32
  }
  func.func @transform_4(%arg0: i32) -> (i32, i32) {
    %c0_i32 = arith.constant 0 : i32
    %c0_i32_0 = arith.constant 0 : i32
    return %c0_i32, %arg0 : i32, i32
  }
  func.func @transform_5(%arg0: i32) -> (i32, i32, i32) {
    %c0_i32 = arith.constant 0 : i32
    %c0_i32_0 = arith.constant 0 : i32
    %c0_i32_1 = arith.constant 0 : i32
    return %c0_i32, %arg0, %c0_i32_0 : i32, i32, i32
  }
  func.func @transform_6(%arg0: i32) -> (i32, i32, i32) {
    %c0_i32 = arith.constant 0 : i32
    %c0_i32_0 = arith.constant 0 : i32
    %c0_i32_1 = arith.constant 0 : i32
    return %c0_i32, %arg0, %c0_i32_0 : i32, i32, i32
  }
  func.func @transform_7(%arg0: i32) -> (i32, i32, i32) {
    %c0_i32 = arith.constant 0 : i32
    %c0_i32_0 = arith.constant 0 : i32
    %c0_i32_1 = arith.constant 0 : i32
    return %c0_i32, %arg0, %c0_i32_0 : i32, i32, i32
  }
}

</mosaic_0001>

<sc_bundles>
// kernel: kernel.5.cloned.1.call-start
scs
__scs_entry_jumppad:
0x0: {  	(pc) =	sbr.rel $0x88, $3  }
0x1: {  	(tag) =	ssettag $0x0;
	lr =	simm.s32 $0x1  }
0x2: {  	[smem:$0x3F9B] =	sst lr;
	_ =	strace $0xD0000000  }
0x3: {  	_ = 	snop  }
0x4: {  	_ = 	snop  }
0x5: {  	_ = 	snop  }
0x6: {  	_ = 	snop  }
0x7: {  	_ = 	snop  }
__scs_overlays_trampoline_lowered:
0x8: {  	[smem:$0x3FAA] =	sst s0  }
0x9: {  	[smem:$0x3FAB] =	sst s1  }
0xa: {  	[smem:$0x3FAC] =	sst s2  }
0xb: {  	[smem:$0x3FAD] =	sst s3  }
0xc: {  	[smem:$0x3FAE] =	sst s4  }
0xd: {  	[smem:$0x3FAF] =	sst s5  }
0xe: {  	[smem:$0x3FB0] =	sst s6  }
0xf: {  	[smem:$0x3FB1] =	sst s7  }
0x10: {  	[smem:$0x3FB2] =	sst s8  }
0x11: {  	[smem:$0x3FB3] =	sst s9;
	s0 =	simm.s32 @!p0 $0x0  }
0x12: {  	s1 =	sld [smem:$0x3F99];
	s0 =	simm.s32 @p0 $0x1  }
0x13: {  	[smem:$0x3FB4] =	sst s0;
	s0 =	simm.s32 @!p1 $0x0  }
0x14: {  	s2 =	sld [smem:$0x3F98];
	s0 =	simm.s32 @p1 $0x1  }
0x15: {  	[smem:$0x3FB5] =	sst s0;
	s0 =	simm.s32 @!p2 $0x0  }
0x16: {  	s3 =	sld [smem:$0x3FDB];
	s0 =	simm.s32 @p2 $0x1  }
0x17: {  	s4 =	simm.s32 $0x1BF5;
	[smem:$0x3FB7] =	sst s0  }
0x18: {  	s0 =	sld [smem:$0x3F9A];
	_ =	swait.ge [sflag:s4], $0x0  }
0x19: {  	s7 =	sld [smem:$0x3F9B]  }
0x1a: {  	s8 =	sadd.s32 $0xFFFFE003, lr  }
0x1b: {  	s9 =	sadd.s32 $0xFFFFFEF7, lr;
	s5 =	simm.s32 $0xFFFFFFFF;
	p2 =	slt.u32 s8, $0xFFFFF086  }
0x1c: {  	p1 =	slt.u32 s9, $0xF7A;
	s5 =	simm.s32 @!p2 $0x0  }
0x1d: {  	s5 =	simm.s32 @p1 $0x1;
	p0 =	seq.s32 s7, s2  }
0x1e: {  	s7 =	smul.u32 @!p0 $0xF7A, s2;
	p2 =	seq.s32 @!p0 s5, $0x0  }
0x1f: {  	s9 =	smul.u32 $0xF7A, s1;
	s8 =	simm.s32 @!p0 $0x1BF5;
	p2 =	por !p2, p0  }
0x20: {  	[sflag:s8] =	ssyncset.s32 @!p0 $0xFFFFF086;
	s6 =	sadd.s32 @!p0 s3, s7;
	s7 =	simm.s32 @!p0 $0x108  }
0x21: {  	s3 =	sadd.s32 s3, s9;
	s6 =	sadd.s32 @!p0 $0x88, s6;
	s7 =	simm.s32 @p2 $0x1082  }
0x22: {  	[simem:s7], [sflag:s8] =	dma.local @!p0 [hbm:s6], $0xF7A  }
0x23: {  	s9 =	sor.u32 $0xD0000000, s2;
	s6 =	simm.s32 $0x108;
	_ =	swait.ge @!p0 [sflag:s8], $0x0  }
0x24: {  	s3 =	sadd.s32 $0x88, s3;
	s6 =	simm.s32 @!p1 $0x1082;
	[sflag:s4] =	ssyncset.s32 $0xFFFFF086  }
0x25: {  	[simem:s6], [sflag:s4] =	dma.local [hbm:s3], $0xF7A  }
0x26: {  	[smem:$0x3F9B] =	sst s1;
	(tag) =	ssettag s2;
	_ =	strace s9  }
0x27: {  	s1 =	sld [smem:$0x3FAB]  }
0x28: {  	s2 =	sld [smem:$0x3FAC]  }
0x29: {  	s4 =	sld [smem:$0x3FAE]  }
0x2a: {  	p0 =	seq.s32 s5, $0x0;
	s5 =	sld [smem:$0x3FAF]  }
0x2b: {  	s6 =	sld [smem:$0x3FB0]  }
0x2c: {  	s7 =	sld [smem:$0x3FB1]  }
0x2d: {  	s3 =	simm.s32 $0x108;
	s8 =	sld [smem:$0x3FB2]  }
0x2e: {  	s3 =	simm.s32 @!p0 $0x1082;
	s9 =	sld [smem:$0x3FB3]  }
0x2f: {  	lr =	sadd.s32 s0, s3;
	s0 =	sld [smem:$0x3FAA]  }
0x30: {  	s3 =	sld [smem:$0x3FAD]  }
0x31: {  	[smem:$0x3FB6] =	sst s10  }
0x32: {  	s10 =	sld [smem:$0x3FB4];
	_ =	sdelay $0x3  }
0x33: {  	p0 =	seq.s32 s10, $0x1;
	s10 =	sld [smem:$0x3FB6];
	_ =	sdelay $0x3  }
0x34: {  	[smem:$0x3FB6] =	sst s10  }
0x35: {  	s10 =	sld [smem:$0x3FB5];
	_ =	sdelay $0x3  }
0x36: {  	p1 =	seq.s32 s10, $0x1;
	s10 =	sld [smem:$0x3FB6];
	_ =	sdelay $0x3  }
0x37: {  	[smem:$0x3FB6] =	sst s10  }
0x38: {  	s10 =	sld [smem:$0x3FB7]  }
0x39: {  	_ = 	snop;
	(pc) =	sbr.ind lr, $3  }
0x3a: {  	_ = 	snop  }
0x3b: {  	_ = 	snop  }
0x3c: {  	p2 =	seq.s32 s10, $0x1;
	s10 =	sld [smem:$0x3FB6]  }
0x3d: {  	_ =	shalt  }
0x3e: {  	_ =	shalt  }
0x3f: {  	_ =	shalt  }
0x40: {  	_ =	shalt  }
0x41: {  	_ =	shalt  }
0x42: {  	_ =	shalt  }
0x43: {  	_ =	shalt  }
0x44: {  	_ =	shalt  }
0x45: {  	_ =	shalt  }
0x46: {  	_ =	shalt  }
0x47: {  	_ =	shalt  }
0x48: {  	_ =	shalt  }
0x49: {  	_ =	shalt  }
0x4a: {  	_ =	shalt  }
0x4b: {  	_ =	shalt  }
0x4c: {  	_ =	shalt  }
0x4d: {  	_ =	shalt  }
0x4e: {  	_ =	shalt  }
0x4f: {  	_ =	shalt  }
0x50: {  	_ =	shalt  }
0x51: {  	_ =	shalt  }
0x52: {  	_ =	shalt  }
0x53: {  	_ =	shalt  }
0x54: {  	_ =	shalt  }
0x55: {  	_ =	shalt  }
0x56: {  	_ =	shalt  }
0x57: {  	_ =	shalt  }
0x58: {  	_ =	shalt  }
0x59: {  	_ =	shalt  }
0x5a: {  	_ =	shalt  }
0x5b: {  	_ =	shalt  }
0x5c: {  	_ =	shalt  }
0x5d: {  	_ =	shalt  }
0x5e: {  	_ =	shalt  }
0x5f: {  	_ =	shalt  }
0x60: {  	_ =	shalt  }
0x61: {  	_ =	shalt  }
0x62: {  	_ =	shalt  }
0x63: {  	_ =	shalt  }
0x64: {  	_ =	shalt  }
0x65: {  	_ =	shalt  }
0x66: {  	_ =	shalt  }
0x67: {  	_ =	shalt  }
0x68: {  	_ =	shalt  }
0x69: {  	_ =	shalt  }
0x6a: {  	_ =	shalt  }
0x6b: {  	_ =	shalt  }
0x6c: {  	_ =	shalt  }
0x6d: {  	_ =	shalt  }
0x6e: {  	_ =	shalt  }
0x6f: {  	_ =	shalt  }
0x70: {  	_ =	shalt  }
0x71: {  	_ =	shalt  }
0x72: {  	_ =	shalt  }
0x73: {  	_ =	shalt  }
0x74: {  	_ =	shalt  }
0x75: {  	_ =	shalt  }
0x76: {  	_ =	shalt  }
0x77: {  	_ =	shalt  }
0x78: {  	_ =	shalt  }
0x79: {  	_ =	shalt  }
0x7a: {  	_ =	shalt  }
0x7b: {  	_ =	shalt  }
0x7c: {  	_ =	shalt  }
0x7d: {  	_ =	shalt  }
0x7e: {  	_ =	shalt  }
0x7f: {  	_ =	shalt  }
0x80: {  	_ =	shalt  }
0x81: {  	_ =	shalt  }
0x82: {  	_ =	shalt  }
0x83: {  	_ =	shalt  }
0x84: {  	_ =	shalt  }
0x85: {  	_ =	shalt  }
0x86: {  	_ =	shalt  }
0x87: {  	_ =	shalt  }
.Lfunc_end0:
.L_simem_size_0:
called_computation_lowered:
.L_overlay_start_0:
0x88: {  	s2 =	sld [smem:$0x3FD9]  }
0x89: {  	s3 =	sld [smem:$0x3FFE];
	_ =	sdelay $0x1  }
0x8a: {  	s1 =	srdreg.scid  }
0x8b: {  	s0 =	sand.u32 $0x1, s1  }
0x8c: {  	s16 =	sshll.u32 s0, $0xA;
	s2 =	sadd.s32 s3, s2  }
0x8d: {  	s2 =	sadd.s32 s2, s16  }
0x8e: {  	[smem:$0x3FC2] =	sst s2  }
0x8f: {  	_ = 	snop  }
0x90: {  	(tm) =	ssettm $0x1  }
0x91: {  	s17 =	sld [smem:$0x3FFB];
	_ =	sdelay $0x3  }
0x92: {  	_ =	strace s17  }
0x93: {  	s2 =	sld [smem:$0x3FFC];
	_ =	sdelay $0x3  }
0x94: {  	_ =	strace s2  }
0x95: {  	s2 =	sld [smem:$0x3FFD];
	_ =	sdelay $0x3  }
0x96: {  	_ =	strace s2  }
0x97: {  	_ =	strace $0x8FFFFFFF  }
0x98: {  	s18 =	sld [smem:$0x3FDB];
	_ =	sdelay $0x1  }
0x99: {  	s19 =	simm.s32 $_scs_section_size  }
0x9a: {  	s4 =	simm.s32 $_size__tile_overlayer_lowered;
	s5 =	simm.s32 $_tile_overlayer_lowered  }
0x9b: {  	s22 =	simm.s32 $0x1BFF;
	s21 =	sshll.u32 s5, $0x1;
	s2 =	sadd.s32 s19, s18  }
0x9c: {  	s6 =	simm.s32 $0x0;
	s20 =	sshll.u32 s4, $0x1;
	s4 =	sadd.s32 s21, s2  }
0x9d: {  	[timem:s6], [sflag:s22] =	dma.local [hbm:s4], s20  }
0x9e: {  	_ =	swait.ge [sflag:s22], s20  }
0x9f: {  	s3 =	ssub.s32 $0x0, s20;
	[sflag:s22] =	ssyncset.done $0x0  }
0xa0: {  	[sflag:s22] =	ssyncadd.s32 s3;
	_ =	sdelay $0x1  }
0xa1: {  	s23 =	simm.s32 $0x1B8B  }
0xa2: {  	_ =	swait.ge [sflag:s23], $0x1  }
0xa3: {  	[sflag:s23] =	ssyncset.done $0x0  }
0xa4: {  	s25 =	simm.s32 $0x1B8E;
	s24 =	sld [smem:$0x3FFE];
	[sflag:s23] =	ssyncadd.s32 $0xFFFFFFFF  }
0xa5: {  	s26 =	simm.s32 $execute0_lowered;
	[smem:$0x3FD2] =	sst s25  }
0xa6: {  	s4 =	sshll.u32 s26, $0x1;
	_ =	strace $0x80000046;
	[dreg:$0x1] =	wrdreg $0xFFFFFFFF  }
0xa7: {  	s28 =	simm.s32 $_size_execute0_lowered;
	s2 =	sadd.s32 s2, s4;
	[dreg:$0x0] =	wrdreg $0x0  }
0xa8: {  	s4 =	sshll.u32 s28, $0x1;
	[dreg:$0x2] =	wrdreg s2  }
0xa9: {  	[dreg:$0x3] =	wrdreg s4  }
0xaa: {  	[dreg:$0x4] =	wrdreg $0xC0  }
0xab: {  	_ =	task [dreg:s6], $0x5FFFF  }
0xac: {  	[dreg:$0x1] =	wrdreg $0xFFFFFFFF  }
0xad: {  	[dreg:$0x0] =	wrdreg $0x60  }
0xae: {  	[dreg:$0x2] =	wrdreg s24  }
0xaf: {  	[dreg:$0x3] =	wrdreg $0xC4000  }
0xb0: {  	[dreg:$0x4] =	wrdreg $0x9  }
0xb1: {  	_ =	task.clear_ibuf [dreg:s6], $0x5FFFF;
	_ =	strace $0x90000046  }
0xb2: {  	s29 =	simm.s32 $0x9;
	_ =	strace $0x80000048  }
0xb3: {  	_ =	swait.ge [sflag:s29], $0x1  }
0xb4: {  	[sflag:s29] =	ssyncadd.s32 $0xFFFFFFFF  }
0xb5: {  	_ =	strace $0x90000048  }
0xb6: {  	_ =	sfence  }
0xb7: {  	s30 =	sld [smem:$0x0];
	_ =	sdelay $0x2  }
0xb8: {  	s31 =	sshll.u32 s1, $0xD;
	s1 =	sshrl.u32 s1, $0x2  }
0xb9: {  	s3 =	sand.u32 $0x4000, s31;
	s1 =	sadd.s32 s1, s30  }
0xba: {  	s0 =	sor.u32 s3, s0;
	s1 =	sshll.u32 s1, $0x11  }
0xbb: {  	s0 =	sor.u32 s1, s0  }
0xbc: {  	s0 =	sadd.s32 $0x8F2B, s0  }
0xbd: {  	[sflag:s0] =	ssyncadd.remote.s32 $0x1  }
0xbe: {  	_ =	sfence.sel $0xFFFF  }
0xbf: {  	[dreg:$0x0] =	wrdreg $0xFFFFFFFF;
	(pc) =	sbr.abs _section_cstart, $3  }
0xc0: {  	[dreg:$0x1] =	wrdreg $0xFFFFFFFF  }
0xc1: {  	_ =	task.clear_ibuf [dreg:s6], $0x2FFFF;
	_ =	strace $0x9FFFFFFF  }
0xc2: {  	(tm) =	ssettm $0x7FFFFFFF  }
0xc3: {  	_ =	shalt  }
tec
execute0_lowered:
.L_overlay_start_1:
0x0: {  	(tag) =	ssettag $0x1  }
0x1: {  	s8 =	rddreg [dreg:$0x0];
	s0 =	srdreg.scid  }
0x2: {  	s2 =	rddreg [dreg:$0x1];
	s1 =	stileid.u32;
	s3 =	simm.s32 $0x0  }
0x3: {  	s14 =	sand.u32 $0x1, s0;
	s0 =	rddreg [dreg:$0x2];
	s4 =	sshll.u32 s1, $0x10  }
0x4: {  	[smem:$0x7FF] =	sst s3;
	s31 =	sshll.u32 s1, $0x6;
	s5 =	sshll.u32 s14, $0x14  }
0x5: {  	s6 =	sshll.u32 s14, $0x4;
	_ =	strace $0x80000047;
	s5 =	sor.u32 s4, s5  }
0x6: {  	s30 =	sadd.s32 s4, s2;
	s6 =	sor.u32 s1, s6;
	s5 =	sshrl.u32 s5, $0x3  }
0x7: {  	s7 =	sshrl.u32 s30, $0x3;
	s9 =	smul.u32 $0x620, s6;
	s5 =	sadd.s32 s5, s8  }
0x8: {  	s6 =	simm.s32 $0x2;
	s4 =	sadd.s32 $0x1C00, s5;
	s5 =	sor.u32 $0x1C02, s31  }
0x9: {  	[spmem:s7], [sflag:s5] =	dma.local [hbm:s4], $0x2000  }
0xa: {  	_ =	swait.ge [sflag:s6], $0x2000  }
0xb: {  	s15 =	sadd.s32 s9, s8;
	[sflag:s6] =	ssyncset.done $0x0  }
0xc: {  	s8 =	sadd.s32 $0x41C00, s15;
	[sflag:s6] =	ssyncadd.s32 $0xFFFFE000  }
0xd: {  	[tilespmem:s3], [sflag:$0x2] =	stream.linear.gather [hbm4b:s8+s3], $0x3100, $0x38;
	[tilespmem:$0x1C400] =	vst v63  }
0xe: {  	_ =	swait.ge [sflag:s6], $0x3100  }
0xf: {  	[sflag:s6] =	ssyncset.done $0x0  }
0x10: {  	s10 =	simm.s32 $0x3100;
	s9 =	sadd.s32 $0x4E000, s15;
	[sflag:s6] =	ssyncadd.s32 $0xFFFFCF00  }
0x11: {  	[tilespmem:s10], [sflag:$0x2] =	stream.linear.gather [hbm4b:s9+s3], $0x3100, $0x38;
	[tilespmem:$0x1C400] =	vst v63  }
0x12: {  	_ =	swait.ge [sflag:s6], $0x3100  }
0x13: {  	[sflag:s6] =	ssyncset.done $0x0  }
0x14: {  	[sflag:s6] =	ssyncadd.s32 $0xFFFFCF00  }
0x15: {  	s11 =	simm.s32 $0x6200;
	[bflag:$0x0] =	sbarrier.arrive $0xFFFF  }
0x16: {  	[tilespmem:s11], [sflag:$0x1] =	stream.indirect.gather [spmem:s2], $0x1, s3, s10, $0xb8;
	[tilespmem:$0x1C400] =	vst v63  }
0x17: {  	s12 =	simm.s32 $0x9300;
	s13 =	simm.s32 $0x1  }
0x18: {  	[tilespmem:s12], [sflag:$0x1] =	stream.indirect.gather [spmem:s2], $0x1, s10, s10, $0xb8;
	[tilespmem:$0x1C400] =	vst v63  }
0x19: {  	_ =	swait.ge [sflag:s13], $0x3100  }
0x1a: {  	[sflag:s13] =	ssyncset.done $0x0  }
0x1b: {  	s16 =	ssub.s32 $0x2, s14;
	[sflag:s13] =	ssyncadd.s32 $0xFFFFCF00  }
0x1c: {  	s17 =	sshrl.u32 s16, $0x1;
	_ =	swait.ge [sflag:s13], $0x3100  }
0x1d: {  	s16 =	ssub.s32 s16, s17;
	[sflag:s13] =	ssyncset.done $0x0  }
0x1e: {  	s16 =	smax.u32 s16, $0x1;
	s14 =	sadd.s32 $0x5A400, s15;
	[sflag:s13] =	ssyncadd.s32 $0xFFFFCF00  }
0x1f: {  	[hbm4b:s14+s3] =	stream.linear.scatter [tilespmem:s11], [sflag:$0x2], $0x3100, $0x38;
	[tilespmem:$0x1C400] =	vst v63  }
0x20: {  	p0 =	sne.s32 s16, $0x1;
	_ =	swait.ge [sflag:s6], $0x3100  }
.Ltmp0:
0x21: {  	[sflag:s6] =	ssyncset.done $0x0;
	(pc) =	sbr.rel @!p0 .LBB2_2-.Ltmp0, $4  }
0x22: {  	s15 =	sadd.s32 $0x66800, s15;
	[sflag:s6] =	ssyncadd.s32 $0xFFFFCF00  }
0x23: {  	[hbm4b:s15+s3] =	stream.linear.scatter [tilespmem:s12], [sflag:$0x2], $0x3100, $0x38;
	[tilespmem:$0x1C400] =	vst v63  }
0x24: {  	_ =	swait.ge [sflag:s6], $0x3100  }
0x25: {  	s16 =	sadd.s32 $0xFFFFFFFF, s16;
	[sflag:s6] =	ssyncset.done $0x0  }
.LBB2_1:
0x26: {  	p0 =	sne.s32 s16, $0x1;
	s16 =	sadd.s32 $0xFFFFFFFF, s16;
	[sflag:s6] =	ssyncadd.s32 $0xFFFFCF00  }
0x27: {  	[spmem:s7], [sflag:s5] =	dma.local [hbm:s4], $0x2000  }
0x28: {  	_ =	swait.ge [sflag:s6], $0x2000  }
0x29: {  	[sflag:s6] =	ssyncset.done $0x0  }
0x2a: {  	[sflag:s6] =	ssyncadd.s32 $0xFFFFE000  }
0x2b: {  	[tilespmem:s3], [sflag:$0x2] =	stream.linear.gather [hbm4b:s8+s3], $0x3100, $0x38;
	[tilespmem:$0x1C400] =	vst v63  }
0x2c: {  	_ =	swait.ge [sflag:s6], $0x3100  }
0x2d: {  	[sflag:s6] =	ssyncset.done $0x0  }
0x2e: {  	[sflag:s6] =	ssyncadd.s32 $0xFFFFCF00  }
0x2f: {  	[tilespmem:s10], [sflag:$0x2] =	stream.linear.gather [hbm4b:s9+s3], $0x3100, $0x38;
	[tilespmem:$0x1C400] =	vst v63  }
0x30: {  	_ =	swait.ge [sflag:s6], $0x3100  }
0x31: {  	[sflag:s6] =	ssyncset.done $0x0  }
0x32: {  	[sflag:s6] =	ssyncadd.s32 $0xFFFFCF00  }
0x33: {  	[bflag:$0x0] =	sbarrier.arrive $0xFFFF  }
0x34: {  	[tilespmem:s11], [sflag:$0x1] =	stream.indirect.gather [spmem:s2], $0x1, s3, s10, $0xb8;
	[tilespmem:$0x1C400] =	vst v63  }
0x35: {  	_ = 	snop  }
0x36: {  	[tilespmem:s12], [sflag:$0x1] =	stream.indirect.gather [spmem:s2], $0x1, s10, s10, $0xb8;
	[tilespmem:$0x1C400] =	vst v63  }
0x37: {  	_ =	swait.ge [sflag:s13], $0x3100  }
0x38: {  	[sflag:s13] =	ssyncset.done $0x0  }
0x39: {  	[sflag:s13] =	ssyncadd.s32 $0xFFFFCF00  }
0x3a: {  	_ =	swait.ge [sflag:s13], $0x3100  }
0x3b: {  	[sflag:s13] =	ssyncset.done $0x0  }
0x3c: {  	[sflag:s13] =	ssyncadd.s32 $0xFFFFCF00  }
0x3d: {  	[hbm4b:s14+s3] =	stream.linear.scatter [tilespmem:s11], [sflag:$0x2], $0x3100, $0x38;
	[tilespmem:$0x1C400] =	vst v63  }
0x3e: {  	_ =	swait.ge [sflag:s6], $0x3100  }
.Ltmp1:
0x3f: {  	[sflag:s6] =	ssyncset.done $0x0;
	(pc) =	sbr.rel @p0 .LBB2_1-.Ltmp1, $4  }
0x40: {  	[sflag:s6] =	ssyncadd.s32 $0xFFFFCF00  }
0x41: {  	[hbm4b:s15+s3] =	stream.linear.scatter [tilespmem:s12], [sflag:$0x2], $0x3100, $0x38;
	[tilespmem:$0x1C400] =	vst v63  }
0x42: {  	_ =	swait.ge [sflag:s6], $0x3100  }
0x43: {  	[sflag:s6] =	ssyncset.done $0x0  }
.LBB2_2:
0x44: {  	[sflag:s6] =	ssyncadd.s32 $0xFFFFCF00  }
0x45: {  	_ =	sfence.sel $0x180000  }
0x46: {  	[bflag:$0x0] =	sbarrier.arrive $0xFFFF  }
0x47: {  	p0 =	sne.s32 s1, $0x0;
	_ =	strace $0x90000047  }
0x48: {  	s0 =	sadd.s32 @!p0 $0x100000, s0;
	[bflag:$0x2] =	sbarrier.arrive $0xFFFF  }
0x49: {  	[sflag:s0] =	ssyncadd.tile.s32 @!p0 $0x1;
	_ =	shalt  }
.Lfunc_end2:
_tile_overlayer_lowered:
.L_overlay_start_2:
0x4a: {  	(tag) =	ssettag $0x2  }
0x4b: {  	s0 =	rddreg [dreg:$0x0];
	s2 =	stileid.u32  }
0x4c: {  	s1 =	rddreg [dreg:$0x1];
	p0 =	sne.s32 s2, $0x0  }
0x4d: {  	s3 =	rddreg [dreg:$0x2];
	[bflag:$0x3] =	sbarrier.arrive $0xFFFF;
	s2 =	simm.s32 @!p0 $0x1C02  }
0x4e: {  	[timem:s3], [sflag:s2] =	dma.local @!p0 [hbm:s0], s1  }
0x4f: {  	s0 =	simm.s32 @!p0 $0x2  }
0x50: {  	_ =	swait.ge @!p0 [sflag:s0], s1  }
0x51: {  	s1 =	ssub.s32 @!p0 $0x0, s1;
	[sflag:s0] =	ssyncset.done @!p0 $0x0  }
0x52: {  	[sflag:s0] =	ssyncadd.s32 @!p0 s1  }
0x53: {  	[bflag:$0x3] =	sbarrier.arrive $0xFFFF  }
0x54: {  	_ =	shalt  }

</sc_bundles>
